<compile_context>
chip_gen: v7x
topology: tpu7x:2x2x1
jax: 0.10.2.dev20260603
libtpu: 0.0.44.dev20260713+nightly
codegen_flags: <defaults>
</compile_context>

<pallas_src>
import functools

import jax
import jax.numpy as jnp
from jax import lax
from jax.experimental import pallas as pl
from jax.experimental.pallas import tpu as pltpu
from jax.experimental.pallas import tpu_sc as plsc

N = 10000
E = 320000
NUM_GRAPHS = 64
HALF = 128
NC, NS = 2, 16
EK = 128
ECHUNKS = E // EK
NK = 80
NCHUNKS = N // NK
RT0 = 624
RTC = 640

_mesh = plsc.VectorSubcoreMesh(
    core_axis_name="c", subcore_axis_name="s", num_cores=NC, num_subcores=NS)


DT = 80


@functools.partial(
    pl.kernel,
    out_type=(
        jax.ShapeDtypeStruct((NC, N, HALF), jnp.float32),
        jax.ShapeDtypeStruct((NUM_GRAPHS, HALF), jnp.float32),
    ),
    mesh=_mesh,
    scratch_types=[
        pltpu.VMEM_SHARED((N, HALF), jnp.float32),
        pltpu.VMEM_SHARED((NUM_GRAPHS, HALF), jnp.float32),
        pltpu.VMEM((EK, HALF), jnp.float32),
        pltpu.VMEM((NK, HALF), jnp.float32),
        pltpu.VMEM((DT, EK), jnp.int32),
        pltpu.VMEM((NK,), jnp.int32),
        pltpu.SemaphoreType.DMA,
        pltpu.SemaphoreType.DMA,
    ],
)
def _sc_deg_cnt(dstdeg_t, batch3d, ones_in, zeros_in, deg_out, cnt_out,
                deg_s, cnt_s, ones_e, ones_n, idx_e, idx_n, semA, semB):
    c = lax.axis_index("c")
    s = lax.axis_index("s")
    t = c * NS + s
    pltpu.sync_copy(ones_in, ones_e)
    nch = jnp.clip(ECHUNKS - t * DT, 0, DT)
    pltpu.sync_copy(dstdeg_t.at[t], idx_e)
    pltpu.sync_copy(zeros_in, deg_s.at[pl.ds(s * RT0, RTC)])

    @pl.when((c == 1) & (s == 0))
    def _():
        pltpu.sync_copy(zeros_in.at[pl.ds(0, NUM_GRAPHS)], cnt_s)

    plsc.subcore_barrier()

    def body(m, carry):
        kA = 2 * m
        dA = pltpu.async_copy(ones_e, deg_s.at[idx_e.at[kA]], semA, add=True)
        kB = kA + 1

        @pl.when(kB < nch)
        def _():
            dB = pltpu.async_copy(ones_e, deg_s.at[idx_e.at[kB]], semB,
                                  add=True)
            dA.wait()
            dB.wait()

        @pl.when(kB >= nch)
        def _():
            dA.wait()

        return carry

    lax.fori_loop(0, (nch + 1) // 2, body, 0)

    @pl.when(c == 1)
    def _():
        pltpu.sync_copy(ones_in.at[pl.ds(0, NK)], ones_n)
        nchn = (NCHUNKS - s + NS - 1) // NS

        def bodyn(k, carry):
            i = s + NS * k
            pltpu.sync_copy(batch3d.at[i, 0], idx_n)
            pltpu.sync_copy(ones_n, cnt_s.at[idx_n], add=True)
            return carry

        lax.fori_loop(0, nchn, bodyn, 0)

    plsc.subcore_barrier()
    pltpu.sync_copy(deg_s.at[pl.ds(s * RT0, RTC)],
                    deg_out.at[c].at[pl.ds(s * RT0, RTC)])

    @pl.when((c == 1) & (s == 0))
    def _():
        pltpu.sync_copy(cnt_s, cnt_out)


CT = 157
SEG = 32
NSEG = 5
CTP = SEG * NSEG


@functools.partial(
    pl.kernel,
    out_type=jax.ShapeDtypeStruct((NC, N, HALF), jnp.float32),
    mesh=_mesh,
    scratch_types=[
        pltpu.VMEM_SHARED((N, HALF), jnp.float32),
        pltpu.VMEM((EK, HALF), jnp.float32),
        pltpu.VMEM((EK, HALF), jnp.float32),
        pltpu.VMEM((SEG, EK), jnp.int32),
        pltpu.VMEM((SEG, EK), jnp.int32),
        pltpu.SemaphoreType.DMA,
        pltpu.SemaphoreType.DMA,
    ],
)
def _sc_conv(hs, src_t, dst_t, out, acc, rowsA, rowsB, isrc, idst,
             semA, semB):
    c = lax.axis_index("c")
    s = lax.axis_index("s")
    hs_c = hs.at[c]
    nch = jnp.minimum(CT, ECHUNKS - s * CT)
    pltpu.sync_copy(hs_c.at[pl.ds(s * RT0, RTC)], acc.at[pl.ds(s * RT0, RTC)])
    plsc.subcore_barrier()

    def seg_body(g, carry0):
        nseg = jnp.clip(nch - g * SEG, 0, SEG)

        @pl.when(nseg > 0)
        def _():
            pltpu.sync_copy(src_t.at[s].at[pl.ds(g * SEG, SEG)], isrc)
            pltpu.sync_copy(dst_t.at[s].at[pl.ds(g * SEG, SEG)], idst)

            def body(m, carry):
                kA = 2 * m
                gA = pltpu.async_copy(hs_c.at[isrc.at[kA]], rowsA, semA)

                @pl.when(kA >= 1)
                def _():
                    pltpu.sync_copy(rowsB, acc.at[idst.at[kA - 1]], add=True)

                gA.wait()
                kB = kA + 1

                @pl.when(kB < nseg)
                def _():
                    gB = pltpu.async_copy(hs_c.at[isrc.at[kB]], rowsB, semB)
                    pltpu.sync_copy(rowsA, acc.at[idst.at[kA]], add=True)
                    gB.wait()

                @pl.when(kB >= nseg)
                def _():
                    pltpu.sync_copy(rowsA, acc.at[idst.at[kA]], add=True)

                return carry

            lax.fori_loop(0, (nseg + 1) // 2, body, 0)

            @pl.when((nseg % 2 == 0) & (nseg >= 2))
            def _():
                pltpu.sync_copy(rowsB, acc.at[idst.at[nseg - 1]], add=True)

        return carry0

    lax.fori_loop(0, NSEG, seg_body, 0)
    plsc.subcore_barrier()
    pltpu.sync_copy(acc.at[pl.ds(s * RT0, RTC)],
                    out.at[c].at[pl.ds(s * RT0, RTC)])


@functools.partial(
    pl.kernel,
    out_type=jax.ShapeDtypeStruct((NC, NUM_GRAPHS, HALF), jnp.float32),
    mesh=_mesh,
    scratch_types=[
        pltpu.VMEM_SHARED((NUM_GRAPHS, HALF), jnp.float32),
        pltpu.VMEM((NK, HALF), jnp.float32),
        pltpu.VMEM((NK,), jnp.int32),
    ],
)
def _sc_pool(h3, batch3d, zeros_in, out, sums_s, rows, idx):
    c = lax.axis_index("c")
    s = lax.axis_index("s")
    h3_c = h3.at[c]

    @pl.when(s == 0)
    def _():
        pltpu.sync_copy(zeros_in, sums_s)

    plsc.subcore_barrier()
    nch = (NCHUNKS - s + NS - 1) // NS

    def body(k, carry):
        i = s + NS * k
        pltpu.sync_copy(batch3d.at[i, 0], idx)
        pltpu.sync_copy(h3_c.at[pl.ds(i * NK, NK)], rows)
        pltpu.sync_copy(rows, sums_s.at[idx], add=True)
        return carry

    lax.fori_loop(0, nch, body, 0)
    plsc.subcore_barrier()

    @pl.when(s == 0)
    def _():
        pltpu.sync_copy(sums_s, out.at[c])


_RB = 10000


def _tc_l1_body(x_ref, w_ref, deg_ref, out_ref, dinv_ref):
    deg = deg_ref[0, :, 0:1] + deg_ref[1, :, 0:1]
    dinv = lax.rsqrt(deg + 1.0)
    dinv_ref[...] = jnp.broadcast_to(dinv, (_RB, 16))
    h = jnp.dot(x_ref[...], w_ref[...], preferred_element_type=jnp.float32)
    out_ref[0] = dinv * h


def _tc_l1(x, W1, deg_parts):
    return pl.pallas_call(
        _tc_l1_body,
        grid=(2, N // _RB),
        in_specs=[
            pl.BlockSpec((_RB, 128), lambda j, r: (r, 0)),
            pl.BlockSpec((128, HALF), lambda j, r: (0, j)),
            pl.BlockSpec((NC, _RB, HALF), lambda j, r: (0, r, 0)),
        ],
        out_specs=[
            pl.BlockSpec((1, _RB, HALF), lambda j, r: (j, r, 0)),
            pl.BlockSpec((_RB, 16), lambda j, r: (r, 0)),
        ],
        out_shape=[
            jax.ShapeDtypeStruct((NC, N, HALF), jnp.float32),
            jax.ShapeDtypeStruct((N, 16), jnp.float32),
        ],
    )(x, W1, deg_parts)


def _tc_layer_body(s_ref, w_ref, dinv_ref, b_ref, out_ref):
    dinv = dinv_ref[:, 0:1]
    agg = jnp.concatenate([s_ref[0], s_ref[1]], axis=-1)
    a = jnp.maximum(dinv * agg + b_ref[...], 0.0)
    h = jnp.dot(a, w_ref[...], preferred_element_type=jnp.float32)
    out_ref[0] = dinv * h


def _tc_layer(s, W, b2d, dinv16):
    return pl.pallas_call(
        _tc_layer_body,
        grid=(2, N // _RB),
        in_specs=[
            pl.BlockSpec((NC, _RB, HALF), lambda j, r: (0, r, 0)),
            pl.BlockSpec((256, HALF), lambda j, r: (0, j)),
            pl.BlockSpec((_RB, 16), lambda j, r: (r, 0)),
            pl.BlockSpec((1, 256), lambda j, r: (0, 0)),
        ],
        out_specs=pl.BlockSpec((1, _RB, HALF), lambda j, r: (j, r, 0)),
        out_shape=jax.ShapeDtypeStruct((NC, N, HALF), jnp.float32),
    )(s, W, dinv16, b2d)


def _tc_scale_body(s_ref, dinv_ref, out_ref):
    dinv = dinv_ref[:, 0:1]
    out_ref[0] = dinv * s_ref[0]


def _tc_scale(s, dinv16):
    return pl.pallas_call(
        _tc_scale_body,
        grid=(2, N // _RB),
        in_specs=[
            pl.BlockSpec((1, _RB, HALF), lambda j, r: (j, r, 0)),
            pl.BlockSpec((_RB, 16), lambda j, r: (r, 0)),
        ],
        out_specs=pl.BlockSpec((1, _RB, HALF), lambda j, r: (j, r, 0)),
        out_shape=jax.ShapeDtypeStruct((NC, N, HALF), jnp.float32),
    )(s, dinv16)


def _tc_head_body(sums_ref, cnt_ref, b3_ref, wl_ref, bl_ref, out_ref):
    cnt = cnt_ref[:, 0:1]
    pooled = jnp.concatenate([sums_ref[0], sums_ref[1]], axis=-1)
    pooled = pooled / jnp.maximum(cnt, 1.0)
    pooled = jnp.where(cnt > 0.0, pooled + b3_ref[...], 0.0)
    out_ref[...] = jnp.dot(pooled, wl_ref[...],
                           preferred_element_type=jnp.float32) + bl_ref[...]


def _tc_head(sums, cnt, b3_2d, Wlin, blin2d):
    return pl.pallas_call(
        _tc_head_body,
        out_shape=jax.ShapeDtypeStruct((NUM_GRAPHS, 10), jnp.float32),
    )(sums, cnt, b3_2d, Wlin, blin2d)


@jax.jit
def _gcn(x, edge_index, batch, W1, b1, W2, b2, W3, b3, Wlin, blin):
    ei = edge_index.astype(jnp.int32)
    src2d = ei[0].reshape(ECHUNKS, EK)
    dst2d = ei[1].reshape(ECHUNKS, EK)
    tiler = jnp.clip(jnp.arange(NS)[:, None] * CT + jnp.arange(CTP)[None, :],
                     0, ECHUNKS - 1).reshape(-1)
    src_t = src2d[tiler].reshape(NS, CTP, EK)
    dst_t = dst2d[tiler].reshape(NS, CTP, EK)
    padd = jnp.zeros((DT * NC * NS - ECHUNKS, EK), jnp.int32)
    dstdeg_t = jnp.concatenate([dst2d, padd]).reshape(NC * NS, DT, EK)
    batch3d = batch.astype(jnp.int32).reshape(NCHUNKS, 1, NK)
    ones_in = jnp.ones((EK, HALF), jnp.float32)
    zeros_in = jnp.zeros((RTC, HALF), jnp.float32)
    zeros_pool = jnp.zeros((NUM_GRAPHS, HALF), jnp.float32)

    deg_parts, cnt = _sc_deg_cnt(dstdeg_t, batch3d, ones_in, zeros_in)
    hs1, dinv16 = _tc_l1(x, W1, deg_parts)
    s1 = _sc_conv(hs1, src_t, dst_t)
    hs2 = _tc_layer(s1, W2, b1.reshape(1, 256), dinv16)
    s2 = _sc_conv(hs2, src_t, dst_t)
    hs3 = _tc_layer(s2, W3, b2.reshape(1, 256), dinv16)
    s3 = _sc_conv(hs3, src_t, dst_t)
    h3 = _tc_scale(s3, dinv16)
    sums = _sc_pool(h3, batch3d, zeros_pool)
    return _tc_head(sums, cnt, b3.reshape(1, 256), Wlin, blin.reshape(1, 10))


def kernel(x, edge_index, batch, W1, b1, W2, b2, W3, b3, Wlin, blin):
    return _gcn(x, edge_index, batch, W1, b1, W2, b2, W3, b3, Wlin, blin)

# --- scband reference (transcript-rebuilt; emitter-appended) ---
"""Pipeline reference for scband-gcn-graph-classif-model-70145405878896 (READ-ONLY COPY).

The authoritative reference and input builder live on the scoring server;
editing this copy changes nothing except your own understanding.
"""

import jax, jax.numpy as jnp
import numpy as np

N = 10000
E = 320000
NUM_GRAPHS = 64
IN_DIM = 128
HID1 = 256
HID2 = 256
HID3 = 256
OUT_DIM = 10


def setup_inputs(seed: int = 0) -> dict:
    key = jax.random.key(seed)
    ks = jax.random.split(key, 12)
    x = jax.random.normal(ks[0], (N, IN_DIM), dtype=jnp.float32)
    edge_index = jax.random.randint(ks[1], (2, E), 0, N, dtype=jnp.int64)
    batch = jnp.sort(jax.random.randint(ks[2], (N,), 0, NUM_GRAPHS, dtype=jnp.int64))
    def w(k, fan_in, fan_out):
        return jax.random.normal(k, (fan_in, fan_out), dtype=jnp.float32) * (1.0 / np.sqrt(fan_in))
    W1 = w(ks[3], IN_DIM, HID1)
    b1 = jnp.zeros((HID1,), jnp.float32)
    W2 = w(ks[4], HID1, HID2)
    b2 = jnp.zeros((HID2,), jnp.float32)
    W3 = w(ks[5], HID2, HID3)
    b3 = jnp.zeros((HID3,), jnp.float32)
    Wlin = w(ks[6], HID3, OUT_DIM)
    blin = jnp.zeros((OUT_DIM,), jnp.float32)
    return {"x": x, "edge_index": edge_index, "batch": batch,
            "W1": W1, "b1": b1, "W2": W2, "b2": b2, "W3": W3, "b3": b3,
            "Wlin": Wlin, "blin": blin}


def reference(x, edge_index, batch, W1, b1, W2, b2, W3, b3, Wlin, blin):
    n = x.shape[0]
    loop = jnp.arange(n, dtype=edge_index.dtype)
    src = jnp.concatenate([edge_index[0], loop])
    dst = jnp.concatenate([edge_index[1], loop])
    # GCN symmetric normalization with self-loops (PyG GCNConv default)
    deg = jnp.zeros((n,), x.dtype).at[dst].add(1.0)
    dinv = jnp.where(deg > 0, 1.0 / jnp.sqrt(deg), 0.0)
    norm = dinv[src] * dinv[dst]

    def conv(h, W, b):
        h = h @ W
        msg = h[src] * norm[:, None]
        agg = jnp.zeros((n, W.shape[1]), h.dtype).at[dst].add(msg)
        return agg + b

    h = jax.nn.relu(conv(x, W1, b1))
    h = jax.nn.relu(conv(h, W2, b2))
    h = conv(h, W3, b3)
    # global mean pool over graph ids
    sums = jax.ops.segment_sum(h, batch, num_segments=NUM_GRAPHS)
    cnt = jax.ops.segment_sum(jnp.ones((n,), h.dtype), batch, num_segments=NUM_GRAPHS)
    pooled = sums / jnp.maximum(cnt, 1.0)[:, None]
    return pooled @ Wlin + blin

if __name__ == "__main__":
    import jax
    _d = setup_inputs()
    print(jax.jit(kernel)(*tuple(_d.values())))

</pallas_src>

<mosaic_0001>
#map = affine_map<(d0, d1) -> (0, 0, 0)>
module attributes {stable_mosaic.version = 14 : i64} {
  func.func @_sc_conv(%arg0: i32, %arg1: i32, %arg2: memref<2x10000x128xf32, #tpu.memory_space<hbm>>, %arg3: memref<16x160x128xi32, #tpu.memory_space<hbm>>, %arg4: memref<16x160x128xi32, #tpu.memory_space<hbm>>, %arg5: memref<2x10000x128xf32, #tpu.memory_space<hbm>>, %arg6: memref<10000x128xf32, #tpu.memory_space<vmem_shared>>, %arg7: memref<128x128xf32, #tpu.memory_space<vmem>>, %arg8: memref<128x128xf32, #tpu.memory_space<vmem>>, %arg9: memref<32x128xi32, #tpu.memory_space<vmem>>, %arg10: memref<32x128xi32, #tpu.memory_space<vmem>>, %arg11: memref<!tpu.dma_semaphore, #tpu.memory_space<semaphore_mem>>, %arg12: memref<!tpu.dma_semaphore, #tpu.memory_space<semaphore_mem>>) attributes {dimension_semantics = [#tpu.dimension_semantics<core_parallel>, #tpu.dimension_semantics<subcore_parallel>], iteration_bounds = array<i64: 2, 16>, scalar_prefetch = 0 : i64, scratch_operands = 7 : i64, tpu.core_type = #tpu.core_type<sc_vector_subcore>, window_params = [{transform_indices = #map}, {transform_indices = #map}, {transform_indices = #map}, {transform_indices = #map}]} {
    %mul3A = arith.constant 157 : i32
    %mul3A_0 = arith.muli %arg1, %mul3A : i32
    %sub3A = arith.constant 2500 : i32
    %sub3A_1 = arith.subi %sub3A, %mul3A_0 : i32
    %min3A = arith.constant 157 : i32
    %min3A_2 = arith.minsi %min3A, %sub3A_1 : i32
    %mul3A_3 = arith.constant 624 : i32
    %mul3A_4 = arith.muli %arg1, %mul3A_3 : i32
    %mul3A_5 = arith.constant 624 : i32
    %mul3A_6 = arith.muli %arg1, %mul3A_5 : i32
    "tpu.region"() ({
      %run_scoped3A = tpu.sem_alloc : memref<!tpu.dma_semaphore, #tpu.memory_space<semaphore_mem>>
      %dma_start3A = arith.constant 0 : i32
      %dma_start3A_17 = tpu.memref_slice %arg6[%mul3A_6, %dma_start3A] : memref<10000x128xf32, #tpu.memory_space<vmem_shared>> -> memref<640x128xf32, #tpu.memory_space<vmem_shared>>
      %dma_start3A_18 = arith.constant 0 : i32
      %dma_start3A_19 = arith.constant 0 : i32
      %dma_start3A_20 = tpu.memref_slice %arg2[%arg0, %dma_start3A_18, %dma_start3A_19] : memref<2x10000x128xf32, #tpu.memory_space<hbm>> -> memref<1x10000x128xf32, #tpu.memory_space<hbm>>
      %dma_start3A_21 = tpu.memref_squeeze %dma_start3A_20 : memref<1x10000x128xf32, #tpu.memory_space<hbm>> -> memref<10000x128xf32, #tpu.memory_space<hbm>>
      %dma_start3A_22 = arith.constant 0 : i32
      %dma_start3A_23 = tpu.memref_slice %dma_start3A_21[%mul3A_4, %dma_start3A_22] : memref<10000x128xf32, #tpu.memory_space<hbm>> -> memref<640x128xf32, #tpu.memory_space<hbm>>
      tpu.enqueue_dma source(%dma_start3A_23 : memref<640x128xf32, #tpu.memory_space<hbm>>) target(%dma_start3A_17 : memref<640x128xf32, #tpu.memory_space<vmem_shared>>) target_semaphore(%run_scoped3A : memref<!tpu.dma_semaphore, #tpu.memory_space<semaphore_mem>>)
      %dma_wait3A = arith.constant 0 : i32
      %dma_wait3A_24 = tpu.memref_slice %arg6[%mul3A_6, %dma_wait3A] : memref<10000x128xf32, #tpu.memory_space<vmem_shared>> -> memref<640x128xf32, #tpu.memory_space<vmem_shared>>
      %dma_wait3A_25 = arith.constant 0 : i32
      %dma_wait3A_26 = arith.constant 0 : i32
      %dma_wait3A_27 = tpu.memref_slice %arg2[%arg0, %dma_wait3A_25, %dma_wait3A_26] : memref<2x10000x128xf32, #tpu.memory_space<hbm>> -> memref<1x10000x128xf32, #tpu.memory_space<hbm>>
      %dma_wait3A_28 = tpu.memref_squeeze %dma_wait3A_27 : memref<1x10000x128xf32, #tpu.memory_space<hbm>> -> memref<10000x128xf32, #tpu.memory_space<hbm>>
      %dma_wait3A_29 = arith.constant 0 : i32
      %dma_wait3A_30 = tpu.memref_slice %dma_wait3A_28[%mul3A_4, %dma_wait3A_29] : memref<10000x128xf32, #tpu.memory_space<hbm>> -> memref<640x128xf32, #tpu.memory_space<hbm>>
      tpu.wait_dma2 semaphore(%run_scoped3A : memref<!tpu.dma_semaphore, #tpu.memory_space<semaphore_mem>>) src(%dma_wait3A_30 : memref<640x128xf32, #tpu.memory_space<hbm>>) dst(%dma_wait3A_24 : memref<640x128xf32, #tpu.memory_space<vmem_shared>>)
      tpu.yield
    }) : () -> ()
    %barrier3A = arith.constant 0 : index
    tpu.barrier barrier_id(%barrier3A)
    %scan3A = arith.constant 0 : i32
    %scan3A_7 = arith.constant 0 : i32
    %scan3A_8 = arith.constant 5 : i32
    %scan3A_9 = arith.addi %scan3A_7, %scan3A_8 : i32
    %scan3A_10 = arith.constant 1 : i32
    scf.for %scan3A_17 = %scan3A_7 to %scan3A_9 step %scan3A_10  : i32 {
      %mul3A_18 = arith.constant 32 : i32
      %mul3A_19 = arith.muli %scan3A_17, %mul3A_18 : i32
      %sub3A_20 = arith.subi %min3A_2, %mul3A_19 : i32
      %jit3A = arith.constant 0 : i32
      %jit3A_21 = arith.constant 32 : i32
      %max3A = arith.maxsi %jit3A, %sub3A_20 : i32
      %min3A_22 = arith.minsi %jit3A_21, %max3A : i32
      %gt3A = arith.constant 0 : i32
      %gt3A_23 = arith.cmpi sgt, %min3A_22, %gt3A : i32
      %convert_element_type3A = arith.extui %gt3A_23 : i1 to i32
      %cond3A = arith.constant 0 : i32
      %cond3A_24 = arith.cmpi ne, %convert_element_type3A, %cond3A : i32
      scf.if %cond3A_24 {
        %mul3A_25 = arith.constant 32 : i32
        %mul3A_26 = arith.muli %scan3A_17, %mul3A_25 : i32
        "tpu.region"() ({
          %run_scoped3A = tpu.sem_alloc : memref<!tpu.dma_semaphore, #tpu.memory_space<semaphore_mem>>
          %dma_start3A = arith.constant 0 : i32
          %dma_start3A_78 = arith.constant 0 : i32
          %dma_start3A_79 = tpu.memref_slice %arg3[%arg1, %dma_start3A, %dma_start3A_78] : memref<16x160x128xi32, #tpu.memory_space<hbm>> -> memref<1x160x128xi32, #tpu.memory_space<hbm>>
          %dma_start3A_80 = tpu.memref_squeeze %dma_start3A_79 : memref<1x160x128xi32, #tpu.memory_space<hbm>> -> memref<160x128xi32, #tpu.memory_space<hbm>>
          %dma_start3A_81 = arith.constant 0 : i32
          %dma_start3A_82 = tpu.memref_slice %dma_start3A_80[%mul3A_26, %dma_start3A_81] : memref<160x128xi32, #tpu.memory_space<hbm>> -> memref<32x128xi32, #tpu.memory_space<hbm>>
          %dma_start3A_83 = arith.constant 0 : i32
          %dma_start3A_84 = arith.constant 0 : i32
          %dma_start3A_85 = tpu.memref_slice %arg3[%arg1, %dma_start3A_83, %dma_start3A_84] : memref<16x160x128xi32, #tpu.memory_space<hbm>> -> memref<1x160x128xi32, #tpu.memory_space<hbm>>
          %dma_start3A_86 = tpu.memref_squeeze %dma_start3A_85 : memref<1x160x128xi32, #tpu.memory_space<hbm>> -> memref<160x128xi32, #tpu.memory_space<hbm>>
          %dma_start3A_87 = arith.constant 0 : i32
          %dma_start3A_88 = tpu.memref_slice %dma_start3A_86[%mul3A_26, %dma_start3A_87] : memref<160x128xi32, #tpu.memory_space<hbm>> -> memref<32x128xi32, #tpu.memory_space<hbm>>
          tpu.enqueue_dma source(%dma_start3A_88 : memref<32x128xi32, #tpu.memory_space<hbm>>) target(%arg9 : memref<32x128xi32, #tpu.memory_space<vmem>>) target_semaphore(%run_scoped3A : memref<!tpu.dma_semaphore, #tpu.memory_space<semaphore_mem>>)
          %dma_wait3A = arith.constant 0 : i32
          %dma_wait3A_89 = arith.constant 0 : i32
          %dma_wait3A_90 = tpu.memref_slice %arg3[%arg1, %dma_wait3A, %dma_wait3A_89] : memref<16x160x128xi32, #tpu.memory_space<hbm>> -> memref<1x160x128xi32, #tpu.memory_space<hbm>>
          %dma_wait3A_91 = tpu.memref_squeeze %dma_wait3A_90 : memref<1x160x128xi32, #tpu.memory_space<hbm>> -> memref<160x128xi32, #tpu.memory_space<hbm>>
          %dma_wait3A_92 = arith.constant 0 : i32
          %dma_wait3A_93 = tpu.memref_slice %dma_wait3A_91[%mul3A_26, %dma_wait3A_92] : memref<160x128xi32, #tpu.memory_space<hbm>> -> memref<32x128xi32, #tpu.memory_space<hbm>>
          %dma_wait3A_94 = arith.constant 0 : i32
          %dma_wait3A_95 = arith.constant 0 : i32
          %dma_wait3A_96 = tpu.memref_slice %arg3[%arg1, %dma_wait3A_94, %dma_wait3A_95] : memref<16x160x128xi32, #tpu.memory_space<hbm>> -> memref<1x160x128xi32, #tpu.memory_space<hbm>>
          %dma_wait3A_97 = tpu.memref_squeeze %dma_wait3A_96 : memref<1x160x128xi32, #tpu.memory_space<hbm>> -> memref<160x128xi32, #tpu.memory_space<hbm>>
          %dma_wait3A_98 = arith.constant 0 : i32
          %dma_wait3A_99 = tpu.memref_slice %dma_wait3A_97[%mul3A_26, %dma_wait3A_98] : memref<160x128xi32, #tpu.memory_space<hbm>> -> memref<32x128xi32, #tpu.memory_space<hbm>>
          tpu.wait_dma2 semaphore(%run_scoped3A : memref<!tpu.dma_semaphore, #tpu.memory_space<semaphore_mem>>) src(%dma_wait3A_99 : memref<32x128xi32, #tpu.memory_space<hbm>>) dst(%arg9 : memref<32x128xi32, #tpu.memory_space<vmem>>)
          tpu.yield
        }) : () -> ()
        %mul3A_27 = arith.constant 32 : i32
        %mul3A_28 = arith.muli %scan3A_17, %mul3A_27 : i32
        "tpu.region"() ({
          %run_scoped3A = tpu.sem_alloc : memref<!tpu.dma_semaphore, #tpu.memory_space<semaphore_mem>>
          %dma_start3A = arith.constant 0 : i32
          %dma_start3A_78 = arith.constant 0 : i32
          %dma_start3A_79 = tpu.memref_slice %arg4[%arg1, %dma_start3A, %dma_start3A_78] : memref<16x160x128xi32, #tpu.memory_space<hbm>> -> memref<1x160x128xi32, #tpu.memory_space<hbm>>
          %dma_start3A_80 = tpu.memref_squeeze %dma_start3A_79 : memref<1x160x128xi32, #tpu.memory_space<hbm>> -> memref<160x128xi32, #tpu.memory_space<hbm>>
          %dma_start3A_81 = arith.constant 0 : i32
          %dma_start3A_82 = tpu.memref_slice %dma_start3A_80[%mul3A_28, %dma_start3A_81] : memref<160x128xi32, #tpu.memory_space<hbm>> -> memref<32x128xi32, #tpu.memory_space<hbm>>
          %dma_start3A_83 = arith.constant 0 : i32
          %dma_start3A_84 = arith.constant 0 : i32
          %dma_start3A_85 = tpu.memref_slice %arg4[%arg1, %dma_start3A_83, %dma_start3A_84] : memref<16x160x128xi32, #tpu.memory_space<hbm>> -> memref<1x160x128xi32, #tpu.memory_space<hbm>>
          %dma_start3A_86 = tpu.memref_squeeze %dma_start3A_85 : memref<1x160x128xi32, #tpu.memory_space<hbm>> -> memref<160x128xi32, #tpu.memory_space<hbm>>
          %dma_start3A_87 = arith.constant 0 : i32
          %dma_start3A_88 = tpu.memref_slice %dma_start3A_86[%mul3A_28, %dma_start3A_87] : memref<160x128xi32, #tpu.memory_space<hbm>> -> memref<32x128xi32, #tpu.memory_space<hbm>>
          tpu.enqueue_dma source(%dma_start3A_88 : memref<32x128xi32, #tpu.memory_space<hbm>>) target(%arg10 : memref<32x128xi32, #tpu.memory_space<vmem>>) target_semaphore(%run_scoped3A : memref<!tpu.dma_semaphore, #tpu.memory_space<semaphore_mem>>)
          %dma_wait3A = arith.constant 0 : i32
          %dma_wait3A_89 = arith.constant 0 : i32
          %dma_wait3A_90 = tpu.memref_slice %arg4[%arg1, %dma_wait3A, %dma_wait3A_89] : memref<16x160x128xi32, #tpu.memory_space<hbm>> -> memref<1x160x128xi32, #tpu.memory_space<hbm>>
          %dma_wait3A_91 = tpu.memref_squeeze %dma_wait3A_90 : memref<1x160x128xi32, #tpu.memory_space<hbm>> -> memref<160x128xi32, #tpu.memory_space<hbm>>
          %dma_wait3A_92 = arith.constant 0 : i32
          %dma_wait3A_93 = tpu.memref_slice %dma_wait3A_91[%mul3A_28, %dma_wait3A_92] : memref<160x128xi32, #tpu.memory_space<hbm>> -> memref<32x128xi32, #tpu.memory_space<hbm>>
          %dma_wait3A_94 = arith.constant 0 : i32
          %dma_wait3A_95 = arith.constant 0 : i32
          %dma_wait3A_96 = tpu.memref_slice %arg4[%arg1, %dma_wait3A_94, %dma_wait3A_95] : memref<16x160x128xi32, #tpu.memory_space<hbm>> -> memref<1x160x128xi32, #tpu.memory_space<hbm>>
          %dma_wait3A_97 = tpu.memref_squeeze %dma_wait3A_96 : memref<1x160x128xi32, #tpu.memory_space<hbm>> -> memref<160x128xi32, #tpu.memory_space<hbm>>
          %dma_wait3A_98 = arith.constant 0 : i32
          %dma_wait3A_99 = tpu.memref_slice %dma_wait3A_97[%mul3A_28, %dma_wait3A_98] : memref<160x128xi32, #tpu.memory_space<hbm>> -> memref<32x128xi32, #tpu.memory_space<hbm>>
          tpu.wait_dma2 semaphore(%run_scoped3A : memref<!tpu.dma_semaphore, #tpu.memory_space<semaphore_mem>>) src(%dma_wait3A_99 : memref<32x128xi32, #tpu.memory_space<hbm>>) dst(%arg10 : memref<32x128xi32, #tpu.memory_space<vmem>>)
          tpu.yield
        }) : () -> ()
        %add3A = arith.constant 1 : i32
        %add3A_29 = arith.addi %min3A_22, %add3A : i32
        %jit3A_30 = arith.constant 2 : i32
        %div3A = arith.divsi %add3A_29, %jit3A_30 : i32
        %sign3A = arith.constant 0 : i32
        %sign3A_31 = arith.cmpi sgt, %add3A_29, %sign3A : i32
        %sign3A_32 = arith.extui %sign3A_31 : i1 to i32
        %sign3A_33 = arith.constant 0 : i32
        %sign3A_34 = arith.cmpi slt, %add3A_29, %sign3A_33 : i32
        %sign3A_35 = arith.extui %sign3A_34 : i1 to i32
        %sign3A_36 = arith.subi %sign3A_32, %sign3A_35 : i32
        %sign3A_37 = arith.constant 0 : i32
        %sign3A_38 = arith.cmpi sgt, %jit3A_30, %sign3A_37 : i32
        %sign3A_39 = arith.extui %sign3A_38 : i1 to i32
        %sign3A_40 = arith.constant 0 : i32
        %sign3A_41 = arith.cmpi slt, %jit3A_30, %sign3A_40 : i32
        %sign3A_42 = arith.extui %sign3A_41 : i1 to i32
        %sign3A_43 = arith.subi %sign3A_39, %sign3A_42 : i32
        %ne3A = arith.cmpi ne, %sign3A_36, %sign3A_43 : i32
        %rem3A = arith.remsi %add3A_29, %jit3A_30 : i32
        %ne3A_44 = arith.constant 0 : i32
        %ne3A_45 = arith.cmpi ne, %rem3A, %ne3A_44 : i32
        %and3A = arith.andi %ne3A, %ne3A_45 : i1
        %sub3A_46 = arith.constant 1 : i32
        %sub3A_47 = arith.subi %div3A, %sub3A_46 : i32
        %select_n3A = arith.select %and3A, %sub3A_47, %div3A : i32
        %while3A = arith.constant 0 : i32
        %while3A_48 = arith.constant 0 : i32
        %while3A_49 = arith.subi %select_n3A, %while3A_48 : i32
        %while3A_50 = arith.addi %while3A_48, %while3A_49 : i32
        %while3A_51 = arith.constant 1 : i32
        %while3A_52 = arith.divsi %while3A_49, %while3A_51 : i32
        %while3A_53 = arith.muli %while3A_52, %while3A_51 : i32
        %while3A_54 = arith.addi %while3A_48, %while3A_53 : i32
        %while3A_55 = arith.constant 1 : i32
        scf.for %while3A_78 = %while3A_48 to %while3A_54 step %while3A_55  : i32 {
          %mul3A_79 = arith.constant 2 : i32
          %mul3A_80 = arith.muli %mul3A_79, %while3A_78 : i32
          %dma_start3A = arith.constant 0 : i32
          %dma_start3A_81 = tpu.memref_slice %arg9[%mul3A_80, %dma_start3A] : memref<32x128xi32, #tpu.memory_space<vmem>> -> memref<1x128xi32, #tpu.memory_space<vmem>>
          %dma_start3A_82 = tpu.memref_squeeze %dma_start3A_81 : memref<1x128xi32, #tpu.memory_space<vmem>> -> memref<128xi32, #tpu.memory_space<vmem>>
          %dma_start3A_83 = arith.constant 0 : i32
          %dma_start3A_84 = arith.constant 0 : i32
          %dma_start3A_85 = tpu.memref_slice %arg2[%arg0, %dma_start3A_83, %dma_start3A_84] : memref<2x10000x128xf32, #tpu.memory_space<hbm>> -> memref<1x10000x128xf32, #tpu.memory_space<hbm>>
          %dma_start3A_86 = tpu.memref_squeeze %dma_start3A_85 : memref<1x10000x128xf32, #tpu.memory_space<hbm>> -> memref<10000x128xf32, #tpu.memory_space<hbm>>
          %dma_start3A_87 = arith.constant 0 : i32
          %dma_start3A_88 = arith.constant 0 : i32
          %dma_start3A_89 = tpu.memref_slice %dma_start3A_86[%dma_start3A_87, %dma_start3A_88] : memref<10000x128xf32, #tpu.memory_space<hbm>> -> memref<10000x128xf32, #tpu.memory_space<hbm>>
          tpu.enqueue_indirect_dma source(%dma_start3A_89 : memref<10000x128xf32, #tpu.memory_space<hbm>>) target(%arg7 : memref<128x128xf32, #tpu.memory_space<vmem>>) offsets(%dma_start3A_82 : memref<128xi32, #tpu.memory_space<vmem>>) semaphore(%arg11 : memref<!tpu.dma_semaphore, #tpu.memory_space<semaphore_mem>>)
          %ge3A_90 = arith.constant 1 : i32
          %ge3A_91 = arith.cmpi sge, %mul3A_80, %ge3A_90 : i32
          %convert_element_type3A_92 = arith.extui %ge3A_91 : i1 to i32
          %cond3A_93 = arith.constant 0 : i32
          %cond3A_94 = arith.cmpi ne, %convert_element_type3A_92, %cond3A_93 : i32
          scf.if %cond3A_94 {
            %sub3A_114 = arith.constant 1 : i32
            %sub3A_115 = arith.subi %mul3A_80, %sub3A_114 : i32
            "tpu.region"() ({
              %run_scoped3A = tpu.sem_alloc : memref<!tpu.dma_semaphore, #tpu.memory_space<semaphore_mem>>
              %dma_start3A_116 = arith.constant 0 : i32
              %dma_start3A_117 = tpu.memref_slice %arg10[%sub3A_115, %dma_start3A_116] : memref<32x128xi32, #tpu.memory_space<vmem>> -> memref<1x128xi32, #tpu.memory_space<vmem>>
              %dma_start3A_118 = tpu.memref_squeeze %dma_start3A_117 : memref<1x128xi32, #tpu.memory_space<vmem>> -> memref<128xi32, #tpu.memory_space<vmem>>
              %dma_start3A_119 = arith.constant 0 : i32
              %dma_start3A_120 = arith.constant 0 : i32
              %dma_start3A_121 = tpu.memref_slice %arg6[%dma_start3A_119, %dma_start3A_120] : memref<10000x128xf32, #tpu.memory_space<vmem_shared>> -> memref<10000x128xf32, #tpu.memory_space<vmem_shared>>
              tpu.enqueue_indirect_dma source(%arg8 : memref<128x128xf32, #tpu.memory_space<vmem>>) target(%dma_start3A_121 : memref<10000x128xf32, #tpu.memory_space<vmem_shared>>) offsets(%dma_start3A_118 : memref<128xi32, #tpu.memory_space<vmem>>) semaphore(%run_scoped3A : memref<!tpu.dma_semaphore, #tpu.memory_space<semaphore_mem>>) {add = true}
              %dma_wait3A_122 = arith.constant 0 : i32
              %dma_wait3A_123 = tpu.memref_slice %arg10[%sub3A_115, %dma_wait3A_122] : memref<32x128xi32, #tpu.memory_space<vmem>> -> memref<1x128xi32, #tpu.memory_space<vmem>>
              %dma_wait3A_124 = tpu.memref_squeeze %dma_wait3A_123 : memref<1x128xi32, #tpu.memory_space<vmem>> -> memref<128xi32, #tpu.memory_space<vmem>>
              %dma_wait3A_125 = arith.constant 0 : i32
              %dma_wait3A_126 = arith.constant 0 : i32
              %dma_wait3A_127 = tpu.memref_slice %arg6[%dma_wait3A_125, %dma_wait3A_126] : memref<10000x128xf32, #tpu.memory_space<vmem_shared>> -> memref<10000x128xf32, #tpu.memory_space<vmem_shared>>
              tpu.wait_indirect_dma semaphore(%run_scoped3A : memref<!tpu.dma_semaphore, #tpu.memory_space<semaphore_mem>>) src(%arg8 : memref<128x128xf32, #tpu.memory_space<vmem>>) dst(%dma_wait3A_127 : memref<10000x128xf32, #tpu.memory_space<vmem_shared>>)
              tpu.yield
            }) : () -> ()
          } else {
          }
          %dma_wait3A = arith.constant 0 : i32
          %dma_wait3A_95 = tpu.memref_slice %arg9[%mul3A_80, %dma_wait3A] : memref<32x128xi32, #tpu.memory_space<vmem>> -> memref<1x128xi32, #tpu.memory_space<vmem>>
          %dma_wait3A_96 = tpu.memref_squeeze %dma_wait3A_95 : memref<1x128xi32, #tpu.memory_space<vmem>> -> memref<128xi32, #tpu.memory_space<vmem>>
          %dma_wait3A_97 = arith.constant 0 : i32
          %dma_wait3A_98 = arith.constant 0 : i32
          %dma_wait3A_99 = tpu.memref_slice %arg2[%arg0, %dma_wait3A_97, %dma_wait3A_98] : memref<2x10000x128xf32, #tpu.memory_space<hbm>> -> memref<1x10000x128xf32, #tpu.memory_space<hbm>>
          %dma_wait3A_100 = tpu.memref_squeeze %dma_wait3A_99 : memref<1x10000x128xf32, #tpu.memory_space<hbm>> -> memref<10000x128xf32, #tpu.memory_space<hbm>>
          %dma_wait3A_101 = arith.constant 0 : i32
          %dma_wait3A_102 = arith.constant 0 : i32
          %dma_wait3A_103 = tpu.memref_slice %dma_wait3A_100[%dma_wait3A_101, %dma_wait3A_102] : memref<10000x128xf32, #tpu.memory_space<hbm>> -> memref<10000x128xf32, #tpu.memory_space<hbm>>
          tpu.wait_indirect_dma semaphore(%arg11 : memref<!tpu.dma_semaphore, #tpu.memory_space<semaphore_mem>>) src(%dma_wait3A_103 : memref<10000x128xf32, #tpu.memory_space<hbm>>) dst(%arg7 : memref<128x128xf32, #tpu.memory_space<vmem>>)
          %add3A_104 = arith.constant 1 : i32
          %add3A_105 = arith.addi %mul3A_80, %add3A_104 : i32
          %lt3A_106 = arith.cmpi slt, %add3A_105, %min3A_22 : i32
          %convert_element_type3A_107 = arith.extui %lt3A_106 : i1 to i32
          %cond3A_108 = arith.constant 0 : i32
          %cond3A_109 = arith.cmpi ne, %convert_element_type3A_107, %cond3A_108 : i32
          scf.if %cond3A_109 {
            %dma_start3A_114 = arith.constant 0 : i32
            %dma_start3A_115 = tpu.memref_slice %arg9[%add3A_105, %dma_start3A_114] : memref<32x128xi32, #tpu.memory_space<vmem>> -> memref<1x128xi32, #tpu.memory_space<vmem>>
            %dma_start3A_116 = tpu.memref_squeeze %dma_start3A_115 : memref<1x128xi32, #tpu.memory_space<vmem>> -> memref<128xi32, #tpu.memory_space<vmem>>
            %dma_start3A_117 = arith.constant 0 : i32
            %dma_start3A_118 = arith.constant 0 : i32
            %dma_start3A_119 = tpu.memref_slice %arg2[%arg0, %dma_start3A_117, %dma_start3A_118] : memref<2x10000x128xf32, #tpu.memory_space<hbm>> -> memref<1x10000x128xf32, #tpu.memory_space<hbm>>
            %dma_start3A_120 = tpu.memref_squeeze %dma_start3A_119 : memref<1x10000x128xf32, #tpu.memory_space<hbm>> -> memref<10000x128xf32, #tpu.memory_space<hbm>>
            %dma_start3A_121 = arith.constant 0 : i32
            %dma_start3A_122 = arith.constant 0 : i32
            %dma_start3A_123 = tpu.memref_slice %dma_start3A_120[%dma_start3A_121, %dma_start3A_122] : memref<10000x128xf32, #tpu.memory_space<hbm>> -> memref<10000x128xf32, #tpu.memory_space<hbm>>
            tpu.enqueue_indirect_dma source(%dma_start3A_123 : memref<10000x128xf32, #tpu.memory_space<hbm>>) target(%arg8 : memref<128x128xf32, #tpu.memory_space<vmem>>) offsets(%dma_start3A_116 : memref<128xi32, #tpu.memory_space<vmem>>) semaphore(%arg12 : memref<!tpu.dma_semaphore, #tpu.memory_space<semaphore_mem>>)
            "tpu.region"() ({
              %run_scoped3A = tpu.sem_alloc : memref<!tpu.dma_semaphore, #tpu.memory_space<semaphore_mem>>
              %dma_start3A_134 = arith.constant 0 : i32
              %dma_start3A_135 = tpu.memref_slice %arg10[%mul3A_80, %dma_start3A_134] : memref<32x128xi32, #tpu.memory_space<vmem>> -> memref<1x128xi32, #tpu.memory_space<vmem>>
              %dma_start3A_136 = tpu.memref_squeeze %dma_start3A_135 : memref<1x128xi32, #tpu.memory_space<vmem>> -> memref<128xi32, #tpu.memory_space<vmem>>
              %dma_start3A_137 = arith.constant 0 : i32
              %dma_start3A_138 = arith.constant 0 : i32
              %dma_start3A_139 = tpu.memref_slice %arg6[%dma_start3A_137, %dma_start3A_138] : memref<10000x128xf32, #tpu.memory_space<vmem_shared>> -> memref<10000x128xf32, #tpu.memory_space<vmem_shared>>
              tpu.enqueue_indirect_dma source(%arg7 : memref<128x128xf32, #tpu.memory_space<vmem>>) target(%dma_start3A_139 : memref<10000x128xf32, #tpu.memory_space<vmem_shared>>) offsets(%dma_start3A_136 : memref<128xi32, #tpu.memory_space<vmem>>) semaphore(%run_scoped3A : memref<!tpu.dma_semaphore, #tpu.memory_space<semaphore_mem>>) {add = true}
              %dma_wait3A_140 = arith.constant 0 : i32
              %dma_wait3A_141 = tpu.memref_slice %arg10[%mul3A_80, %dma_wait3A_140] : memref<32x128xi32, #tpu.memory_space<vmem>> -> memref<1x128xi32, #tpu.memory_space<vmem>>
              %dma_wait3A_142 = tpu.memref_squeeze %dma_wait3A_141 : memref<1x128xi32, #tpu.memory_space<vmem>> -> memref<128xi32, #tpu.memory_space<vmem>>
              %dma_wait3A_143 = arith.constant 0 : i32
              %dma_wait3A_144 = arith.constant 0 : i32
              %dma_wait3A_145 = tpu.memref_slice %arg6[%dma_wait3A_143, %dma_wait3A_144] : memref<10000x128xf32, #tpu.memory_space<vmem_shared>> -> memref<10000x128xf32, #tpu.memory_space<vmem_shared>>
              tpu.wait_indirect_dma semaphore(%run_scoped3A : memref<!tpu.dma_semaphore, #tpu.memory_space<semaphore_mem>>) src(%arg7 : memref<128x128xf32, #tpu.memory_space<vmem>>) dst(%dma_wait3A_145 : memref<10000x128xf32, #tpu.memory_space<vmem_shared>>)
              tpu.yield
            }) : () -> ()
            %dma_wait3A_124 = arith.constant 0 : i32
            %dma_wait3A_125 = tpu.memref_slice %arg9[%add3A_105, %dma_wait3A_124] : memref<32x128xi32, #tpu.memory_space<vmem>> -> memref<1x128xi32, #tpu.memory_space<vmem>>
            %dma_wait3A_126 = tpu.memref_squeeze %dma_wait3A_125 : memref<1x128xi32, #tpu.memory_space<vmem>> -> memref<128xi32, #tpu.memory_space<vmem>>
            %dma_wait3A_127 = arith.constant 0 : i32
            %dma_wait3A_128 = arith.constant 0 : i32
            %dma_wait3A_129 = tpu.memref_slice %arg2[%arg0, %dma_wait3A_127, %dma_wait3A_128] : memref<2x10000x128xf32, #tpu.memory_space<hbm>> -> memref<1x10000x128xf32, #tpu.memory_space<hbm>>
            %dma_wait3A_130 = tpu.memref_squeeze %dma_wait3A_129 : memref<1x10000x128xf32, #tpu.memory_space<hbm>> -> memref<10000x128xf32, #tpu.memory_space<hbm>>
            %dma_wait3A_131 = arith.constant 0 : i32
            %dma_wait3A_132 = arith.constant 0 : i32
            %dma_wait3A_133 = tpu.memref_slice %dma_wait3A_130[%dma_wait3A_131, %dma_wait3A_132] : memref<10000x128xf32, #tpu.memory_space<hbm>> -> memref<10000x128xf32, #tpu.memory_space<hbm>>
            tpu.wait_indirect_dma semaphore(%arg12 : memref<!tpu.dma_semaphore, #tpu.memory_space<semaphore_mem>>) src(%dma_wait3A_133 : memref<10000x128xf32, #tpu.memory_space<hbm>>) dst(%arg8 : memref<128x128xf32, #tpu.memory_space<vmem>>)
          } else {
          }
          %ge3A_110 = arith.cmpi sge, %add3A_105, %min3A_22 : i32
          %convert_element_type3A_111 = arith.extui %ge3A_110 : i1 to i32
          %cond3A_112 = arith.constant 0 : i32
          %cond3A_113 = arith.cmpi ne, %convert_element_type3A_111, %cond3A_112 : i32
          scf.if %cond3A_113 {
            "tpu.region"() ({
              %run_scoped3A = tpu.sem_alloc : memref<!tpu.dma_semaphore, #tpu.memory_space<semaphore_mem>>
              %dma_start3A_114 = arith.constant 0 : i32
              %dma_start3A_115 = tpu.memref_slice %arg10[%mul3A_80, %dma_start3A_114] : memref<32x128xi32, #tpu.memory_space<vmem>> -> memref<1x128xi32, #tpu.memory_space<vmem>>
              %dma_start3A_116 = tpu.memref_squeeze %dma_start3A_115 : memref<1x128xi32, #tpu.memory_space<vmem>> -> memref<128xi32, #tpu.memory_space<vmem>>
              %dma_start3A_117 = arith.constant 0 : i32
              %dma_start3A_118 = arith.constant 0 : i32
              %dma_start3A_119 = tpu.memref_slice %arg6[%dma_start3A_117, %dma_start3A_118] : memref<10000x128xf32, #tpu.memory_space<vmem_shared>> -> memref<10000x128xf32, #tpu.memory_space<vmem_shared>>
              tpu.enqueue_indirect_dma source(%arg7 : memref<128x128xf32, #tpu.memory_space<vmem>>) target(%dma_start3A_119 : memref<10000x128xf32, #tpu.memory_space<vmem_shared>>) offsets(%dma_start3A_116 : memref<128xi32, #tpu.memory_space<vmem>>) semaphore(%run_scoped3A : memref<!tpu.dma_semaphore, #tpu.memory_space<semaphore_mem>>) {add = true}
              %dma_wait3A_120 = arith.constant 0 : i32
              %dma_wait3A_121 = tpu.memref_slice %arg10[%mul3A_80, %dma_wait3A_120] : memref<32x128xi32, #tpu.memory_space<vmem>> -> memref<1x128xi32, #tpu.memory_space<vmem>>
              %dma_wait3A_122 = tpu.memref_squeeze %dma_wait3A_121 : memref<1x128xi32, #tpu.memory_space<vmem>> -> memref<128xi32, #tpu.memory_space<vmem>>
              %dma_wait3A_123 = arith.constant 0 : i32
              %dma_wait3A_124 = arith.constant 0 : i32
              %dma_wait3A_125 = tpu.memref_slice %arg6[%dma_wait3A_123, %dma_wait3A_124] : memref<10000x128xf32, #tpu.memory_space<vmem_shared>> -> memref<10000x128xf32, #tpu.memory_space<vmem_shared>>
              tpu.wait_indirect_dma semaphore(%run_scoped3A : memref<!tpu.dma_semaphore, #tpu.memory_space<semaphore_mem>>) src(%arg7 : memref<128x128xf32, #tpu.memory_space<vmem>>) dst(%dma_wait3A_125 : memref<10000x128xf32, #tpu.memory_space<vmem_shared>>)
              tpu.yield
            }) : () -> ()
          } else {
          }
        }
        %while3A_56 = arith.constant 1 : i32
        scf.for %while3A_78 = %while3A_54 to %while3A_50 step %while3A_56  : i32 {
          %mul3A_79 = arith.constant 2 : i32
          %mul3A_80 = arith.muli %mul3A_79, %while3A_78 : i32
          %dma_start3A = arith.constant 0 : i32
          %dma_start3A_81 = tpu.memref_slice %arg9[%mul3A_80, %dma_start3A] : memref<32x128xi32, #tpu.memory_space<vmem>> -> memref<1x128xi32, #tpu.memory_space<vmem>>
          %dma_start3A_82 = tpu.memref_squeeze %dma_start3A_81 : memref<1x128xi32, #tpu.memory_space<vmem>> -> memref<128xi32, #tpu.memory_space<vmem>>
          %dma_start3A_83 = arith.constant 0 : i32
          %dma_start3A_84 = arith.constant 0 : i32
          %dma_start3A_85 = tpu.memref_slice %arg2[%arg0, %dma_start3A_83, %dma_start3A_84] : memref<2x10000x128xf32, #tpu.memory_space<hbm>> -> memref<1x10000x128xf32, #tpu.memory_space<hbm>>
          %dma_start3A_86 = tpu.memref_squeeze %dma_start3A_85 : memref<1x10000x128xf32, #tpu.memory_space<hbm>> -> memref<10000x128xf32, #tpu.memory_space<hbm>>
          %dma_start3A_87 = arith.constant 0 : i32
          %dma_start3A_88 = arith.constant 0 : i32
          %dma_start3A_89 = tpu.memref_slice %dma_start3A_86[%dma_start3A_87, %dma_start3A_88] : memref<10000x128xf32, #tpu.memory_space<hbm>> -> memref<10000x128xf32, #tpu.memory_space<hbm>>
          tpu.enqueue_indirect_dma source(%dma_start3A_89 : memref<10000x128xf32, #tpu.memory_space<hbm>>) target(%arg7 : memref<128x128xf32, #tpu.memory_space<vmem>>) offsets(%dma_start3A_82 : memref<128xi32, #tpu.memory_space<vmem>>) semaphore(%arg11 : memref<!tpu.dma_semaphore, #tpu.memory_space<semaphore_mem>>)
          %ge3A_90 = arith.constant 1 : i32
          %ge3A_91 = arith.cmpi sge, %mul3A_80, %ge3A_90 : i32
          %convert_element_type3A_92 = arith.extui %ge3A_91 : i1 to i32
          %cond3A_93 = arith.constant 0 : i32
          %cond3A_94 = arith.cmpi ne, %convert_element_type3A_92, %cond3A_93 : i32
          scf.if %cond3A_94 {
            %sub3A_114 = arith.constant 1 : i32
            %sub3A_115 = arith.subi %mul3A_80, %sub3A_114 : i32
            "tpu.region"() ({
              %run_scoped3A = tpu.sem_alloc : memref<!tpu.dma_semaphore, #tpu.memory_space<semaphore_mem>>
              %dma_start3A_116 = arith.constant 0 : i32
              %dma_start3A_117 = tpu.memref_slice %arg10[%sub3A_115, %dma_start3A_116] : memref<32x128xi32, #tpu.memory_space<vmem>> -> memref<1x128xi32, #tpu.memory_space<vmem>>
              %dma_start3A_118 = tpu.memref_squeeze %dma_start3A_117 : memref<1x128xi32, #tpu.memory_space<vmem>> -> memref<128xi32, #tpu.memory_space<vmem>>
              %dma_start3A_119 = arith.constant 0 : i32
              %dma_start3A_120 = arith.constant 0 : i32
              %dma_start3A_121 = tpu.memref_slice %arg6[%dma_start3A_119, %dma_start3A_120] : memref<10000x128xf32, #tpu.memory_space<vmem_shared>> -> memref<10000x128xf32, #tpu.memory_space<vmem_shared>>
              tpu.enqueue_indirect_dma source(%arg8 : memref<128x128xf32, #tpu.memory_space<vmem>>) target(%dma_start3A_121 : memref<10000x128xf32, #tpu.memory_space<vmem_shared>>) offsets(%dma_start3A_118 : memref<128xi32, #tpu.memory_space<vmem>>) semaphore(%run_scoped3A : memref<!tpu.dma_semaphore, #tpu.memory_space<semaphore_mem>>) {add = true}
              %dma_wait3A_122 = arith.constant 0 : i32
              %dma_wait3A_123 = tpu.memref_slice %arg10[%sub3A_115, %dma_wait3A_122] : memref<32x128xi32, #tpu.memory_space<vmem>> -> memref<1x128xi32, #tpu.memory_space<vmem>>
              %dma_wait3A_124 = tpu.memref_squeeze %dma_wait3A_123 : memref<1x128xi32, #tpu.memory_space<vmem>> -> memref<128xi32, #tpu.memory_space<vmem>>
              %dma_wait3A_125 = arith.constant 0 : i32
              %dma_wait3A_126 = arith.constant 0 : i32
              %dma_wait3A_127 = tpu.memref_slice %arg6[%dma_wait3A_125, %dma_wait3A_126] : memref<10000x128xf32, #tpu.memory_space<vmem_shared>> -> memref<10000x128xf32, #tpu.memory_space<vmem_shared>>
              tpu.wait_indirect_dma semaphore(%run_scoped3A : memref<!tpu.dma_semaphore, #tpu.memory_space<semaphore_mem>>) src(%arg8 : memref<128x128xf32, #tpu.memory_space<vmem>>) dst(%dma_wait3A_127 : memref<10000x128xf32, #tpu.memory_space<vmem_shared>>)
              tpu.yield
            }) : () -> ()
          } else {
          }
          %dma_wait3A = arith.constant 0 : i32
          %dma_wait3A_95 = tpu.memref_slice %arg9[%mul3A_80, %dma_wait3A] : memref<32x128xi32, #tpu.memory_space<vmem>> -> memref<1x128xi32, #tpu.memory_space<vmem>>
          %dma_wait3A_96 = tpu.memref_squeeze %dma_wait3A_95 : memref<1x128xi32, #tpu.memory_space<vmem>> -> memref<128xi32, #tpu.memory_space<vmem>>
          %dma_wait3A_97 = arith.constant 0 : i32
          %dma_wait3A_98 = arith.constant 0 : i32
          %dma_wait3A_99 = tpu.memref_slice %arg2[%arg0, %dma_wait3A_97, %dma_wait3A_98] : memref<2x10000x128xf32, #tpu.memory_space<hbm>> -> memref<1x10000x128xf32, #tpu.memory_space<hbm>>
          %dma_wait3A_100 = tpu.memref_squeeze %dma_wait3A_99 : memref<1x10000x128xf32, #tpu.memory_space<hbm>> -> memref<10000x128xf32, #tpu.memory_space<hbm>>
          %dma_wait3A_101 = arith.constant 0 : i32
          %dma_wait3A_102 = arith.constant 0 : i32
          %dma_wait3A_103 = tpu.memref_slice %dma_wait3A_100[%dma_wait3A_101, %dma_wait3A_102] : memref<10000x128xf32, #tpu.memory_space<hbm>> -> memref<10000x128xf32, #tpu.memory_space<hbm>>
          tpu.wait_indirect_dma semaphore(%arg11 : memref<!tpu.dma_semaphore, #tpu.memory_space<semaphore_mem>>) src(%dma_wait3A_103 : memref<10000x128xf32, #tpu.memory_space<hbm>>) dst(%arg7 : memref<128x128xf32, #tpu.memory_space<vmem>>)
          %add3A_104 = arith.constant 1 : i32
          %add3A_105 = arith.addi %mul3A_80, %add3A_104 : i32
          %lt3A_106 = arith.cmpi slt, %add3A_105, %min3A_22 : i32
          %convert_element_type3A_107 = arith.extui %lt3A_106 : i1 to i32
          %cond3A_108 = arith.constant 0 : i32
          %cond3A_109 = arith.cmpi ne, %convert_element_type3A_107, %cond3A_108 : i32
          scf.if %cond3A_109 {
            %dma_start3A_114 = arith.constant 0 : i32
            %dma_start3A_115 = tpu.memref_slice %arg9[%add3A_105, %dma_start3A_114] : memref<32x128xi32, #tpu.memory_space<vmem>> -> memref<1x128xi32, #tpu.memory_space<vmem>>
            %dma_start3A_116 = tpu.memref_squeeze %dma_start3A_115 : memref<1x128xi32, #tpu.memory_space<vmem>> -> memref<128xi32, #tpu.memory_space<vmem>>
            %dma_start3A_117 = arith.constant 0 : i32
            %dma_start3A_118 = arith.constant 0 : i32
            %dma_start3A_119 = tpu.memref_slice %arg2[%arg0, %dma_start3A_117, %dma_start3A_118] : memref<2x10000x128xf32, #tpu.memory_space<hbm>> -> memref<1x10000x128xf32, #tpu.memory_space<hbm>>
            %dma_start3A_120 = tpu.memref_squeeze %dma_start3A_119 : memref<1x10000x128xf32, #tpu.memory_space<hbm>> -> memref<10000x128xf32, #tpu.memory_space<hbm>>
            %dma_start3A_121 = arith.constant 0 : i32
            %dma_start3A_122 = arith.constant 0 : i32
            %dma_start3A_123 = tpu.memref_slice %dma_start3A_120[%dma_start3A_121, %dma_start3A_122] : memref<10000x128xf32, #tpu.memory_space<hbm>> -> memref<10000x128xf32, #tpu.memory_space<hbm>>
            tpu.enqueue_indirect_dma source(%dma_start3A_123 : memref<10000x128xf32, #tpu.memory_space<hbm>>) target(%arg8 : memref<128x128xf32, #tpu.memory_space<vmem>>) offsets(%dma_start3A_116 : memref<128xi32, #tpu.memory_space<vmem>>) semaphore(%arg12 : memref<!tpu.dma_semaphore, #tpu.memory_space<semaphore_mem>>)
            "tpu.region"() ({
              %run_scoped3A = tpu.sem_alloc : memref<!tpu.dma_semaphore, #tpu.memory_space<semaphore_mem>>
              %dma_start3A_134 = arith.constant 0 : i32
              %dma_start3A_135 = tpu.memref_slice %arg10[%mul3A_80, %dma_start3A_134] : memref<32x128xi32, #tpu.memory_space<vmem>> -> memref<1x128xi32, #tpu.memory_space<vmem>>
              %dma_start3A_136 = tpu.memref_squeeze %dma_start3A_135 : memref<1x128xi32, #tpu.memory_space<vmem>> -> memref<128xi32, #tpu.memory_space<vmem>>
              %dma_start3A_137 = arith.constant 0 : i32
              %dma_start3A_138 = arith.constant 0 : i32
              %dma_start3A_139 = tpu.memref_slice %arg6[%dma_start3A_137, %dma_start3A_138] : memref<10000x128xf32, #tpu.memory_space<vmem_shared>> -> memref<10000x128xf32, #tpu.memory_space<vmem_shared>>
              tpu.enqueue_indirect_dma source(%arg7 : memref<128x128xf32, #tpu.memory_space<vmem>>) target(%dma_start3A_139 : memref<10000x128xf32, #tpu.memory_space<vmem_shared>>) offsets(%dma_start3A_136 : memref<128xi32, #tpu.memory_space<vmem>>) semaphore(%run_scoped3A : memref<!tpu.dma_semaphore, #tpu.memory_space<semaphore_mem>>) {add = true}
              %dma_wait3A_140 = arith.constant 0 : i32
              %dma_wait3A_141 = tpu.memref_slice %arg10[%mul3A_80, %dma_wait3A_140] : memref<32x128xi32, #tpu.memory_space<vmem>> -> memref<1x128xi32, #tpu.memory_space<vmem>>
              %dma_wait3A_142 = tpu.memref_squeeze %dma_wait3A_141 : memref<1x128xi32, #tpu.memory_space<vmem>> -> memref<128xi32, #tpu.memory_space<vmem>>
              %dma_wait3A_143 = arith.constant 0 : i32
              %dma_wait3A_144 = arith.constant 0 : i32
              %dma_wait3A_145 = tpu.memref_slice %arg6[%dma_wait3A_143, %dma_wait3A_144] : memref<10000x128xf32, #tpu.memory_space<vmem_shared>> -> memref<10000x128xf32, #tpu.memory_space<vmem_shared>>
              tpu.wait_indirect_dma semaphore(%run_scoped3A : memref<!tpu.dma_semaphore, #tpu.memory_space<semaphore_mem>>) src(%arg7 : memref<128x128xf32, #tpu.memory_space<vmem>>) dst(%dma_wait3A_145 : memref<10000x128xf32, #tpu.memory_space<vmem_shared>>)
              tpu.yield
            }) : () -> ()
            %dma_wait3A_124 = arith.constant 0 : i32
            %dma_wait3A_125 = tpu.memref_slice %arg9[%add3A_105, %dma_wait3A_124] : memref<32x128xi32, #tpu.memory_space<vmem>> -> memref<1x128xi32, #tpu.memory_space<vmem>>
            %dma_wait3A_126 = tpu.memref_squeeze %dma_wait3A_125 : memref<1x128xi32, #tpu.memory_space<vmem>> -> memref<128xi32, #tpu.memory_space<vmem>>
            %dma_wait3A_127 = arith.constant 0 : i32
            %dma_wait3A_128 = arith.constant 0 : i32
            %dma_wait3A_129 = tpu.memref_slice %arg2[%arg0, %dma_wait3A_127, %dma_wait3A_128] : memref<2x10000x128xf32, #tpu.memory_space<hbm>> -> memref<1x10000x128xf32, #tpu.memory_space<hbm>>
            %dma_wait3A_130 = tpu.memref_squeeze %dma_wait3A_129 : memref<1x10000x128xf32, #tpu.memory_space<hbm>> -> memref<10000x128xf32, #tpu.memory_space<hbm>>
            %dma_wait3A_131 = arith.constant 0 : i32
            %dma_wait3A_132 = arith.constant 0 : i32
            %dma_wait3A_133 = tpu.memref_slice %dma_wait3A_130[%dma_wait3A_131, %dma_wait3A_132] : memref<10000x128xf32, #tpu.memory_space<hbm>> -> memref<10000x128xf32, #tpu.memory_space<hbm>>
            tpu.wait_indirect_dma semaphore(%arg12 : memref<!tpu.dma_semaphore, #tpu.memory_space<semaphore_mem>>) src(%dma_wait3A_133 : memref<10000x128xf32, #tpu.memory_space<hbm>>) dst(%arg8 : memref<128x128xf32, #tpu.memory_space<vmem>>)
          } else {
          }
          %ge3A_110 = arith.cmpi sge, %add3A_105, %min3A_22 : i32
          %convert_element_type3A_111 = arith.extui %ge3A_110 : i1 to i32
          %cond3A_112 = arith.constant 0 : i32
          %cond3A_113 = arith.cmpi ne, %convert_element_type3A_111, %cond3A_112 : i32
          scf.if %cond3A_113 {
            "tpu.region"() ({
              %run_scoped3A = tpu.sem_alloc : memref<!tpu.dma_semaphore, #tpu.memory_space<semaphore_mem>>
              %dma_start3A_114 = arith.constant 0 : i32
              %dma_start3A_115 = tpu.memref_slice %arg10[%mul3A_80, %dma_start3A_114] : memref<32x128xi32, #tpu.memory_space<vmem>> -> memref<1x128xi32, #tpu.memory_space<vmem>>
              %dma_start3A_116 = tpu.memref_squeeze %dma_start3A_115 : memref<1x128xi32, #tpu.memory_space<vmem>> -> memref<128xi32, #tpu.memory_space<vmem>>
              %dma_start3A_117 = arith.constant 0 : i32
              %dma_start3A_118 = arith.constant 0 : i32
              %dma_start3A_119 = tpu.memref_slice %arg6[%dma_start3A_117, %dma_start3A_118] : memref<10000x128xf32, #tpu.memory_space<vmem_shared>> -> memref<10000x128xf32, #tpu.memory_space<vmem_shared>>
              tpu.enqueue_indirect_dma source(%arg7 : memref<128x128xf32, #tpu.memory_space<vmem>>) target(%dma_start3A_119 : memref<10000x128xf32, #tpu.memory_space<vmem_shared>>) offsets(%dma_start3A_116 : memref<128xi32, #tpu.memory_space<vmem>>) semaphore(%run_scoped3A : memref<!tpu.dma_semaphore, #tpu.memory_space<semaphore_mem>>) {add = true}
              %dma_wait3A_120 = arith.constant 0 : i32
              %dma_wait3A_121 = tpu.memref_slice %arg10[%mul3A_80, %dma_wait3A_120] : memref<32x128xi32, #tpu.memory_space<vmem>> -> memref<1x128xi32, #tpu.memory_space<vmem>>
              %dma_wait3A_122 = tpu.memref_squeeze %dma_wait3A_121 : memref<1x128xi32, #tpu.memory_space<vmem>> -> memref<128xi32, #tpu.memory_space<vmem>>
              %dma_wait3A_123 = arith.constant 0 : i32
              %dma_wait3A_124 = arith.constant 0 : i32
              %dma_wait3A_125 = tpu.memref_slice %arg6[%dma_wait3A_123, %dma_wait3A_124] : memref<10000x128xf32, #tpu.memory_space<vmem_shared>> -> memref<10000x128xf32, #tpu.memory_space<vmem_shared>>
              tpu.wait_indirect_dma semaphore(%run_scoped3A : memref<!tpu.dma_semaphore, #tpu.memory_space<semaphore_mem>>) src(%arg7 : memref<128x128xf32, #tpu.memory_space<vmem>>) dst(%dma_wait3A_125 : memref<10000x128xf32, #tpu.memory_space<vmem_shared>>)
              tpu.yield
            }) : () -> ()
          } else {
          }
        }
        %jit3A_57 = arith.constant 2 : i32
        %eq3A = arith.constant 0 : i32
        %eq3A_58 = arith.cmpi eq, %jit3A_57, %eq3A : i32
        %jit3A_59 = arith.constant 1 : i32
        %select_n3A_60 = arith.select %eq3A_58, %jit3A_59, %jit3A_57 : i32
        %rem3A_61 = arith.remsi %min3A_22, %select_n3A_60 : i32
        %ne3A_62 = arith.constant 0 : i32
        %ne3A_63 = arith.cmpi ne, %rem3A_61, %ne3A_62 : i32
        %lt3A = arith.constant 0 : i32
        %lt3A_64 = arith.cmpi slt, %rem3A_61, %lt3A : i32
        %lt3A_65 = arith.constant 0 : i32
        %lt3A_66 = arith.cmpi slt, %select_n3A_60, %lt3A_65 : i32
        %ne3A_67 = arith.xori %lt3A_64, %lt3A_66 : i1
        %and3A_68 = arith.andi %ne3A_67, %ne3A_63 : i1
        %add3A_69 = arith.addi %rem3A_61, %select_n3A_60 : i32
        %select_n3A_70 = arith.select %and3A_68, %add3A_69, %rem3A_61 : i32
        %eq3A_71 = arith.constant 0 : i32
        %eq3A_72 = arith.cmpi eq, %select_n3A_70, %eq3A_71 : i32
        %ge3A = arith.constant 2 : i32
        %ge3A_73 = arith.cmpi sge, %min3A_22, %ge3A : i32
        %and3A_74 = arith.andi %eq3A_72, %ge3A_73 : i1
        %convert_element_type3A_75 = arith.extui %and3A_74 : i1 to i32
        %cond3A_76 = arith.constant 0 : i32
        %cond3A_77 = arith.cmpi ne, %convert_element_type3A_75, %cond3A_76 : i32
        scf.if %cond3A_77 {
          %sub3A_78 = arith.constant 1 : i32
          %sub3A_79 = arith.subi %min3A_22, %sub3A_78 : i32
          "tpu.region"() ({
            %run_scoped3A = tpu.sem_alloc : memref<!tpu.dma_semaphore, #tpu.memory_space<semaphore_mem>>
            %dma_start3A = arith.constant 0 : i32
            %dma_start3A_80 = tpu.memref_slice %arg10[%sub3A_79, %dma_start3A] : memref<32x128xi32, #tpu.memory_space<vmem>> -> memref<1x128xi32, #tpu.memory_space<vmem>>
            %dma_start3A_81 = tpu.memref_squeeze %dma_start3A_80 : memref<1x128xi32, #tpu.memory_space<vmem>> -> memref<128xi32, #tpu.memory_space<vmem>>
            %dma_start3A_82 = arith.constant 0 : i32
            %dma_start3A_83 = arith.constant 0 : i32
            %dma_start3A_84 = tpu.memref_slice %arg6[%dma_start3A_82, %dma_start3A_83] : memref<10000x128xf32, #tpu.memory_space<vmem_shared>> -> memref<10000x128xf32, #tpu.memory_space<vmem_shared>>
            tpu.enqueue_indirect_dma source(%arg8 : memref<128x128xf32, #tpu.memory_space<vmem>>) target(%dma_start3A_84 : memref<10000x128xf32, #tpu.memory_space<vmem_shared>>) offsets(%dma_start3A_81 : memref<128xi32, #tpu.memory_space<vmem>>) semaphore(%run_scoped3A : memref<!tpu.dma_semaphore, #tpu.memory_space<semaphore_mem>>) {add = true}
            %dma_wait3A = arith.constant 0 : i32
            %dma_wait3A_85 = tpu.memref_slice %arg10[%sub3A_79, %dma_wait3A] : memref<32x128xi32, #tpu.memory_space<vmem>> -> memref<1x128xi32, #tpu.memory_space<vmem>>
            %dma_wait3A_86 = tpu.memref_squeeze %dma_wait3A_85 : memref<1x128xi32, #tpu.memory_space<vmem>> -> memref<128xi32, #tpu.memory_space<vmem>>
            %dma_wait3A_87 = arith.constant 0 : i32
            %dma_wait3A_88 = arith.constant 0 : i32
            %dma_wait3A_89 = tpu.memref_slice %arg6[%dma_wait3A_87, %dma_wait3A_88] : memref<10000x128xf32, #tpu.memory_space<vmem_shared>> -> memref<10000x128xf32, #tpu.memory_space<vmem_shared>>
            tpu.wait_indirect_dma semaphore(%run_scoped3A : memref<!tpu.dma_semaphore, #tpu.memory_space<semaphore_mem>>) src(%arg8 : memref<128x128xf32, #tpu.memory_space<vmem>>) dst(%dma_wait3A_89 : memref<10000x128xf32, #tpu.memory_space<vmem_shared>>)
            tpu.yield
          }) : () -> ()
        } else {
        }
      } else {
      }
    }
    %scan3A_11 = arith.constant 5 : i32
    %barrier3A_12 = arith.constant 0 : index
    tpu.barrier barrier_id(%barrier3A_12)
    %mul3A_13 = arith.constant 624 : i32
    %mul3A_14 = arith.muli %arg1, %mul3A_13 : i32
    %mul3A_15 = arith.constant 624 : i32
    %mul3A_16 = arith.muli %arg1, %mul3A_15 : i32
    "tpu.region"() ({
      %run_scoped3A = tpu.sem_alloc : memref<!tpu.dma_semaphore, #tpu.memory_space<semaphore_mem>>
      %dma_start3A = arith.constant 0 : i32
      %dma_start3A_17 = arith.constant 0 : i32
      %dma_start3A_18 = tpu.memref_slice %arg5[%arg0, %dma_start3A, %dma_start3A_17] : memref<2x10000x128xf32, #tpu.memory_space<hbm>> -> memref<1x10000x128xf32, #tpu.memory_space<hbm>>
      %dma_start3A_19 = tpu.memref_squeeze %dma_start3A_18 : memref<1x10000x128xf32, #tpu.memory_space<hbm>> -> memref<10000x128xf32, #tpu.memory_space<hbm>>
      %dma_start3A_20 = arith.constant 0 : i32
      %dma_start3A_21 = tpu.memref_slice %dma_start3A_19[%mul3A_16, %dma_start3A_20] : memref<10000x128xf32, #tpu.memory_space<hbm>> -> memref<640x128xf32, #tpu.memory_space<hbm>>
      %dma_start3A_22 = arith.constant 0 : i32
      %dma_start3A_23 = tpu.memref_slice %arg6[%mul3A_14, %dma_start3A_22] : memref<10000x128xf32, #tpu.memory_space<vmem_shared>> -> memref<640x128xf32, #tpu.memory_space<vmem_shared>>
      tpu.enqueue_dma source(%dma_start3A_23 : memref<640x128xf32, #tpu.memory_space<vmem_shared>>) target(%dma_start3A_21 : memref<640x128xf32, #tpu.memory_space<hbm>>) target_semaphore(%run_scoped3A : memref<!tpu.dma_semaphore, #tpu.memory_space<semaphore_mem>>)
      %dma_wait3A = arith.constant 0 : i32
      %dma_wait3A_24 = arith.constant 0 : i32
      %dma_wait3A_25 = tpu.memref_slice %arg5[%arg0, %dma_wait3A, %dma_wait3A_24] : memref<2x10000x128xf32, #tpu.memory_space<hbm>> -> memref<1x10000x128xf32, #tpu.memory_space<hbm>>
      %dma_wait3A_26 = tpu.memref_squeeze %dma_wait3A_25 : memref<1x10000x128xf32, #tpu.memory_space<hbm>> -> memref<10000x128xf32, #tpu.memory_space<hbm>>
      %dma_wait3A_27 = arith.constant 0 : i32
      %dma_wait3A_28 = tpu.memref_slice %dma_wait3A_26[%mul3A_16, %dma_wait3A_27] : memref<10000x128xf32, #tpu.memory_space<hbm>> -> memref<640x128xf32, #tpu.memory_space<hbm>>
      %dma_wait3A_29 = arith.constant 0 : i32
      %dma_wait3A_30 = tpu.memref_slice %arg6[%mul3A_14, %dma_wait3A_29] : memref<10000x128xf32, #tpu.memory_space<vmem_shared>> -> memref<640x128xf32, #tpu.memory_space<vmem_shared>>
      tpu.wait_dma2 semaphore(%run_scoped3A : memref<!tpu.dma_semaphore, #tpu.memory_space<semaphore_mem>>) src(%dma_wait3A_30 : memref<640x128xf32, #tpu.memory_space<vmem_shared>>) dst(%dma_wait3A_28 : memref<640x128xf32, #tpu.memory_space<hbm>>)
      tpu.yield
    }) : () -> ()
    return
  }
}

#map = affine_map<(d0, d1) -> (0, 0, 0)>
#map1 = affine_map<(d0, d1) -> (0, 0)>
module attributes {stable_mosaic.version = 14 : i64} {
  func.func @_sc_deg_cnt(%arg0: i32, %arg1: i32, %arg2: memref<32x80x128xi32, #tpu.memory_space<hbm>>, %arg3: memref<125x1x80xi32, #tpu.memory_space<hbm>>, %arg4: memref<128x128xf32, #tpu.memory_space<hbm>>, %arg5: memref<640x128xf32, #tpu.memory_space<hbm>>, %arg6: memref<2x10000x128xf32, #tpu.memory_space<hbm>>, %arg7: memref<64x128xf32, #tpu.memory_space<hbm>>, %arg8: memref<10000x128xf32, #tpu.memory_space<vmem_shared>>, %arg9: memref<64x128xf32, #tpu.memory_space<vmem_shared>>, %arg10: memref<128x128xf32, #tpu.memory_space<vmem>>, %arg11: memref<80x128xf32, #tpu.memory_space<vmem>>, %arg12: memref<80x128xi32, #tpu.memory_space<vmem>>, %arg13: memref<80xi32, #tpu.memory_space<vmem>>, %arg14: memref<!tpu.dma_semaphore, #tpu.memory_space<semaphore_mem>>, %arg15: memref<!tpu.dma_semaphore, #tpu.memory_space<semaphore_mem>>) attributes {dimension_semantics = [#tpu.dimension_semantics<core_parallel>, #tpu.dimension_semantics<subcore_parallel>], iteration_bounds = array<i64: 2, 16>, scalar_prefetch = 0 : i64, scratch_operands = 8 : i64, tpu.core_type = #tpu.core_type<sc_vector_subcore>, window_params = [{transform_indices = #map}, {transform_indices = #map}, {transform_indices = #map1}, {transform_indices = #map1}, {transform_indices = #map}, {transform_indices = #map1}]} {
    %mul3A = arith.constant 16 : i32
    %mul3A_0 = arith.muli %arg0, %mul3A : i32
    %add3A = arith.addi %mul3A_0, %arg1 : i32
    "tpu.region"() ({
      %run_scoped3A = tpu.sem_alloc : memref<!tpu.dma_semaphore, #tpu.memory_space<semaphore_mem>>
      tpu.enqueue_dma source(%arg4 : memref<128x128xf32, #tpu.memory_space<hbm>>) target(%arg10 : memref<128x128xf32, #tpu.memory_space<vmem>>) target_semaphore(%run_scoped3A : memref<!tpu.dma_semaphore, #tpu.memory_space<semaphore_mem>>)
      tpu.wait_dma2 semaphore(%run_scoped3A : memref<!tpu.dma_semaphore, #tpu.memory_space<semaphore_mem>>) src(%arg4 : memref<128x128xf32, #tpu.memory_space<hbm>>) dst(%arg10 : memref<128x128xf32, #tpu.memory_space<vmem>>)
      tpu.yield
    }) : () -> ()
    %mul3A_1 = arith.constant 80 : i32
    %mul3A_2 = arith.muli %add3A, %mul3A_1 : i32
    %sub3A = arith.constant 2500 : i32
    %sub3A_3 = arith.subi %sub3A, %mul3A_2 : i32
    %jit3A = arith.constant 0 : i32
    %jit3A_4 = arith.constant 80 : i32
    %max3A = arith.maxsi %jit3A, %sub3A_3 : i32
    %min3A = arith.minsi %jit3A_4, %max3A : i32
    "tpu.region"() ({
      %run_scoped3A = tpu.sem_alloc : memref<!tpu.dma_semaphore, #tpu.memory_space<semaphore_mem>>
      %dma_start3A = arith.constant 0 : i32
      %dma_start3A_59 = arith.constant 0 : i32
      %dma_start3A_60 = tpu.memref_slice %arg2[%add3A, %dma_start3A, %dma_start3A_59] : memref<32x80x128xi32, #tpu.memory_space<hbm>> -> memref<1x80x128xi32, #tpu.memory_space<hbm>>
      %dma_start3A_61 = tpu.memref_squeeze %dma_start3A_60 : memref<1x80x128xi32, #tpu.memory_space<hbm>> -> memref<80x128xi32, #tpu.memory_space<hbm>>
      %dma_start3A_62 = arith.constant 0 : i32
      %dma_start3A_63 = arith.constant 0 : i32
      %dma_start3A_64 = tpu.memref_slice %arg2[%add3A, %dma_start3A_62, %dma_start3A_63] : memref<32x80x128xi32, #tpu.memory_space<hbm>> -> memref<1x80x128xi32, #tpu.memory_space<hbm>>
      %dma_start3A_65 = tpu.memref_squeeze %dma_start3A_64 : memref<1x80x128xi32, #tpu.memory_space<hbm>> -> memref<80x128xi32, #tpu.memory_space<hbm>>
      tpu.enqueue_dma source(%dma_start3A_65 : memref<80x128xi32, #tpu.memory_space<hbm>>) target(%arg12 : memref<80x128xi32, #tpu.memory_space<vmem>>) target_semaphore(%run_scoped3A : memref<!tpu.dma_semaphore, #tpu.memory_space<semaphore_mem>>)
      %dma_wait3A = arith.constant 0 : i32
      %dma_wait3A_66 = arith.constant 0 : i32
      %dma_wait3A_67 = tpu.memref_slice %arg2[%add3A, %dma_wait3A, %dma_wait3A_66] : memref<32x80x128xi32, #tpu.memory_space<hbm>> -> memref<1x80x128xi32, #tpu.memory_space<hbm>>
      %dma_wait3A_68 = tpu.memref_squeeze %dma_wait3A_67 : memref<1x80x128xi32, #tpu.memory_space<hbm>> -> memref<80x128xi32, #tpu.memory_space<hbm>>
      %dma_wait3A_69 = arith.constant 0 : i32
      %dma_wait3A_70 = arith.constant 0 : i32
      %dma_wait3A_71 = tpu.memref_slice %arg2[%add3A, %dma_wait3A_69, %dma_wait3A_70] : memref<32x80x128xi32, #tpu.memory_space<hbm>> -> memref<1x80x128xi32, #tpu.memory_space<hbm>>
      %dma_wait3A_72 = tpu.memref_squeeze %dma_wait3A_71 : memref<1x80x128xi32, #tpu.memory_space<hbm>> -> memref<80x128xi32, #tpu.memory_space<hbm>>
      tpu.wait_dma2 semaphore(%run_scoped3A : memref<!tpu.dma_semaphore, #tpu.memory_space<semaphore_mem>>) src(%dma_wait3A_72 : memref<80x128xi32, #tpu.memory_space<hbm>>) dst(%arg12 : memref<80x128xi32, #tpu.memory_space<vmem>>)
      tpu.yield
    }) : () -> ()
    %mul3A_5 = arith.constant 624 : i32
    %mul3A_6 = arith.muli %arg1, %mul3A_5 : i32
    "tpu.region"() ({
      %run_scoped3A = tpu.sem_alloc : memref<!tpu.dma_semaphore, #tpu.memory_space<semaphore_mem>>
      %dma_start3A = arith.constant 0 : i32
      %dma_start3A_59 = tpu.memref_slice %arg8[%mul3A_6, %dma_start3A] : memref<10000x128xf32, #tpu.memory_space<vmem_shared>> -> memref<640x128xf32, #tpu.memory_space<vmem_shared>>
      tpu.enqueue_dma source(%arg5 : memref<640x128xf32, #tpu.memory_space<hbm>>) target(%dma_start3A_59 : memref<640x128xf32, #tpu.memory_space<vmem_shared>>) target_semaphore(%run_scoped3A : memref<!tpu.dma_semaphore, #tpu.memory_space<semaphore_mem>>)
      %dma_wait3A = arith.constant 0 : i32
      %dma_wait3A_60 = tpu.memref_slice %arg8[%mul3A_6, %dma_wait3A] : memref<10000x128xf32, #tpu.memory_space<vmem_shared>> -> memref<640x128xf32, #tpu.memory_space<vmem_shared>>
      tpu.wait_dma2 semaphore(%run_scoped3A : memref<!tpu.dma_semaphore, #tpu.memory_space<semaphore_mem>>) src(%arg5 : memref<640x128xf32, #tpu.memory_space<hbm>>) dst(%dma_wait3A_60 : memref<640x128xf32, #tpu.memory_space<vmem_shared>>)
      tpu.yield
    }) : () -> ()
    %eq3A = arith.constant 1 : i32
    %eq3A_7 = arith.cmpi eq, %arg0, %eq3A : i32
    %eq3A_8 = arith.constant 0 : i32
    %eq3A_9 = arith.cmpi eq, %arg1, %eq3A_8 : i32
    %and3A = arith.andi %eq3A_7, %eq3A_9 : i1
    %convert_element_type3A = arith.extui %and3A : i1 to i32
    %cond3A = arith.constant 0 : i32
    %cond3A_10 = arith.cmpi ne, %convert_element_type3A, %cond3A : i32
    scf.if %cond3A_10 {
      "tpu.region"() ({
        %run_scoped3A = tpu.sem_alloc : memref<!tpu.dma_semaphore, #tpu.memory_space<semaphore_mem>>
        %dma_start3A = arith.constant 0 : i32
        %dma_start3A_59 = arith.constant 0 : i32
        %dma_start3A_60 = tpu.memref_slice %arg5[%dma_start3A, %dma_start3A_59] : memref<640x128xf32, #tpu.memory_space<hbm>> -> memref<64x128xf32, #tpu.memory_space<hbm>>
        tpu.enqueue_dma source(%dma_start3A_60 : memref<64x128xf32, #tpu.memory_space<hbm>>) target(%arg9 : memref<64x128xf32, #tpu.memory_space<vmem_shared>>) target_semaphore(%run_scoped3A : memref<!tpu.dma_semaphore, #tpu.memory_space<semaphore_mem>>)
        %dma_wait3A = arith.constant 0 : i32
        %dma_wait3A_61 = arith.constant 0 : i32
        %dma_wait3A_62 = tpu.memref_slice %arg5[%dma_wait3A, %dma_wait3A_61] : memref<640x128xf32, #tpu.memory_space<hbm>> -> memref<64x128xf32, #tpu.memory_space<hbm>>
        tpu.wait_dma2 semaphore(%run_scoped3A : memref<!tpu.dma_semaphore, #tpu.memory_space<semaphore_mem>>) src(%dma_wait3A_62 : memref<64x128xf32, #tpu.memory_space<hbm>>) dst(%arg9 : memref<64x128xf32, #tpu.memory_space<vmem_shared>>)
        tpu.yield
      }) : () -> ()
    } else {
    }
    %barrier3A = arith.constant 0 : index
    tpu.barrier barrier_id(%barrier3A)
    %add3A_11 = arith.constant 1 : i32
    %add3A_12 = arith.addi %min3A, %add3A_11 : i32
    %jit3A_13 = arith.constant 2 : i32
    %div3A = arith.divsi %add3A_12, %jit3A_13 : i32
    %sign3A = arith.constant 0 : i32
    %sign3A_14 = arith.cmpi sgt, %add3A_12, %sign3A : i32
    %sign3A_15 = arith.extui %sign3A_14 : i1 to i32
    %sign3A_16 = arith.constant 0 : i32
    %sign3A_17 = arith.cmpi slt, %add3A_12, %sign3A_16 : i32
    %sign3A_18 = arith.extui %sign3A_17 : i1 to i32
    %sign3A_19 = arith.subi %sign3A_15, %sign3A_18 : i32
    %sign3A_20 = arith.constant 0 : i32
    %sign3A_21 = arith.cmpi sgt, %jit3A_13, %sign3A_20 : i32
    %sign3A_22 = arith.extui %sign3A_21 : i1 to i32
    %sign3A_23 = arith.constant 0 : i32
    %sign3A_24 = arith.cmpi slt, %jit3A_13, %sign3A_23 : i32
    %sign3A_25 = arith.extui %sign3A_24 : i1 to i32
    %sign3A_26 = arith.subi %sign3A_22, %sign3A_25 : i32
    %ne3A = arith.cmpi ne, %sign3A_19, %sign3A_26 : i32
    %rem3A = arith.remsi %add3A_12, %jit3A_13 : i32
    %ne3A_27 = arith.constant 0 : i32
    %ne3A_28 = arith.cmpi ne, %rem3A, %ne3A_27 : i32
    %and3A_29 = arith.andi %ne3A, %ne3A_28 : i1
    %sub3A_30 = arith.constant 1 : i32
    %sub3A_31 = arith.subi %div3A, %sub3A_30 : i32
    %select_n3A = arith.select %and3A_29, %sub3A_31, %div3A : i32
    %while3A = arith.constant 0 : i32
    %while3A_32 = arith.constant 0 : i32
    %while3A_33 = arith.subi %select_n3A, %while3A_32 : i32
    %while3A_34 = arith.addi %while3A_32, %while3A_33 : i32
    %while3A_35 = arith.constant 1 : i32
    %while3A_36 = arith.divsi %while3A_33, %while3A_35 : i32
    %while3A_37 = arith.muli %while3A_36, %while3A_35 : i32
    %while3A_38 = arith.addi %while3A_32, %while3A_37 : i32
    %while3A_39 = arith.constant 1 : i32
    scf.for %while3A_59 = %while3A_32 to %while3A_38 step %while3A_39  : i32 {
      %mul3A_60 = arith.constant 2 : i32
      %mul3A_61 = arith.muli %mul3A_60, %while3A_59 : i32
      %dma_start3A = arith.constant 0 : i32
      %dma_start3A_62 = tpu.memref_slice %arg12[%mul3A_61, %dma_start3A] : memref<80x128xi32, #tpu.memory_space<vmem>> -> memref<1x128xi32, #tpu.memory_space<vmem>>
      %dma_start3A_63 = tpu.memref_squeeze %dma_start3A_62 : memref<1x128xi32, #tpu.memory_space<vmem>> -> memref<128xi32, #tpu.memory_space<vmem>>
      %dma_start3A_64 = arith.constant 0 : i32
      %dma_start3A_65 = arith.constant 0 : i32
      %dma_start3A_66 = tpu.memref_slice %arg8[%dma_start3A_64, %dma_start3A_65] : memref<10000x128xf32, #tpu.memory_space<vmem_shared>> -> memref<10000x128xf32, #tpu.memory_space<vmem_shared>>
      tpu.enqueue_indirect_dma source(%arg10 : memref<128x128xf32, #tpu.memory_space<vmem>>) target(%dma_start3A_66 : memref<10000x128xf32, #tpu.memory_space<vmem_shared>>) offsets(%dma_start3A_63 : memref<128xi32, #tpu.memory_space<vmem>>) semaphore(%arg14 : memref<!tpu.dma_semaphore, #tpu.memory_space<semaphore_mem>>) {add = true}
      %add3A_67 = arith.constant 1 : i32
      %add3A_68 = arith.addi %mul3A_61, %add3A_67 : i32
      %lt3A = arith.cmpi slt, %add3A_68, %min3A : i32
      %convert_element_type3A_69 = arith.extui %lt3A : i1 to i32
      %cond3A_70 = arith.constant 0 : i32
      %cond3A_71 = arith.cmpi ne, %convert_element_type3A_69, %cond3A_70 : i32
      scf.if %cond3A_71 {
        %dma_start3A_75 = arith.constant 0 : i32
        %dma_start3A_76 = tpu.memref_slice %arg12[%add3A_68, %dma_start3A_75] : memref<80x128xi32, #tpu.memory_space<vmem>> -> memref<1x128xi32, #tpu.memory_space<vmem>>
        %dma_start3A_77 = tpu.memref_squeeze %dma_start3A_76 : memref<1x128xi32, #tpu.memory_space<vmem>> -> memref<128xi32, #tpu.memory_space<vmem>>
        %dma_start3A_78 = arith.constant 0 : i32
        %dma_start3A_79 = arith.constant 0 : i32
        %dma_start3A_80 = tpu.memref_slice %arg8[%dma_start3A_78, %dma_start3A_79] : memref<10000x128xf32, #tpu.memory_space<vmem_shared>> -> memref<10000x128xf32, #tpu.memory_space<vmem_shared>>
        tpu.enqueue_indirect_dma source(%arg10 : memref<128x128xf32, #tpu.memory_space<vmem>>) target(%dma_start3A_80 : memref<10000x128xf32, #tpu.memory_space<vmem_shared>>) offsets(%dma_start3A_77 : memref<128xi32, #tpu.memory_space<vmem>>) semaphore(%arg15 : memref<!tpu.dma_semaphore, #tpu.memory_space<semaphore_mem>>) {add = true}
        %dma_wait3A = arith.constant 0 : i32
        %dma_wait3A_81 = tpu.memref_slice %arg12[%mul3A_61, %dma_wait3A] : memref<80x128xi32, #tpu.memory_space<vmem>> -> memref<1x128xi32, #tpu.memory_space<vmem>>
        %dma_wait3A_82 = tpu.memref_squeeze %dma_wait3A_81 : memref<1x128xi32, #tpu.memory_space<vmem>> -> memref<128xi32, #tpu.memory_space<vmem>>
        %dma_wait3A_83 = arith.constant 0 : i32
        %dma_wait3A_84 = arith.constant 0 : i32
        %dma_wait3A_85 = tpu.memref_slice %arg8[%dma_wait3A_83, %dma_wait3A_84] : memref<10000x128xf32, #tpu.memory_space<vmem_shared>> -> memref<10000x128xf32, #tpu.memory_space<vmem_shared>>
        tpu.wait_indirect_dma semaphore(%arg14 : memref<!tpu.dma_semaphore, #tpu.memory_space<semaphore_mem>>) src(%arg10 : memref<128x128xf32, #tpu.memory_space<vmem>>) dst(%dma_wait3A_85 : memref<10000x128xf32, #tpu.memory_space<vmem_shared>>)
        %dma_wait3A_86 = arith.constant 0 : i32
        %dma_wait3A_87 = tpu.memref_slice %arg12[%add3A_68, %dma_wait3A_86] : memref<80x128xi32, #tpu.memory_space<vmem>> -> memref<1x128xi32, #tpu.memory_space<vmem>>
        %dma_wait3A_88 = tpu.memref_squeeze %dma_wait3A_87 : memref<1x128xi32, #tpu.memory_space<vmem>> -> memref<128xi32, #tpu.memory_space<vmem>>
        %dma_wait3A_89 = arith.constant 0 : i32
        %dma_wait3A_90 = arith.constant 0 : i32
        %dma_wait3A_91 = tpu.memref_slice %arg8[%dma_wait3A_89, %dma_wait3A_90] : memref<10000x128xf32, #tpu.memory_space<vmem_shared>> -> memref<10000x128xf32, #tpu.memory_space<vmem_shared>>
        tpu.wait_indirect_dma semaphore(%arg15 : memref<!tpu.dma_semaphore, #tpu.memory_space<semaphore_mem>>) src(%arg10 : memref<128x128xf32, #tpu.memory_space<vmem>>) dst(%dma_wait3A_91 : memref<10000x128xf32, #tpu.memory_space<vmem_shared>>)
      } else {
      }
      %ge3A = arith.cmpi sge, %add3A_68, %min3A : i32
      %convert_element_type3A_72 = arith.extui %ge3A : i1 to i32
      %cond3A_73 = arith.constant 0 : i32
      %cond3A_74 = arith.cmpi ne, %convert_element_type3A_72, %cond3A_73 : i32
      scf.if %cond3A_74 {
        %dma_wait3A = arith.constant 0 : i32
        %dma_wait3A_75 = tpu.memref_slice %arg12[%mul3A_61, %dma_wait3A] : memref<80x128xi32, #tpu.memory_space<vmem>> -> memref<1x128xi32, #tpu.memory_space<vmem>>
        %dma_wait3A_76 = tpu.memref_squeeze %dma_wait3A_75 : memref<1x128xi32, #tpu.memory_space<vmem>> -> memref<128xi32, #tpu.memory_space<vmem>>
        %dma_wait3A_77 = arith.constant 0 : i32
        %dma_wait3A_78 = arith.constant 0 : i32
        %dma_wait3A_79 = tpu.memref_slice %arg8[%dma_wait3A_77, %dma_wait3A_78] : memref<10000x128xf32, #tpu.memory_space<vmem_shared>> -> memref<10000x128xf32, #tpu.memory_space<vmem_shared>>
        tpu.wait_indirect_dma semaphore(%arg14 : memref<!tpu.dma_semaphore, #tpu.memory_space<semaphore_mem>>) src(%arg10 : memref<128x128xf32, #tpu.memory_space<vmem>>) dst(%dma_wait3A_79 : memref<10000x128xf32, #tpu.memory_space<vmem_shared>>)
      } else {
      }
    }
    %while3A_40 = arith.constant 1 : i32
    scf.for %while3A_59 = %while3A_38 to %while3A_34 step %while3A_40  : i32 {
      %mul3A_60 = arith.constant 2 : i32
      %mul3A_61 = arith.muli %mul3A_60, %while3A_59 : i32
      %dma_start3A = arith.constant 0 : i32
      %dma_start3A_62 = tpu.memref_slice %arg12[%mul3A_61, %dma_start3A] : memref<80x128xi32, #tpu.memory_space<vmem>> -> memref<1x128xi32, #tpu.memory_space<vmem>>
      %dma_start3A_63 = tpu.memref_squeeze %dma_start3A_62 : memref<1x128xi32, #tpu.memory_space<vmem>> -> memref<128xi32, #tpu.memory_space<vmem>>
      %dma_start3A_64 = arith.constant 0 : i32
      %dma_start3A_65 = arith.constant 0 : i32
      %dma_start3A_66 = tpu.memref_slice %arg8[%dma_start3A_64, %dma_start3A_65] : memref<10000x128xf32, #tpu.memory_space<vmem_shared>> -> memref<10000x128xf32, #tpu.memory_space<vmem_shared>>
      tpu.enqueue_indirect_dma source(%arg10 : memref<128x128xf32, #tpu.memory_space<vmem>>) target(%dma_start3A_66 : memref<10000x128xf32, #tpu.memory_space<vmem_shared>>) offsets(%dma_start3A_63 : memref<128xi32, #tpu.memory_space<vmem>>) semaphore(%arg14 : memref<!tpu.dma_semaphore, #tpu.memory_space<semaphore_mem>>) {add = true}
      %add3A_67 = arith.constant 1 : i32
      %add3A_68 = arith.addi %mul3A_61, %add3A_67 : i32
      %lt3A = arith.cmpi slt, %add3A_68, %min3A : i32
      %convert_element_type3A_69 = arith.extui %lt3A : i1 to i32
      %cond3A_70 = arith.constant 0 : i32
      %cond3A_71 = arith.cmpi ne, %convert_element_type3A_69, %cond3A_70 : i32
      scf.if %cond3A_71 {
        %dma_start3A_75 = arith.constant 0 : i32
        %dma_start3A_76 = tpu.memref_slice %arg12[%add3A_68, %dma_start3A_75] : memref<80x128xi32, #tpu.memory_space<vmem>> -> memref<1x128xi32, #tpu.memory_space<vmem>>
        %dma_start3A_77 = tpu.memref_squeeze %dma_start3A_76 : memref<1x128xi32, #tpu.memory_space<vmem>> -> memref<128xi32, #tpu.memory_space<vmem>>
        %dma_start3A_78 = arith.constant 0 : i32
        %dma_start3A_79 = arith.constant 0 : i32
        %dma_start3A_80 = tpu.memref_slice %arg8[%dma_start3A_78, %dma_start3A_79] : memref<10000x128xf32, #tpu.memory_space<vmem_shared>> -> memref<10000x128xf32, #tpu.memory_space<vmem_shared>>
        tpu.enqueue_indirect_dma source(%arg10 : memref<128x128xf32, #tpu.memory_space<vmem>>) target(%dma_start3A_80 : memref<10000x128xf32, #tpu.memory_space<vmem_shared>>) offsets(%dma_start3A_77 : memref<128xi32, #tpu.memory_space<vmem>>) semaphore(%arg15 : memref<!tpu.dma_semaphore, #tpu.memory_space<semaphore_mem>>) {add = true}
        %dma_wait3A = arith.constant 0 : i32
        %dma_wait3A_81 = tpu.memref_slice %arg12[%mul3A_61, %dma_wait3A] : memref<80x128xi32, #tpu.memory_space<vmem>> -> memref<1x128xi32, #tpu.memory_space<vmem>>
        %dma_wait3A_82 = tpu.memref_squeeze %dma_wait3A_81 : memref<1x128xi32, #tpu.memory_space<vmem>> -> memref<128xi32, #tpu.memory_space<vmem>>
        %dma_wait3A_83 = arith.constant 0 : i32
        %dma_wait3A_84 = arith.constant 0 : i32
        %dma_wait3A_85 = tpu.memref_slice %arg8[%dma_wait3A_83, %dma_wait3A_84] : memref<10000x128xf32, #tpu.memory_space<vmem_shared>> -> memref<10000x128xf32, #tpu.memory_space<vmem_shared>>
        tpu.wait_indirect_dma semaphore(%arg14 : memref<!tpu.dma_semaphore, #tpu.memory_space<semaphore_mem>>) src(%arg10 : memref<128x128xf32, #tpu.memory_space<vmem>>) dst(%dma_wait3A_85 : memref<10000x128xf32, #tpu.memory_space<vmem_shared>>)
        %dma_wait3A_86 = arith.constant 0 : i32
        %dma_wait3A_87 = tpu.memref_slice %arg12[%add3A_68, %dma_wait3A_86] : memref<80x128xi32, #tpu.memory_space<vmem>> -> memref<1x128xi32, #tpu.memory_space<vmem>>
        %dma_wait3A_88 = tpu.memref_squeeze %dma_wait3A_87 : memref<1x128xi32, #tpu.memory_space<vmem>> -> memref<128xi32, #tpu.memory_space<vmem>>
        %dma_wait3A_89 = arith.constant 0 : i32
        %dma_wait3A_90 = arith.constant 0 : i32
        %dma_wait3A_91 = tpu.memref_slice %arg8[%dma_wait3A_89, %dma_wait3A_90] : memref<10000x128xf32, #tpu.memory_space<vmem_shared>> -> memref<10000x128xf32, #tpu.memory_space<vmem_shared>>
        tpu.wait_indirect_dma semaphore(%arg15 : memref<!tpu.dma_semaphore, #tpu.memory_space<semaphore_mem>>) src(%arg10 : memref<128x128xf32, #tpu.memory_space<vmem>>) dst(%dma_wait3A_91 : memref<10000x128xf32, #tpu.memory_space<vmem_shared>>)
      } else {
      }
      %ge3A = arith.cmpi sge, %add3A_68, %min3A : i32
      %convert_element_type3A_72 = arith.extui %ge3A : i1 to i32
      %cond3A_73 = arith.constant 0 : i32
      %cond3A_74 = arith.cmpi ne, %convert_element_type3A_72, %cond3A_73 : i32
      scf.if %cond3A_74 {
        %dma_wait3A = arith.constant 0 : i32
        %dma_wait3A_75 = tpu.memref_slice %arg12[%mul3A_61, %dma_wait3A] : memref<80x128xi32, #tpu.memory_space<vmem>> -> memref<1x128xi32, #tpu.memory_space<vmem>>
        %dma_wait3A_76 = tpu.memref_squeeze %dma_wait3A_75 : memref<1x128xi32, #tpu.memory_space<vmem>> -> memref<128xi32, #tpu.memory_space<vmem>>
        %dma_wait3A_77 = arith.constant 0 : i32
        %dma_wait3A_78 = arith.constant 0 : i32
        %dma_wait3A_79 = tpu.memref_slice %arg8[%dma_wait3A_77, %dma_wait3A_78] : memref<10000x128xf32, #tpu.memory_space<vmem_shared>> -> memref<10000x128xf32, #tpu.memory_space<vmem_shared>>
        tpu.wait_indirect_dma semaphore(%arg14 : memref<!tpu.dma_semaphore, #tpu.memory_space<semaphore_mem>>) src(%arg10 : memref<128x128xf32, #tpu.memory_space<vmem>>) dst(%dma_wait3A_79 : memref<10000x128xf32, #tpu.memory_space<vmem_shared>>)
      } else {
      }
    }
    %eq3A_41 = arith.constant 1 : i32
    %eq3A_42 = arith.cmpi eq, %arg0, %eq3A_41 : i32
    %convert_element_type3A_43 = arith.extui %eq3A_42 : i1 to i32
    %cond3A_44 = arith.constant 0 : i32
    %cond3A_45 = arith.cmpi ne, %convert_element_type3A_43, %cond3A_44 : i32
    scf.if %cond3A_45 {
      "tpu.region"() ({
        %run_scoped3A = tpu.sem_alloc : memref<!tpu.dma_semaphore, #tpu.memory_space<semaphore_mem>>
        %dma_start3A = arith.constant 0 : i32
        %dma_start3A_99 = arith.constant 0 : i32
        %dma_start3A_100 = tpu.memref_slice %arg4[%dma_start3A, %dma_start3A_99] : memref<128x128xf32, #tpu.memory_space<hbm>> -> memref<80x128xf32, #tpu.memory_space<hbm>>
        %dma_start3A_101 = arith.constant 0 : i32
        %dma_start3A_102 = arith.constant 0 : i32
        %dma_start3A_103 = tpu.memref_slice %arg4[%dma_start3A_101, %dma_start3A_102] : memref<128x128xf32, #tpu.memory_space<hbm>> -> memref<80x128xf32, #tpu.memory_space<hbm>>
        tpu.enqueue_dma source(%dma_start3A_103 : memref<80x128xf32, #tpu.memory_space<hbm>>) target(%arg11 : memref<80x128xf32, #tpu.memory_space<vmem>>) target_semaphore(%run_scoped3A : memref<!tpu.dma_semaphore, #tpu.memory_space<semaphore_mem>>)
        %dma_wait3A = arith.constant 0 : i32
        %dma_wait3A_104 = arith.constant 0 : i32
        %dma_wait3A_105 = tpu.memref_slice %arg4[%dma_wait3A, %dma_wait3A_104] : memref<128x128xf32, #tpu.memory_space<hbm>> -> memref<80x128xf32, #tpu.memory_space<hbm>>
        %dma_wait3A_106 = arith.constant 0 : i32
        %dma_wait3A_107 = arith.constant 0 : i32
        %dma_wait3A_108 = tpu.memref_slice %arg4[%dma_wait3A_106, %dma_wait3A_107] : memref<128x128xf32, #tpu.memory_space<hbm>> -> memref<80x128xf32, #tpu.memory_space<hbm>>
        tpu.wait_dma2 semaphore(%run_scoped3A : memref<!tpu.dma_semaphore, #tpu.memory_space<semaphore_mem>>) src(%dma_wait3A_108 : memref<80x128xf32, #tpu.memory_space<hbm>>) dst(%arg11 : memref<80x128xf32, #tpu.memory_space<vmem>>)
        tpu.yield
      }) : () -> ()
      %sub3A_59 = arith.constant 125 : i32
      %sub3A_60 = arith.subi %sub3A_59, %arg1 : i32
      %add3A_61 = arith.constant 16 : i32
      %add3A_62 = arith.addi %sub3A_60, %add3A_61 : i32
      %sub3A_63 = arith.constant 1 : i32
      %sub3A_64 = arith.subi %add3A_62, %sub3A_63 : i32
      %jit3A_65 = arith.constant 16 : i32
      %div3A_66 = arith.divsi %sub3A_64, %jit3A_65 : i32
      %sign3A_67 = arith.constant 0 : i32
      %sign3A_68 = arith.cmpi sgt, %sub3A_64, %sign3A_67 : i32
      %sign3A_69 = arith.extui %sign3A_68 : i1 to i32
      %sign3A_70 = arith.constant 0 : i32
      %sign3A_71 = arith.cmpi slt, %sub3A_64, %sign3A_70 : i32
      %sign3A_72 = arith.extui %sign3A_71 : i1 to i32
      %sign3A_73 = arith.subi %sign3A_69, %sign3A_72 : i32
      %sign3A_74 = arith.constant 0 : i32
      %sign3A_75 = arith.cmpi sgt, %jit3A_65, %sign3A_74 : i32
      %sign3A_76 = arith.extui %sign3A_75 : i1 to i32
      %sign3A_77 = arith.constant 0 : i32
      %sign3A_78 = arith.cmpi slt, %jit3A_65, %sign3A_77 : i32
      %sign3A_79 = arith.extui %sign3A_78 : i1 to i32
      %sign3A_80 = arith.subi %sign3A_76, %sign3A_79 : i32
      %ne3A_81 = arith.cmpi ne, %sign3A_73, %sign3A_80 : i32
      %rem3A_82 = arith.remsi %sub3A_64, %jit3A_65 : i32
      %ne3A_83 = arith.constant 0 : i32
      %ne3A_84 = arith.cmpi ne, %rem3A_82, %ne3A_83 : i32
      %and3A_85 = arith.andi %ne3A_81, %ne3A_84 : i1
      %sub3A_86 = arith.constant 1 : i32
      %sub3A_87 = arith.subi %div3A_66, %sub3A_86 : i32
      %select_n3A_88 = arith.select %and3A_85, %sub3A_87, %div3A_66 : i32
      %while3A_89 = arith.constant 0 : i32
      %while3A_90 = arith.constant 0 : i32
      %while3A_91 = arith.subi %select_n3A_88, %while3A_90 : i32
      %while3A_92 = arith.addi %while3A_90, %while3A_91 : i32
      %while3A_93 = arith.constant 1 : i32
      %while3A_94 = arith.divsi %while3A_91, %while3A_93 : i32
      %while3A_95 = arith.muli %while3A_94, %while3A_93 : i32
      %while3A_96 = arith.addi %while3A_90, %while3A_95 : i32
      %while3A_97 = arith.constant 1 : i32
      scf.for %while3A_99 = %while3A_90 to %while3A_96 step %while3A_97  : i32 {
        %mul3A_100 = arith.constant 16 : i32
        %mul3A_101 = arith.muli %mul3A_100, %while3A_99 : i32
        %add3A_102 = arith.addi %arg1, %mul3A_101 : i32
        %run_scoped3A = arith.constant 0 : i32
        "tpu.region"() ({
          %run_scoped3A_103 = tpu.sem_alloc : memref<!tpu.dma_semaphore, #tpu.memory_space<semaphore_mem>>
          %dma_start3A = arith.constant 0 : i32
          %dma_start3A_104 = tpu.memref_slice %arg3[%add3A_102, %run_scoped3A, %dma_start3A] : memref<125x1x80xi32, #tpu.memory_space<hbm>> -> memref<1x1x80xi32, #tpu.memory_space<hbm>>
          %dma_start3A_105 = tpu.memref_squeeze %dma_start3A_104 : memref<1x1x80xi32, #tpu.memory_space<hbm>> -> memref<80xi32, #tpu.memory_space<hbm>>
          %dma_start3A_106 = arith.constant 0 : i32
          %dma_start3A_107 = tpu.memref_slice %arg3[%add3A_102, %run_scoped3A, %dma_start3A_106] : memref<125x1x80xi32, #tpu.memory_space<hbm>> -> memref<1x1x80xi32, #tpu.memory_space<hbm>>
          %dma_start3A_108 = tpu.memref_squeeze %dma_start3A_107 : memref<1x1x80xi32, #tpu.memory_space<hbm>> -> memref<80xi32, #tpu.memory_space<hbm>>
          tpu.enqueue_dma source(%dma_start3A_108 : memref<80xi32, #tpu.memory_space<hbm>>) target(%arg13 : memref<80xi32, #tpu.memory_space<vmem>>) target_semaphore(%run_scoped3A_103 : memref<!tpu.dma_semaphore, #tpu.memory_space<semaphore_mem>>)
          %dma_wait3A = arith.constant 0 : i32
          %dma_wait3A_109 = tpu.memref_slice %arg3[%add3A_102, %run_scoped3A, %dma_wait3A] : memref<125x1x80xi32, #tpu.memory_space<hbm>> -> memref<1x1x80xi32, #tpu.memory_space<hbm>>
          %dma_wait3A_110 = tpu.memref_squeeze %dma_wait3A_109 : memref<1x1x80xi32, #tpu.memory_space<hbm>> -> memref<80xi32, #tpu.memory_space<hbm>>
          %dma_wait3A_111 = arith.constant 0 : i32
          %dma_wait3A_112 = tpu.memref_slice %arg3[%add3A_102, %run_scoped3A, %dma_wait3A_111] : memref<125x1x80xi32, #tpu.memory_space<hbm>> -> memref<1x1x80xi32, #tpu.memory_space<hbm>>
          %dma_wait3A_113 = tpu.memref_squeeze %dma_wait3A_112 : memref<1x1x80xi32, #tpu.memory_space<hbm>> -> memref<80xi32, #tpu.memory_space<hbm>>
          tpu.wait_dma2 semaphore(%run_scoped3A_103 : memref<!tpu.dma_semaphore, #tpu.memory_space<semaphore_mem>>) src(%dma_wait3A_113 : memref<80xi32, #tpu.memory_space<hbm>>) dst(%arg13 : memref<80xi32, #tpu.memory_space<vmem>>)
          tpu.yield
        }) : () -> ()
        "tpu.region"() ({
          %run_scoped3A_103 = tpu.sem_alloc : memref<!tpu.dma_semaphore, #tpu.memory_space<semaphore_mem>>
          %dma_start3A = arith.constant 0 : i32
          %dma_start3A_104 = arith.constant 0 : i32
          %dma_start3A_105 = tpu.memref_slice %arg9[%dma_start3A, %dma_start3A_104] : memref<64x128xf32, #tpu.memory_space<vmem_shared>> -> memref<64x128xf32, #tpu.memory_space<vmem_shared>>
          tpu.enqueue_indirect_dma source(%arg11 : memref<80x128xf32, #tpu.memory_space<vmem>>) target(%dma_start3A_105 : memref<64x128xf32, #tpu.memory_space<vmem_shared>>) offsets(%arg13 : memref<80xi32, #tpu.memory_space<vmem>>) semaphore(%run_scoped3A_103 : memref<!tpu.dma_semaphore, #tpu.memory_space<semaphore_mem>>) {add = true}
          %dma_wait3A = arith.constant 0 : i32
          %dma_wait3A_106 = arith.constant 0 : i32
          %dma_wait3A_107 = tpu.memref_slice %arg9[%dma_wait3A, %dma_wait3A_106] : memref<64x128xf32, #tpu.memory_space<vmem_shared>> -> memref<64x128xf32, #tpu.memory_space<vmem_shared>>
          tpu.wait_indirect_dma semaphore(%run_scoped3A_103 : memref<!tpu.dma_semaphore, #tpu.memory_space<semaphore_mem>>) src(%arg11 : memref<80x128xf32, #tpu.memory_space<vmem>>) dst(%dma_wait3A_107 : memref<64x128xf32, #tpu.memory_space<vmem_shared>>)
          tpu.yield
        }) : () -> ()
      }
      %while3A_98 = arith.constant 1 : i32
      scf.for %while3A_99 = %while3A_96 to %while3A_92 step %while3A_98  : i32 {
        %mul3A_100 = arith.constant 16 : i32
        %mul3A_101 = arith.muli %mul3A_100, %while3A_99 : i32
        %add3A_102 = arith.addi %arg1, %mul3A_101 : i32
        %run_scoped3A = arith.constant 0 : i32
        "tpu.region"() ({
          %run_scoped3A_103 = tpu.sem_alloc : memref<!tpu.dma_semaphore, #tpu.memory_space<semaphore_mem>>
          %dma_start3A = arith.constant 0 : i32
          %dma_start3A_104 = tpu.memref_slice %arg3[%add3A_102, %run_scoped3A, %dma_start3A] : memref<125x1x80xi32, #tpu.memory_space<hbm>> -> memref<1x1x80xi32, #tpu.memory_space<hbm>>
          %dma_start3A_105 = tpu.memref_squeeze %dma_start3A_104 : memref<1x1x80xi32, #tpu.memory_space<hbm>> -> memref<80xi32, #tpu.memory_space<hbm>>
          %dma_start3A_106 = arith.constant 0 : i32
          %dma_start3A_107 = tpu.memref_slice %arg3[%add3A_102, %run_scoped3A, %dma_start3A_106] : memref<125x1x80xi32, #tpu.memory_space<hbm>> -> memref<1x1x80xi32, #tpu.memory_space<hbm>>
          %dma_start3A_108 = tpu.memref_squeeze %dma_start3A_107 : memref<1x1x80xi32, #tpu.memory_space<hbm>> -> memref<80xi32, #tpu.memory_space<hbm>>
          tpu.enqueue_dma source(%dma_start3A_108 : memref<80xi32, #tpu.memory_space<hbm>>) target(%arg13 : memref<80xi32, #tpu.memory_space<vmem>>) target_semaphore(%run_scoped3A_103 : memref<!tpu.dma_semaphore, #tpu.memory_space<semaphore_mem>>)
          %dma_wait3A = arith.constant 0 : i32
          %dma_wait3A_109 = tpu.memref_slice %arg3[%add3A_102, %run_scoped3A, %dma_wait3A] : memref<125x1x80xi32, #tpu.memory_space<hbm>> -> memref<1x1x80xi32, #tpu.memory_space<hbm>>
          %dma_wait3A_110 = tpu.memref_squeeze %dma_wait3A_109 : memref<1x1x80xi32, #tpu.memory_space<hbm>> -> memref<80xi32, #tpu.memory_space<hbm>>
          %dma_wait3A_111 = arith.constant 0 : i32
          %dma_wait3A_112 = tpu.memref_slice %arg3[%add3A_102, %run_scoped3A, %dma_wait3A_111] : memref<125x1x80xi32, #tpu.memory_space<hbm>> -> memref<1x1x80xi32, #tpu.memory_space<hbm>>
          %dma_wait3A_113 = tpu.memref_squeeze %dma_wait3A_112 : memref<1x1x80xi32, #tpu.memory_space<hbm>> -> memref<80xi32, #tpu.memory_space<hbm>>
          tpu.wait_dma2 semaphore(%run_scoped3A_103 : memref<!tpu.dma_semaphore, #tpu.memory_space<semaphore_mem>>) src(%dma_wait3A_113 : memref<80xi32, #tpu.memory_space<hbm>>) dst(%arg13 : memref<80xi32, #tpu.memory_space<vmem>>)
          tpu.yield
        }) : () -> ()
        "tpu.region"() ({
          %run_scoped3A_103 = tpu.sem_alloc : memref<!tpu.dma_semaphore, #tpu.memory_space<semaphore_mem>>
          %dma_start3A = arith.constant 0 : i32
          %dma_start3A_104 = arith.constant 0 : i32
          %dma_start3A_105 = tpu.memref_slice %arg9[%dma_start3A, %dma_start3A_104] : memref<64x128xf32, #tpu.memory_space<vmem_shared>> -> memref<64x128xf32, #tpu.memory_space<vmem_shared>>
          tpu.enqueue_indirect_dma source(%arg11 : memref<80x128xf32, #tpu.memory_space<vmem>>) target(%dma_start3A_105 : memref<64x128xf32, #tpu.memory_space<vmem_shared>>) offsets(%arg13 : memref<80xi32, #tpu.memory_space<vmem>>) semaphore(%run_scoped3A_103 : memref<!tpu.dma_semaphore, #tpu.memory_space<semaphore_mem>>) {add = true}
          %dma_wait3A = arith.constant 0 : i32
          %dma_wait3A_106 = arith.constant 0 : i32
          %dma_wait3A_107 = tpu.memref_slice %arg9[%dma_wait3A, %dma_wait3A_106] : memref<64x128xf32, #tpu.memory_space<vmem_shared>> -> memref<64x128xf32, #tpu.memory_space<vmem_shared>>
          tpu.wait_indirect_dma semaphore(%run_scoped3A_103 : memref<!tpu.dma_semaphore, #tpu.memory_space<semaphore_mem>>) src(%arg11 : memref<80x128xf32, #tpu.memory_space<vmem>>) dst(%dma_wait3A_107 : memref<64x128xf32, #tpu.memory_space<vmem_shared>>)
          tpu.yield
        }) : () -> ()
      }
    } else {
    }
    %barrier3A_46 = arith.constant 0 : index
    tpu.barrier barrier_id(%barrier3A_46)
    %mul3A_47 = arith.constant 624 : i32
    %mul3A_48 = arith.muli %arg1, %mul3A_47 : i32
    %mul3A_49 = arith.constant 624 : i32
    %mul3A_50 = arith.muli %arg1, %mul3A_49 : i32
    "tpu.region"() ({
      %run_scoped3A = tpu.sem_alloc : memref<!tpu.dma_semaphore, #tpu.memory_space<semaphore_mem>>
      %dma_start3A = arith.constant 0 : i32
      %dma_start3A_59 = arith.constant 0 : i32
      %dma_start3A_60 = tpu.memref_slice %arg6[%arg0, %dma_start3A, %dma_start3A_59] : memref<2x10000x128xf32, #tpu.memory_space<hbm>> -> memref<1x10000x128xf32, #tpu.memory_space<hbm>>
      %dma_start3A_61 = tpu.memref_squeeze %dma_start3A_60 : memref<1x10000x128xf32, #tpu.memory_space<hbm>> -> memref<10000x128xf32, #tpu.memory_space<hbm>>
      %dma_start3A_62 = arith.constant 0 : i32
      %dma_start3A_63 = tpu.memref_slice %dma_start3A_61[%mul3A_50, %dma_start3A_62] : memref<10000x128xf32, #tpu.memory_space<hbm>> -> memref<640x128xf32, #tpu.memory_space<hbm>>
      %dma_start3A_64 = arith.constant 0 : i32
      %dma_start3A_65 = tpu.memref_slice %arg8[%mul3A_48, %dma_start3A_64] : memref<10000x128xf32, #tpu.memory_space<vmem_shared>> -> memref<640x128xf32, #tpu.memory_space<vmem_shared>>
      tpu.enqueue_dma source(%dma_start3A_65 : memref<640x128xf32, #tpu.memory_space<vmem_shared>>) target(%dma_start3A_63 : memref<640x128xf32, #tpu.memory_space<hbm>>) target_semaphore(%run_scoped3A : memref<!tpu.dma_semaphore, #tpu.memory_space<semaphore_mem>>)
      %dma_wait3A = arith.constant 0 : i32
      %dma_wait3A_66 = arith.constant 0 : i32
      %dma_wait3A_67 = tpu.memref_slice %arg6[%arg0, %dma_wait3A, %dma_wait3A_66] : memref<2x10000x128xf32, #tpu.memory_space<hbm>> -> memref<1x10000x128xf32, #tpu.memory_space<hbm>>
      %dma_wait3A_68 = tpu.memref_squeeze %dma_wait3A_67 : memref<1x10000x128xf32, #tpu.memory_space<hbm>> -> memref<10000x128xf32, #tpu.memory_space<hbm>>
      %dma_wait3A_69 = arith.constant 0 : i32
      %dma_wait3A_70 = tpu.memref_slice %dma_wait3A_68[%mul3A_50, %dma_wait3A_69] : memref<10000x128xf32, #tpu.memory_space<hbm>> -> memref<640x128xf32, #tpu.memory_space<hbm>>
      %dma_wait3A_71 = arith.constant 0 : i32
      %dma_wait3A_72 = tpu.memref_slice %arg8[%mul3A_48, %dma_wait3A_71] : memref<10000x128xf32, #tpu.memory_space<vmem_shared>> -> memref<640x128xf32, #tpu.memory_space<vmem_shared>>
      tpu.wait_dma2 semaphore(%run_scoped3A : memref<!tpu.dma_semaphore, #tpu.memory_space<semaphore_mem>>) src(%dma_wait3A_72 : memref<640x128xf32, #tpu.memory_space<vmem_shared>>) dst(%dma_wait3A_70 : memref<640x128xf32, #tpu.memory_space<hbm>>)
      tpu.yield
    }) : () -> ()
    %eq3A_51 = arith.constant 1 : i32
    %eq3A_52 = arith.cmpi eq, %arg0, %eq3A_51 : i32
    %eq3A_53 = arith.constant 0 : i32
    %eq3A_54 = arith.cmpi eq, %arg1, %eq3A_53 : i32
    %and3A_55 = arith.andi %eq3A_52, %eq3A_54 : i1
    %convert_element_type3A_56 = arith.extui %and3A_55 : i1 to i32
    %cond3A_57 = arith.constant 0 : i32
    %cond3A_58 = arith.cmpi ne, %convert_element_type3A_56, %cond3A_57 : i32
    scf.if %cond3A_58 {
      "tpu.region"() ({
        %run_scoped3A = tpu.sem_alloc : memref<!tpu.dma_semaphore, #tpu.memory_space<semaphore_mem>>
        tpu.enqueue_dma source(%arg9 : memref<64x128xf32, #tpu.memory_space<vmem_shared>>) target(%arg7 : memref<64x128xf32, #tpu.memory_space<hbm>>) target_semaphore(%run_scoped3A : memref<!tpu.dma_semaphore, #tpu.memory_space<semaphore_mem>>)
        tpu.wait_dma2 semaphore(%run_scoped3A : memref<!tpu.dma_semaphore, #tpu.memory_space<semaphore_mem>>) src(%arg9 : memref<64x128xf32, #tpu.memory_space<vmem_shared>>) dst(%arg7 : memref<64x128xf32, #tpu.memory_space<hbm>>)
        tpu.yield
      }) : () -> ()
    } else {
    }
    return
  }
}

#map = affine_map<(d0, d1) -> (0, 0, 0)>
module attributes {stable_mosaic.version = 14 : i64} {
  func.func @_sc_conv(%arg0: i32, %arg1: i32, %arg2: memref<2x10000x128xf32, #tpu.memory_space<hbm>>, %arg3: memref<16x160x128xi32, #tpu.memory_space<hbm>>, %arg4: memref<16x160x128xi32, #tpu.memory_space<hbm>>, %arg5: memref<2x10000x128xf32, #tpu.memory_space<hbm>>, %arg6: memref<10000x128xf32, #tpu.memory_space<vmem_shared>>, %arg7: memref<128x128xf32, #tpu.memory_space<vmem>>, %arg8: memref<128x128xf32, #tpu.memory_space<vmem>>, %arg9: memref<32x128xi32, #tpu.memory_space<vmem>>, %arg10: memref<32x128xi32, #tpu.memory_space<vmem>>, %arg11: memref<!tpu.dma_semaphore, #tpu.memory_space<semaphore_mem>>, %arg12: memref<!tpu.dma_semaphore, #tpu.memory_space<semaphore_mem>>) attributes {dimension_semantics = [#tpu.dimension_semantics<core_parallel>, #tpu.dimension_semantics<subcore_parallel>], iteration_bounds = array<i64: 2, 16>, scalar_prefetch = 0 : i64, scratch_operands = 7 : i64, tpu.core_type = #tpu.core_type<sc_vector_subcore>, window_params = [{transform_indices = #map}, {transform_indices = #map}, {transform_indices = #map}, {transform_indices = #map}]} {
    %mul3A = arith.constant 157 : i32
    %mul3A_0 = arith.muli %arg1, %mul3A : i32
    %sub3A = arith.constant 2500 : i32
    %sub3A_1 = arith.subi %sub3A, %mul3A_0 : i32
    %min3A = arith.constant 157 : i32
    %min3A_2 = arith.minsi %min3A, %sub3A_1 : i32
    %mul3A_3 = arith.constant 624 : i32
    %mul3A_4 = arith.muli %arg1, %mul3A_3 : i32
    %mul3A_5 = arith.constant 624 : i32
    %mul3A_6 = arith.muli %arg1, %mul3A_5 : i32
    "tpu.region"() ({
      %run_scoped3A = tpu.sem_alloc : memref<!tpu.dma_semaphore, #tpu.memory_space<semaphore_mem>>
      %dma_start3A = arith.constant 0 : i32
      %dma_start3A_17 = tpu.memref_slice %arg6[%mul3A_6, %dma_start3A] : memref<10000x128xf32, #tpu.memory_space<vmem_shared>> -> memref<640x128xf32, #tpu.memory_space<vmem_shared>>
      %dma_start3A_18 = arith.constant 0 : i32
      %dma_start3A_19 = arith.constant 0 : i32
      %dma_start3A_20 = tpu.memref_slice %arg2[%arg0, %dma_start3A_18, %dma_start3A_19] : memref<2x10000x128xf32, #tpu.memory_space<hbm>> -> memref<1x10000x128xf32, #tpu.memory_space<hbm>>
      %dma_start3A_21 = tpu.memref_squeeze %dma_start3A_20 : memref<1x10000x128xf32, #tpu.memory_space<hbm>> -> memref<10000x128xf32, #tpu.memory_space<hbm>>
      %dma_start3A_22 = arith.constant 0 : i32
      %dma_start3A_23 = tpu.memref_slice %dma_start3A_21[%mul3A_4, %dma_start3A_22] : memref<10000x128xf32, #tpu.memory_space<hbm>> -> memref<640x128xf32, #tpu.memory_space<hbm>>
      tpu.enqueue_dma source(%dma_start3A_23 : memref<640x128xf32, #tpu.memory_space<hbm>>) target(%dma_start3A_17 : memref<640x128xf32, #tpu.memory_space<vmem_shared>>) target_semaphore(%run_scoped3A : memref<!tpu.dma_semaphore, #tpu.memory_space<semaphore_mem>>)
      %dma_wait3A = arith.constant 0 : i32
      %dma_wait3A_24 = tpu.memref_slice %arg6[%mul3A_6, %dma_wait3A] : memref<10000x128xf32, #tpu.memory_space<vmem_shared>> -> memref<640x128xf32, #tpu.memory_space<vmem_shared>>
      %dma_wait3A_25 = arith.constant 0 : i32
      %dma_wait3A_26 = arith.constant 0 : i32
      %dma_wait3A_27 = tpu.memref_slice %arg2[%arg0, %dma_wait3A_25, %dma_wait3A_26] : memref<2x10000x128xf32, #tpu.memory_space<hbm>> -> memref<1x10000x128xf32, #tpu.memory_space<hbm>>
      %dma_wait3A_28 = tpu.memref_squeeze %dma_wait3A_27 : memref<1x10000x128xf32, #tpu.memory_space<hbm>> -> memref<10000x128xf32, #tpu.memory_space<hbm>>
      %dma_wait3A_29 = arith.constant 0 : i32
      %dma_wait3A_30 = tpu.memref_slice %dma_wait3A_28[%mul3A_4, %dma_wait3A_29] : memref<10000x128xf32, #tpu.memory_space<hbm>> -> memref<640x128xf32, #tpu.memory_space<hbm>>
      tpu.wait_dma2 semaphore(%run_scoped3A : memref<!tpu.dma_semaphore, #tpu.memory_space<semaphore_mem>>) src(%dma_wait3A_30 : memref<640x128xf32, #tpu.memory_space<hbm>>) dst(%dma_wait3A_24 : memref<640x128xf32, #tpu.memory_space<vmem_shared>>)
      tpu.yield
    }) : () -> ()
    %barrier3A = arith.constant 0 : index
    tpu.barrier barrier_id(%barrier3A)
    %scan3A = arith.constant 0 : i32
    %scan3A_7 = arith.constant 0 : i32
    %scan3A_8 = arith.constant 5 : i32
    %scan3A_9 = arith.addi %scan3A_7, %scan3A_8 : i32
    %scan3A_10 = arith.constant 1 : i32
    scf.for %scan3A_17 = %scan3A_7 to %scan3A_9 step %scan3A_10  : i32 {
      %mul3A_18 = arith.constant 32 : i32
      %mul3A_19 = arith.muli %scan3A_17, %mul3A_18 : i32
      %sub3A_20 = arith.subi %min3A_2, %mul3A_19 : i32
      %jit3A = arith.constant 0 : i32
      %jit3A_21 = arith.constant 32 : i32
      %max3A = arith.maxsi %jit3A, %sub3A_20 : i32
      %min3A_22 = arith.minsi %jit3A_21, %max3A : i32
      %gt3A = arith.constant 0 : i32
      %gt3A_23 = arith.cmpi sgt, %min3A_22, %gt3A : i32
      %convert_element_type3A = arith.extui %gt3A_23 : i1 to i32
      %cond3A = arith.constant 0 : i32
      %cond3A_24 = arith.cmpi ne, %convert_element_type3A, %cond3A : i32
      scf.if %cond3A_24 {
        %mul3A_25 = arith.constant 32 : i32
        %mul3A_26 = arith.muli %scan3A_17, %mul3A_25 : i32
        "tpu.region"() ({
          %run_scoped3A = tpu.sem_alloc : memref<!tpu.dma_semaphore, #tpu.memory_space<semaphore_mem>>
          %dma_start3A = arith.constant 0 : i32
          %dma_start3A_78 = arith.constant 0 : i32
          %dma_start3A_79 = tpu.memref_slice %arg3[%arg1, %dma_start3A, %dma_start3A_78] : memref<16x160x128xi32, #tpu.memory_space<hbm>> -> memref<1x160x128xi32, #tpu.memory_space<hbm>>
          %dma_start3A_80 = tpu.memref_squeeze %dma_start3A_79 : memref<1x160x128xi32, #tpu.memory_space<hbm>> -> memref<160x128xi32, #tpu.memory_space<hbm>>
          %dma_start3A_81 = arith.constant 0 : i32
          %dma_start3A_82 = tpu.memref_slice %dma_start3A_80[%mul3A_26, %dma_start3A_81] : memref<160x128xi32, #tpu.memory_space<hbm>> -> memref<32x128xi32, #tpu.memory_space<hbm>>
          %dma_start3A_83 = arith.constant 0 : i32
          %dma_start3A_84 = arith.constant 0 : i32
          %dma_start3A_85 = tpu.memref_slice %arg3[%arg1, %dma_start3A_83, %dma_start3A_84] : memref<16x160x128xi32, #tpu.memory_space<hbm>> -> memref<1x160x128xi32, #tpu.memory_space<hbm>>
          %dma_start3A_86 = tpu.memref_squeeze %dma_start3A_85 : memref<1x160x128xi32, #tpu.memory_space<hbm>> -> memref<160x128xi32, #tpu.memory_space<hbm>>
          %dma_start3A_87 = arith.constant 0 : i32
          %dma_start3A_88 = tpu.memref_slice %dma_start3A_86[%mul3A_26, %dma_start3A_87] : memref<160x128xi32, #tpu.memory_space<hbm>> -> memref<32x128xi32, #tpu.memory_space<hbm>>
          tpu.enqueue_dma source(%dma_start3A_88 : memref<32x128xi32, #tpu.memory_space<hbm>>) target(%arg9 : memref<32x128xi32, #tpu.memory_space<vmem>>) target_semaphore(%run_scoped3A : memref<!tpu.dma_semaphore, #tpu.memory_space<semaphore_mem>>)
          %dma_wait3A = arith.constant 0 : i32
          %dma_wait3A_89 = arith.constant 0 : i32
          %dma_wait3A_90 = tpu.memref_slice %arg3[%arg1, %dma_wait3A, %dma_wait3A_89] : memref<16x160x128xi32, #tpu.memory_space<hbm>> -> memref<1x160x128xi32, #tpu.memory_space<hbm>>
          %dma_wait3A_91 = tpu.memref_squeeze %dma_wait3A_90 : memref<1x160x128xi32, #tpu.memory_space<hbm>> -> memref<160x128xi32, #tpu.memory_space<hbm>>
          %dma_wait3A_92 = arith.constant 0 : i32
          %dma_wait3A_93 = tpu.memref_slice %dma_wait3A_91[%mul3A_26, %dma_wait3A_92] : memref<160x128xi32, #tpu.memory_space<hbm>> -> memref<32x128xi32, #tpu.memory_space<hbm>>
          %dma_wait3A_94 = arith.constant 0 : i32
          %dma_wait3A_95 = arith.constant 0 : i32
          %dma_wait3A_96 = tpu.memref_slice %arg3[%arg1, %dma_wait3A_94, %dma_wait3A_95] : memref<16x160x128xi32, #tpu.memory_space<hbm>> -> memref<1x160x128xi32, #tpu.memory_space<hbm>>
          %dma_wait3A_97 = tpu.memref_squeeze %dma_wait3A_96 : memref<1x160x128xi32, #tpu.memory_space<hbm>> -> memref<160x128xi32, #tpu.memory_space<hbm>>
          %dma_wait3A_98 = arith.constant 0 : i32
          %dma_wait3A_99 = tpu.memref_slice %dma_wait3A_97[%mul3A_26, %dma_wait3A_98] : memref<160x128xi32, #tpu.memory_space<hbm>> -> memref<32x128xi32, #tpu.memory_space<hbm>>
          tpu.wait_dma2 semaphore(%run_scoped3A : memref<!tpu.dma_semaphore, #tpu.memory_space<semaphore_mem>>) src(%dma_wait3A_99 : memref<32x128xi32, #tpu.memory_space<hbm>>) dst(%arg9 : memref<32x128xi32, #tpu.memory_space<vmem>>)
          tpu.yield
        }) : () -> ()
        %mul3A_27 = arith.constant 32 : i32
        %mul3A_28 = arith.muli %scan3A_17, %mul3A_27 : i32
        "tpu.region"() ({
          %run_scoped3A = tpu.sem_alloc : memref<!tpu.dma_semaphore, #tpu.memory_space<semaphore_mem>>
          %dma_start3A = arith.constant 0 : i32
          %dma_start3A_78 = arith.constant 0 : i32
          %dma_start3A_79 = tpu.memref_slice %arg4[%arg1, %dma_start3A, %dma_start3A_78] : memref<16x160x128xi32, #tpu.memory_space<hbm>> -> memref<1x160x128xi32, #tpu.memory_space<hbm>>
          %dma_start3A_80 = tpu.memref_squeeze %dma_start3A_79 : memref<1x160x128xi32, #tpu.memory_space<hbm>> -> memref<160x128xi32, #tpu.memory_space<hbm>>
          %dma_start3A_81 = arith.constant 0 : i32
          %dma_start3A_82 = tpu.memref_slice %dma_start3A_80[%mul3A_28, %dma_start3A_81] : memref<160x128xi32, #tpu.memory_space<hbm>> -> memref<32x128xi32, #tpu.memory_space<hbm>>
          %dma_start3A_83 = arith.constant 0 : i32
          %dma_start3A_84 = arith.constant 0 : i32
          %dma_start3A_85 = tpu.memref_slice %arg4[%arg1, %dma_start3A_83, %dma_start3A_84] : memref<16x160x128xi32, #tpu.memory_space<hbm>> -> memref<1x160x128xi32, #tpu.memory_space<hbm>>
          %dma_start3A_86 = tpu.memref_squeeze %dma_start3A_85 : memref<1x160x128xi32, #tpu.memory_space<hbm>> -> memref<160x128xi32, #tpu.memory_space<hbm>>
          %dma_start3A_87 = arith.constant 0 : i32
          %dma_start3A_88 = tpu.memref_slice %dma_start3A_86[%mul3A_28, %dma_start3A_87] : memref<160x128xi32, #tpu.memory_space<hbm>> -> memref<32x128xi32, #tpu.memory_space<hbm>>
          tpu.enqueue_dma source(%dma_start3A_88 : memref<32x128xi32, #tpu.memory_space<hbm>>) target(%arg10 : memref<32x128xi32, #tpu.memory_space<vmem>>) target_semaphore(%run_scoped3A : memref<!tpu.dma_semaphore, #tpu.memory_space<semaphore_mem>>)
          %dma_wait3A = arith.constant 0 : i32
          %dma_wait3A_89 = arith.constant 0 : i32
          %dma_wait3A_90 = tpu.memref_slice %arg4[%arg1, %dma_wait3A, %dma_wait3A_89] : memref<16x160x128xi32, #tpu.memory_space<hbm>> -> memref<1x160x128xi32, #tpu.memory_space<hbm>>
          %dma_wait3A_91 = tpu.memref_squeeze %dma_wait3A_90 : memref<1x160x128xi32, #tpu.memory_space<hbm>> -> memref<160x128xi32, #tpu.memory_space<hbm>>
          %dma_wait3A_92 = arith.constant 0 : i32
          %dma_wait3A_93 = tpu.memref_slice %dma_wait3A_91[%mul3A_28, %dma_wait3A_92] : memref<160x128xi32, #tpu.memory_space<hbm>> -> memref<32x128xi32, #tpu.memory_space<hbm>>
          %dma_wait3A_94 = arith.constant 0 : i32
          %dma_wait3A_95 = arith.constant 0 : i32
          %dma_wait3A_96 = tpu.memref_slice %arg4[%arg1, %dma_wait3A_94, %dma_wait3A_95] : memref<16x160x128xi32, #tpu.memory_space<hbm>> -> memref<1x160x128xi32, #tpu.memory_space<hbm>>
          %dma_wait3A_97 = tpu.memref_squeeze %dma_wait3A_96 : memref<1x160x128xi32, #tpu.memory_space<hbm>> -> memref<160x128xi32, #tpu.memory_space<hbm>>
          %dma_wait3A_98 = arith.constant 0 : i32
          %dma_wait3A_99 = tpu.memref_slice %dma_wait3A_97[%mul3A_28, %dma_wait3A_98] : memref<160x128xi32, #tpu.memory_space<hbm>> -> memref<32x128xi32, #tpu.memory_space<hbm>>
          tpu.wait_dma2 semaphore(%run_scoped3A : memref<!tpu.dma_semaphore, #tpu.memory_space<semaphore_mem>>) src(%dma_wait3A_99 : memref<32x128xi32, #tpu.memory_space<hbm>>) dst(%arg10 : memref<32x128xi32, #tpu.memory_space<vmem>>)
          tpu.yield
        }) : () -> ()
        %add3A = arith.constant 1 : i32
        %add3A_29 = arith.addi %min3A_22, %add3A : i32
        %jit3A_30 = arith.constant 2 : i32
        %div3A = arith.divsi %add3A_29, %jit3A_30 : i32
        %sign3A = arith.constant 0 : i32
        %sign3A_31 = arith.cmpi sgt, %add3A_29, %sign3A : i32
        %sign3A_32 = arith.extui %sign3A_31 : i1 to i32
        %sign3A_33 = arith.constant 0 : i32
        %sign3A_34 = arith.cmpi slt, %add3A_29, %sign3A_33 : i32
        %sign3A_35 = arith.extui %sign3A_34 : i1 to i32
        %sign3A_36 = arith.subi %sign3A_32, %sign3A_35 : i32
        %sign3A_37 = arith.constant 0 : i32
        %sign3A_38 = arith.cmpi sgt, %jit3A_30, %sign3A_37 : i32
        %sign3A_39 = arith.extui %sign3A_38 : i1 to i32
        %sign3A_40 = arith.constant 0 : i32
        %sign3A_41 = arith.cmpi slt, %jit3A_30, %sign3A_40 : i32
        %sign3A_42 = arith.extui %sign3A_41 : i1 to i32
        %sign3A_43 = arith.subi %sign3A_39, %sign3A_42 : i32
        %ne3A = arith.cmpi ne, %sign3A_36, %sign3A_43 : i32
        %rem3A = arith.remsi %add3A_29, %jit3A_30 : i32
        %ne3A_44 = arith.constant 0 : i32
        %ne3A_45 = arith.cmpi ne, %rem3A, %ne3A_44 : i32
        %and3A = arith.andi %ne3A, %ne3A_45 : i1
        %sub3A_46 = arith.constant 1 : i32
        %sub3A_47 = arith.subi %div3A, %sub3A_46 : i32
        %select_n3A = arith.select %and3A, %sub3A_47, %div3A : i32
        %while3A = arith.constant 0 : i32
        %while3A_48 = arith.constant 0 : i32
        %while3A_49 = arith.subi %select_n3A, %while3A_48 : i32
        %while3A_50 = arith.addi %while3A_48, %while3A_49 : i32
        %while3A_51 = arith.constant 1 : i32
        %while3A_52 = arith.divsi %while3A_49, %while3A_51 : i32
        %while3A_53 = arith.muli %while3A_52, %while3A_51 : i32
        %while3A_54 = arith.addi %while3A_48, %while3A_53 : i32
        %while3A_55 = arith.constant 1 : i32
        scf.for %while3A_78 = %while3A_48 to %while3A_54 step %while3A_55  : i32 {
          %mul3A_79 = arith.constant 2 : i32
          %mul3A_80 = arith.muli %mul3A_79, %while3A_78 : i32
          %dma_start3A = arith.constant 0 : i32
          %dma_start3A_81 = tpu.memref_slice %arg9[%mul3A_80, %dma_start3A] : memref<32x128xi32, #tpu.memory_space<vmem>> -> memref<1x128xi32, #tpu.memory_space<vmem>>
          %dma_start3A_82 = tpu.memref_squeeze %dma_start3A_81 : memref<1x128xi32, #tpu.memory_space<vmem>> -> memref<128xi32, #tpu.memory_space<vmem>>
          %dma_start3A_83 = arith.constant 0 : i32
          %dma_start3A_84 = arith.constant 0 : i32
          %dma_start3A_85 = tpu.memref_slice %arg2[%arg0, %dma_start3A_83, %dma_start3A_84] : memref<2x10000x128xf32, #tpu.memory_space<hbm>> -> memref<1x10000x128xf32, #tpu.memory_space<hbm>>
          %dma_start3A_86 = tpu.memref_squeeze %dma_start3A_85 : memref<1x10000x128xf32, #tpu.memory_space<hbm>> -> memref<10000x128xf32, #tpu.memory_space<hbm>>
          %dma_start3A_87 = arith.constant 0 : i32
          %dma_start3A_88 = arith.constant 0 : i32
          %dma_start3A_89 = tpu.memref_slice %dma_start3A_86[%dma_start3A_87, %dma_start3A_88] : memref<10000x128xf32, #tpu.memory_space<hbm>> -> memref<10000x128xf32, #tpu.memory_space<hbm>>
          tpu.enqueue_indirect_dma source(%dma_start3A_89 : memref<10000x128xf32, #tpu.memory_space<hbm>>) target(%arg7 : memref<128x128xf32, #tpu.memory_space<vmem>>) offsets(%dma_start3A_82 : memref<128xi32, #tpu.memory_space<vmem>>) semaphore(%arg11 : memref<!tpu.dma_semaphore, #tpu.memory_space<semaphore_mem>>)
          %ge3A_90 = arith.constant 1 : i32
          %ge3A_91 = arith.cmpi sge, %mul3A_80, %ge3A_90 : i32
          %convert_element_type3A_92 = arith.extui %ge3A_91 : i1 to i32
          %cond3A_93 = arith.constant 0 : i32
          %cond3A_94 = arith.cmpi ne, %convert_element_type3A_92, %cond3A_93 : i32
          scf.if %cond3A_94 {
            %sub3A_114 = arith.constant 1 : i32
            %sub3A_115 = arith.subi %mul3A_80, %sub3A_114 : i32
            "tpu.region"() ({
              %run_scoped3A = tpu.sem_alloc : memref<!tpu.dma_semaphore, #tpu.memory_space<semaphore_mem>>
              %dma_start3A_116 = arith.constant 0 : i32
              %dma_start3A_117 = tpu.memref_slice %arg10[%sub3A_115, %dma_start3A_116] : memref<32x128xi32, #tpu.memory_space<vmem>> -> memref<1x128xi32, #tpu.memory_space<vmem>>
              %dma_start3A_118 = tpu.memref_squeeze %dma_start3A_117 : memref<1x128xi32, #tpu.memory_space<vmem>> -> memref<128xi32, #tpu.memory_space<vmem>>
              %dma_start3A_119 = arith.constant 0 : i32
              %dma_start3A_120 = arith.constant 0 : i32
              %dma_start3A_121 = tpu.memref_slice %arg6[%dma_start3A_119, %dma_start3A_120] : memref<10000x128xf32, #tpu.memory_space<vmem_shared>> -> memref<10000x128xf32, #tpu.memory_space<vmem_shared>>
              tpu.enqueue_indirect_dma source(%arg8 : memref<128x128xf32, #tpu.memory_space<vmem>>) target(%dma_start3A_121 : memref<10000x128xf32, #tpu.memory_space<vmem_shared>>) offsets(%dma_start3A_118 : memref<128xi32, #tpu.memory_space<vmem>>) semaphore(%run_scoped3A : memref<!tpu.dma_semaphore, #tpu.memory_space<semaphore_mem>>) {add = true}
              %dma_wait3A_122 = arith.constant 0 : i32
              %dma_wait3A_123 = tpu.memref_slice %arg10[%sub3A_115, %dma_wait3A_122] : memref<32x128xi32, #tpu.memory_space<vmem>> -> memref<1x128xi32, #tpu.memory_space<vmem>>
              %dma_wait3A_124 = tpu.memref_squeeze %dma_wait3A_123 : memref<1x128xi32, #tpu.memory_space<vmem>> -> memref<128xi32, #tpu.memory_space<vmem>>
              %dma_wait3A_125 = arith.constant 0 : i32
              %dma_wait3A_126 = arith.constant 0 : i32
              %dma_wait3A_127 = tpu.memref_slice %arg6[%dma_wait3A_125, %dma_wait3A_126] : memref<10000x128xf32, #tpu.memory_space<vmem_shared>> -> memref<10000x128xf32, #tpu.memory_space<vmem_shared>>
              tpu.wait_indirect_dma semaphore(%run_scoped3A : memref<!tpu.dma_semaphore, #tpu.memory_space<semaphore_mem>>) src(%arg8 : memref<128x128xf32, #tpu.memory_space<vmem>>) dst(%dma_wait3A_127 : memref<10000x128xf32, #tpu.memory_space<vmem_shared>>)
              tpu.yield
            }) : () -> ()
          } else {
          }
          %dma_wait3A = arith.constant 0 : i32
          %dma_wait3A_95 = tpu.memref_slice %arg9[%mul3A_80, %dma_wait3A] : memref<32x128xi32, #tpu.memory_space<vmem>> -> memref<1x128xi32, #tpu.memory_space<vmem>>
          %dma_wait3A_96 = tpu.memref_squeeze %dma_wait3A_95 : memref<1x128xi32, #tpu.memory_space<vmem>> -> memref<128xi32, #tpu.memory_space<vmem>>
          %dma_wait3A_97 = arith.constant 0 : i32
          %dma_wait3A_98 = arith.constant 0 : i32
          %dma_wait3A_99 = tpu.memref_slice %arg2[%arg0, %dma_wait3A_97, %dma_wait3A_98] : memref<2x10000x128xf32, #tpu.memory_space<hbm>> -> memref<1x10000x128xf32, #tpu.memory_space<hbm>>
          %dma_wait3A_100 = tpu.memref_squeeze %dma_wait3A_99 : memref<1x10000x128xf32, #tpu.memory_space<hbm>> -> memref<10000x128xf32, #tpu.memory_space<hbm>>
          %dma_wait3A_101 = arith.constant 0 : i32
          %dma_wait3A_102 = arith.constant 0 : i32
          %dma_wait3A_103 = tpu.memref_slice %dma_wait3A_100[%dma_wait3A_101, %dma_wait3A_102] : memref<10000x128xf32, #tpu.memory_space<hbm>> -> memref<10000x128xf32, #tpu.memory_space<hbm>>
          tpu.wait_indirect_dma semaphore(%arg11 : memref<!tpu.dma_semaphore, #tpu.memory_space<semaphore_mem>>) src(%dma_wait3A_103 : memref<10000x128xf32, #tpu.memory_space<hbm>>) dst(%arg7 : memref<128x128xf32, #tpu.memory_space<vmem>>)
          %add3A_104 = arith.constant 1 : i32
          %add3A_105 = arith.addi %mul3A_80, %add3A_104 : i32
          %lt3A_106 = arith.cmpi slt, %add3A_105, %min3A_22 : i32
          %convert_element_type3A_107 = arith.extui %lt3A_106 : i1 to i32
          %cond3A_108 = arith.constant 0 : i32
          %cond3A_109 = arith.cmpi ne, %convert_element_type3A_107, %cond3A_108 : i32
          scf.if %cond3A_109 {
            %dma_start3A_114 = arith.constant 0 : i32
            %dma_start3A_115 = tpu.memref_slice %arg9[%add3A_105, %dma_start3A_114] : memref<32x128xi32, #tpu.memory_space<vmem>> -> memref<1x128xi32, #tpu.memory_space<vmem>>
            %dma_start3A_116 = tpu.memref_squeeze %dma_start3A_115 : memref<1x128xi32, #tpu.memory_space<vmem>> -> memref<128xi32, #tpu.memory_space<vmem>>
            %dma_start3A_117 = arith.constant 0 : i32
            %dma_start3A_118 = arith.constant 0 : i32
            %dma_start3A_119 = tpu.memref_slice %arg2[%arg0, %dma_start3A_117, %dma_start3A_118] : memref<2x10000x128xf32, #tpu.memory_space<hbm>> -> memref<1x10000x128xf32, #tpu.memory_space<hbm>>
            %dma_start3A_120 = tpu.memref_squeeze %dma_start3A_119 : memref<1x10000x128xf32, #tpu.memory_space<hbm>> -> memref<10000x128xf32, #tpu.memory_space<hbm>>
            %dma_start3A_121 = arith.constant 0 : i32
            %dma_start3A_122 = arith.constant 0 : i32
            %dma_start3A_123 = tpu.memref_slice %dma_start3A_120[%dma_start3A_121, %dma_start3A_122] : memref<10000x128xf32, #tpu.memory_space<hbm>> -> memref<10000x128xf32, #tpu.memory_space<hbm>>
            tpu.enqueue_indirect_dma source(%dma_start3A_123 : memref<10000x128xf32, #tpu.memory_space<hbm>>) target(%arg8 : memref<128x128xf32, #tpu.memory_space<vmem>>) offsets(%dma_start3A_116 : memref<128xi32, #tpu.memory_space<vmem>>) semaphore(%arg12 : memref<!tpu.dma_semaphore, #tpu.memory_space<semaphore_mem>>)
            "tpu.region"() ({
              %run_scoped3A = tpu.sem_alloc : memref<!tpu.dma_semaphore, #tpu.memory_space<semaphore_mem>>
              %dma_start3A_134 = arith.constant 0 : i32
              %dma_start3A_135 = tpu.memref_slice %arg10[%mul3A_80, %dma_start3A_134] : memref<32x128xi32, #tpu.memory_space<vmem>> -> memref<1x128xi32, #tpu.memory_space<vmem>>
              %dma_start3A_136 = tpu.memref_squeeze %dma_start3A_135 : memref<1x128xi32, #tpu.memory_space<vmem>> -> memref<128xi32, #tpu.memory_space<vmem>>
              %dma_start3A_137 = arith.constant 0 : i32
              %dma_start3A_138 = arith.constant 0 : i32
              %dma_start3A_139 = tpu.memref_slice %arg6[%dma_start3A_137, %dma_start3A_138] : memref<10000x128xf32, #tpu.memory_space<vmem_shared>> -> memref<10000x128xf32, #tpu.memory_space<vmem_shared>>
              tpu.enqueue_indirect_dma source(%arg7 : memref<128x128xf32, #tpu.memory_space<vmem>>) target(%dma_start3A_139 : memref<10000x128xf32, #tpu.memory_space<vmem_shared>>) offsets(%dma_start3A_136 : memref<128xi32, #tpu.memory_space<vmem>>) semaphore(%run_scoped3A : memref<!tpu.dma_semaphore, #tpu.memory_space<semaphore_mem>>) {add = true}
              %dma_wait3A_140 = arith.constant 0 : i32
              %dma_wait3A_141 = tpu.memref_slice %arg10[%mul3A_80, %dma_wait3A_140] : memref<32x128xi32, #tpu.memory_space<vmem>> -> memref<1x128xi32, #tpu.memory_space<vmem>>
              %dma_wait3A_142 = tpu.memref_squeeze %dma_wait3A_141 : memref<1x128xi32, #tpu.memory_space<vmem>> -> memref<128xi32, #tpu.memory_space<vmem>>
              %dma_wait3A_143 = arith.constant 0 : i32
              %dma_wait3A_144 = arith.constant 0 : i32
              %dma_wait3A_145 = tpu.memref_slice %arg6[%dma_wait3A_143, %dma_wait3A_144] : memref<10000x128xf32, #tpu.memory_space<vmem_shared>> -> memref<10000x128xf32, #tpu.memory_space<vmem_shared>>
              tpu.wait_indirect_dma semaphore(%run_scoped3A : memref<!tpu.dma_semaphore, #tpu.memory_space<semaphore_mem>>) src(%arg7 : memref<128x128xf32, #tpu.memory_space<vmem>>) dst(%dma_wait3A_145 : memref<10000x128xf32, #tpu.memory_space<vmem_shared>>)
              tpu.yield
            }) : () -> ()
            %dma_wait3A_124 = arith.constant 0 : i32
            %dma_wait3A_125 = tpu.memref_slice %arg9[%add3A_105, %dma_wait3A_124] : memref<32x128xi32, #tpu.memory_space<vmem>> -> memref<1x128xi32, #tpu.memory_space<vmem>>
            %dma_wait3A_126 = tpu.memref_squeeze %dma_wait3A_125 : memref<1x128xi32, #tpu.memory_space<vmem>> -> memref<128xi32, #tpu.memory_space<vmem>>
            %dma_wait3A_127 = arith.constant 0 : i32
            %dma_wait3A_128 = arith.constant 0 : i32
            %dma_wait3A_129 = tpu.memref_slice %arg2[%arg0, %dma_wait3A_127, %dma_wait3A_128] : memref<2x10000x128xf32, #tpu.memory_space<hbm>> -> memref<1x10000x128xf32, #tpu.memory_space<hbm>>
            %dma_wait3A_130 = tpu.memref_squeeze %dma_wait3A_129 : memref<1x10000x128xf32, #tpu.memory_space<hbm>> -> memref<10000x128xf32, #tpu.memory_space<hbm>>
            %dma_wait3A_131 = arith.constant 0 : i32
            %dma_wait3A_132 = arith.constant 0 : i32
            %dma_wait3A_133 = tpu.memref_slice %dma_wait3A_130[%dma_wait3A_131, %dma_wait3A_132] : memref<10000x128xf32, #tpu.memory_space<hbm>> -> memref<10000x128xf32, #tpu.memory_space<hbm>>
            tpu.wait_indirect_dma semaphore(%arg12 : memref<!tpu.dma_semaphore, #tpu.memory_space<semaphore_mem>>) src(%dma_wait3A_133 : memref<10000x128xf32, #tpu.memory_space<hbm>>) dst(%arg8 : memref<128x128xf32, #tpu.memory_space<vmem>>)
          } else {
          }
          %ge3A_110 = arith.cmpi sge, %add3A_105, %min3A_22 : i32
          %convert_element_type3A_111 = arith.extui %ge3A_110 : i1 to i32
          %cond3A_112 = arith.constant 0 : i32
          %cond3A_113 = arith.cmpi ne, %convert_element_type3A_111, %cond3A_112 : i32
          scf.if %cond3A_113 {
            "tpu.region"() ({
              %run_scoped3A = tpu.sem_alloc : memref<!tpu.dma_semaphore, #tpu.memory_space<semaphore_mem>>
              %dma_start3A_114 = arith.constant 0 : i32
              %dma_start3A_115 = tpu.memref_slice %arg10[%mul3A_80, %dma_start3A_114] : memref<32x128xi32, #tpu.memory_space<vmem>> -> memref<1x128xi32, #tpu.memory_space<vmem>>
              %dma_start3A_116 = tpu.memref_squeeze %dma_start3A_115 : memref<1x128xi32, #tpu.memory_space<vmem>> -> memref<128xi32, #tpu.memory_space<vmem>>
              %dma_start3A_117 = arith.constant 0 : i32
              %dma_start3A_118 = arith.constant 0 : i32
              %dma_start3A_119 = tpu.memref_slice %arg6[%dma_start3A_117, %dma_start3A_118] : memref<10000x128xf32, #tpu.memory_space<vmem_shared>> -> memref<10000x128xf32, #tpu.memory_space<vmem_shared>>
              tpu.enqueue_indirect_dma source(%arg7 : memref<128x128xf32, #tpu.memory_space<vmem>>) target(%dma_start3A_119 : memref<10000x128xf32, #tpu.memory_space<vmem_shared>>) offsets(%dma_start3A_116 : memref<128xi32, #tpu.memory_space<vmem>>) semaphore(%run_scoped3A : memref<!tpu.dma_semaphore, #tpu.memory_space<semaphore_mem>>) {add = true}
              %dma_wait3A_120 = arith.constant 0 : i32
              %dma_wait3A_121 = tpu.memref_slice %arg10[%mul3A_80, %dma_wait3A_120] : memref<32x128xi32, #tpu.memory_space<vmem>> -> memref<1x128xi32, #tpu.memory_space<vmem>>
              %dma_wait3A_122 = tpu.memref_squeeze %dma_wait3A_121 : memref<1x128xi32, #tpu.memory_space<vmem>> -> memref<128xi32, #tpu.memory_space<vmem>>
              %dma_wait3A_123 = arith.constant 0 : i32
              %dma_wait3A_124 = arith.constant 0 : i32
              %dma_wait3A_125 = tpu.memref_slice %arg6[%dma_wait3A_123, %dma_wait3A_124] : memref<10000x128xf32, #tpu.memory_space<vmem_shared>> -> memref<10000x128xf32, #tpu.memory_space<vmem_shared>>
              tpu.wait_indirect_dma semaphore(%run_scoped3A : memref<!tpu.dma_semaphore, #tpu.memory_space<semaphore_mem>>) src(%arg7 : memref<128x128xf32, #tpu.memory_space<vmem>>) dst(%dma_wait3A_125 : memref<10000x128xf32, #tpu.memory_space<vmem_shared>>)
              tpu.yield
            }) : () -> ()
          } else {
          }
        }
        %while3A_56 = arith.constant 1 : i32
        scf.for %while3A_78 = %while3A_54 to %while3A_50 step %while3A_56  : i32 {
          %mul3A_79 = arith.constant 2 : i32
          %mul3A_80 = arith.muli %mul3A_79, %while3A_78 : i32
          %dma_start3A = arith.constant 0 : i32
          %dma_start3A_81 = tpu.memref_slice %arg9[%mul3A_80, %dma_start3A] : memref<32x128xi32, #tpu.memory_space<vmem>> -> memref<1x128xi32, #tpu.memory_space<vmem>>
          %dma_start3A_82 = tpu.memref_squeeze %dma_start3A_81 : memref<1x128xi32, #tpu.memory_space<vmem>> -> memref<128xi32, #tpu.memory_space<vmem>>
          %dma_start3A_83 = arith.constant 0 : i32
          %dma_start3A_84 = arith.constant 0 : i32
          %dma_start3A_85 = tpu.memref_slice %arg2[%arg0, %dma_start3A_83, %dma_start3A_84] : memref<2x10000x128xf32, #tpu.memory_space<hbm>> -> memref<1x10000x128xf32, #tpu.memory_space<hbm>>
          %dma_start3A_86 = tpu.memref_squeeze %dma_start3A_85 : memref<1x10000x128xf32, #tpu.memory_space<hbm>> -> memref<10000x128xf32, #tpu.memory_space<hbm>>
          %dma_start3A_87 = arith.constant 0 : i32
          %dma_start3A_88 = arith.constant 0 : i32
          %dma_start3A_89 = tpu.memref_slice %dma_start3A_86[%dma_start3A_87, %dma_start3A_88] : memref<10000x128xf32, #tpu.memory_space<hbm>> -> memref<10000x128xf32, #tpu.memory_space<hbm>>
          tpu.enqueue_indirect_dma source(%dma_start3A_89 : memref<10000x128xf32, #tpu.memory_space<hbm>>) target(%arg7 : memref<128x128xf32, #tpu.memory_space<vmem>>) offsets(%dma_start3A_82 : memref<128xi32, #tpu.memory_space<vmem>>) semaphore(%arg11 : memref<!tpu.dma_semaphore, #tpu.memory_space<semaphore_mem>>)
          %ge3A_90 = arith.constant 1 : i32
          %ge3A_91 = arith.cmpi sge, %mul3A_80, %ge3A_90 : i32
          %convert_element_type3A_92 = arith.extui %ge3A_91 : i1 to i32
          %cond3A_93 = arith.constant 0 : i32
          %cond3A_94 = arith.cmpi ne, %convert_element_type3A_92, %cond3A_93 : i32
          scf.if %cond3A_94 {
            %sub3A_114 = arith.constant 1 : i32
            %sub3A_115 = arith.subi %mul3A_80, %sub3A_114 : i32
            "tpu.region"() ({
              %run_scoped3A = tpu.sem_alloc : memref<!tpu.dma_semaphore, #tpu.memory_space<semaphore_mem>>
              %dma_start3A_116 = arith.constant 0 : i32
              %dma_start3A_117 = tpu.memref_slice %arg10[%sub3A_115, %dma_start3A_116] : memref<32x128xi32, #tpu.memory_space<vmem>> -> memref<1x128xi32, #tpu.memory_space<vmem>>
              %dma_start3A_118 = tpu.memref_squeeze %dma_start3A_117 : memref<1x128xi32, #tpu.memory_space<vmem>> -> memref<128xi32, #tpu.memory_space<vmem>>
              %dma_start3A_119 = arith.constant 0 : i32
              %dma_start3A_120 = arith.constant 0 : i32
              %dma_start3A_121 = tpu.memref_slice %arg6[%dma_start3A_119, %dma_start3A_120] : memref<10000x128xf32, #tpu.memory_space<vmem_shared>> -> memref<10000x128xf32, #tpu.memory_space<vmem_shared>>
              tpu.enqueue_indirect_dma source(%arg8 : memref<128x128xf32, #tpu.memory_space<vmem>>) target(%dma_start3A_121 : memref<10000x128xf32, #tpu.memory_space<vmem_shared>>) offsets(%dma_start3A_118 : memref<128xi32, #tpu.memory_space<vmem>>) semaphore(%run_scoped3A : memref<!tpu.dma_semaphore, #tpu.memory_space<semaphore_mem>>) {add = true}
              %dma_wait3A_122 = arith.constant 0 : i32
              %dma_wait3A_123 = tpu.memref_slice %arg10[%sub3A_115, %dma_wait3A_122] : memref<32x128xi32, #tpu.memory_space<vmem>> -> memref<1x128xi32, #tpu.memory_space<vmem>>
              %dma_wait3A_124 = tpu.memref_squeeze %dma_wait3A_123 : memref<1x128xi32, #tpu.memory_space<vmem>> -> memref<128xi32, #tpu.memory_space<vmem>>
              %dma_wait3A_125 = arith.constant 0 : i32
              %dma_wait3A_126 = arith.constant 0 : i32
              %dma_wait3A_127 = tpu.memref_slice %arg6[%dma_wait3A_125, %dma_wait3A_126] : memref<10000x128xf32, #tpu.memory_space<vmem_shared>> -> memref<10000x128xf32, #tpu.memory_space<vmem_shared>>
              tpu.wait_indirect_dma semaphore(%run_scoped3A : memref<!tpu.dma_semaphore, #tpu.memory_space<semaphore_mem>>) src(%arg8 : memref<128x128xf32, #tpu.memory_space<vmem>>) dst(%dma_wait3A_127 : memref<10000x128xf32, #tpu.memory_space<vmem_shared>>)
              tpu.yield
            }) : () -> ()
          } else {
          }
          %dma_wait3A = arith.constant 0 : i32
          %dma_wait3A_95 = tpu.memref_slice %arg9[%mul3A_80, %dma_wait3A] : memref<32x128xi32, #tpu.memory_space<vmem>> -> memref<1x128xi32, #tpu.memory_space<vmem>>
          %dma_wait3A_96 = tpu.memref_squeeze %dma_wait3A_95 : memref<1x128xi32, #tpu.memory_space<vmem>> -> memref<128xi32, #tpu.memory_space<vmem>>
          %dma_wait3A_97 = arith.constant 0 : i32
          %dma_wait3A_98 = arith.constant 0 : i32
          %dma_wait3A_99 = tpu.memref_slice %arg2[%arg0, %dma_wait3A_97, %dma_wait3A_98] : memref<2x10000x128xf32, #tpu.memory_space<hbm>> -> memref<1x10000x128xf32, #tpu.memory_space<hbm>>
          %dma_wait3A_100 = tpu.memref_squeeze %dma_wait3A_99 : memref<1x10000x128xf32, #tpu.memory_space<hbm>> -> memref<10000x128xf32, #tpu.memory_space<hbm>>
          %dma_wait3A_101 = arith.constant 0 : i32
          %dma_wait3A_102 = arith.constant 0 : i32
          %dma_wait3A_103 = tpu.memref_slice %dma_wait3A_100[%dma_wait3A_101, %dma_wait3A_102] : memref<10000x128xf32, #tpu.memory_space<hbm>> -> memref<10000x128xf32, #tpu.memory_space<hbm>>
          tpu.wait_indirect_dma semaphore(%arg11 : memref<!tpu.dma_semaphore, #tpu.memory_space<semaphore_mem>>) src(%dma_wait3A_103 : memref<10000x128xf32, #tpu.memory_space<hbm>>) dst(%arg7 : memref<128x128xf32, #tpu.memory_space<vmem>>)
          %add3A_104 = arith.constant 1 : i32
          %add3A_105 = arith.addi %mul3A_80, %add3A_104 : i32
          %lt3A_106 = arith.cmpi slt, %add3A_105, %min3A_22 : i32
          %convert_element_type3A_107 = arith.extui %lt3A_106 : i1 to i32
          %cond3A_108 = arith.constant 0 : i32
          %cond3A_109 = arith.cmpi ne, %convert_element_type3A_107, %cond3A_108 : i32
          scf.if %cond3A_109 {
            %dma_start3A_114 = arith.constant 0 : i32
            %dma_start3A_115 = tpu.memref_slice %arg9[%add3A_105, %dma_start3A_114] : memref<32x128xi32, #tpu.memory_space<vmem>> -> memref<1x128xi32, #tpu.memory_space<vmem>>
            %dma_start3A_116 = tpu.memref_squeeze %dma_start3A_115 : memref<1x128xi32, #tpu.memory_space<vmem>> -> memref<128xi32, #tpu.memory_space<vmem>>
            %dma_start3A_117 = arith.constant 0 : i32
            %dma_start3A_118 = arith.constant 0 : i32
            %dma_start3A_119 = tpu.memref_slice %arg2[%arg0, %dma_start3A_117, %dma_start3A_118] : memref<2x10000x128xf32, #tpu.memory_space<hbm>> -> memref<1x10000x128xf32, #tpu.memory_space<hbm>>
            %dma_start3A_120 = tpu.memref_squeeze %dma_start3A_119 : memref<1x10000x128xf32, #tpu.memory_space<hbm>> -> memref<10000x128xf32, #tpu.memory_space<hbm>>
            %dma_start3A_121 = arith.constant 0 : i32
            %dma_start3A_122 = arith.constant 0 : i32
            %dma_start3A_123 = tpu.memref_slice %dma_start3A_120[%dma_start3A_121, %dma_start3A_122] : memref<10000x128xf32, #tpu.memory_space<hbm>> -> memref<10000x128xf32, #tpu.memory_space<hbm>>
            tpu.enqueue_indirect_dma source(%dma_start3A_123 : memref<10000x128xf32, #tpu.memory_space<hbm>>) target(%arg8 : memref<128x128xf32, #tpu.memory_space<vmem>>) offsets(%dma_start3A_116 : memref<128xi32, #tpu.memory_space<vmem>>) semaphore(%arg12 : memref<!tpu.dma_semaphore, #tpu.memory_space<semaphore_mem>>)
            "tpu.region"() ({
              %run_scoped3A = tpu.sem_alloc : memref<!tpu.dma_semaphore, #tpu.memory_space<semaphore_mem>>
              %dma_start3A_134 = arith.constant 0 : i32
              %dma_start3A_135 = tpu.memref_slice %arg10[%mul3A_80, %dma_start3A_134] : memref<32x128xi32, #tpu.memory_space<vmem>> -> memref<1x128xi32, #tpu.memory_space<vmem>>
              %dma_start3A_136 = tpu.memref_squeeze %dma_start3A_135 : memref<1x128xi32, #tpu.memory_space<vmem>> -> memref<128xi32, #tpu.memory_space<vmem>>
              %dma_start3A_137 = arith.constant 0 : i32
              %dma_start3A_138 = arith.constant 0 : i32
              %dma_start3A_139 = tpu.memref_slice %arg6[%dma_start3A_137, %dma_start3A_138] : memref<10000x128xf32, #tpu.memory_space<vmem_shared>> -> memref<10000x128xf32, #tpu.memory_space<vmem_shared>>
              tpu.enqueue_indirect_dma source(%arg7 : memref<128x128xf32, #tpu.memory_space<vmem>>) target(%dma_start3A_139 : memref<10000x128xf32, #tpu.memory_space<vmem_shared>>) offsets(%dma_start3A_136 : memref<128xi32, #tpu.memory_space<vmem>>) semaphore(%run_scoped3A : memref<!tpu.dma_semaphore, #tpu.memory_space<semaphore_mem>>) {add = true}
              %dma_wait3A_140 = arith.constant 0 : i32
              %dma_wait3A_141 = tpu.memref_slice %arg10[%mul3A_80, %dma_wait3A_140] : memref<32x128xi32, #tpu.memory_space<vmem>> -> memref<1x128xi32, #tpu.memory_space<vmem>>
              %dma_wait3A_142 = tpu.memref_squeeze %dma_wait3A_141 : memref<1x128xi32, #tpu.memory_space<vmem>> -> memref<128xi32, #tpu.memory_space<vmem>>
              %dma_wait3A_143 = arith.constant 0 : i32
              %dma_wait3A_144 = arith.constant 0 : i32
              %dma_wait3A_145 = tpu.memref_slice %arg6[%dma_wait3A_143, %dma_wait3A_144] : memref<10000x128xf32, #tpu.memory_space<vmem_shared>> -> memref<10000x128xf32, #tpu.memory_space<vmem_shared>>
              tpu.wait_indirect_dma semaphore(%run_scoped3A : memref<!tpu.dma_semaphore, #tpu.memory_space<semaphore_mem>>) src(%arg7 : memref<128x128xf32, #tpu.memory_space<vmem>>) dst(%dma_wait3A_145 : memref<10000x128xf32, #tpu.memory_space<vmem_shared>>)
              tpu.yield
            }) : () -> ()
            %dma_wait3A_124 = arith.constant 0 : i32
            %dma_wait3A_125 = tpu.memref_slice %arg9[%add3A_105, %dma_wait3A_124] : memref<32x128xi32, #tpu.memory_space<vmem>> -> memref<1x128xi32, #tpu.memory_space<vmem>>
            %dma_wait3A_126 = tpu.memref_squeeze %dma_wait3A_125 : memref<1x128xi32, #tpu.memory_space<vmem>> -> memref<128xi32, #tpu.memory_space<vmem>>
            %dma_wait3A_127 = arith.constant 0 : i32
            %dma_wait3A_128 = arith.constant 0 : i32
            %dma_wait3A_129 = tpu.memref_slice %arg2[%arg0, %dma_wait3A_127, %dma_wait3A_128] : memref<2x10000x128xf32, #tpu.memory_space<hbm>> -> memref<1x10000x128xf32, #tpu.memory_space<hbm>>
            %dma_wait3A_130 = tpu.memref_squeeze %dma_wait3A_129 : memref<1x10000x128xf32, #tpu.memory_space<hbm>> -> memref<10000x128xf32, #tpu.memory_space<hbm>>
            %dma_wait3A_131 = arith.constant 0 : i32
            %dma_wait3A_132 = arith.constant 0 : i32
            %dma_wait3A_133 = tpu.memref_slice %dma_wait3A_130[%dma_wait3A_131, %dma_wait3A_132] : memref<10000x128xf32, #tpu.memory_space<hbm>> -> memref<10000x128xf32, #tpu.memory_space<hbm>>
            tpu.wait_indirect_dma semaphore(%arg12 : memref<!tpu.dma_semaphore, #tpu.memory_space<semaphore_mem>>) src(%dma_wait3A_133 : memref<10000x128xf32, #tpu.memory_space<hbm>>) dst(%arg8 : memref<128x128xf32, #tpu.memory_space<vmem>>)
          } else {
          }
          %ge3A_110 = arith.cmpi sge, %add3A_105, %min3A_22 : i32
          %convert_element_type3A_111 = arith.extui %ge3A_110 : i1 to i32
          %cond3A_112 = arith.constant 0 : i32
          %cond3A_113 = arith.cmpi ne, %convert_element_type3A_111, %cond3A_112 : i32
          scf.if %cond3A_113 {
            "tpu.region"() ({
              %run_scoped3A = tpu.sem_alloc : memref<!tpu.dma_semaphore, #tpu.memory_space<semaphore_mem>>
              %dma_start3A_114 = arith.constant 0 : i32
              %dma_start3A_115 = tpu.memref_slice %arg10[%mul3A_80, %dma_start3A_114] : memref<32x128xi32, #tpu.memory_space<vmem>> -> memref<1x128xi32, #tpu.memory_space<vmem>>
              %dma_start3A_116 = tpu.memref_squeeze %dma_start3A_115 : memref<1x128xi32, #tpu.memory_space<vmem>> -> memref<128xi32, #tpu.memory_space<vmem>>
              %dma_start3A_117 = arith.constant 0 : i32
              %dma_start3A_118 = arith.constant 0 : i32
              %dma_start3A_119 = tpu.memref_slice %arg6[%dma_start3A_117, %dma_start3A_118] : memref<10000x128xf32, #tpu.memory_space<vmem_shared>> -> memref<10000x128xf32, #tpu.memory_space<vmem_shared>>
              tpu.enqueue_indirect_dma source(%arg7 : memref<128x128xf32, #tpu.memory_space<vmem>>) target(%dma_start3A_119 : memref<10000x128xf32, #tpu.memory_space<vmem_shared>>) offsets(%dma_start3A_116 : memref<128xi32, #tpu.memory_space<vmem>>) semaphore(%run_scoped3A : memref<!tpu.dma_semaphore, #tpu.memory_space<semaphore_mem>>) {add = true}
              %dma_wait3A_120 = arith.constant 0 : i32
              %dma_wait3A_121 = tpu.memref_slice %arg10[%mul3A_80, %dma_wait3A_120] : memref<32x128xi32, #tpu.memory_space<vmem>> -> memref<1x128xi32, #tpu.memory_space<vmem>>
              %dma_wait3A_122 = tpu.memref_squeeze %dma_wait3A_121 : memref<1x128xi32, #tpu.memory_space<vmem>> -> memref<128xi32, #tpu.memory_space<vmem>>
              %dma_wait3A_123 = arith.constant 0 : i32
              %dma_wait3A_124 = arith.constant 0 : i32
              %dma_wait3A_125 = tpu.memref_slice %arg6[%dma_wait3A_123, %dma_wait3A_124] : memref<10000x128xf32, #tpu.memory_space<vmem_shared>> -> memref<10000x128xf32, #tpu.memory_space<vmem_shared>>
              tpu.wait_indirect_dma semaphore(%run_scoped3A : memref<!tpu.dma_semaphore, #tpu.memory_space<semaphore_mem>>) src(%arg7 : memref<128x128xf32, #tpu.memory_space<vmem>>) dst(%dma_wait3A_125 : memref<10000x128xf32, #tpu.memory_space<vmem_shared>>)
              tpu.yield
            }) : () -> ()
          } else {
          }
        }
        %jit3A_57 = arith.constant 2 : i32
        %eq3A = arith.constant 0 : i32
        %eq3A_58 = arith.cmpi eq, %jit3A_57, %eq3A : i32
        %jit3A_59 = arith.constant 1 : i32
        %select_n3A_60 = arith.select %eq3A_58, %jit3A_59, %jit3A_57 : i32
        %rem3A_61 = arith.remsi %min3A_22, %select_n3A_60 : i32
        %ne3A_62 = arith.constant 0 : i32
        %ne3A_63 = arith.cmpi ne, %rem3A_61, %ne3A_62 : i32
        %lt3A = arith.constant 0 : i32
        %lt3A_64 = arith.cmpi slt, %rem3A_61, %lt3A : i32
        %lt3A_65 = arith.constant 0 : i32
        %lt3A_66 = arith.cmpi slt, %select_n3A_60, %lt3A_65 : i32
        %ne3A_67 = arith.xori %lt3A_64, %lt3A_66 : i1
        %and3A_68 = arith.andi %ne3A_67, %ne3A_63 : i1
        %add3A_69 = arith.addi %rem3A_61, %select_n3A_60 : i32
        %select_n3A_70 = arith.select %and3A_68, %add3A_69, %rem3A_61 : i32
        %eq3A_71 = arith.constant 0 : i32
        %eq3A_72 = arith.cmpi eq, %select_n3A_70, %eq3A_71 : i32
        %ge3A = arith.constant 2 : i32
        %ge3A_73 = arith.cmpi sge, %min3A_22, %ge3A : i32
        %and3A_74 = arith.andi %eq3A_72, %ge3A_73 : i1
        %convert_element_type3A_75 = arith.extui %and3A_74 : i1 to i32
        %cond3A_76 = arith.constant 0 : i32
        %cond3A_77 = arith.cmpi ne, %convert_element_type3A_75, %cond3A_76 : i32
        scf.if %cond3A_77 {
          %sub3A_78 = arith.constant 1 : i32
          %sub3A_79 = arith.subi %min3A_22, %sub3A_78 : i32
          "tpu.region"() ({
            %run_scoped3A = tpu.sem_alloc : memref<!tpu.dma_semaphore, #tpu.memory_space<semaphore_mem>>
            %dma_start3A = arith.constant 0 : i32
            %dma_start3A_80 = tpu.memref_slice %arg10[%sub3A_79, %dma_start3A] : memref<32x128xi32, #tpu.memory_space<vmem>> -> memref<1x128xi32, #tpu.memory_space<vmem>>
            %dma_start3A_81 = tpu.memref_squeeze %dma_start3A_80 : memref<1x128xi32, #tpu.memory_space<vmem>> -> memref<128xi32, #tpu.memory_space<vmem>>
            %dma_start3A_82 = arith.constant 0 : i32
            %dma_start3A_83 = arith.constant 0 : i32
            %dma_start3A_84 = tpu.memref_slice %arg6[%dma_start3A_82, %dma_start3A_83] : memref<10000x128xf32, #tpu.memory_space<vmem_shared>> -> memref<10000x128xf32, #tpu.memory_space<vmem_shared>>
            tpu.enqueue_indirect_dma source(%arg8 : memref<128x128xf32, #tpu.memory_space<vmem>>) target(%dma_start3A_84 : memref<10000x128xf32, #tpu.memory_space<vmem_shared>>) offsets(%dma_start3A_81 : memref<128xi32, #tpu.memory_space<vmem>>) semaphore(%run_scoped3A : memref<!tpu.dma_semaphore, #tpu.memory_space<semaphore_mem>>) {add = true}
            %dma_wait3A = arith.constant 0 : i32
            %dma_wait3A_85 = tpu.memref_slice %arg10[%sub3A_79, %dma_wait3A] : memref<32x128xi32, #tpu.memory_space<vmem>> -> memref<1x128xi32, #tpu.memory_space<vmem>>
            %dma_wait3A_86 = tpu.memref_squeeze %dma_wait3A_85 : memref<1x128xi32, #tpu.memory_space<vmem>> -> memref<128xi32, #tpu.memory_space<vmem>>
            %dma_wait3A_87 = arith.constant 0 : i32
            %dma_wait3A_88 = arith.constant 0 : i32
            %dma_wait3A_89 = tpu.memref_slice %arg6[%dma_wait3A_87, %dma_wait3A_88] : memref<10000x128xf32, #tpu.memory_space<vmem_shared>> -> memref<10000x128xf32, #tpu.memory_space<vmem_shared>>
            tpu.wait_indirect_dma semaphore(%run_scoped3A : memref<!tpu.dma_semaphore, #tpu.memory_space<semaphore_mem>>) src(%arg8 : memref<128x128xf32, #tpu.memory_space<vmem>>) dst(%dma_wait3A_89 : memref<10000x128xf32, #tpu.memory_space<vmem_shared>>)
            tpu.yield
          }) : () -> ()
        } else {
        }
      } else {
      }
    }
    %scan3A_11 = arith.constant 5 : i32
    %barrier3A_12 = arith.constant 0 : index
    tpu.barrier barrier_id(%barrier3A_12)
    %mul3A_13 = arith.constant 624 : i32
    %mul3A_14 = arith.muli %arg1, %mul3A_13 : i32
    %mul3A_15 = arith.constant 624 : i32
    %mul3A_16 = arith.muli %arg1, %mul3A_15 : i32
    "tpu.region"() ({
      %run_scoped3A = tpu.sem_alloc : memref<!tpu.dma_semaphore, #tpu.memory_space<semaphore_mem>>
      %dma_start3A = arith.constant 0 : i32
      %dma_start3A_17 = arith.constant 0 : i32
      %dma_start3A_18 = tpu.memref_slice %arg5[%arg0, %dma_start3A, %dma_start3A_17] : memref<2x10000x128xf32, #tpu.memory_space<hbm>> -> memref<1x10000x128xf32, #tpu.memory_space<hbm>>
      %dma_start3A_19 = tpu.memref_squeeze %dma_start3A_18 : memref<1x10000x128xf32, #tpu.memory_space<hbm>> -> memref<10000x128xf32, #tpu.memory_space<hbm>>
      %dma_start3A_20 = arith.constant 0 : i32
      %dma_start3A_21 = tpu.memref_slice %dma_start3A_19[%mul3A_16, %dma_start3A_20] : memref<10000x128xf32, #tpu.memory_space<hbm>> -> memref<640x128xf32, #tpu.memory_space<hbm>>
      %dma_start3A_22 = arith.constant 0 : i32
      %dma_start3A_23 = tpu.memref_slice %arg6[%mul3A_14, %dma_start3A_22] : memref<10000x128xf32, #tpu.memory_space<vmem_shared>> -> memref<640x128xf32, #tpu.memory_space<vmem_shared>>
      tpu.enqueue_dma source(%dma_start3A_23 : memref<640x128xf32, #tpu.memory_space<vmem_shared>>) target(%dma_start3A_21 : memref<640x128xf32, #tpu.memory_space<hbm>>) target_semaphore(%run_scoped3A : memref<!tpu.dma_semaphore, #tpu.memory_space<semaphore_mem>>)
      %dma_wait3A = arith.constant 0 : i32
      %dma_wait3A_24 = arith.constant 0 : i32
      %dma_wait3A_25 = tpu.memref_slice %arg5[%arg0, %dma_wait3A, %dma_wait3A_24] : memref<2x10000x128xf32, #tpu.memory_space<hbm>> -> memref<1x10000x128xf32, #tpu.memory_space<hbm>>
      %dma_wait3A_26 = tpu.memref_squeeze %dma_wait3A_25 : memref<1x10000x128xf32, #tpu.memory_space<hbm>> -> memref<10000x128xf32, #tpu.memory_space<hbm>>
      %dma_wait3A_27 = arith.constant 0 : i32
      %dma_wait3A_28 = tpu.memref_slice %dma_wait3A_26[%mul3A_16, %dma_wait3A_27] : memref<10000x128xf32, #tpu.memory_space<hbm>> -> memref<640x128xf32, #tpu.memory_space<hbm>>
      %dma_wait3A_29 = arith.constant 0 : i32
      %dma_wait3A_30 = tpu.memref_slice %arg6[%mul3A_14, %dma_wait3A_29] : memref<10000x128xf32, #tpu.memory_space<vmem_shared>> -> memref<640x128xf32, #tpu.memory_space<vmem_shared>>
      tpu.wait_dma2 semaphore(%run_scoped3A : memref<!tpu.dma_semaphore, #tpu.memory_space<semaphore_mem>>) src(%dma_wait3A_30 : memref<640x128xf32, #tpu.memory_space<vmem_shared>>) dst(%dma_wait3A_28 : memref<640x128xf32, #tpu.memory_space<hbm>>)
      tpu.yield
    }) : () -> ()
    return
  }
}

#map = affine_map<(d0, d1) -> (0, 0, 0)>
module attributes {stable_mosaic.version = 14 : i64} {
  func.func @_sc_conv(%arg0: i32, %arg1: i32, %arg2: memref<2x10000x128xf32, #tpu.memory_space<hbm>>, %arg3: memref<16x160x128xi32, #tpu.memory_space<hbm>>, %arg4: memref<16x160x128xi32, #tpu.memory_space<hbm>>, %arg5: memref<2x10000x128xf32, #tpu.memory_space<hbm>>, %arg6: memref<10000x128xf32, #tpu.memory_space<vmem_shared>>, %arg7: memref<128x128xf32, #tpu.memory_space<vmem>>, %arg8: memref<128x128xf32, #tpu.memory_space<vmem>>, %arg9: memref<32x128xi32, #tpu.memory_space<vmem>>, %arg10: memref<32x128xi32, #tpu.memory_space<vmem>>, %arg11: memref<!tpu.dma_semaphore, #tpu.memory_space<semaphore_mem>>, %arg12: memref<!tpu.dma_semaphore, #tpu.memory_space<semaphore_mem>>) attributes {dimension_semantics = [#tpu.dimension_semantics<core_parallel>, #tpu.dimension_semantics<subcore_parallel>], iteration_bounds = array<i64: 2, 16>, scalar_prefetch = 0 : i64, scratch_operands = 7 : i64, tpu.core_type = #tpu.core_type<sc_vector_subcore>, window_params = [{transform_indices = #map}, {transform_indices = #map}, {transform_indices = #map}, {transform_indices = #map}]} {
    %mul3A = arith.constant 157 : i32
    %mul3A_0 = arith.muli %arg1, %mul3A : i32
    %sub3A = arith.constant 2500 : i32
    %sub3A_1 = arith.subi %sub3A, %mul3A_0 : i32
    %min3A = arith.constant 157 : i32
    %min3A_2 = arith.minsi %min3A, %sub3A_1 : i32
    %mul3A_3 = arith.constant 624 : i32
    %mul3A_4 = arith.muli %arg1, %mul3A_3 : i32
    %mul3A_5 = arith.constant 624 : i32
    %mul3A_6 = arith.muli %arg1, %mul3A_5 : i32
    "tpu.region"() ({
      %run_scoped3A = tpu.sem_alloc : memref<!tpu.dma_semaphore, #tpu.memory_space<semaphore_mem>>
      %dma_start3A = arith.constant 0 : i32
      %dma_start3A_17 = tpu.memref_slice %arg6[%mul3A_6, %dma_start3A] : memref<10000x128xf32, #tpu.memory_space<vmem_shared>> -> memref<640x128xf32, #tpu.memory_space<vmem_shared>>
      %dma_start3A_18 = arith.constant 0 : i32
      %dma_start3A_19 = arith.constant 0 : i32
      %dma_start3A_20 = tpu.memref_slice %arg2[%arg0, %dma_start3A_18, %dma_start3A_19] : memref<2x10000x128xf32, #tpu.memory_space<hbm>> -> memref<1x10000x128xf32, #tpu.memory_space<hbm>>
      %dma_start3A_21 = tpu.memref_squeeze %dma_start3A_20 : memref<1x10000x128xf32, #tpu.memory_space<hbm>> -> memref<10000x128xf32, #tpu.memory_space<hbm>>
      %dma_start3A_22 = arith.constant 0 : i32
      %dma_start3A_23 = tpu.memref_slice %dma_start3A_21[%mul3A_4, %dma_start3A_22] : memref<10000x128xf32, #tpu.memory_space<hbm>> -> memref<640x128xf32, #tpu.memory_space<hbm>>
      tpu.enqueue_dma source(%dma_start3A_23 : memref<640x128xf32, #tpu.memory_space<hbm>>) target(%dma_start3A_17 : memref<640x128xf32, #tpu.memory_space<vmem_shared>>) target_semaphore(%run_scoped3A : memref<!tpu.dma_semaphore, #tpu.memory_space<semaphore_mem>>)
      %dma_wait3A = arith.constant 0 : i32
      %dma_wait3A_24 = tpu.memref_slice %arg6[%mul3A_6, %dma_wait3A] : memref<10000x128xf32, #tpu.memory_space<vmem_shared>> -> memref<640x128xf32, #tpu.memory_space<vmem_shared>>
      %dma_wait3A_25 = arith.constant 0 : i32
      %dma_wait3A_26 = arith.constant 0 : i32
      %dma_wait3A_27 = tpu.memref_slice %arg2[%arg0, %dma_wait3A_25, %dma_wait3A_26] : memref<2x10000x128xf32, #tpu.memory_space<hbm>> -> memref<1x10000x128xf32, #tpu.memory_space<hbm>>
      %dma_wait3A_28 = tpu.memref_squeeze %dma_wait3A_27 : memref<1x10000x128xf32, #tpu.memory_space<hbm>> -> memref<10000x128xf32, #tpu.memory_space<hbm>>
      %dma_wait3A_29 = arith.constant 0 : i32
      %dma_wait3A_30 = tpu.memref_slice %dma_wait3A_28[%mul3A_4, %dma_wait3A_29] : memref<10000x128xf32, #tpu.memory_space<hbm>> -> memref<640x128xf32, #tpu.memory_space<hbm>>
      tpu.wait_dma2 semaphore(%run_scoped3A : memref<!tpu.dma_semaphore, #tpu.memory_space<semaphore_mem>>) src(%dma_wait3A_30 : memref<640x128xf32, #tpu.memory_space<hbm>>) dst(%dma_wait3A_24 : memref<640x128xf32, #tpu.memory_space<vmem_shared>>)
      tpu.yield
    }) : () -> ()
    %barrier3A = arith.constant 0 : index
    tpu.barrier barrier_id(%barrier3A)
    %scan3A = arith.constant 0 : i32
    %scan3A_7 = arith.constant 0 : i32
    %scan3A_8 = arith.constant 5 : i32
    %scan3A_9 = arith.addi %scan3A_7, %scan3A_8 : i32
    %scan3A_10 = arith.constant 1 : i32
    scf.for %scan3A_17 = %scan3A_7 to %scan3A_9 step %scan3A_10  : i32 {
      %mul3A_18 = arith.constant 32 : i32
      %mul3A_19 = arith.muli %scan3A_17, %mul3A_18 : i32
      %sub3A_20 = arith.subi %min3A_2, %mul3A_19 : i32
      %jit3A = arith.constant 0 : i32
      %jit3A_21 = arith.constant 32 : i32
      %max3A = arith.maxsi %jit3A, %sub3A_20 : i32
      %min3A_22 = arith.minsi %jit3A_21, %max3A : i32
      %gt3A = arith.constant 0 : i32
      %gt3A_23 = arith.cmpi sgt, %min3A_22, %gt3A : i32
      %convert_element_type3A = arith.extui %gt3A_23 : i1 to i32
      %cond3A = arith.constant 0 : i32
      %cond3A_24 = arith.cmpi ne, %convert_element_type3A, %cond3A : i32
      scf.if %cond3A_24 {
        %mul3A_25 = arith.constant 32 : i32
        %mul3A_26 = arith.muli %scan3A_17, %mul3A_25 : i32
        "tpu.region"() ({
          %run_scoped3A = tpu.sem_alloc : memref<!tpu.dma_semaphore, #tpu.memory_space<semaphore_mem>>
          %dma_start3A = arith.constant 0 : i32
          %dma_start3A_78 = arith.constant 0 : i32
          %dma_start3A_79 = tpu.memref_slice %arg3[%arg1, %dma_start3A, %dma_start3A_78] : memref<16x160x128xi32, #tpu.memory_space<hbm>> -> memref<1x160x128xi32, #tpu.memory_space<hbm>>
          %dma_start3A_80 = tpu.memref_squeeze %dma_start3A_79 : memref<1x160x128xi32, #tpu.memory_space<hbm>> -> memref<160x128xi32, #tpu.memory_space<hbm>>
          %dma_start3A_81 = arith.constant 0 : i32
          %dma_start3A_82 = tpu.memref_slice %dma_start3A_80[%mul3A_26, %dma_start3A_81] : memref<160x128xi32, #tpu.memory_space<hbm>> -> memref<32x128xi32, #tpu.memory_space<hbm>>
          %dma_start3A_83 = arith.constant 0 : i32
          %dma_start3A_84 = arith.constant 0 : i32
          %dma_start3A_85 = tpu.memref_slice %arg3[%arg1, %dma_start3A_83, %dma_start3A_84] : memref<16x160x128xi32, #tpu.memory_space<hbm>> -> memref<1x160x128xi32, #tpu.memory_space<hbm>>
          %dma_start3A_86 = tpu.memref_squeeze %dma_start3A_85 : memref<1x160x128xi32, #tpu.memory_space<hbm>> -> memref<160x128xi32, #tpu.memory_space<hbm>>
          %dma_start3A_87 = arith.constant 0 : i32
          %dma_start3A_88 = tpu.memref_slice %dma_start3A_86[%mul3A_26, %dma_start3A_87] : memref<160x128xi32, #tpu.memory_space<hbm>> -> memref<32x128xi32, #tpu.memory_space<hbm>>
          tpu.enqueue_dma source(%dma_start3A_88 : memref<32x128xi32, #tpu.memory_space<hbm>>) target(%arg9 : memref<32x128xi32, #tpu.memory_space<vmem>>) target_semaphore(%run_scoped3A : memref<!tpu.dma_semaphore, #tpu.memory_space<semaphore_mem>>)
          %dma_wait3A = arith.constant 0 : i32
          %dma_wait3A_89 = arith.constant 0 : i32
          %dma_wait3A_90 = tpu.memref_slice %arg3[%arg1, %dma_wait3A, %dma_wait3A_89] : memref<16x160x128xi32, #tpu.memory_space<hbm>> -> memref<1x160x128xi32, #tpu.memory_space<hbm>>
          %dma_wait3A_91 = tpu.memref_squeeze %dma_wait3A_90 : memref<1x160x128xi32, #tpu.memory_space<hbm>> -> memref<160x128xi32, #tpu.memory_space<hbm>>
          %dma_wait3A_92 = arith.constant 0 : i32
          %dma_wait3A_93 = tpu.memref_slice %dma_wait3A_91[%mul3A_26, %dma_wait3A_92] : memref<160x128xi32, #tpu.memory_space<hbm>> -> memref<32x128xi32, #tpu.memory_space<hbm>>
          %dma_wait3A_94 = arith.constant 0 : i32
          %dma_wait3A_95 = arith.constant 0 : i32
          %dma_wait3A_96 = tpu.memref_slice %arg3[%arg1, %dma_wait3A_94, %dma_wait3A_95] : memref<16x160x128xi32, #tpu.memory_space<hbm>> -> memref<1x160x128xi32, #tpu.memory_space<hbm>>
          %dma_wait3A_97 = tpu.memref_squeeze %dma_wait3A_96 : memref<1x160x128xi32, #tpu.memory_space<hbm>> -> memref<160x128xi32, #tpu.memory_space<hbm>>
          %dma_wait3A_98 = arith.constant 0 : i32
          %dma_wait3A_99 = tpu.memref_slice %dma_wait3A_97[%mul3A_26, %dma_wait3A_98] : memref<160x128xi32, #tpu.memory_space<hbm>> -> memref<32x128xi32, #tpu.memory_space<hbm>>
          tpu.wait_dma2 semaphore(%run_scoped3A : memref<!tpu.dma_semaphore, #tpu.memory_space<semaphore_mem>>) src(%dma_wait3A_99 : memref<32x128xi32, #tpu.memory_space<hbm>>) dst(%arg9 : memref<32x128xi32, #tpu.memory_space<vmem>>)
          tpu.yield
        }) : () -> ()
        %mul3A_27 = arith.constant 32 : i32
        %mul3A_28 = arith.muli %scan3A_17, %mul3A_27 : i32
        "tpu.region"() ({
          %run_scoped3A = tpu.sem_alloc : memref<!tpu.dma_semaphore, #tpu.memory_space<semaphore_mem>>
          %dma_start3A = arith.constant 0 : i32
          %dma_start3A_78 = arith.constant 0 : i32
          %dma_start3A_79 = tpu.memref_slice %arg4[%arg1, %dma_start3A, %dma_start3A_78] : memref<16x160x128xi32, #tpu.memory_space<hbm>> -> memref<1x160x128xi32, #tpu.memory_space<hbm>>
          %dma_start3A_80 = tpu.memref_squeeze %dma_start3A_79 : memref<1x160x128xi32, #tpu.memory_space<hbm>> -> memref<160x128xi32, #tpu.memory_space<hbm>>
          %dma_start3A_81 = arith.constant 0 : i32
          %dma_start3A_82 = tpu.memref_slice %dma_start3A_80[%mul3A_28, %dma_start3A_81] : memref<160x128xi32, #tpu.memory_space<hbm>> -> memref<32x128xi32, #tpu.memory_space<hbm>>
          %dma_start3A_83 = arith.constant 0 : i32
          %dma_start3A_84 = arith.constant 0 : i32
          %dma_start3A_85 = tpu.memref_slice %arg4[%arg1, %dma_start3A_83, %dma_start3A_84] : memref<16x160x128xi32, #tpu.memory_space<hbm>> -> memref<1x160x128xi32, #tpu.memory_space<hbm>>
          %dma_start3A_86 = tpu.memref_squeeze %dma_start3A_85 : memref<1x160x128xi32, #tpu.memory_space<hbm>> -> memref<160x128xi32, #tpu.memory_space<hbm>>
          %dma_start3A_87 = arith.constant 0 : i32
          %dma_start3A_88 = tpu.memref_slice %dma_start3A_86[%mul3A_28, %dma_start3A_87] : memref<160x128xi32, #tpu.memory_space<hbm>> -> memref<32x128xi32, #tpu.memory_space<hbm>>
          tpu.enqueue_dma source(%dma_start3A_88 : memref<32x128xi32, #tpu.memory_space<hbm>>) target(%arg10 : memref<32x128xi32, #tpu.memory_space<vmem>>) target_semaphore(%run_scoped3A : memref<!tpu.dma_semaphore, #tpu.memory_space<semaphore_mem>>)
          %dma_wait3A = arith.constant 0 : i32
          %dma_wait3A_89 = arith.constant 0 : i32
          %dma_wait3A_90 = tpu.memref_slice %arg4[%arg1, %dma_wait3A, %dma_wait3A_89] : memref<16x160x128xi32, #tpu.memory_space<hbm>> -> memref<1x160x128xi32, #tpu.memory_space<hbm>>
          %dma_wait3A_91 = tpu.memref_squeeze %dma_wait3A_90 : memref<1x160x128xi32, #tpu.memory_space<hbm>> -> memref<160x128xi32, #tpu.memory_space<hbm>>
          %dma_wait3A_92 = arith.constant 0 : i32
          %dma_wait3A_93 = tpu.memref_slice %dma_wait3A_91[%mul3A_28, %dma_wait3A_92] : memref<160x128xi32, #tpu.memory_space<hbm>> -> memref<32x128xi32, #tpu.memory_space<hbm>>
          %dma_wait3A_94 = arith.constant 0 : i32
          %dma_wait3A_95 = arith.constant 0 : i32
          %dma_wait3A_96 = tpu.memref_slice %arg4[%arg1, %dma_wait3A_94, %dma_wait3A_95] : memref<16x160x128xi32, #tpu.memory_space<hbm>> -> memref<1x160x128xi32, #tpu.memory_space<hbm>>
          %dma_wait3A_97 = tpu.memref_squeeze %dma_wait3A_96 : memref<1x160x128xi32, #tpu.memory_space<hbm>> -> memref<160x128xi32, #tpu.memory_space<hbm>>
          %dma_wait3A_98 = arith.constant 0 : i32
          %dma_wait3A_99 = tpu.memref_slice %dma_wait3A_97[%mul3A_28, %dma_wait3A_98] : memref<160x128xi32, #tpu.memory_space<hbm>> -> memref<32x128xi32, #tpu.memory_space<hbm>>
          tpu.wait_dma2 semaphore(%run_scoped3A : memref<!tpu.dma_semaphore, #tpu.memory_space<semaphore_mem>>) src(%dma_wait3A_99 : memref<32x128xi32, #tpu.memory_space<hbm>>) dst(%arg10 : memref<32x128xi32, #tpu.memory_space<vmem>>)
          tpu.yield
        }) : () -> ()
        %add3A = arith.constant 1 : i32
        %add3A_29 = arith.addi %min3A_22, %add3A : i32
        %jit3A_30 = arith.constant 2 : i32
        %div3A = arith.divsi %add3A_29, %jit3A_30 : i32
        %sign3A = arith.constant 0 : i32
        %sign3A_31 = arith.cmpi sgt, %add3A_29, %sign3A : i32
        %sign3A_32 = arith.extui %sign3A_31 : i1 to i32
        %sign3A_33 = arith.constant 0 : i32
        %sign3A_34 = arith.cmpi slt, %add3A_29, %sign3A_33 : i32
        %sign3A_35 = arith.extui %sign3A_34 : i1 to i32
        %sign3A_36 = arith.subi %sign3A_32, %sign3A_35 : i32
        %sign3A_37 = arith.constant 0 : i32
        %sign3A_38 = arith.cmpi sgt, %jit3A_30, %sign3A_37 : i32
        %sign3A_39 = arith.extui %sign3A_38 : i1 to i32
        %sign3A_40 = arith.constant 0 : i32
        %sign3A_41 = arith.cmpi slt, %jit3A_30, %sign3A_40 : i32
        %sign3A_42 = arith.extui %sign3A_41 : i1 to i32
        %sign3A_43 = arith.subi %sign3A_39, %sign3A_42 : i32
        %ne3A = arith.cmpi ne, %sign3A_36, %sign3A_43 : i32
        %rem3A = arith.remsi %add3A_29, %jit3A_30 : i32
        %ne3A_44 = arith.constant 0 : i32
        %ne3A_45 = arith.cmpi ne, %rem3A, %ne3A_44 : i32
        %and3A = arith.andi %ne3A, %ne3A_45 : i1
        %sub3A_46 = arith.constant 1 : i32
        %sub3A_47 = arith.subi %div3A, %sub3A_46 : i32
        %select_n3A = arith.select %and3A, %sub3A_47, %div3A : i32
        %while3A = arith.constant 0 : i32
        %while3A_48 = arith.constant 0 : i32
        %while3A_49 = arith.subi %select_n3A, %while3A_48 : i32
        %while3A_50 = arith.addi %while3A_48, %while3A_49 : i32
        %while3A_51 = arith.constant 1 : i32
        %while3A_52 = arith.divsi %while3A_49, %while3A_51 : i32
        %while3A_53 = arith.muli %while3A_52, %while3A_51 : i32
        %while3A_54 = arith.addi %while3A_48, %while3A_53 : i32
        %while3A_55 = arith.constant 1 : i32
        scf.for %while3A_78 = %while3A_48 to %while3A_54 step %while3A_55  : i32 {
          %mul3A_79 = arith.constant 2 : i32
          %mul3A_80 = arith.muli %mul3A_79, %while3A_78 : i32
          %dma_start3A = arith.constant 0 : i32
          %dma_start3A_81 = tpu.memref_slice %arg9[%mul3A_80, %dma_start3A] : memref<32x128xi32, #tpu.memory_space<vmem>> -> memref<1x128xi32, #tpu.memory_space<vmem>>
          %dma_start3A_82 = tpu.memref_squeeze %dma_start3A_81 : memref<1x128xi32, #tpu.memory_space<vmem>> -> memref<128xi32, #tpu.memory_space<vmem>>
          %dma_start3A_83 = arith.constant 0 : i32
          %dma_start3A_84 = arith.constant 0 : i32
          %dma_start3A_85 = tpu.memref_slice %arg2[%arg0, %dma_start3A_83, %dma_start3A_84] : memref<2x10000x128xf32, #tpu.memory_space<hbm>> -> memref<1x10000x128xf32, #tpu.memory_space<hbm>>
          %dma_start3A_86 = tpu.memref_squeeze %dma_start3A_85 : memref<1x10000x128xf32, #tpu.memory_space<hbm>> -> memref<10000x128xf32, #tpu.memory_space<hbm>>
          %dma_start3A_87 = arith.constant 0 : i32
          %dma_start3A_88 = arith.constant 0 : i32
          %dma_start3A_89 = tpu.memref_slice %dma_start3A_86[%dma_start3A_87, %dma_start3A_88] : memref<10000x128xf32, #tpu.memory_space<hbm>> -> memref<10000x128xf32, #tpu.memory_space<hbm>>
          tpu.enqueue_indirect_dma source(%dma_start3A_89 : memref<10000x128xf32, #tpu.memory_space<hbm>>) target(%arg7 : memref<128x128xf32, #tpu.memory_space<vmem>>) offsets(%dma_start3A_82 : memref<128xi32, #tpu.memory_space<vmem>>) semaphore(%arg11 : memref<!tpu.dma_semaphore, #tpu.memory_space<semaphore_mem>>)
          %ge3A_90 = arith.constant 1 : i32
          %ge3A_91 = arith.cmpi sge, %mul3A_80, %ge3A_90 : i32
          %convert_element_type3A_92 = arith.extui %ge3A_91 : i1 to i32
          %cond3A_93 = arith.constant 0 : i32
          %cond3A_94 = arith.cmpi ne, %convert_element_type3A_92, %cond3A_93 : i32
          scf.if %cond3A_94 {
            %sub3A_114 = arith.constant 1 : i32
            %sub3A_115 = arith.subi %mul3A_80, %sub3A_114 : i32
            "tpu.region"() ({
              %run_scoped3A = tpu.sem_alloc : memref<!tpu.dma_semaphore, #tpu.memory_space<semaphore_mem>>
              %dma_start3A_116 = arith.constant 0 : i32
              %dma_start3A_117 = tpu.memref_slice %arg10[%sub3A_115, %dma_start3A_116] : memref<32x128xi32, #tpu.memory_space<vmem>> -> memref<1x128xi32, #tpu.memory_space<vmem>>
              %dma_start3A_118 = tpu.memref_squeeze %dma_start3A_117 : memref<1x128xi32, #tpu.memory_space<vmem>> -> memref<128xi32, #tpu.memory_space<vmem>>
              %dma_start3A_119 = arith.constant 0 : i32
              %dma_start3A_120 = arith.constant 0 : i32
              %dma_start3A_121 = tpu.memref_slice %arg6[%dma_start3A_119, %dma_start3A_120] : memref<10000x128xf32, #tpu.memory_space<vmem_shared>> -> memref<10000x128xf32, #tpu.memory_space<vmem_shared>>
              tpu.enqueue_indirect_dma source(%arg8 : memref<128x128xf32, #tpu.memory_space<vmem>>) target(%dma_start3A_121 : memref<10000x128xf32, #tpu.memory_space<vmem_shared>>) offsets(%dma_start3A_118 : memref<128xi32, #tpu.memory_space<vmem>>) semaphore(%run_scoped3A : memref<!tpu.dma_semaphore, #tpu.memory_space<semaphore_mem>>) {add = true}
              %dma_wait3A_122 = arith.constant 0 : i32
              %dma_wait3A_123 = tpu.memref_slice %arg10[%sub3A_115, %dma_wait3A_122] : memref<32x128xi32, #tpu.memory_space<vmem>> -> memref<1x128xi32, #tpu.memory_space<vmem>>
              %dma_wait3A_124 = tpu.memref_squeeze %dma_wait3A_123 : memref<1x128xi32, #tpu.memory_space<vmem>> -> memref<128xi32, #tpu.memory_space<vmem>>
              %dma_wait3A_125 = arith.constant 0 : i32
              %dma_wait3A_126 = arith.constant 0 : i32
              %dma_wait3A_127 = tpu.memref_slice %arg6[%dma_wait3A_125, %dma_wait3A_126] : memref<10000x128xf32, #tpu.memory_space<vmem_shared>> -> memref<10000x128xf32, #tpu.memory_space<vmem_shared>>
              tpu.wait_indirect_dma semaphore(%run_scoped3A : memref<!tpu.dma_semaphore, #tpu.memory_space<semaphore_mem>>) src(%arg8 : memref<128x128xf32, #tpu.memory_space<vmem>>) dst(%dma_wait3A_127 : memref<10000x128xf32, #tpu.memory_space<vmem_shared>>)
              tpu.yield
            }) : () -> ()
          } else {
          }
          %dma_wait3A = arith.constant 0 : i32
          %dma_wait3A_95 = tpu.memref_slice %arg9[%mul3A_80, %dma_wait3A] : memref<32x128xi32, #tpu.memory_space<vmem>> -> memref<1x128xi32, #tpu.memory_space<vmem>>
          %dma_wait3A_96 = tpu.memref_squeeze %dma_wait3A_95 : memref<1x128xi32, #tpu.memory_space<vmem>> -> memref<128xi32, #tpu.memory_space<vmem>>
          %dma_wait3A_97 = arith.constant 0 : i32
          %dma_wait3A_98 = arith.constant 0 : i32
          %dma_wait3A_99 = tpu.memref_slice %arg2[%arg0, %dma_wait3A_97, %dma_wait3A_98] : memref<2x10000x128xf32, #tpu.memory_space<hbm>> -> memref<1x10000x128xf32, #tpu.memory_space<hbm>>
          %dma_wait3A_100 = tpu.memref_squeeze %dma_wait3A_99 : memref<1x10000x128xf32, #tpu.memory_space<hbm>> -> memref<10000x128xf32, #tpu.memory_space<hbm>>
          %dma_wait3A_101 = arith.constant 0 : i32
          %dma_wait3A_102 = arith.constant 0 : i32
          %dma_wait3A_103 = tpu.memref_slice %dma_wait3A_100[%dma_wait3A_101, %dma_wait3A_102] : memref<10000x128xf32, #tpu.memory_space<hbm>> -> memref<10000x128xf32, #tpu.memory_space<hbm>>
          tpu.wait_indirect_dma semaphore(%arg11 : memref<!tpu.dma_semaphore, #tpu.memory_space<semaphore_mem>>) src(%dma_wait3A_103 : memref<10000x128xf32, #tpu.memory_space<hbm>>) dst(%arg7 : memref<128x128xf32, #tpu.memory_space<vmem>>)
          %add3A_104 = arith.constant 1 : i32
          %add3A_105 = arith.addi %mul3A_80, %add3A_104 : i32
          %lt3A_106 = arith.cmpi slt, %add3A_105, %min3A_22 : i32
          %convert_element_type3A_107 = arith.extui %lt3A_106 : i1 to i32
          %cond3A_108 = arith.constant 0 : i32
          %cond3A_109 = arith.cmpi ne, %convert_element_type3A_107, %cond3A_108 : i32
          scf.if %cond3A_109 {
            %dma_start3A_114 = arith.constant 0 : i32
            %dma_start3A_115 = tpu.memref_slice %arg9[%add3A_105, %dma_start3A_114] : memref<32x128xi32, #tpu.memory_space<vmem>> -> memref<1x128xi32, #tpu.memory_space<vmem>>
            %dma_start3A_116 = tpu.memref_squeeze %dma_start3A_115 : memref<1x128xi32, #tpu.memory_space<vmem>> -> memref<128xi32, #tpu.memory_space<vmem>>
            %dma_start3A_117 = arith.constant 0 : i32
            %dma_start3A_118 = arith.constant 0 : i32
            %dma_start3A_119 = tpu.memref_slice %arg2[%arg0, %dma_start3A_117, %dma_start3A_118] : memref<2x10000x128xf32, #tpu.memory_space<hbm>> -> memref<1x10000x128xf32, #tpu.memory_space<hbm>>
            %dma_start3A_120 = tpu.memref_squeeze %dma_start3A_119 : memref<1x10000x128xf32, #tpu.memory_space<hbm>> -> memref<10000x128xf32, #tpu.memory_space<hbm>>
            %dma_start3A_121 = arith.constant 0 : i32
            %dma_start3A_122 = arith.constant 0 : i32
            %dma_start3A_123 = tpu.memref_slice %dma_start3A_120[%dma_start3A_121, %dma_start3A_122] : memref<10000x128xf32, #tpu.memory_space<hbm>> -> memref<10000x128xf32, #tpu.memory_space<hbm>>
            tpu.enqueue_indirect_dma source(%dma_start3A_123 : memref<10000x128xf32, #tpu.memory_space<hbm>>) target(%arg8 : memref<128x128xf32, #tpu.memory_space<vmem>>) offsets(%dma_start3A_116 : memref<128xi32, #tpu.memory_space<vmem>>) semaphore(%arg12 : memref<!tpu.dma_semaphore, #tpu.memory_space<semaphore_mem>>)
            "tpu.region"() ({
              %run_scoped3A = tpu.sem_alloc : memref<!tpu.dma_semaphore, #tpu.memory_space<semaphore_mem>>
              %dma_start3A_134 = arith.constant 0 : i32
              %dma_start3A_135 = tpu.memref_slice %arg10[%mul3A_80, %dma_start3A_134] : memref<32x128xi32, #tpu.memory_space<vmem>> -> memref<1x128xi32, #tpu.memory_space<vmem>>
              %dma_start3A_136 = tpu.memref_squeeze %dma_start3A_135 : memref<1x128xi32, #tpu.memory_space<vmem>> -> memref<128xi32, #tpu.memory_space<vmem>>
              %dma_start3A_137 = arith.constant 0 : i32
              %dma_start3A_138 = arith.constant 0 : i32
              %dma_start3A_139 = tpu.memref_slice %arg6[%dma_start3A_137, %dma_start3A_138] : memref<10000x128xf32, #tpu.memory_space<vmem_shared>> -> memref<10000x128xf32, #tpu.memory_space<vmem_shared>>
              tpu.enqueue_indirect_dma source(%arg7 : memref<128x128xf32, #tpu.memory_space<vmem>>) target(%dma_start3A_139 : memref<10000x128xf32, #tpu.memory_space<vmem_shared>>) offsets(%dma_start3A_136 : memref<128xi32, #tpu.memory_space<vmem>>) semaphore(%run_scoped3A : memref<!tpu.dma_semaphore, #tpu.memory_space<semaphore_mem>>) {add = true}
              %dma_wait3A_140 = arith.constant 0 : i32
              %dma_wait3A_141 = tpu.memref_slice %arg10[%mul3A_80, %dma_wait3A_140] : memref<32x128xi32, #tpu.memory_space<vmem>> -> memref<1x128xi32, #tpu.memory_space<vmem>>
              %dma_wait3A_142 = tpu.memref_squeeze %dma_wait3A_141 : memref<1x128xi32, #tpu.memory_space<vmem>> -> memref<128xi32, #tpu.memory_space<vmem>>
              %dma_wait3A_143 = arith.constant 0 : i32
              %dma_wait3A_144 = arith.constant 0 : i32
              %dma_wait3A_145 = tpu.memref_slice %arg6[%dma_wait3A_143, %dma_wait3A_144] : memref<10000x128xf32, #tpu.memory_space<vmem_shared>> -> memref<10000x128xf32, #tpu.memory_space<vmem_shared>>
              tpu.wait_indirect_dma semaphore(%run_scoped3A : memref<!tpu.dma_semaphore, #tpu.memory_space<semaphore_mem>>) src(%arg7 : memref<128x128xf32, #tpu.memory_space<vmem>>) dst(%dma_wait3A_145 : memref<10000x128xf32, #tpu.memory_space<vmem_shared>>)
              tpu.yield
            }) : () -> ()
            %dma_wait3A_124 = arith.constant 0 : i32
            %dma_wait3A_125 = tpu.memref_slice %arg9[%add3A_105, %dma_wait3A_124] : memref<32x128xi32, #tpu.memory_space<vmem>> -> memref<1x128xi32, #tpu.memory_space<vmem>>
            %dma_wait3A_126 = tpu.memref_squeeze %dma_wait3A_125 : memref<1x128xi32, #tpu.memory_space<vmem>> -> memref<128xi32, #tpu.memory_space<vmem>>
            %dma_wait3A_127 = arith.constant 0 : i32
            %dma_wait3A_128 = arith.constant 0 : i32
            %dma_wait3A_129 = tpu.memref_slice %arg2[%arg0, %dma_wait3A_127, %dma_wait3A_128] : memref<2x10000x128xf32, #tpu.memory_space<hbm>> -> memref<1x10000x128xf32, #tpu.memory_space<hbm>>
            %dma_wait3A_130 = tpu.memref_squeeze %dma_wait3A_129 : memref<1x10000x128xf32, #tpu.memory_space<hbm>> -> memref<10000x128xf32, #tpu.memory_space<hbm>>
            %dma_wait3A_131 = arith.constant 0 : i32
            %dma_wait3A_132 = arith.constant 0 : i32
            %dma_wait3A_133 = tpu.memref_slice %dma_wait3A_130[%dma_wait3A_131, %dma_wait3A_132] : memref<10000x128xf32, #tpu.memory_space<hbm>> -> memref<10000x128xf32, #tpu.memory_space<hbm>>
            tpu.wait_indirect_dma semaphore(%arg12 : memref<!tpu.dma_semaphore, #tpu.memory_space<semaphore_mem>>) src(%dma_wait3A_133 : memref<10000x128xf32, #tpu.memory_space<hbm>>) dst(%arg8 : memref<128x128xf32, #tpu.memory_space<vmem>>)
          } else {
          }
          %ge3A_110 = arith.cmpi sge, %add3A_105, %min3A_22 : i32
          %convert_element_type3A_111 = arith.extui %ge3A_110 : i1 to i32
          %cond3A_112 = arith.constant 0 : i32
          %cond3A_113 = arith.cmpi ne, %convert_element_type3A_111, %cond3A_112 : i32
          scf.if %cond3A_113 {
            "tpu.region"() ({
              %run_scoped3A = tpu.sem_alloc : memref<!tpu.dma_semaphore, #tpu.memory_space<semaphore_mem>>
              %dma_start3A_114 = arith.constant 0 : i32
              %dma_start3A_115 = tpu.memref_slice %arg10[%mul3A_80, %dma_start3A_114] : memref<32x128xi32, #tpu.memory_space<vmem>> -> memref<1x128xi32, #tpu.memory_space<vmem>>
              %dma_start3A_116 = tpu.memref_squeeze %dma_start3A_115 : memref<1x128xi32, #tpu.memory_space<vmem>> -> memref<128xi32, #tpu.memory_space<vmem>>
              %dma_start3A_117 = arith.constant 0 : i32
              %dma_start3A_118 = arith.constant 0 : i32
              %dma_start3A_119 = tpu.memref_slice %arg6[%dma_start3A_117, %dma_start3A_118] : memref<10000x128xf32, #tpu.memory_space<vmem_shared>> -> memref<10000x128xf32, #tpu.memory_space<vmem_shared>>
              tpu.enqueue_indirect_dma source(%arg7 : memref<128x128xf32, #tpu.memory_space<vmem>>) target(%dma_start3A_119 : memref<10000x128xf32, #tpu.memory_space<vmem_shared>>) offsets(%dma_start3A_116 : memref<128xi32, #tpu.memory_space<vmem>>) semaphore(%run_scoped3A : memref<!tpu.dma_semaphore, #tpu.memory_space<semaphore_mem>>) {add = true}
              %dma_wait3A_120 = arith.constant 0 : i32
              %dma_wait3A_121 = tpu.memref_slice %arg10[%mul3A_80, %dma_wait3A_120] : memref<32x128xi32, #tpu.memory_space<vmem>> -> memref<1x128xi32, #tpu.memory_space<vmem>>
              %dma_wait3A_122 = tpu.memref_squeeze %dma_wait3A_121 : memref<1x128xi32, #tpu.memory_space<vmem>> -> memref<128xi32, #tpu.memory_space<vmem>>
              %dma_wait3A_123 = arith.constant 0 : i32
              %dma_wait3A_124 = arith.constant 0 : i32
              %dma_wait3A_125 = tpu.memref_slice %arg6[%dma_wait3A_123, %dma_wait3A_124] : memref<10000x128xf32, #tpu.memory_space<vmem_shared>> -> memref<10000x128xf32, #tpu.memory_space<vmem_shared>>
              tpu.wait_indirect_dma semaphore(%run_scoped3A : memref<!tpu.dma_semaphore, #tpu.memory_space<semaphore_mem>>) src(%arg7 : memref<128x128xf32, #tpu.memory_space<vmem>>) dst(%dma_wait3A_125 : memref<10000x128xf32, #tpu.memory_space<vmem_shared>>)
              tpu.yield
            }) : () -> ()
          } else {
          }
        }
        %while3A_56 = arith.constant 1 : i32
        scf.for %while3A_78 = %while3A_54 to %while3A_50 step %while3A_56  : i32 {
          %mul3A_79 = arith.constant 2 : i32
          %mul3A_80 = arith.muli %mul3A_79, %while3A_78 : i32
          %dma_start3A = arith.constant 0 : i32
          %dma_start3A_81 = tpu.memref_slice %arg9[%mul3A_80, %dma_start3A] : memref<32x128xi32, #tpu.memory_space<vmem>> -> memref<1x128xi32, #tpu.memory_space<vmem>>
          %dma_start3A_82 = tpu.memref_squeeze %dma_start3A_81 : memref<1x128xi32, #tpu.memory_space<vmem>> -> memref<128xi32, #tpu.memory_space<vmem>>
          %dma_start3A_83 = arith.constant 0 : i32
          %dma_start3A_84 = arith.constant 0 : i32
          %dma_start3A_85 = tpu.memref_slice %arg2[%arg0, %dma_start3A_83, %dma_start3A_84] : memref<2x10000x128xf32, #tpu.memory_space<hbm>> -> memref<1x10000x128xf32, #tpu.memory_space<hbm>>
          %dma_start3A_86 = tpu.memref_squeeze %dma_start3A_85 : memref<1x10000x128xf32, #tpu.memory_space<hbm>> -> memref<10000x128xf32, #tpu.memory_space<hbm>>
          %dma_start3A_87 = arith.constant 0 : i32
          %dma_start3A_88 = arith.constant 0 : i32
          %dma_start3A_89 = tpu.memref_slice %dma_start3A_86[%dma_start3A_87, %dma_start3A_88] : memref<10000x128xf32, #tpu.memory_space<hbm>> -> memref<10000x128xf32, #tpu.memory_space<hbm>>
          tpu.enqueue_indirect_dma source(%dma_start3A_89 : memref<10000x128xf32, #tpu.memory_space<hbm>>) target(%arg7 : memref<128x128xf32, #tpu.memory_space<vmem>>) offsets(%dma_start3A_82 : memref<128xi32, #tpu.memory_space<vmem>>) semaphore(%arg11 : memref<!tpu.dma_semaphore, #tpu.memory_space<semaphore_mem>>)
          %ge3A_90 = arith.constant 1 : i32
          %ge3A_91 = arith.cmpi sge, %mul3A_80, %ge3A_90 : i32
          %convert_element_type3A_92 = arith.extui %ge3A_91 : i1 to i32
          %cond3A_93 = arith.constant 0 : i32
          %cond3A_94 = arith.cmpi ne, %convert_element_type3A_92, %cond3A_93 : i32
          scf.if %cond3A_94 {
            %sub3A_114 = arith.constant 1 : i32
            %sub3A_115 = arith.subi %mul3A_80, %sub3A_114 : i32
            "tpu.region"() ({
              %run_scoped3A = tpu.sem_alloc : memref<!tpu.dma_semaphore, #tpu.memory_space<semaphore_mem>>
              %dma_start3A_116 = arith.constant 0 : i32
              %dma_start3A_117 = tpu.memref_slice %arg10[%sub3A_115, %dma_start3A_116] : memref<32x128xi32, #tpu.memory_space<vmem>> -> memref<1x128xi32, #tpu.memory_space<vmem>>
              %dma_start3A_118 = tpu.memref_squeeze %dma_start3A_117 : memref<1x128xi32, #tpu.memory_space<vmem>> -> memref<128xi32, #tpu.memory_space<vmem>>
              %dma_start3A_119 = arith.constant 0 : i32
              %dma_start3A_120 = arith.constant 0 : i32
              %dma_start3A_121 = tpu.memref_slice %arg6[%dma_start3A_119, %dma_start3A_120] : memref<10000x128xf32, #tpu.memory_space<vmem_shared>> -> memref<10000x128xf32, #tpu.memory_space<vmem_shared>>
              tpu.enqueue_indirect_dma source(%arg8 : memref<128x128xf32, #tpu.memory_space<vmem>>) target(%dma_start3A_121 : memref<10000x128xf32, #tpu.memory_space<vmem_shared>>) offsets(%dma_start3A_118 : memref<128xi32, #tpu.memory_space<vmem>>) semaphore(%run_scoped3A : memref<!tpu.dma_semaphore, #tpu.memory_space<semaphore_mem>>) {add = true}
              %dma_wait3A_122 = arith.constant 0 : i32
              %dma_wait3A_123 = tpu.memref_slice %arg10[%sub3A_115, %dma_wait3A_122] : memref<32x128xi32, #tpu.memory_space<vmem>> -> memref<1x128xi32, #tpu.memory_space<vmem>>
              %dma_wait3A_124 = tpu.memref_squeeze %dma_wait3A_123 : memref<1x128xi32, #tpu.memory_space<vmem>> -> memref<128xi32, #tpu.memory_space<vmem>>
              %dma_wait3A_125 = arith.constant 0 : i32
              %dma_wait3A_126 = arith.constant 0 : i32
              %dma_wait3A_127 = tpu.memref_slice %arg6[%dma_wait3A_125, %dma_wait3A_126] : memref<10000x128xf32, #tpu.memory_space<vmem_shared>> -> memref<10000x128xf32, #tpu.memory_space<vmem_shared>>
              tpu.wait_indirect_dma semaphore(%run_scoped3A : memref<!tpu.dma_semaphore, #tpu.memory_space<semaphore_mem>>) src(%arg8 : memref<128x128xf32, #tpu.memory_space<vmem>>) dst(%dma_wait3A_127 : memref<10000x128xf32, #tpu.memory_space<vmem_shared>>)
              tpu.yield
            }) : () -> ()
          } else {
          }
          %dma_wait3A = arith.constant 0 : i32
          %dma_wait3A_95 = tpu.memref_slice %arg9[%mul3A_80, %dma_wait3A] : memref<32x128xi32, #tpu.memory_space<vmem>> -> memref<1x128xi32, #tpu.memory_space<vmem>>
          %dma_wait3A_96 = tpu.memref_squeeze %dma_wait3A_95 : memref<1x128xi32, #tpu.memory_space<vmem>> -> memref<128xi32, #tpu.memory_space<vmem>>
          %dma_wait3A_97 = arith.constant 0 : i32
          %dma_wait3A_98 = arith.constant 0 : i32
          %dma_wait3A_99 = tpu.memref_slice %arg2[%arg0, %dma_wait3A_97, %dma_wait3A_98] : memref<2x10000x128xf32, #tpu.memory_space<hbm>> -> memref<1x10000x128xf32, #tpu.memory_space<hbm>>
          %dma_wait3A_100 = tpu.memref_squeeze %dma_wait3A_99 : memref<1x10000x128xf32, #tpu.memory_space<hbm>> -> memref<10000x128xf32, #tpu.memory_space<hbm>>
          %dma_wait3A_101 = arith.constant 0 : i32
          %dma_wait3A_102 = arith.constant 0 : i32
          %dma_wait3A_103 = tpu.memref_slice %dma_wait3A_100[%dma_wait3A_101, %dma_wait3A_102] : memref<10000x128xf32, #tpu.memory_space<hbm>> -> memref<10000x128xf32, #tpu.memory_space<hbm>>
          tpu.wait_indirect_dma semaphore(%arg11 : memref<!tpu.dma_semaphore, #tpu.memory_space<semaphore_mem>>) src(%dma_wait3A_103 : memref<10000x128xf32, #tpu.memory_space<hbm>>) dst(%arg7 : memref<128x128xf32, #tpu.memory_space<vmem>>)
          %add3A_104 = arith.constant 1 : i32
          %add3A_105 = arith.addi %mul3A_80, %add3A_104 : i32
          %lt3A_106 = arith.cmpi slt, %add3A_105, %min3A_22 : i32
          %convert_element_type3A_107 = arith.extui %lt3A_106 : i1 to i32
          %cond3A_108 = arith.constant 0 : i32
          %cond3A_109 = arith.cmpi ne, %convert_element_type3A_107, %cond3A_108 : i32
          scf.if %cond3A_109 {
            %dma_start3A_114 = arith.constant 0 : i32
            %dma_start3A_115 = tpu.memref_slice %arg9[%add3A_105, %dma_start3A_114] : memref<32x128xi32, #tpu.memory_space<vmem>> -> memref<1x128xi32, #tpu.memory_space<vmem>>
            %dma_start3A_116 = tpu.memref_squeeze %dma_start3A_115 : memref<1x128xi32, #tpu.memory_space<vmem>> -> memref<128xi32, #tpu.memory_space<vmem>>
            %dma_start3A_117 = arith.constant 0 : i32
            %dma_start3A_118 = arith.constant 0 : i32
            %dma_start3A_119 = tpu.memref_slice %arg2[%arg0, %dma_start3A_117, %dma_start3A_118] : memref<2x10000x128xf32, #tpu.memory_space<hbm>> -> memref<1x10000x128xf32, #tpu.memory_space<hbm>>
            %dma_start3A_120 = tpu.memref_squeeze %dma_start3A_119 : memref<1x10000x128xf32, #tpu.memory_space<hbm>> -> memref<10000x128xf32, #tpu.memory_space<hbm>>
            %dma_start3A_121 = arith.constant 0 : i32
            %dma_start3A_122 = arith.constant 0 : i32
            %dma_start3A_123 = tpu.memref_slice %dma_start3A_120[%dma_start3A_121, %dma_start3A_122] : memref<10000x128xf32, #tpu.memory_space<hbm>> -> memref<10000x128xf32, #tpu.memory_space<hbm>>
            tpu.enqueue_indirect_dma source(%dma_start3A_123 : memref<10000x128xf32, #tpu.memory_space<hbm>>) target(%arg8 : memref<128x128xf32, #tpu.memory_space<vmem>>) offsets(%dma_start3A_116 : memref<128xi32, #tpu.memory_space<vmem>>) semaphore(%arg12 : memref<!tpu.dma_semaphore, #tpu.memory_space<semaphore_mem>>)
            "tpu.region"() ({
              %run_scoped3A = tpu.sem_alloc : memref<!tpu.dma_semaphore, #tpu.memory_space<semaphore_mem>>
              %dma_start3A_134 = arith.constant 0 : i32
              %dma_start3A_135 = tpu.memref_slice %arg10[%mul3A_80, %dma_start3A_134] : memref<32x128xi32, #tpu.memory_space<vmem>> -> memref<1x128xi32, #tpu.memory_space<vmem>>
              %dma_start3A_136 = tpu.memref_squeeze %dma_start3A_135 : memref<1x128xi32, #tpu.memory_space<vmem>> -> memref<128xi32, #tpu.memory_space<vmem>>
              %dma_start3A_137 = arith.constant 0 : i32
              %dma_start3A_138 = arith.constant 0 : i32
              %dma_start3A_139 = tpu.memref_slice %arg6[%dma_start3A_137, %dma_start3A_138] : memref<10000x128xf32, #tpu.memory_space<vmem_shared>> -> memref<10000x128xf32, #tpu.memory_space<vmem_shared>>
              tpu.enqueue_indirect_dma source(%arg7 : memref<128x128xf32, #tpu.memory_space<vmem>>) target(%dma_start3A_139 : memref<10000x128xf32, #tpu.memory_space<vmem_shared>>) offsets(%dma_start3A_136 : memref<128xi32, #tpu.memory_space<vmem>>) semaphore(%run_scoped3A : memref<!tpu.dma_semaphore, #tpu.memory_space<semaphore_mem>>) {add = true}
              %dma_wait3A_140 = arith.constant 0 : i32
              %dma_wait3A_141 = tpu.memref_slice %arg10[%mul3A_80, %dma_wait3A_140] : memref<32x128xi32, #tpu.memory_space<vmem>> -> memref<1x128xi32, #tpu.memory_space<vmem>>
              %dma_wait3A_142 = tpu.memref_squeeze %dma_wait3A_141 : memref<1x128xi32, #tpu.memory_space<vmem>> -> memref<128xi32, #tpu.memory_space<vmem>>
              %dma_wait3A_143 = arith.constant 0 : i32
              %dma_wait3A_144 = arith.constant 0 : i32
              %dma_wait3A_145 = tpu.memref_slice %arg6[%dma_wait3A_143, %dma_wait3A_144] : memref<10000x128xf32, #tpu.memory_space<vmem_shared>> -> memref<10000x128xf32, #tpu.memory_space<vmem_shared>>
              tpu.wait_indirect_dma semaphore(%run_scoped3A : memref<!tpu.dma_semaphore, #tpu.memory_space<semaphore_mem>>) src(%arg7 : memref<128x128xf32, #tpu.memory_space<vmem>>) dst(%dma_wait3A_145 : memref<10000x128xf32, #tpu.memory_space<vmem_shared>>)
              tpu.yield
            }) : () -> ()
            %dma_wait3A_124 = arith.constant 0 : i32
            %dma_wait3A_125 = tpu.memref_slice %arg9[%add3A_105, %dma_wait3A_124] : memref<32x128xi32, #tpu.memory_space<vmem>> -> memref<1x128xi32, #tpu.memory_space<vmem>>
            %dma_wait3A_126 = tpu.memref_squeeze %dma_wait3A_125 : memref<1x128xi32, #tpu.memory_space<vmem>> -> memref<128xi32, #tpu.memory_space<vmem>>
            %dma_wait3A_127 = arith.constant 0 : i32
            %dma_wait3A_128 = arith.constant 0 : i32
            %dma_wait3A_129 = tpu.memref_slice %arg2[%arg0, %dma_wait3A_127, %dma_wait3A_128] : memref<2x10000x128xf32, #tpu.memory_space<hbm>> -> memref<1x10000x128xf32, #tpu.memory_space<hbm>>
            %dma_wait3A_130 = tpu.memref_squeeze %dma_wait3A_129 : memref<1x10000x128xf32, #tpu.memory_space<hbm>> -> memref<10000x128xf32, #tpu.memory_space<hbm>>
            %dma_wait3A_131 = arith.constant 0 : i32
            %dma_wait3A_132 = arith.constant 0 : i32
            %dma_wait3A_133 = tpu.memref_slice %dma_wait3A_130[%dma_wait3A_131, %dma_wait3A_132] : memref<10000x128xf32, #tpu.memory_space<hbm>> -> memref<10000x128xf32, #tpu.memory_space<hbm>>
            tpu.wait_indirect_dma semaphore(%arg12 : memref<!tpu.dma_semaphore, #tpu.memory_space<semaphore_mem>>) src(%dma_wait3A_133 : memref<10000x128xf32, #tpu.memory_space<hbm>>) dst(%arg8 : memref<128x128xf32, #tpu.memory_space<vmem>>)
          } else {
          }
          %ge3A_110 = arith.cmpi sge, %add3A_105, %min3A_22 : i32
          %convert_element_type3A_111 = arith.extui %ge3A_110 : i1 to i32
          %cond3A_112 = arith.constant 0 : i32
          %cond3A_113 = arith.cmpi ne, %convert_element_type3A_111, %cond3A_112 : i32
          scf.if %cond3A_113 {
            "tpu.region"() ({
              %run_scoped3A = tpu.sem_alloc : memref<!tpu.dma_semaphore, #tpu.memory_space<semaphore_mem>>
              %dma_start3A_114 = arith.constant 0 : i32
              %dma_start3A_115 = tpu.memref_slice %arg10[%mul3A_80, %dma_start3A_114] : memref<32x128xi32, #tpu.memory_space<vmem>> -> memref<1x128xi32, #tpu.memory_space<vmem>>
              %dma_start3A_116 = tpu.memref_squeeze %dma_start3A_115 : memref<1x128xi32, #tpu.memory_space<vmem>> -> memref<128xi32, #tpu.memory_space<vmem>>
              %dma_start3A_117 = arith.constant 0 : i32
              %dma_start3A_118 = arith.constant 0 : i32
              %dma_start3A_119 = tpu.memref_slice %arg6[%dma_start3A_117, %dma_start3A_118] : memref<10000x128xf32, #tpu.memory_space<vmem_shared>> -> memref<10000x128xf32, #tpu.memory_space<vmem_shared>>
              tpu.enqueue_indirect_dma source(%arg7 : memref<128x128xf32, #tpu.memory_space<vmem>>) target(%dma_start3A_119 : memref<10000x128xf32, #tpu.memory_space<vmem_shared>>) offsets(%dma_start3A_116 : memref<128xi32, #tpu.memory_space<vmem>>) semaphore(%run_scoped3A : memref<!tpu.dma_semaphore, #tpu.memory_space<semaphore_mem>>) {add = true}
              %dma_wait3A_120 = arith.constant 0 : i32
              %dma_wait3A_121 = tpu.memref_slice %arg10[%mul3A_80, %dma_wait3A_120] : memref<32x128xi32, #tpu.memory_space<vmem>> -> memref<1x128xi32, #tpu.memory_space<vmem>>
              %dma_wait3A_122 = tpu.memref_squeeze %dma_wait3A_121 : memref<1x128xi32, #tpu.memory_space<vmem>> -> memref<128xi32, #tpu.memory_space<vmem>>
              %dma_wait3A_123 = arith.constant 0 : i32
              %dma_wait3A_124 = arith.constant 0 : i32
              %dma_wait3A_125 = tpu.memref_slice %arg6[%dma_wait3A_123, %dma_wait3A_124] : memref<10000x128xf32, #tpu.memory_space<vmem_shared>> -> memref<10000x128xf32, #tpu.memory_space<vmem_shared>>
              tpu.wait_indirect_dma semaphore(%run_scoped3A : memref<!tpu.dma_semaphore, #tpu.memory_space<semaphore_mem>>) src(%arg7 : memref<128x128xf32, #tpu.memory_space<vmem>>) dst(%dma_wait3A_125 : memref<10000x128xf32, #tpu.memory_space<vmem_shared>>)
              tpu.yield
            }) : () -> ()
          } else {
          }
        }
        %jit3A_57 = arith.constant 2 : i32
        %eq3A = arith.constant 0 : i32
        %eq3A_58 = arith.cmpi eq, %jit3A_57, %eq3A : i32
        %jit3A_59 = arith.constant 1 : i32
        %select_n3A_60 = arith.select %eq3A_58, %jit3A_59, %jit3A_57 : i32
        %rem3A_61 = arith.remsi %min3A_22, %select_n3A_60 : i32
        %ne3A_62 = arith.constant 0 : i32
        %ne3A_63 = arith.cmpi ne, %rem3A_61, %ne3A_62 : i32
        %lt3A = arith.constant 0 : i32
        %lt3A_64 = arith.cmpi slt, %rem3A_61, %lt3A : i32
        %lt3A_65 = arith.constant 0 : i32
        %lt3A_66 = arith.cmpi slt, %select_n3A_60, %lt3A_65 : i32
        %ne3A_67 = arith.xori %lt3A_64, %lt3A_66 : i1
        %and3A_68 = arith.andi %ne3A_67, %ne3A_63 : i1
        %add3A_69 = arith.addi %rem3A_61, %select_n3A_60 : i32
        %select_n3A_70 = arith.select %and3A_68, %add3A_69, %rem3A_61 : i32
        %eq3A_71 = arith.constant 0 : i32
        %eq3A_72 = arith.cmpi eq, %select_n3A_70, %eq3A_71 : i32
        %ge3A = arith.constant 2 : i32
        %ge3A_73 = arith.cmpi sge, %min3A_22, %ge3A : i32
        %and3A_74 = arith.andi %eq3A_72, %ge3A_73 : i1
        %convert_element_type3A_75 = arith.extui %and3A_74 : i1 to i32
        %cond3A_76 = arith.constant 0 : i32
        %cond3A_77 = arith.cmpi ne, %convert_element_type3A_75, %cond3A_76 : i32
        scf.if %cond3A_77 {
          %sub3A_78 = arith.constant 1 : i32
          %sub3A_79 = arith.subi %min3A_22, %sub3A_78 : i32
          "tpu.region"() ({
            %run_scoped3A = tpu.sem_alloc : memref<!tpu.dma_semaphore, #tpu.memory_space<semaphore_mem>>
            %dma_start3A = arith.constant 0 : i32
            %dma_start3A_80 = tpu.memref_slice %arg10[%sub3A_79, %dma_start3A] : memref<32x128xi32, #tpu.memory_space<vmem>> -> memref<1x128xi32, #tpu.memory_space<vmem>>
            %dma_start3A_81 = tpu.memref_squeeze %dma_start3A_80 : memref<1x128xi32, #tpu.memory_space<vmem>> -> memref<128xi32, #tpu.memory_space<vmem>>
            %dma_start3A_82 = arith.constant 0 : i32
            %dma_start3A_83 = arith.constant 0 : i32
            %dma_start3A_84 = tpu.memref_slice %arg6[%dma_start3A_82, %dma_start3A_83] : memref<10000x128xf32, #tpu.memory_space<vmem_shared>> -> memref<10000x128xf32, #tpu.memory_space<vmem_shared>>
            tpu.enqueue_indirect_dma source(%arg8 : memref<128x128xf32, #tpu.memory_space<vmem>>) target(%dma_start3A_84 : memref<10000x128xf32, #tpu.memory_space<vmem_shared>>) offsets(%dma_start3A_81 : memref<128xi32, #tpu.memory_space<vmem>>) semaphore(%run_scoped3A : memref<!tpu.dma_semaphore, #tpu.memory_space<semaphore_mem>>) {add = true}
            %dma_wait3A = arith.constant 0 : i32
            %dma_wait3A_85 = tpu.memref_slice %arg10[%sub3A_79, %dma_wait3A] : memref<32x128xi32, #tpu.memory_space<vmem>> -> memref<1x128xi32, #tpu.memory_space<vmem>>
            %dma_wait3A_86 = tpu.memref_squeeze %dma_wait3A_85 : memref<1x128xi32, #tpu.memory_space<vmem>> -> memref<128xi32, #tpu.memory_space<vmem>>
            %dma_wait3A_87 = arith.constant 0 : i32
            %dma_wait3A_88 = arith.constant 0 : i32
            %dma_wait3A_89 = tpu.memref_slice %arg6[%dma_wait3A_87, %dma_wait3A_88] : memref<10000x128xf32, #tpu.memory_space<vmem_shared>> -> memref<10000x128xf32, #tpu.memory_space<vmem_shared>>
            tpu.wait_indirect_dma semaphore(%run_scoped3A : memref<!tpu.dma_semaphore, #tpu.memory_space<semaphore_mem>>) src(%arg8 : memref<128x128xf32, #tpu.memory_space<vmem>>) dst(%dma_wait3A_89 : memref<10000x128xf32, #tpu.memory_space<vmem_shared>>)
            tpu.yield
          }) : () -> ()
        } else {
        }
      } else {
      }
    }
    %scan3A_11 = arith.constant 5 : i32
    %barrier3A_12 = arith.constant 0 : index
    tpu.barrier barrier_id(%barrier3A_12)
    %mul3A_13 = arith.constant 624 : i32
    %mul3A_14 = arith.muli %arg1, %mul3A_13 : i32
    %mul3A_15 = arith.constant 624 : i32
    %mul3A_16 = arith.muli %arg1, %mul3A_15 : i32
    "tpu.region"() ({
      %run_scoped3A = tpu.sem_alloc : memref<!tpu.dma_semaphore, #tpu.memory_space<semaphore_mem>>
      %dma_start3A = arith.constant 0 : i32
      %dma_start3A_17 = arith.constant 0 : i32
      %dma_start3A_18 = tpu.memref_slice %arg5[%arg0, %dma_start3A, %dma_start3A_17] : memref<2x10000x128xf32, #tpu.memory_space<hbm>> -> memref<1x10000x128xf32, #tpu.memory_space<hbm>>
      %dma_start3A_19 = tpu.memref_squeeze %dma_start3A_18 : memref<1x10000x128xf32, #tpu.memory_space<hbm>> -> memref<10000x128xf32, #tpu.memory_space<hbm>>
      %dma_start3A_20 = arith.constant 0 : i32
      %dma_start3A_21 = tpu.memref_slice %dma_start3A_19[%mul3A_16, %dma_start3A_20] : memref<10000x128xf32, #tpu.memory_space<hbm>> -> memref<640x128xf32, #tpu.memory_space<hbm>>
      %dma_start3A_22 = arith.constant 0 : i32
      %dma_start3A_23 = tpu.memref_slice %arg6[%mul3A_14, %dma_start3A_22] : memref<10000x128xf32, #tpu.memory_space<vmem_shared>> -> memref<640x128xf32, #tpu.memory_space<vmem_shared>>
      tpu.enqueue_dma source(%dma_start3A_23 : memref<640x128xf32, #tpu.memory_space<vmem_shared>>) target(%dma_start3A_21 : memref<640x128xf32, #tpu.memory_space<hbm>>) target_semaphore(%run_scoped3A : memref<!tpu.dma_semaphore, #tpu.memory_space<semaphore_mem>>)
      %dma_wait3A = arith.constant 0 : i32
      %dma_wait3A_24 = arith.constant 0 : i32
      %dma_wait3A_25 = tpu.memref_slice %arg5[%arg0, %dma_wait3A, %dma_wait3A_24] : memref<2x10000x128xf32, #tpu.memory_space<hbm>> -> memref<1x10000x128xf32, #tpu.memory_space<hbm>>
      %dma_wait3A_26 = tpu.memref_squeeze %dma_wait3A_25 : memref<1x10000x128xf32, #tpu.memory_space<hbm>> -> memref<10000x128xf32, #tpu.memory_space<hbm>>
      %dma_wait3A_27 = arith.constant 0 : i32
      %dma_wait3A_28 = tpu.memref_slice %dma_wait3A_26[%mul3A_16, %dma_wait3A_27] : memref<10000x128xf32, #tpu.memory_space<hbm>> -> memref<640x128xf32, #tpu.memory_space<hbm>>
      %dma_wait3A_29 = arith.constant 0 : i32
      %dma_wait3A_30 = tpu.memref_slice %arg6[%mul3A_14, %dma_wait3A_29] : memref<10000x128xf32, #tpu.memory_space<vmem_shared>> -> memref<640x128xf32, #tpu.memory_space<vmem_shared>>
      tpu.wait_dma2 semaphore(%run_scoped3A : memref<!tpu.dma_semaphore, #tpu.memory_space<semaphore_mem>>) src(%dma_wait3A_30 : memref<640x128xf32, #tpu.memory_space<vmem_shared>>) dst(%dma_wait3A_28 : memref<640x128xf32, #tpu.memory_space<hbm>>)
      tpu.yield
    }) : () -> ()
    return
  }
}

#map = affine_map<(d0, d1) -> (0, 0, 0)>
#map1 = affine_map<(d0, d1) -> (0, 0)>
module attributes {stable_mosaic.version = 14 : i64} {
  func.func @_sc_pool(%arg0: i32, %arg1: i32, %arg2: memref<2x10000x128xf32, #tpu.memory_space<hbm>>, %arg3: memref<125x1x80xi32, #tpu.memory_space<hbm>>, %arg4: memref<64x128xf32, #tpu.memory_space<hbm>>, %arg5: memref<2x64x128xf32, #tpu.memory_space<hbm>>, %arg6: memref<64x128xf32, #tpu.memory_space<vmem_shared>>, %arg7: memref<80x128xf32, #tpu.memory_space<vmem>>, %arg8: memref<80xi32, #tpu.memory_space<vmem>>) attributes {dimension_semantics = [#tpu.dimension_semantics<core_parallel>, #tpu.dimension_semantics<subcore_parallel>], iteration_bounds = array<i64: 2, 16>, scalar_prefetch = 0 : i64, scratch_operands = 3 : i64, tpu.core_type = #tpu.core_type<sc_vector_subcore>, window_params = [{transform_indices = #map}, {transform_indices = #map}, {transform_indices = #map1}, {transform_indices = #map}]} {
    %eq3A = arith.constant 0 : i32
    %eq3A_0 = arith.cmpi eq, %arg1, %eq3A : i32
    %convert_element_type3A = arith.extui %eq3A_0 : i1 to i32
    %cond3A = arith.constant 0 : i32
    %cond3A_1 = arith.cmpi ne, %convert_element_type3A, %cond3A : i32
    scf.if %cond3A_1 {
      "tpu.region"() ({
        %run_scoped3A = tpu.sem_alloc : memref<!tpu.dma_semaphore, #tpu.memory_space<semaphore_mem>>
        tpu.enqueue_dma source(%arg4 : memref<64x128xf32, #tpu.memory_space<hbm>>) target(%arg6 : memref<64x128xf32, #tpu.memory_space<vmem_shared>>) target_semaphore(%run_scoped3A : memref<!tpu.dma_semaphore, #tpu.memory_space<semaphore_mem>>)
        tpu.wait_dma2 semaphore(%run_scoped3A : memref<!tpu.dma_semaphore, #tpu.memory_space<semaphore_mem>>) src(%arg4 : memref<64x128xf32, #tpu.memory_space<hbm>>) dst(%arg6 : memref<64x128xf32, #tpu.memory_space<vmem_shared>>)
        tpu.yield
      }) : () -> ()
    } else {
    }
    %barrier3A = arith.constant 0 : index
    tpu.barrier barrier_id(%barrier3A)
    %sub3A = arith.constant 125 : i32
    %sub3A_2 = arith.subi %sub3A, %arg1 : i32
    %add3A = arith.constant 16 : i32
    %add3A_3 = arith.addi %sub3A_2, %add3A : i32
    %sub3A_4 = arith.constant 1 : i32
    %sub3A_5 = arith.subi %add3A_3, %sub3A_4 : i32
    %jit3A = arith.constant 16 : i32
    %div3A = arith.divsi %sub3A_5, %jit3A : i32
    %sign3A = arith.constant 0 : i32
    %sign3A_6 = arith.cmpi sgt, %sub3A_5, %sign3A : i32
    %sign3A_7 = arith.extui %sign3A_6 : i1 to i32
    %sign3A_8 = arith.constant 0 : i32
    %sign3A_9 = arith.cmpi slt, %sub3A_5, %sign3A_8 : i32
    %sign3A_10 = arith.extui %sign3A_9 : i1 to i32
    %sign3A_11 = arith.subi %sign3A_7, %sign3A_10 : i32
    %sign3A_12 = arith.constant 0 : i32
    %sign3A_13 = arith.cmpi sgt, %jit3A, %sign3A_12 : i32
    %sign3A_14 = arith.extui %sign3A_13 : i1 to i32
    %sign3A_15 = arith.constant 0 : i32
    %sign3A_16 = arith.cmpi slt, %jit3A, %sign3A_15 : i32
    %sign3A_17 = arith.extui %sign3A_16 : i1 to i32
    %sign3A_18 = arith.subi %sign3A_14, %sign3A_17 : i32
    %ne3A = arith.cmpi ne, %sign3A_11, %sign3A_18 : i32
    %rem3A = arith.remsi %sub3A_5, %jit3A : i32
    %ne3A_19 = arith.constant 0 : i32
    %ne3A_20 = arith.cmpi ne, %rem3A, %ne3A_19 : i32
    %and3A = arith.andi %ne3A, %ne3A_20 : i1
    %sub3A_21 = arith.constant 1 : i32
    %sub3A_22 = arith.subi %div3A, %sub3A_21 : i32
    %select_n3A = arith.select %and3A, %sub3A_22, %div3A : i32
    %while3A = arith.constant 0 : i32
    %while3A_23 = arith.constant 0 : i32
    %while3A_24 = arith.subi %select_n3A, %while3A_23 : i32
    %while3A_25 = arith.addi %while3A_23, %while3A_24 : i32
    %while3A_26 = arith.constant 1 : i32
    %while3A_27 = arith.divsi %while3A_24, %while3A_26 : i32
    %while3A_28 = arith.muli %while3A_27, %while3A_26 : i32
    %while3A_29 = arith.addi %while3A_23, %while3A_28 : i32
    %while3A_30 = arith.constant 1 : i32
    scf.for %while3A_38 = %while3A_23 to %while3A_29 step %while3A_30  : i32 {
      %mul3A = arith.constant 16 : i32
      %mul3A_39 = arith.muli %mul3A, %while3A_38 : i32
      %add3A_40 = arith.addi %arg1, %mul3A_39 : i32
      %run_scoped3A = arith.constant 0 : i32
      "tpu.region"() ({
        %run_scoped3A_43 = tpu.sem_alloc : memref<!tpu.dma_semaphore, #tpu.memory_space<semaphore_mem>>
        %dma_start3A = arith.constant 0 : i32
        %dma_start3A_44 = tpu.memref_slice %arg3[%add3A_40, %run_scoped3A, %dma_start3A] : memref<125x1x80xi32, #tpu.memory_space<hbm>> -> memref<1x1x80xi32, #tpu.memory_space<hbm>>
        %dma_start3A_45 = tpu.memref_squeeze %dma_start3A_44 : memref<1x1x80xi32, #tpu.memory_space<hbm>> -> memref<80xi32, #tpu.memory_space<hbm>>
        %dma_start3A_46 = arith.constant 0 : i32
        %dma_start3A_47 = tpu.memref_slice %arg3[%add3A_40, %run_scoped3A, %dma_start3A_46] : memref<125x1x80xi32, #tpu.memory_space<hbm>> -> memref<1x1x80xi32, #tpu.memory_space<hbm>>
        %dma_start3A_48 = tpu.memref_squeeze %dma_start3A_47 : memref<1x1x80xi32, #tpu.memory_space<hbm>> -> memref<80xi32, #tpu.memory_space<hbm>>
        tpu.enqueue_dma source(%dma_start3A_48 : memref<80xi32, #tpu.memory_space<hbm>>) target(%arg8 : memref<80xi32, #tpu.memory_space<vmem>>) target_semaphore(%run_scoped3A_43 : memref<!tpu.dma_semaphore, #tpu.memory_space<semaphore_mem>>)
        %dma_wait3A = arith.constant 0 : i32
        %dma_wait3A_49 = tpu.memref_slice %arg3[%add3A_40, %run_scoped3A, %dma_wait3A] : memref<125x1x80xi32, #tpu.memory_space<hbm>> -> memref<1x1x80xi32, #tpu.memory_space<hbm>>
        %dma_wait3A_50 = tpu.memref_squeeze %dma_wait3A_49 : memref<1x1x80xi32, #tpu.memory_space<hbm>> -> memref<80xi32, #tpu.memory_space<hbm>>
        %dma_wait3A_51 = arith.constant 0 : i32
        %dma_wait3A_52 = tpu.memref_slice %arg3[%add3A_40, %run_scoped3A, %dma_wait3A_51] : memref<125x1x80xi32, #tpu.memory_space<hbm>> -> memref<1x1x80xi32, #tpu.memory_space<hbm>>
        %dma_wait3A_53 = tpu.memref_squeeze %dma_wait3A_52 : memref<1x1x80xi32, #tpu.memory_space<hbm>> -> memref<80xi32, #tpu.memory_space<hbm>>
        tpu.wait_dma2 semaphore(%run_scoped3A_43 : memref<!tpu.dma_semaphore, #tpu.memory_space<semaphore_mem>>) src(%dma_wait3A_53 : memref<80xi32, #tpu.memory_space<hbm>>) dst(%arg8 : memref<80xi32, #tpu.memory_space<vmem>>)
        tpu.yield
      }) : () -> ()
      %mul3A_41 = arith.constant 80 : i32
      %mul3A_42 = arith.muli %add3A_40, %mul3A_41 : i32
      "tpu.region"() ({
        %run_scoped3A_43 = tpu.sem_alloc : memref<!tpu.dma_semaphore, #tpu.memory_space<semaphore_mem>>
        %dma_start3A = arith.constant 0 : i32
        %dma_start3A_44 = arith.constant 0 : i32
        %dma_start3A_45 = tpu.memref_slice %arg2[%arg0, %dma_start3A, %dma_start3A_44] : memref<2x10000x128xf32, #tpu.memory_space<hbm>> -> memref<1x10000x128xf32, #tpu.memory_space<hbm>>
        %dma_start3A_46 = tpu.memref_squeeze %dma_start3A_45 : memref<1x10000x128xf32, #tpu.memory_space<hbm>> -> memref<10000x128xf32, #tpu.memory_space<hbm>>
        %dma_start3A_47 = arith.constant 0 : i32
        %dma_start3A_48 = tpu.memref_slice %dma_start3A_46[%mul3A_42, %dma_start3A_47] : memref<10000x128xf32, #tpu.memory_space<hbm>> -> memref<80x128xf32, #tpu.memory_space<hbm>>
        %dma_start3A_49 = arith.constant 0 : i32
        %dma_start3A_50 = arith.constant 0 : i32
        %dma_start3A_51 = tpu.memref_slice %arg2[%arg0, %dma_start3A_49, %dma_start3A_50] : memref<2x10000x128xf32, #tpu.memory_space<hbm>> -> memref<1x10000x128xf32, #tpu.memory_space<hbm>>
        %dma_start3A_52 = tpu.memref_squeeze %dma_start3A_51 : memref<1x10000x128xf32, #tpu.memory_space<hbm>> -> memref<10000x128xf32, #tpu.memory_space<hbm>>
        %dma_start3A_53 = arith.constant 0 : i32
        %dma_start3A_54 = tpu.memref_slice %dma_start3A_52[%mul3A_42, %dma_start3A_53] : memref<10000x128xf32, #tpu.memory_space<hbm>> -> memref<80x128xf32, #tpu.memory_space<hbm>>
        tpu.enqueue_dma source(%dma_start3A_54 : memref<80x128xf32, #tpu.memory_space<hbm>>) target(%arg7 : memref<80x128xf32, #tpu.memory_space<vmem>>) target_semaphore(%run_scoped3A_43 : memref<!tpu.dma_semaphore, #tpu.memory_space<semaphore_mem>>)
        %dma_wait3A = arith.constant 0 : i32
        %dma_wait3A_55 = arith.constant 0 : i32
        %dma_wait3A_56 = tpu.memref_slice %arg2[%arg0, %dma_wait3A, %dma_wait3A_55] : memref<2x10000x128xf32, #tpu.memory_space<hbm>> -> memref<1x10000x128xf32, #tpu.memory_space<hbm>>
        %dma_wait3A_57 = tpu.memref_squeeze %dma_wait3A_56 : memref<1x10000x128xf32, #tpu.memory_space<hbm>> -> memref<10000x128xf32, #tpu.memory_space<hbm>>
        %dma_wait3A_58 = arith.constant 0 : i32
        %dma_wait3A_59 = tpu.memref_slice %dma_wait3A_57[%mul3A_42, %dma_wait3A_58] : memref<10000x128xf32, #tpu.memory_space<hbm>> -> memref<80x128xf32, #tpu.memory_space<hbm>>
        %dma_wait3A_60 = arith.constant 0 : i32
        %dma_wait3A_61 = arith.constant 0 : i32
        %dma_wait3A_62 = tpu.memref_slice %arg2[%arg0, %dma_wait3A_60, %dma_wait3A_61] : memref<2x10000x128xf32, #tpu.memory_space<hbm>> -> memref<1x10000x128xf32, #tpu.memory_space<hbm>>
        %dma_wait3A_63 = tpu.memref_squeeze %dma_wait3A_62 : memref<1x10000x128xf32, #tpu.memory_space<hbm>> -> memref<10000x128xf32, #tpu.memory_space<hbm>>
        %dma_wait3A_64 = arith.constant 0 : i32
        %dma_wait3A_65 = tpu.memref_slice %dma_wait3A_63[%mul3A_42, %dma_wait3A_64] : memref<10000x128xf32, #tpu.memory_space<hbm>> -> memref<80x128xf32, #tpu.memory_space<hbm>>
        tpu.wait_dma2 semaphore(%run_scoped3A_43 : memref<!tpu.dma_semaphore, #tpu.memory_space<semaphore_mem>>) src(%dma_wait3A_65 : memref<80x128xf32, #tpu.memory_space<hbm>>) dst(%arg7 : memref<80x128xf32, #tpu.memory_space<vmem>>)
        tpu.yield
      }) : () -> ()
      "tpu.region"() ({
        %run_scoped3A_43 = tpu.sem_alloc : memref<!tpu.dma_semaphore, #tpu.memory_space<semaphore_mem>>
        %dma_start3A = arith.constant 0 : i32
        %dma_start3A_44 = arith.constant 0 : i32
        %dma_start3A_45 = tpu.memref_slice %arg6[%dma_start3A, %dma_start3A_44] : memref<64x128xf32, #tpu.memory_space<vmem_shared>> -> memref<64x128xf32, #tpu.memory_space<vmem_shared>>
        tpu.enqueue_indirect_dma source(%arg7 : memref<80x128xf32, #tpu.memory_space<vmem>>) target(%dma_start3A_45 : memref<64x128xf32, #tpu.memory_space<vmem_shared>>) offsets(%arg8 : memref<80xi32, #tpu.memory_space<vmem>>) semaphore(%run_scoped3A_43 : memref<!tpu.dma_semaphore, #tpu.memory_space<semaphore_mem>>) {add = true}
        %dma_wait3A = arith.constant 0 : i32
        %dma_wait3A_46 = arith.constant 0 : i32
        %dma_wait3A_47 = tpu.memref_slice %arg6[%dma_wait3A, %dma_wait3A_46] : memref<64x128xf32, #tpu.memory_space<vmem_shared>> -> memref<64x128xf32, #tpu.memory_space<vmem_shared>>
        tpu.wait_indirect_dma semaphore(%run_scoped3A_43 : memref<!tpu.dma_semaphore, #tpu.memory_space<semaphore_mem>>) src(%arg7 : memref<80x128xf32, #tpu.memory_space<vmem>>) dst(%dma_wait3A_47 : memref<64x128xf32, #tpu.memory_space<vmem_shared>>)
        tpu.yield
      }) : () -> ()
    }
    %while3A_31 = arith.constant 1 : i32
    scf.for %while3A_38 = %while3A_29 to %while3A_25 step %while3A_31  : i32 {
      %mul3A = arith.constant 16 : i32
      %mul3A_39 = arith.muli %mul3A, %while3A_38 : i32
      %add3A_40 = arith.addi %arg1, %mul3A_39 : i32
      %run_scoped3A = arith.constant 0 : i32
      "tpu.region"() ({
        %run_scoped3A_43 = tpu.sem_alloc : memref<!tpu.dma_semaphore, #tpu.memory_space<semaphore_mem>>
        %dma_start3A = arith.constant 0 : i32
        %dma_start3A_44 = tpu.memref_slice %arg3[%add3A_40, %run_scoped3A, %dma_start3A] : memref<125x1x80xi32, #tpu.memory_space<hbm>> -> memref<1x1x80xi32, #tpu.memory_space<hbm>>
        %dma_start3A_45 = tpu.memref_squeeze %dma_start3A_44 : memref<1x1x80xi32, #tpu.memory_space<hbm>> -> memref<80xi32, #tpu.memory_space<hbm>>
        %dma_start3A_46 = arith.constant 0 : i32
        %dma_start3A_47 = tpu.memref_slice %arg3[%add3A_40, %run_scoped3A, %dma_start3A_46] : memref<125x1x80xi32, #tpu.memory_space<hbm>> -> memref<1x1x80xi32, #tpu.memory_space<hbm>>
        %dma_start3A_48 = tpu.memref_squeeze %dma_start3A_47 : memref<1x1x80xi32, #tpu.memory_space<hbm>> -> memref<80xi32, #tpu.memory_space<hbm>>
        tpu.enqueue_dma source(%dma_start3A_48 : memref<80xi32, #tpu.memory_space<hbm>>) target(%arg8 : memref<80xi32, #tpu.memory_space<vmem>>) target_semaphore(%run_scoped3A_43 : memref<!tpu.dma_semaphore, #tpu.memory_space<semaphore_mem>>)
        %dma_wait3A = arith.constant 0 : i32
        %dma_wait3A_49 = tpu.memref_slice %arg3[%add3A_40, %run_scoped3A, %dma_wait3A] : memref<125x1x80xi32, #tpu.memory_space<hbm>> -> memref<1x1x80xi32, #tpu.memory_space<hbm>>
        %dma_wait3A_50 = tpu.memref_squeeze %dma_wait3A_49 : memref<1x1x80xi32, #tpu.memory_space<hbm>> -> memref<80xi32, #tpu.memory_space<hbm>>
        %dma_wait3A_51 = arith.constant 0 : i32
        %dma_wait3A_52 = tpu.memref_slice %arg3[%add3A_40, %run_scoped3A, %dma_wait3A_51] : memref<125x1x80xi32, #tpu.memory_space<hbm>> -> memref<1x1x80xi32, #tpu.memory_space<hbm>>
        %dma_wait3A_53 = tpu.memref_squeeze %dma_wait3A_52 : memref<1x1x80xi32, #tpu.memory_space<hbm>> -> memref<80xi32, #tpu.memory_space<hbm>>
        tpu.wait_dma2 semaphore(%run_scoped3A_43 : memref<!tpu.dma_semaphore, #tpu.memory_space<semaphore_mem>>) src(%dma_wait3A_53 : memref<80xi32, #tpu.memory_space<hbm>>) dst(%arg8 : memref<80xi32, #tpu.memory_space<vmem>>)
        tpu.yield
      }) : () -> ()
      %mul3A_41 = arith.constant 80 : i32
      %mul3A_42 = arith.muli %add3A_40, %mul3A_41 : i32
      "tpu.region"() ({
        %run_scoped3A_43 = tpu.sem_alloc : memref<!tpu.dma_semaphore, #tpu.memory_space<semaphore_mem>>
        %dma_start3A = arith.constant 0 : i32
        %dma_start3A_44 = arith.constant 0 : i32
        %dma_start3A_45 = tpu.memref_slice %arg2[%arg0, %dma_start3A, %dma_start3A_44] : memref<2x10000x128xf32, #tpu.memory_space<hbm>> -> memref<1x10000x128xf32, #tpu.memory_space<hbm>>
        %dma_start3A_46 = tpu.memref_squeeze %dma_start3A_45 : memref<1x10000x128xf32, #tpu.memory_space<hbm>> -> memref<10000x128xf32, #tpu.memory_space<hbm>>
        %dma_start3A_47 = arith.constant 0 : i32
        %dma_start3A_48 = tpu.memref_slice %dma_start3A_46[%mul3A_42, %dma_start3A_47] : memref<10000x128xf32, #tpu.memory_space<hbm>> -> memref<80x128xf32, #tpu.memory_space<hbm>>
        %dma_start3A_49 = arith.constant 0 : i32
        %dma_start3A_50 = arith.constant 0 : i32
        %dma_start3A_51 = tpu.memref_slice %arg2[%arg0, %dma_start3A_49, %dma_start3A_50] : memref<2x10000x128xf32, #tpu.memory_space<hbm>> -> memref<1x10000x128xf32, #tpu.memory_space<hbm>>
        %dma_start3A_52 = tpu.memref_squeeze %dma_start3A_51 : memref<1x10000x128xf32, #tpu.memory_space<hbm>> -> memref<10000x128xf32, #tpu.memory_space<hbm>>
        %dma_start3A_53 = arith.constant 0 : i32
        %dma_start3A_54 = tpu.memref_slice %dma_start3A_52[%mul3A_42, %dma_start3A_53] : memref<10000x128xf32, #tpu.memory_space<hbm>> -> memref<80x128xf32, #tpu.memory_space<hbm>>
        tpu.enqueue_dma source(%dma_start3A_54 : memref<80x128xf32, #tpu.memory_space<hbm>>) target(%arg7 : memref<80x128xf32, #tpu.memory_space<vmem>>) target_semaphore(%run_scoped3A_43 : memref<!tpu.dma_semaphore, #tpu.memory_space<semaphore_mem>>)
        %dma_wait3A = arith.constant 0 : i32
        %dma_wait3A_55 = arith.constant 0 : i32
        %dma_wait3A_56 = tpu.memref_slice %arg2[%arg0, %dma_wait3A, %dma_wait3A_55] : memref<2x10000x128xf32, #tpu.memory_space<hbm>> -> memref<1x10000x128xf32, #tpu.memory_space<hbm>>
        %dma_wait3A_57 = tpu.memref_squeeze %dma_wait3A_56 : memref<1x10000x128xf32, #tpu.memory_space<hbm>> -> memref<10000x128xf32, #tpu.memory_space<hbm>>
        %dma_wait3A_58 = arith.constant 0 : i32
        %dma_wait3A_59 = tpu.memref_slice %dma_wait3A_57[%mul3A_42, %dma_wait3A_58] : memref<10000x128xf32, #tpu.memory_space<hbm>> -> memref<80x128xf32, #tpu.memory_space<hbm>>
        %dma_wait3A_60 = arith.constant 0 : i32
        %dma_wait3A_61 = arith.constant 0 : i32
        %dma_wait3A_62 = tpu.memref_slice %arg2[%arg0, %dma_wait3A_60, %dma_wait3A_61] : memref<2x10000x128xf32, #tpu.memory_space<hbm>> -> memref<1x10000x128xf32, #tpu.memory_space<hbm>>
        %dma_wait3A_63 = tpu.memref_squeeze %dma_wait3A_62 : memref<1x10000x128xf32, #tpu.memory_space<hbm>> -> memref<10000x128xf32, #tpu.memory_space<hbm>>
        %dma_wait3A_64 = arith.constant 0 : i32
        %dma_wait3A_65 = tpu.memref_slice %dma_wait3A_63[%mul3A_42, %dma_wait3A_64] : memref<10000x128xf32, #tpu.memory_space<hbm>> -> memref<80x128xf32, #tpu.memory_space<hbm>>
        tpu.wait_dma2 semaphore(%run_scoped3A_43 : memref<!tpu.dma_semaphore, #tpu.memory_space<semaphore_mem>>) src(%dma_wait3A_65 : memref<80x128xf32, #tpu.memory_space<hbm>>) dst(%arg7 : memref<80x128xf32, #tpu.memory_space<vmem>>)
        tpu.yield
      }) : () -> ()
      "tpu.region"() ({
        %run_scoped3A_43 = tpu.sem_alloc : memref<!tpu.dma_semaphore, #tpu.memory_space<semaphore_mem>>
        %dma_start3A = arith.constant 0 : i32
        %dma_start3A_44 = arith.constant 0 : i32
        %dma_start3A_45 = tpu.memref_slice %arg6[%dma_start3A, %dma_start3A_44] : memref<64x128xf32, #tpu.memory_space<vmem_shared>> -> memref<64x128xf32, #tpu.memory_space<vmem_shared>>
        tpu.enqueue_indirect_dma source(%arg7 : memref<80x128xf32, #tpu.memory_space<vmem>>) target(%dma_start3A_45 : memref<64x128xf32, #tpu.memory_space<vmem_shared>>) offsets(%arg8 : memref<80xi32, #tpu.memory_space<vmem>>) semaphore(%run_scoped3A_43 : memref<!tpu.dma_semaphore, #tpu.memory_space<semaphore_mem>>) {add = true}
        %dma_wait3A = arith.constant 0 : i32
        %dma_wait3A_46 = arith.constant 0 : i32
        %dma_wait3A_47 = tpu.memref_slice %arg6[%dma_wait3A, %dma_wait3A_46] : memref<64x128xf32, #tpu.memory_space<vmem_shared>> -> memref<64x128xf32, #tpu.memory_space<vmem_shared>>
        tpu.wait_indirect_dma semaphore(%run_scoped3A_43 : memref<!tpu.dma_semaphore, #tpu.memory_space<semaphore_mem>>) src(%arg7 : memref<80x128xf32, #tpu.memory_space<vmem>>) dst(%dma_wait3A_47 : memref<64x128xf32, #tpu.memory_space<vmem_shared>>)
        tpu.yield
      }) : () -> ()
    }
    %barrier3A_32 = arith.constant 0 : index
    tpu.barrier barrier_id(%barrier3A_32)
    %eq3A_33 = arith.constant 0 : i32
    %eq3A_34 = arith.cmpi eq, %arg1, %eq3A_33 : i32
    %convert_element_type3A_35 = arith.extui %eq3A_34 : i1 to i32
    %cond3A_36 = arith.constant 0 : i32
    %cond3A_37 = arith.cmpi ne, %convert_element_type3A_35, %cond3A_36 : i32
    scf.if %cond3A_37 {
      "tpu.region"() ({
        %run_scoped3A = tpu.sem_alloc : memref<!tpu.dma_semaphore, #tpu.memory_space<semaphore_mem>>
        %dma_start3A = arith.constant 0 : i32
        %dma_start3A_38 = arith.constant 0 : i32
        %dma_start3A_39 = tpu.memref_slice %arg5[%arg0, %dma_start3A, %dma_start3A_38] : memref<2x64x128xf32, #tpu.memory_space<hbm>> -> memref<1x64x128xf32, #tpu.memory_space<hbm>>
        %dma_start3A_40 = tpu.memref_squeeze %dma_start3A_39 : memref<1x64x128xf32, #tpu.memory_space<hbm>> -> memref<64x128xf32, #tpu.memory_space<hbm>>
        tpu.enqueue_dma source(%arg6 : memref<64x128xf32, #tpu.memory_space<vmem_shared>>) target(%dma_start3A_40 : memref<64x128xf32, #tpu.memory_space<hbm>>) target_semaphore(%run_scoped3A : memref<!tpu.dma_semaphore, #tpu.memory_space<semaphore_mem>>)
        %dma_wait3A = arith.constant 0 : i32
        %dma_wait3A_41 = arith.constant 0 : i32
        %dma_wait3A_42 = tpu.memref_slice %arg5[%arg0, %dma_wait3A, %dma_wait3A_41] : memref<2x64x128xf32, #tpu.memory_space<hbm>> -> memref<1x64x128xf32, #tpu.memory_space<hbm>>
        %dma_wait3A_43 = tpu.memref_squeeze %dma_wait3A_42 : memref<1x64x128xf32, #tpu.memory_space<hbm>> -> memref<64x128xf32, #tpu.memory_space<hbm>>
        tpu.wait_dma2 semaphore(%run_scoped3A : memref<!tpu.dma_semaphore, #tpu.memory_space<semaphore_mem>>) src(%arg6 : memref<64x128xf32, #tpu.memory_space<vmem_shared>>) dst(%dma_wait3A_43 : memref<64x128xf32, #tpu.memory_space<hbm>>)
        tpu.yield
      }) : () -> ()
    } else {
    }
    return
  }
}

module attributes {stable_mosaic.version = 14 : i64} {
  func.func @_tc_scale_body(%arg0: i32, %arg1: i32, %arg2: memref<1x10000x128xf32, #tpu.memory_space<vmem>>, %arg3: memref<10000x16xf32, #tpu.memory_space<vmem>>, %arg4: memref<1x10000x128xf32, #tpu.memory_space<vmem>>) attributes {dimension_semantics = [#tpu.dimension_semantics<arbitrary>, #tpu.dimension_semantics<arbitrary>], iteration_bounds = array<i64: 2, 1>, scalar_prefetch = 0 : i64, scratch_operands = 0 : i64, tpu.core_type = #tpu.core_type<tc>, window_params = [{transform_indices = @transform_0, window_bounds = array<i64: 1, 10000, 128>}, {transform_indices = @transform_1, window_bounds = array<i64: 10000, 16>}, {transform_indices = @transform_2, window_bounds = array<i64: 1, 10000, 128>}]} {
    %get3A = arith.constant 0 : index
    %get3A_0 = arith.constant 0 : index
    %get3A_1 = vector.load %arg3[%get3A, %get3A_0] : memref<10000x16xf32, #tpu.memory_space<vmem>>, vector<10000x1xf32>
    %get3A_2 = arith.constant 0 : index
    %get3A_3 = arith.constant 0 : index
    %get3A_4 = arith.constant 0 : index
    %get3A_5 = vector.load %arg2[%get3A_2, %get3A_3, %get3A_4] : memref<1x10000x128xf32, #tpu.memory_space<vmem>>, vector<1x10000x128xf32>
    %get3A_6 = vector.shape_cast %get3A_5 : vector<1x10000x128xf32> to vector<10000x128xf32>
    %mul3A = vector.broadcast %get3A_1 : vector<10000x1xf32> to vector<10000x128xf32>
    %mul3A_7 = arith.mulf %mul3A, %get3A_6 : vector<10000x128xf32>
    %swap3A = arith.constant 0 : index
    %swap3A_8 = arith.constant 0 : index
    %swap3A_9 = arith.constant 0 : index
    %swap3A_10 = vector.load %arg4[%swap3A, %swap3A_8, %swap3A_9] : memref<1x10000x128xf32, #tpu.memory_space<vmem>>, vector<1x10000x128xf32>
    %swap3A_11 = vector.shape_cast %swap3A_10 : vector<1x10000x128xf32> to vector<10000x128xf32>
    %swap3A_12 = vector.shape_cast %mul3A_7 : vector<10000x128xf32> to vector<1x10000x128xf32>
    tpu.vector_store %arg4[%swap3A, %swap3A_8, %swap3A_9], %swap3A_12 {strides = array<i32>} : memref<1x10000x128xf32, #tpu.memory_space<vmem>>, vector<1x10000x128xf32>,
    return
  }
  func.func @transform_0(%arg0: i32, %arg1: i32) -> (i32, i32, i32) {
    %c0_i32 = arith.constant 0 : i32
    %c0_i32_0 = arith.constant 0 : i32
    return %arg0, %arg1, %c0_i32 : i32, i32, i32
  }
  func.func @transform_1(%arg0: i32, %arg1: i32) -> (i32, i32) {
    %c0_i32 = arith.constant 0 : i32
    %c0_i32_0 = arith.constant 0 : i32
    return %arg1, %c0_i32 : i32, i32
  }
  func.func @transform_2(%arg0: i32, %arg1: i32) -> (i32, i32, i32) {
    %c0_i32 = arith.constant 0 : i32
    %c0_i32_0 = arith.constant 0 : i32
    return %arg0, %arg1, %c0_i32 : i32, i32, i32
  }
}

module attributes {stable_mosaic.version = 14 : i64} {
  func.func @_tc_layer_body(%arg0: i32, %arg1: i32, %arg2: memref<2x10000x128xf32, #tpu.memory_space<vmem>>, %arg3: memref<256x128xf32, #tpu.memory_space<vmem>>, %arg4: memref<10000x16xf32, #tpu.memory_space<vmem>>, %arg5: memref<1x256xf32, #tpu.memory_space<vmem>>, %arg6: memref<1x10000x128xf32, #tpu.memory_space<vmem>>) attributes {dimension_semantics = [#tpu.dimension_semantics<arbitrary>, #tpu.dimension_semantics<arbitrary>], iteration_bounds = array<i64: 2, 1>, scalar_prefetch = 0 : i64, scratch_operands = 0 : i64, tpu.core_type = #tpu.core_type<tc>, window_params = [{transform_indices = @transform_0, window_bounds = array<i64: 2, 10000, 128>}, {transform_indices = @transform_1, window_bounds = array<i64: 256, 128>}, {transform_indices = @transform_2, window_bounds = array<i64: 10000, 16>}, {pipeline_mode = #tpu.pipeline_mode<synchronous>, transform_indices = @transform_3, window_bounds = array<i64: 1, 256>}, {transform_indices = @transform_4, window_bounds = array<i64: 1, 10000, 128>}]} {
    %get3A = arith.constant 0 : index
    %get3A_0 = arith.constant 0 : index
    %get3A_1 = vector.load %arg4[%get3A, %get3A_0] : memref<10000x16xf32, #tpu.memory_space<vmem>>, vector<10000x1xf32>
    %get3A_2 = arith.constant 0 : index
    %get3A_3 = arith.constant 0 : index
    %get3A_4 = arith.constant 0 : index
    %get3A_5 = vector.load %arg2[%get3A_2, %get3A_3, %get3A_4] : memref<2x10000x128xf32, #tpu.memory_space<vmem>>, vector<1x10000x128xf32>
    %get3A_6 = vector.shape_cast %get3A_5 : vector<1x10000x128xf32> to vector<10000x128xf32>
    %get3A_7 = arith.constant 1 : index
    %get3A_8 = arith.constant 0 : index
    %get3A_9 = arith.constant 0 : index
    %get3A_10 = vector.load %arg2[%get3A_7, %get3A_8, %get3A_9] : memref<2x10000x128xf32, #tpu.memory_space<vmem>>, vector<1x10000x128xf32>
    %get3A_11 = vector.shape_cast %get3A_10 : vector<1x10000x128xf32> to vector<10000x128xf32>
    %concatenate3A = tpu.concatenate %get3A_6, %get3A_11 in 1 : vector<10000x128xf32>, vector<10000x128xf32> -> vector<10000x256xf32>
    %mul3A = vector.broadcast %get3A_1 : vector<10000x1xf32> to vector<10000x256xf32>
    %mul3A_12 = arith.mulf %mul3A, %concatenate3A : vector<10000x256xf32>
    %get3A_13 = arith.constant 0 : index
    %get3A_14 = arith.constant 0 : index
    %get3A_15 = vector.load %arg5[%get3A_13, %get3A_14] : memref<1x256xf32, #tpu.memory_space<vmem>>, vector<1x256xf32>
    %add3A = vector.broadcast %get3A_15 : vector<1x256xf32> to vector<10000x256xf32>
    %add3A_16 = arith.addf %mul3A_12, %add3A : vector<10000x256xf32>
    %max3A = arith.constant 0.000000e+00 : f32
    %max3A_17 = vector.broadcast %max3A : f32 to vector<10000x256xf32>
    %max3A_18 = arith.maximumf %add3A_16, %max3A_17 : vector<10000x256xf32>
    %get3A_19 = arith.constant 0 : index
    %get3A_20 = arith.constant 0 : index
    %get3A_21 = vector.load %arg3[%get3A_19, %get3A_20] : memref<256x128xf32, #tpu.memory_space<vmem>>, vector<256x128xf32>
    %dot_general3A = arith.constant dense<0.000000e+00> : vector<10000x128xf32>
    %dot_general3A_22 = tpu.matmul %max3A_18, %get3A_21, %dot_general3A {dimension_numbers = #tpu.dot_dimension_numbers<[1], [0], [0], [1], [0, 0, 1, 1], [], []>, transpose_lhs_hint = false} : vector<10000x256xf32>, vector<256x128xf32>, vector<10000x128xf32> -> vector<10000x128xf32>
    %mul3A_23 = vector.broadcast %get3A_1 : vector<10000x1xf32> to vector<10000x128xf32>
    %mul3A_24 = arith.mulf %mul3A_23, %dot_general3A_22 : vector<10000x128xf32>
    %swap3A = arith.constant 0 : index
    %swap3A_25 = arith.constant 0 : index
    %swap3A_26 = arith.constant 0 : index
    %swap3A_27 = vector.load %arg6[%swap3A, %swap3A_25, %swap3A_26] : memref<1x10000x128xf32, #tpu.memory_space<vmem>>, vector<1x10000x128xf32>
    %swap3A_28 = vector.shape_cast %swap3A_27 : vector<1x10000x128xf32> to vector<10000x128xf32>
    %swap3A_29 = vector.shape_cast %mul3A_24 : vector<10000x128xf32> to vector<1x10000x128xf32>
    tpu.vector_store %arg6[%swap3A, %swap3A_25, %swap3A_26], %swap3A_29 {strides = array<i32>} : memref<1x10000x128xf32, #tpu.memory_space<vmem>>, vector<1x10000x128xf32>,
    return
  }
  func.func @transform_0(%arg0: i32, %arg1: i32) -> (i32, i32, i32) {
    %c0_i32 = arith.constant 0 : i32
    %c0_i32_0 = arith.constant 0 : i32
    %c0_i32_1 = arith.constant 0 : i32
    return %c0_i32, %arg1, %c0_i32_0 : i32, i32, i32
  }
  func.func @transform_1(%arg0: i32, %arg1: i32) -> (i32, i32) {
    %c0_i32 = arith.constant 0 : i32
    %c0_i32_0 = arith.constant 0 : i32
    return %c0_i32, %arg0 : i32, i32
  }
  func.func @transform_2(%arg0: i32, %arg1: i32) -> (i32, i32) {
    %c0_i32 = arith.constant 0 : i32
    %c0_i32_0 = arith.constant 0 : i32
    return %arg1, %c0_i32 : i32, i32
  }
  func.func @transform_3(%arg0: i32, %arg1: i32) -> (i32, i32) {
    %c0_i32 = arith.constant 0 : i32
    %c0_i32_0 = arith.constant 0 : i32
    %c0_i32_1 = arith.constant 0 : i32
    return %c0_i32, %c0_i32_0 : i32, i32
  }
  func.func @transform_4(%arg0: i32, %arg1: i32) -> (i32, i32, i32) {
    %c0_i32 = arith.constant 0 : i32
    %c0_i32_0 = arith.constant 0 : i32
    return %arg0, %arg1, %c0_i32 : i32, i32, i32
  }
}

module attributes {stable_mosaic.version = 14 : i64} {
  func.func @_tc_l1_body(%arg0: i32, %arg1: i32, %arg2: memref<10000x128xf32, #tpu.memory_space<vmem>>, %arg3: memref<128x128xf32, #tpu.memory_space<vmem>>, %arg4: memref<2x10000x128xf32, #tpu.memory_space<vmem>>, %arg5: memref<1x10000x128xf32, #tpu.memory_space<vmem>>, %arg6: memref<10000x16xf32, #tpu.memory_space<vmem>>) attributes {dimension_semantics = [#tpu.dimension_semantics<arbitrary>, #tpu.dimension_semantics<arbitrary>], iteration_bounds = array<i64: 2, 1>, scalar_prefetch = 0 : i64, scratch_operands = 0 : i64, tpu.core_type = #tpu.core_type<tc>, window_params = [{transform_indices = @transform_0, window_bounds = array<i64: 10000, 128>}, {transform_indices = @transform_1, window_bounds = array<i64: 128, 128>}, {transform_indices = @transform_2, window_bounds = array<i64: 2, 10000, 128>}, {transform_indices = @transform_3, window_bounds = array<i64: 1, 10000, 128>}, {transform_indices = @transform_4, window_bounds = array<i64: 10000, 16>}]} {
    %get3A = arith.constant 0 : index
    %get3A_0 = arith.constant 0 : index
    %get3A_1 = arith.constant 0 : index
    %get3A_2 = vector.load %arg4[%get3A, %get3A_0, %get3A_1] : memref<2x10000x128xf32, #tpu.memory_space<vmem>>, vector<1x10000x1xf32>
    %get3A_3 = vector.shape_cast %get3A_2 : vector<1x10000x1xf32> to vector<10000x1xf32>
    %get3A_4 = arith.constant 1 : index
    %get3A_5 = arith.constant 0 : index
    %get3A_6 = arith.constant 0 : index
    %get3A_7 = vector.load %arg4[%get3A_4, %get3A_5, %get3A_6] : memref<2x10000x128xf32, #tpu.memory_space<vmem>>, vector<1x10000x1xf32>
    %get3A_8 = vector.shape_cast %get3A_7 : vector<1x10000x1xf32> to vector<10000x1xf32>
    %add3A = arith.addf %get3A_3, %get3A_8 : vector<10000x1xf32>
    %add3A_9 = arith.constant 1.000000e+00 : f32
    %add3A_10 = vector.broadcast %add3A_9 : f32 to vector<10000x1xf32>
    %add3A_11 = arith.addf %add3A, %add3A_10 : vector<10000x1xf32>
    %rsqrt3A = math.rsqrt %add3A_11 : vector<10000x1xf32>
    %broadcast_in_dim3A = vector.shape_cast %rsqrt3A : vector<10000x1xf32> to vector<10000x1xf32>
    %broadcast_in_dim3A_12 = vector.broadcast %broadcast_in_dim3A : vector<10000x1xf32> to vector<10000x16xf32>
    %swap3A = arith.constant 0 : index
    %swap3A_13 = arith.constant 0 : index
    %swap3A_14 = vector.load %arg6[%swap3A, %swap3A_13] : memref<10000x16xf32, #tpu.memory_space<vmem>>, vector<10000x16xf32>
    tpu.vector_store %arg6[%swap3A, %swap3A_13], %broadcast_in_dim3A_12 {strides = array<i32>} : memref<10000x16xf32, #tpu.memory_space<vmem>>, vector<10000x16xf32>,
    %get3A_15 = arith.constant 0 : index
    %get3A_16 = arith.constant 0 : index
    %get3A_17 = vector.load %arg2[%get3A_15, %get3A_16] : memref<10000x128xf32, #tpu.memory_space<vmem>>, vector<10000x128xf32>
    %get3A_18 = arith.constant 0 : index
    %get3A_19 = arith.constant 0 : index
    %get3A_20 = vector.load %arg3[%get3A_18, %get3A_19] : memref<128x128xf32, #tpu.memory_space<vmem>>, vector<128x128xf32>
    %dot_general3A = arith.constant dense<0.000000e+00> : vector<10000x128xf32>
    %dot_general3A_21 = tpu.matmul %get3A_17, %get3A_20, %dot_general3A {dimension_numbers = #tpu.dot_dimension_numbers<[1], [0], [0], [1], [0, 0, 1, 1], [], []>, transpose_lhs_hint = false} : vector<10000x128xf32>, vector<128x128xf32>, vector<10000x128xf32> -> vector<10000x128xf32>
    %mul3A = vector.broadcast %rsqrt3A : vector<10000x1xf32> to vector<10000x128xf32>
    %mul3A_22 = arith.mulf %mul3A, %dot_general3A_21 : vector<10000x128xf32>
    %swap3A_23 = arith.constant 0 : index
    %swap3A_24 = arith.constant 0 : index
    %swap3A_25 = arith.constant 0 : index
    %swap3A_26 = vector.load %arg5[%swap3A_23, %swap3A_24, %swap3A_25] : memref<1x10000x128xf32, #tpu.memory_space<vmem>>, vector<1x10000x128xf32>
    %swap3A_27 = vector.shape_cast %swap3A_26 : vector<1x10000x128xf32> to vector<10000x128xf32>
    %swap3A_28 = vector.shape_cast %mul3A_22 : vector<10000x128xf32> to vector<1x10000x128xf32>
    tpu.vector_store %arg5[%swap3A_23, %swap3A_24, %swap3A_25], %swap3A_28 {strides = array<i32>} : memref<1x10000x128xf32, #tpu.memory_space<vmem>>, vector<1x10000x128xf32>,
    return
  }
  func.func @transform_0(%arg0: i32, %arg1: i32) -> (i32, i32) {
    %c0_i32 = arith.constant 0 : i32
    %c0_i32_0 = arith.constant 0 : i32
    return %arg1, %c0_i32 : i32, i32
  }
  func.func @transform_1(%arg0: i32, %arg1: i32) -> (i32, i32) {
    %c0_i32 = arith.constant 0 : i32
    %c0_i32_0 = arith.constant 0 : i32
    return %c0_i32, %arg0 : i32, i32
  }
  func.func @transform_2(%arg0: i32, %arg1: i32) -> (i32, i32, i32) {
    %c0_i32 = arith.constant 0 : i32
    %c0_i32_0 = arith.constant 0 : i32
    %c0_i32_1 = arith.constant 0 : i32
    return %c0_i32, %arg1, %c0_i32_0 : i32, i32, i32
  }
  func.func @transform_3(%arg0: i32, %arg1: i32) -> (i32, i32, i32) {
    %c0_i32 = arith.constant 0 : i32
    %c0_i32_0 = arith.constant 0 : i32
    return %arg0, %arg1, %c0_i32 : i32, i32, i32
  }
  func.func @transform_4(%arg0: i32, %arg1: i32) -> (i32, i32) {
    %c0_i32 = arith.constant 0 : i32
    %c0_i32_0 = arith.constant 0 : i32
    return %arg1, %c0_i32 : i32, i32
  }
}

module attributes {stable_mosaic.version = 14 : i64} {
  func.func @_tc_head_body(%arg0: memref<2x64x128xf32, #tpu.memory_space<vmem>>, %arg1: memref<64x128xf32, #tpu.memory_space<vmem>>, %arg2: memref<1x256xf32, #tpu.memory_space<vmem>>, %arg3: memref<256x10xf32, #tpu.memory_space<vmem>>, %arg4: memref<1x10xf32, #tpu.memory_space<vmem>>, %arg5: memref<64x10xf32, #tpu.memory_space<vmem>>) attributes {dimension_semantics = [], scalar_prefetch = 0 : i64, scratch_operands = 0 : i64, tpu.core_type = #tpu.core_type<tc>} {
    %get3A = arith.constant 0 : index
    %get3A_0 = arith.constant 0 : index
    %get3A_1 = vector.load %arg1[%get3A, %get3A_0] : memref<64x128xf32, #tpu.memory_space<vmem>>, vector<64x1xf32>
    %get3A_2 = arith.constant 0 : index
    %get3A_3 = arith.constant 0 : index
    %get3A_4 = arith.constant 0 : index
    %get3A_5 = vector.load %arg0[%get3A_2, %get3A_3, %get3A_4] : memref<2x64x128xf32, #tpu.memory_space<vmem>>, vector<1x64x128xf32>
    %get3A_6 = vector.shape_cast %get3A_5 : vector<1x64x128xf32> to vector<64x128xf32>
    %get3A_7 = arith.constant 1 : index
    %get3A_8 = arith.constant 0 : index
    %get3A_9 = arith.constant 0 : index
    %get3A_10 = vector.load %arg0[%get3A_7, %get3A_8, %get3A_9] : memref<2x64x128xf32, #tpu.memory_space<vmem>>, vector<1x64x128xf32>
    %get3A_11 = vector.shape_cast %get3A_10 : vector<1x64x128xf32> to vector<64x128xf32>
    %concatenate3A = tpu.concatenate %get3A_6, %get3A_11 in 1 : vector<64x128xf32>, vector<64x128xf32> -> vector<64x256xf32>
    %max3A = arith.constant 1.000000e+00 : f32
    %max3A_12 = vector.broadcast %max3A : f32 to vector<64x1xf32>
    %max3A_13 = arith.maximumf %get3A_1, %max3A_12 : vector<64x1xf32>
    %div3A = vector.broadcast %max3A_13 : vector<64x1xf32> to vector<64x256xf32>
    %div3A_14 = arith.divf %concatenate3A, %div3A : vector<64x256xf32>
    %gt3A = arith.constant 0.000000e+00 : f32
    %gt3A_15 = vector.broadcast %gt3A : f32 to vector<64x1xf32>
    %gt3A_16 = arith.cmpf ogt, %get3A_1, %gt3A_15 : vector<64x1xf32>
    %get3A_17 = arith.constant 0 : index
    %get3A_18 = arith.constant 0 : index
    %get3A_19 = vector.load %arg2[%get3A_17, %get3A_18] : memref<1x256xf32, #tpu.memory_space<vmem>>, vector<1x256xf32>
    %add3A = vector.broadcast %get3A_19 : vector<1x256xf32> to vector<64x256xf32>
    %add3A_20 = arith.addf %div3A_14, %add3A : vector<64x256xf32>
    %jit3A = arith.constant 0.000000e+00 : f32
    %broadcast_in_dim3A = vector.shape_cast %gt3A_16 : vector<64x1xi1> to vector<64x1xi1>
    %broadcast_in_dim3A_21 = vector.broadcast %broadcast_in_dim3A : vector<64x1xi1> to vector<64x256xi1>
    %broadcast_in_dim3A_22 = vector.broadcast %jit3A : f32 to vector<64x256xf32>
    %select_n3A = arith.select %broadcast_in_dim3A_21, %add3A_20, %broadcast_in_dim3A_22 : vector<64x256xi1>, vector<64x256xf32>
    %get3A_23 = arith.constant 0 : index
    %get3A_24 = arith.constant 0 : index
    %get3A_25 = vector.load %arg3[%get3A_23, %get3A_24] : memref<256x10xf32, #tpu.memory_space<vmem>>, vector<256x10xf32>
    %dot_general3A = arith.constant dense<0.000000e+00> : vector<64x10xf32>
    %dot_general3A_26 = tpu.matmul %select_n3A, %get3A_25, %dot_general3A {dimension_numbers = #tpu.dot_dimension_numbers<[1], [0], [0], [1], [0, 0, 1, 1], [], []>, transpose_lhs_hint = false} : vector<64x256xf32>, vector<256x10xf32>, vector<64x10xf32> -> vector<64x10xf32>
    %get3A_27 = arith.constant 0 : index
    %get3A_28 = arith.constant 0 : index
    %get3A_29 = vector.load %arg4[%get3A_27, %get3A_28] : memref<1x10xf32, #tpu.memory_space<vmem>>, vector<1x10xf32>
    %add3A_30 = vector.broadcast %get3A_29 : vector<1x10xf32> to vector<64x10xf32>
    %add3A_31 = arith.addf %dot_general3A_26, %add3A_30 : vector<64x10xf32>
    %swap3A = arith.constant 0 : index
    %swap3A_32 = arith.constant 0 : index
    %swap3A_33 = vector.load %arg5[%swap3A, %swap3A_32] : memref<64x10xf32, #tpu.memory_space<vmem>>, vector<64x10xf32>
    tpu.vector_store %arg5[%swap3A, %swap3A_32], %add3A_31 {strides = array<i32>} : memref<64x10xf32, #tpu.memory_space<vmem>>, vector<64x10xf32>,
    return
  }
}

</mosaic_0001>

<sc_bundles>
// kernel: _gcn.12.cloned.1.call-start
scs
__scs_entry_jumppad:
0x0: {  	(pc) =	sbr.rel $0x88, $3  }
0x1: {  	(tag) =	ssettag $0x0;
	lr =	simm.s32 $0x1  }
0x2: {  	[smem:$0x3F96] =	sst lr;
	_ =	strace $0xD0000000  }
0x3: {  	_ = 	snop  }
0x4: {  	_ = 	snop  }
0x5: {  	_ = 	snop  }
0x6: {  	_ = 	snop  }
0x7: {  	_ = 	snop  }
__scs_overlays_trampoline_lowered:
0x8: {  	[smem:$0x3FA5] =	sst s0  }
0x9: {  	[smem:$0x3FA6] =	sst s1  }
0xa: {  	[smem:$0x3FA7] =	sst s2  }
0xb: {  	[smem:$0x3FA8] =	sst s3  }
0xc: {  	[smem:$0x3FA9] =	sst s4  }
0xd: {  	[smem:$0x3FAA] =	sst s5  }
0xe: {  	[smem:$0x3FAB] =	sst s6  }
0xf: {  	[smem:$0x3FAC] =	sst s7  }
0x10: {  	[smem:$0x3FAD] =	sst s8  }
0x11: {  	[smem:$0x3FAE] =	sst s9;
	s0 =	simm.s32 @!p0 $0x0  }
0x12: {  	s1 =	sld [smem:$0x3F94];
	s0 =	simm.s32 @p0 $0x1  }
0x13: {  	[smem:$0x3FAF] =	sst s0;
	s0 =	simm.s32 @!p1 $0x0  }
0x14: {  	s2 =	sld [smem:$0x3F93];
	s0 =	simm.s32 @p1 $0x1  }
0x15: {  	[smem:$0x3FB0] =	sst s0;
	s0 =	simm.s32 @!p2 $0x0  }
0x16: {  	s3 =	sld [smem:$0x3FDB];
	s0 =	simm.s32 @p2 $0x1  }
0x17: {  	s4 =	simm.s32 $0x1BF5;
	[smem:$0x3FB2] =	sst s0  }
0x18: {  	s0 =	sld [smem:$0x3F95];
	_ =	swait.ge [sflag:s4], $0x0  }
0x19: {  	s7 =	sld [smem:$0x3F96]  }
0x1a: {  	s8 =	sadd.s32 $0xFFFFE003, lr  }
0x1b: {  	s9 =	sadd.s32 $0xFFFFFEF7, lr;
	s5 =	simm.s32 $0xFFFFFFFF;
	p2 =	slt.u32 s8, $0xFFFFF086  }
0x1c: {  	p1 =	slt.u32 s9, $0xF7A;
	s5 =	simm.s32 @!p2 $0x0  }
0x1d: {  	s5 =	simm.s32 @p1 $0x1;
	p0 =	seq.s32 s7, s2  }
0x1e: {  	s7 =	smul.u32 @!p0 $0xF7A, s2;
	p2 =	seq.s32 @!p0 s5, $0x0  }
0x1f: {  	s9 =	smul.u32 $0xF7A, s1;
	s8 =	simm.s32 @!p0 $0x1BF5;
	p2 =	por !p2, p0  }
0x20: {  	[sflag:s8] =	ssyncset.s32 @!p0 $0xFFFFF086;
	s6 =	sadd.s32 @!p0 s3, s7;
	s7 =	simm.s32 @!p0 $0x108  }
0x21: {  	s3 =	sadd.s32 s3, s9;
	s6 =	sadd.s32 @!p0 $0x88, s6;
	s7 =	simm.s32 @p2 $0x1082  }
0x22: {  	[simem:s7], [sflag:s8] =	dma.local @!p0 [hbm:s6], $0xF7A  }
0x23: {  	s9 =	sor.u32 $0xD0000000, s2;
	s6 =	simm.s32 $0x108;
	_ =	swait.ge @!p0 [sflag:s8], $0x0  }
0x24: {  	s3 =	sadd.s32 $0x88, s3;
	s6 =	simm.s32 @!p1 $0x1082;
	[sflag:s4] =	ssyncset.s32 $0xFFFFF086  }
0x25: {  	[simem:s6], [sflag:s4] =	dma.local [hbm:s3], $0xF7A  }
0x26: {  	[smem:$0x3F96] =	sst s1;
	(tag) =	ssettag s2;
	_ =	strace s9  }
0x27: {  	s1 =	sld [smem:$0x3FA6]  }
0x28: {  	s2 =	sld [smem:$0x3FA7]  }
0x29: {  	s4 =	sld [smem:$0x3FA9]  }
0x2a: {  	p0 =	seq.s32 s5, $0x0;
	s5 =	sld [smem:$0x3FAA]  }
0x2b: {  	s6 =	sld [smem:$0x3FAB]  }
0x2c: {  	s7 =	sld [smem:$0x3FAC]  }
0x2d: {  	s3 =	simm.s32 $0x108;
	s8 =	sld [smem:$0x3FAD]  }
0x2e: {  	s3 =	simm.s32 @!p0 $0x1082;
	s9 =	sld [smem:$0x3FAE]  }
0x2f: {  	lr =	sadd.s32 s0, s3;
	s0 =	sld [smem:$0x3FA5]  }
0x30: {  	s3 =	sld [smem:$0x3FA8]  }
0x31: {  	[smem:$0x3FB1] =	sst s10  }
0x32: {  	s10 =	sld [smem:$0x3FAF];
	_ =	sdelay $0x3  }
0x33: {  	p0 =	seq.s32 s10, $0x1;
	s10 =	sld [smem:$0x3FB1];
	_ =	sdelay $0x3  }
0x34: {  	[smem:$0x3FB1] =	sst s10  }
0x35: {  	s10 =	sld [smem:$0x3FB0];
	_ =	sdelay $0x3  }
0x36: {  	p1 =	seq.s32 s10, $0x1;
	s10 =	sld [smem:$0x3FB1];
	_ =	sdelay $0x3  }
0x37: {  	[smem:$0x3FB1] =	sst s10  }
0x38: {  	s10 =	sld [smem:$0x3FB2]  }
0x39: {  	_ = 	snop;
	(pc) =	sbr.ind lr, $3  }
0x3a: {  	_ = 	snop  }
0x3b: {  	_ = 	snop  }
0x3c: {  	p2 =	seq.s32 s10, $0x1;
	s10 =	sld [smem:$0x3FB1]  }
0x3d: {  	_ =	shalt  }
0x3e: {  	_ =	shalt  }
0x3f: {  	_ =	shalt  }
0x40: {  	_ =	shalt  }
0x41: {  	_ =	shalt  }
0x42: {  	_ =	shalt  }
0x43: {  	_ =	shalt  }
0x44: {  	_ =	shalt  }
0x45: {  	_ =	shalt  }
0x46: {  	_ =	shalt  }
0x47: {  	_ =	shalt  }
0x48: {  	_ =	shalt  }
0x49: {  	_ =	shalt  }
0x4a: {  	_ =	shalt  }
0x4b: {  	_ =	shalt  }
0x4c: {  	_ =	shalt  }
0x4d: {  	_ =	shalt  }
0x4e: {  	_ =	shalt  }
0x4f: {  	_ =	shalt  }
0x50: {  	_ =	shalt  }
0x51: {  	_ =	shalt  }
0x52: {  	_ =	shalt  }
0x53: {  	_ =	shalt  }
0x54: {  	_ =	shalt  }
0x55: {  	_ =	shalt  }
0x56: {  	_ =	shalt  }
0x57: {  	_ =	shalt  }
0x58: {  	_ =	shalt  }
0x59: {  	_ =	shalt  }
0x5a: {  	_ =	shalt  }
0x5b: {  	_ =	shalt  }
0x5c: {  	_ =	shalt  }
0x5d: {  	_ =	shalt  }
0x5e: {  	_ =	shalt  }
0x5f: {  	_ =	shalt  }
0x60: {  	_ =	shalt  }
0x61: {  	_ =	shalt  }
0x62: {  	_ =	shalt  }
0x63: {  	_ =	shalt  }
0x64: {  	_ =	shalt  }
0x65: {  	_ =	shalt  }
0x66: {  	_ =	shalt  }
0x67: {  	_ =	shalt  }
0x68: {  	_ =	shalt  }
0x69: {  	_ =	shalt  }
0x6a: {  	_ =	shalt  }
0x6b: {  	_ =	shalt  }
0x6c: {  	_ =	shalt  }
0x6d: {  	_ =	shalt  }
0x6e: {  	_ =	shalt  }
0x6f: {  	_ =	shalt  }
0x70: {  	_ =	shalt  }
0x71: {  	_ =	shalt  }
0x72: {  	_ =	shalt  }
0x73: {  	_ =	shalt  }
0x74: {  	_ =	shalt  }
0x75: {  	_ =	shalt  }
0x76: {  	_ =	shalt  }
0x77: {  	_ =	shalt  }
0x78: {  	_ =	shalt  }
0x79: {  	_ =	shalt  }
0x7a: {  	_ =	shalt  }
0x7b: {  	_ =	shalt  }
0x7c: {  	_ =	shalt  }
0x7d: {  	_ =	shalt  }
0x7e: {  	_ =	shalt  }
0x7f: {  	_ =	shalt  }
0x80: {  	_ =	shalt  }
0x81: {  	_ =	shalt  }
0x82: {  	_ =	shalt  }
0x83: {  	_ =	shalt  }
0x84: {  	_ =	shalt  }
0x85: {  	_ =	shalt  }
0x86: {  	_ =	shalt  }
0x87: {  	_ =	shalt  }
.Lfunc_end0:
.L_simem_size_0:
called_computation.2_lowered:
.L_overlay_start_0:
0x88: {  	s2 =	sld [smem:$0x3FD9]  }
0x89: {  	s3 =	sld [smem:$0x3FFE];
	_ =	sdelay $0x1  }
0x8a: {  	s1 =	srdreg.scid  }
0x8b: {  	s0 =	sand.u32 $0x1, s1  }
0x8c: {  	s16 =	sshll.u32 s0, $0xA;
	s2 =	sadd.s32 s3, s2  }
0x8d: {  	s2 =	sadd.s32 s2, s16  }
0x8e: {  	[smem:$0x3FBD] =	sst s2  }
0x8f: {  	_ = 	snop  }
0x90: {  	(tm) =	ssettm $0x1  }
0x91: {  	s17 =	sld [smem:$0x3FFB];
	_ =	sdelay $0x3  }
0x92: {  	_ =	strace s17  }
0x93: {  	s2 =	sld [smem:$0x3FFC];
	_ =	sdelay $0x3  }
0x94: {  	_ =	strace s2  }
0x95: {  	s2 =	sld [smem:$0x3FFD];
	_ =	sdelay $0x3  }
0x96: {  	_ =	strace s2  }
0x97: {  	_ =	strace $0x8FFFFFFF  }
0x98: {  	s18 =	sld [smem:$0x3FDB];
	_ =	sdelay $0x1  }
0x99: {  	s19 =	simm.s32 $_scs_section_size  }
0x9a: {  	s4 =	simm.s32 $_size__tile_overlayer_lowered;
	s5 =	simm.s32 $_tile_overlayer_lowered  }
0x9b: {  	s22 =	simm.s32 $0x1BFF;
	s21 =	sshll.u32 s5, $0x1;
	s2 =	sadd.s32 s19, s18  }
0x9c: {  	s6 =	simm.s32 $0x0;
	s20 =	sshll.u32 s4, $0x1;
	s4 =	sadd.s32 s21, s2  }
0x9d: {  	[timem:s6], [sflag:s22] =	dma.local [hbm:s4], s20  }
0x9e: {  	_ =	swait.ge [sflag:s22], s20  }
0x9f: {  	s3 =	ssub.s32 $0x0, s20;
	[sflag:s22] =	ssyncset.done $0x0  }
0xa0: {  	[sflag:s22] =	ssyncadd.s32 s3;
	_ =	sdelay $0x1  }
0xa1: {  	s23 =	simm.s32 $0x1B8B  }
0xa2: {  	_ =	swait.ge [sflag:s23], $0x1  }
0xa3: {  	[sflag:s23] =	ssyncset.done $0x0  }
0xa4: {  	s25 =	simm.s32 $0x1B8E;
	s24 =	sld [smem:$0x3FFE];
	[sflag:s23] =	ssyncadd.s32 $0xFFFFFFFF  }
0xa5: {  	s26 =	simm.s32 $execute0_lowered;
	[smem:$0x3FD2] =	sst s25  }
0xa6: {  	s4 =	sshll.u32 s26, $0x1;
	_ =	strace $0x80000046;
	[dreg:$0x1] =	wrdreg $0xFFFFFFFF  }
0xa7: {  	s28 =	simm.s32 $_size_execute0_lowered;
	s2 =	sadd.s32 s2, s4;
	[dreg:$0x0] =	wrdreg $0x0  }
0xa8: {  	s4 =	sshll.u32 s28, $0x1;
	[dreg:$0x2] =	wrdreg s2  }
0xa9: {  	[dreg:$0x3] =	wrdreg s4  }
0xaa: {  	[dreg:$0x4] =	wrdreg $0xC0  }
0xab: {  	_ =	task [dreg:s6], $0x5FFFF  }
0xac: {  	[dreg:$0x1] =	wrdreg $0xFFFFFFFF  }
0xad: {  	[dreg:$0x0] =	wrdreg $0x60  }
0xae: {  	[dreg:$0x2] =	wrdreg s24  }
0xaf: {  	[dreg:$0x3] =	wrdreg $0x0  }
0xb0: {  	[dreg:$0x4] =	wrdreg $0x138800  }
0xb1: {  	[dreg:$0x5] =	wrdreg $0xB  }
0xb2: {  	_ =	task.clear_ibuf [dreg:s6], $0x6FFFF;
	_ =	strace $0x90000046  }
0xb3: {  	s29 =	simm.s32 $0xB;
	_ =	strace $0x80000048  }
0xb4: {  	_ =	swait.ge [sflag:s29], $0x1  }
0xb5: {  	[sflag:s29] =	ssyncadd.s32 $0xFFFFFFFF  }
0xb6: {  	_ =	strace $0x90000048  }
0xb7: {  	_ =	sfence  }
0xb8: {  	s30 =	sld [smem:$0x0];
	_ =	sdelay $0x2  }
0xb9: {  	s31 =	sshll.u32 s1, $0xD;
	s1 =	sshrl.u32 s1, $0x2  }
0xba: {  	s3 =	sand.u32 $0x4000, s31;
	s1 =	sadd.s32 s1, s30  }
0xbb: {  	s0 =	sor.u32 s3, s0;
	s1 =	sshll.u32 s1, $0x11  }
0xbc: {  	s0 =	sor.u32 s1, s0  }
0xbd: {  	s0 =	sadd.s32 $0x8F2B, s0  }
0xbe: {  	[sflag:s0] =	ssyncadd.remote.s32 $0x1  }
0xbf: {  	_ =	sfence.sel $0xFFFF  }
0xc0: {  	[dreg:$0x0] =	wrdreg $0xFFFFFFFF;
	(pc) =	sbr.abs _section_cstart, $3  }
0xc1: {  	[dreg:$0x1] =	wrdreg $0xFFFFFFFF  }
0xc2: {  	_ =	task.clear_ibuf [dreg:s6], $0x2FFFF;
	_ =	strace $0x9FFFFFFF  }
0xc3: {  	(tm) =	ssettm $0x7FFFFFFF  }
tec
execute0_lowered:
.L_overlay_start_1:
0x0: {  	(tag) =	ssettag $0x1  }
0x1: {  	s7 =	rddreg [dreg:$0x0]  }
0x2: {  	s0 =	srdreg.scid;
	s2 =	rddreg [dreg:$0x1]  }
0x3: {  	s3 =	rddreg [dreg:$0x2];
	s1 =	stileid.u32  }
0x4: {  	s4 =	simm.s32 $0x0;
	s20 =	simm.s32 $0x80;
	s21 =	simm.s32 $0x17A80  }
0x5: {  	s22 =	simm.s32 $0x1CA80;
	s23 =	simm.s32 $0x50;
	s9 =	sand.u32 $0x1, s0  }
0x6: {  	[smem:$0x7FF] =	sst s4;
	s6 =	sshll.u32 s1, $0x4;
	s14 =	smul.u32 $0x4E000, s1  }
0x7: {  	s16 =	smul.u32 $0xFFFFFFB0, s1;
	p1 =	seq.s32 s1, $0x0;
	s29 =	ssub.s32 $0x8C, s1  }
0x8: {  	s25 =	smul.u32 $0x2700, s1;
	s31 =	sshll.u32 s1, $0x6;
	s5 =	sshll.u32 s9, $0x4  }
0x9: {  	_ =	strace $0x80000047;
	s13 =	sadd.s32 s6, s7;
	s11 =	smul.u32 $0x27100, s9  }
0xa: {  	s26 =	ssub.s32 $0x2, s9;
	s17 =	smul.u32 $0xFFFFFB00, s9;
	s8 =	sor.u32 s1, s5  }
0xb: {  	s6 =	sadd.s32 $0x22000, s7;
	s15 =	sshrl.u32 s26, $0x1;
	s5 =	smul.u32 $0x500, s8  }
0xc: {  	s28 =	sshrl.u32 s14, $0x2;
	s13 =	sadd.s32 $0x17800, s13;
	s12 =	smul.u32 $0xFFFFFFB0, s8  }
0xd: {  	s11 =	sadd.s32 s11, s7;
	s15 =	ssub.s32 s26, s15;
	s14 =	sadd.s32 s16, s17  }
0xe: {  	s18 =	sadd.s32 s28, s2;
	s16 =	simm.s32 $0x1A280;
	s17 =	sor.u32 $0x1C03, s31  }
0xf: {  	p2 =	slt.s32 s14, $0xFFFFF68C;
	s24 =	sadd.s32 $0x25000, s11;
	s11 =	smax.u32 s15, $0x1  }
0x10: {  	s15 =	simm.s32 $0x3;
	s18 =	sshrl.u32 s18, $0x3;
	s10 =	sadd.s32 s5, s7  }
0x11: {  	s5 =	sadd.s32 $0x24800, s7;
	s7 =	sadd.s32 $0x73200, s7;
	p0 =	slt.s32 s12, $0xFFFFF68C  }
.Ltmp0:
0x12: {  	s14 =	simm.s32 @!p2 $0xFFFFF68C;
	s24 =	sadd.s32 s25, s24;
	(pc) =	sbr.rel .LBB2_1-.Ltmp0, $4  }
0x13: {  	s25 =	simm.s32 $0x0;
	s12 =	simm.s32 @!p0 $0xFFFFF68C;
	p0 =	seq.s32 s9, $0x1  }
0x14: {  	s8 =	sadd.s32 $0x18000, s10;
	s9 =	sshrl.u32 s29, $0x4;
	p1 =	por !p1, !p0  }
0x15: {  	s30 =	sadd.s32 $0x9C4, s14;
	s14 =	simm.s32 $0x13A80;
	p1 =	por !p1, !p1  }
0x16: {  	s10 =	sshrl.u32 s30, $0x1;
	s12 =	sadd.s32 $0x9C3, s12;
	s19 =	sshrl.u32 @p1 s3, $0x3  }
.LBB2_8:
0x17: {  	[sflag:s15] =	ssyncadd.s32 $0xFFFFD800  }
.LBB2_9:
0x18: {  	[bflag:$0x0] =	sbarrier.arrive $0xFFFF  }
0x19: {  	[hbm:s24], [sflag:s17] =	dma.local [spmem:s18], $0x2800  }
0x1a: {  	s25 =	sadd.s32 $0x1, s25;
	_ =	swait.ge [sflag:s15], $0x2800  }
0x1b: {  	p2 =	sne.s32 s25, s11;
	[sflag:s15] =	ssyncset.done $0x0  }
.Ltmp1:
0x1c: {  	s0 =	simm.s32 @p1 $0x3;
	[sflag:s15] =	ssyncadd.s32 $0xFFFFD800;
	(pc) =	sbr.rel @!p2 .LBB2_10-.Ltmp1, $4  }
0x1d: {  	[hbm:s7], [sflag:s17] =	dma.local @p1 [spmem:s19], $0x400  }
0x1e: {  	_ =	swait.ge @p1 [sflag:s0], $0x400  }
0x1f: {  	[sflag:s0] =	ssyncset.done @p1 $0x0  }
0x20: {  	[sflag:s0] =	ssyncadd.s32 @p1 $0xFFFFFC00  }
.LBB2_1:
0x21: {  	[tilespmem:s14], [sflag:$0x3] =	stream.linear.gather [hbm4b:s5+s4], $0x4000, $0x38;
	[tilespmem:$0x1CB00] =	vst v63  }
0x22: {  	_ =	swait.ge [sflag:s15], $0x4000  }
0x23: {  	[sflag:s15] =	ssyncset.done $0x0  }
0x24: {  	[sflag:s15] =	ssyncadd.s32 $0xFFFFC000  }
0x25: {  	[tilespmem:s16], [sflag:$0x3] =	stream.linear.gather [hbm4b:s8+s4], $0x2800, $0x38;
	[tilespmem:$0x1CB00] =	vst v63  }
0x26: {  	_ =	swait.ge [sflag:s15], $0x2800  }
0x27: {  	[sflag:s15] =	ssyncset.done $0x0  }
0x28: {  	[sflag:s15] =	ssyncadd.s32 $0xFFFFD800  }
0x29: {  	[spmem:s18], [sflag:s17] =	dma.local [hbm:s6], $0x2800  }
0x2a: {  	_ =	swait.ge [sflag:s15], $0x2800  }
0x2b: {  	s28 =	sadd.s32 $0xFFFFFFFF, s10;
	[sflag:s15] =	ssyncset.done $0x0  }
0x2c: {  	s26 =	simm.s32 @p1 $0x3;
	p3 =	sne.s32 s28, $0x0;
	[sflag:s15] =	ssyncadd.s32 $0xFFFFD800  }
0x2d: {  	[spmem:s19], [sflag:s17] =	dma.local @p1 [hbm:s6], $0x400  }
.Ltmp2:
0x2e: {  	_ =	swait.ge @p1 [sflag:s26], $0x400;
	(pc) =	sbr.rel @!p3 .LBB2_2-.Ltmp2, $4  }
0x2f: {  	[sflag:s26] =	ssyncset.done @p1 $0x0  }
0x30: {  	[sflag:s26] =	ssyncadd.s32 @p1 $0xFFFFFC00  }
0x31: {  	[bflag:$0x0] =	sbarrier.arrive $0xFFFF  }
0x32: {  	p2 =	por $0x0, $0x0;
	s26 =	simm.s32 $0x1A300  }
0x33: {  	s29 =	simm.s32 $0x1A280;
	p2 =	sle.s32 s12, $0x0  }
0x34: {  	[spmem:s2] =	stream.indirect.scatter.add.f32 [tilespmem:s14], [sflag:$0x1], $0x80, s29, s20, $0xb8;
	[tilespmem:$0x1CB00] =	vst v63  }
0x35: {  	s29 =	simm.s32 @!p2 $0x80;
	s30 =	simm.s32 @!p2 $0x13A80  }
0x36: {  	[spmem:s2] =	stream.indirect.scatter.add.f32 @!p2 [tilespmem:s30], [sflag:$0x2], $0x80, s26, s29, $0xb8;
	[tilespmem:$0x1CB00] =	vst v63  }
0x37: {  	s30 =	sadd.s32 $0xFFFFFFFF, s28  }
0x38: {  	s31 =	simm.s32 @!p2 $0x1;
	p3 =	sne.s32 s30, $0x0  }
.Ltmp3:
0x39: {  	_ =	swait.ge @!p2 [sflag:s31], $0x4000;
	(pc) =	sbr.rel @!p3 .LBB2_5-.Ltmp3, $4  }
0x3a: {  	s29 =	simm.s32 @!p2 $0x2;
	[sflag:s31] =	ssyncset.done @!p2 $0x0  }
0x3b: {  	s29 =	simm.s32 @p2 $0x1;
	[sflag:s31] =	ssyncadd.s32 @!p2 $0xFFFFC000  }
0x3c: {  	s26 =	simm.s32 $0x1A400;
	_ =	swait.ge [sflag:s29], $0x4000  }
0x3d: {  	s28 =	simm.s32 $0x2;
	p2 =	por $0x1, $0x1;
	[sflag:s29] =	ssyncset.done $0x0  }
.LBB2_4:
0x3e: {  	s31 =	sadd.s32 $0xFFFFFF80, s26;
	p3 =	sge.s32 s28, s12;
	[sflag:s29] =	ssyncadd.s32 $0xFFFFC000  }
0x3f: {  	[spmem:s2] =	stream.indirect.scatter.add.f32 [tilespmem:s14], [sflag:$0x1], $0x80, s31, s20, $0xb8;
	[tilespmem:$0x1CB00] =	vst v63  }
0x40: {  	s30 =	sadd.s32 $0xFFFFFFFF, s30;
	s29 =	simm.s32 @!p3 $0x80  }
0x41: {  	s31 =	simm.s32 @!p3 $0x13A80;
	s0 =	simm.s32 @!p3 $0x1;
	p4 =	sne.s32 s30, $0x0  }
0x42: {  	[spmem:s2] =	stream.indirect.scatter.add.f32 @!p3 [tilespmem:s31], [sflag:$0x2], $0x80, s26, s29, $0xb8;
	[tilespmem:$0x1CB00] =	vst v63  }
.Ltmp4:
0x43: {  	s29 =	simm.s32 @!p3 $0x2;
	_ =	swait.ge @!p3 [sflag:s0], $0x4000;
	(pc) =	sbr.rel @p4 .LBB2_4-.Ltmp4, $4  }
0x44: {  	[sflag:s0] =	ssyncset.done @!p3 $0x0  }
0x45: {  	s29 =	simm.s32 @p3 $0x1;
	[sflag:s0] =	ssyncadd.s32 @!p3 $0xFFFFC000  }
0x46: {  	_ =	swait.ge [sflag:s29], $0x4000  }
0x47: {  	s28 =	sadd.s32 $0x2, s28;
	s26 =	sadd.s32 $0x100, s26;
	[sflag:s29] =	ssyncset.done $0x0  }
.LBB2_5:
0x48: {  	s0 =	sadd.s32 $0xFFFFFF80, s26;
	p3 =	sge.s32 s28, s12;
	[sflag:s29] =	ssyncadd.s32 @p2 $0xFFFFC000  }
0x49: {  	[spmem:s2] =	stream.indirect.scatter.add.f32 [tilespmem:s14], [sflag:$0x1], $0x80, s0, s20, $0xb8;
	[tilespmem:$0x1CB00] =	vst v63  }
0x4a: {  	s0 =	simm.s32 @!p3 $0x80;
	s28 =	simm.s32 @!p3 $0x13A80;
	s29 =	simm.s32 @!p3 $0x1  }
0x4b: {  	[spmem:s2] =	stream.indirect.scatter.add.f32 @!p3 [tilespmem:s28], [sflag:$0x2], $0x80, s26, s0, $0xb8;
	[tilespmem:$0x1CB00] =	vst v63  }
0x4c: {  	_ =	swait.ge @!p3 [sflag:s29], $0x4000  }
.Ltmp5:
0x4d: {  	s0 =	simm.s32 @!p3 $0x2;
	[sflag:s29] =	ssyncset.done @!p3 $0x0;
	(pc) =	sbr.rel @!p0 .LBB2_9-.Ltmp5, $4  }
0x4e: {  	s0 =	simm.s32 @p3 $0x1;
	[sflag:s29] =	ssyncadd.s32 @!p3 $0xFFFFC000  }
0x4f: {  	_ =	swait.ge [sflag:s0], $0x4000  }
0x50: {  	[sflag:s0] =	ssyncset.done $0x0  }
0x51: {  	[sflag:s0] =	ssyncadd.s32 $0xFFFFC000  }
0x52: {  	[tilespmem:s21], [sflag:$0x3] =	stream.linear.gather [hbm4b:s5+s4], $0x2800, $0x38;
	[tilespmem:$0x1CB00] =	vst v63  }
0x53: {  	_ =	swait.ge [sflag:s15], $0x2800  }
0x54: {  	[sflag:s15] =	ssyncset.done $0x0  }
0x55: {  	[sflag:s15] =	ssyncadd.s32 $0xFFFFD800  }
0x56: {  	[tilespmem:s22], [sflag:$0x3] =	stream.linear.gather [hbm4b:s13+s4], $0x80, $0x38;
	[tilespmem:$0x1CB00] =	vst v63  }
0x57: {  	p2 =	sne.s32 s9, $0x1;
	_ =	swait.ge [sflag:s15], $0x80  }
.Ltmp6:
0x58: {  	[sflag:s15] =	ssyncset.done $0x0;
	(pc) =	sbr.rel @!p2 .LBB2_8-.Ltmp6, $4  }
0x59: {  	[sflag:s15] =	ssyncadd.s32 $0xFFFFFF80  }
0x5a: {  	[spmem:s3] =	stream.indirect.scatter.add.f32 [tilespmem:s21], [sflag:$0x3], $0x80, s22, s23, $0xb8;
	[tilespmem:$0x1CB00] =	vst v63  }
0x5b: {  	_ =	swait.ge [sflag:s15], $0x2800  }
0x5c: {  	s26 =	sadd.s32 $0xFFFFFFFF, s9;
	s28 =	smov.u32 s13;
	[sflag:s15] =	ssyncset.done $0x0  }
.LBB2_7:
0x5d: {  	p2 =	sne.s32 s26, $0x1;
	[sflag:s15] =	ssyncadd.s32 $0xFFFFD800;
	s28 =	sadd.s32 $0x100, s28  }
0x5e: {  	[tilespmem:s22], [sflag:$0x3] =	stream.linear.gather [hbm4b:s28+s4], $0x80, $0x38;
	[tilespmem:$0x1CB00] =	vst v63  }
0x5f: {  	s26 =	sadd.s32 $0xFFFFFFFF, s26;
	_ =	swait.ge [sflag:s15], $0x80  }
.Ltmp7:
0x60: {  	[sflag:s15] =	ssyncset.done $0x0;
	(pc) =	sbr.rel @p2 .LBB2_7-.Ltmp7, $4  }
0x61: {  	[sflag:s15] =	ssyncadd.s32 $0xFFFFFF80  }
0x62: {  	[spmem:s3] =	stream.indirect.scatter.add.f32 [tilespmem:s21], [sflag:$0x3], $0x80, s22, s23, $0xb8;
	[tilespmem:$0x1CB00] =	vst v63  }
0x63: {  	_ =	swait.ge [sflag:s15], $0x2800  }
0x64: {  	[sflag:s15] =	ssyncset.done $0x0  }
.Ltmp8:
0x65: {  	_ = 	snop;
	(pc) =	sbr.rel .LBB2_8-.Ltmp8, $1  }
0x66: {  	_ =	sdelay $0x3  }
.LBB2_2:
.Ltmp9:
0x67: {  	(pc) =	sbr.rel .LBB2_5-.Ltmp9, $2  }
0x68: {  	_ =	sdelay $0x2  }
0x69: {  	s28 =	simm.s32 $0x0  }
.LBB2_10:
0x6a: {  	_ =	sfence.sel $0x180000  }
0x6b: {  	[bflag:$0x0] =	sbarrier.arrive $0xFFFF  }
0x6c: {  	_ =	strace $0x90000047  }
0x6d: {  	[bflag:$0x2] =	sbarrier.arrive $0xFFFF  }
0x6e: {  	p0 =	sne.s32 s1, $0x0;
	s0 =	rddreg [dreg:$0x3]  }
0x6f: {  	s0 =	sadd.s32 @!p0 $0x100000, s0  }
0x70: {  	[sflag:s0] =	ssyncadd.tile.s32 @!p0 $0x1;
	_ =	shalt  }
.Lfunc_end2:
_tile_overlayer_lowered:
.L_overlay_start_2:
0x71: {  	(tag) =	ssettag $0x2  }
0x72: {  	s0 =	rddreg [dreg:$0x0];
	s2 =	stileid.u32  }
0x73: {  	s1 =	rddreg [dreg:$0x1];
	p0 =	sne.s32 s2, $0x0  }
0x74: {  	s3 =	rddreg [dreg:$0x2];
	[bflag:$0x3] =	sbarrier.arrive $0xFFFF;
	s2 =	simm.s32 @!p0 $0x1C03  }
0x75: {  	[timem:s3], [sflag:s2] =	dma.local @!p0 [hbm:s0], s1  }
0x76: {  	s0 =	simm.s32 @!p0 $0x3  }
0x77: {  	_ =	swait.ge @!p0 [sflag:s0], s1  }
0x78: {  	s1 =	ssub.s32 @!p0 $0x0, s1;
	[sflag:s0] =	ssyncset.done @!p0 $0x0  }
0x79: {  	[sflag:s0] =	ssyncadd.s32 @!p0 s1  }
0x7a: {  	[bflag:$0x3] =	sbarrier.arrive $0xFFFF  }
0x7b: {  	_ =	shalt  }

// kernel: _gcn.15.cloned.1.call-start
scs
__scs_entry_jumppad:
0x0: {  	(pc) =	sbr.rel $0x88, $3  }
0x1: {  	(tag) =	ssettag $0x0;
	lr =	simm.s32 $0x1  }
0x2: {  	[smem:$0x3F96] =	sst lr;
	_ =	strace $0xD0000000  }
0x3: {  	_ = 	snop  }
0x4: {  	_ = 	snop  }
0x5: {  	_ = 	snop  }
0x6: {  	_ = 	snop  }
0x7: {  	_ = 	snop  }
__scs_overlays_trampoline_lowered:
0x8: {  	[smem:$0x3FA5] =	sst s0  }
0x9: {  	[smem:$0x3FA6] =	sst s1  }
0xa: {  	[smem:$0x3FA7] =	sst s2  }
0xb: {  	[smem:$0x3FA8] =	sst s3  }
0xc: {  	[smem:$0x3FA9] =	sst s4  }
0xd: {  	[smem:$0x3FAA] =	sst s5  }
0xe: {  	[smem:$0x3FAB] =	sst s6  }
0xf: {  	[smem:$0x3FAC] =	sst s7  }
0x10: {  	[smem:$0x3FAD] =	sst s8  }
0x11: {  	[smem:$0x3FAE] =	sst s9;
	s0 =	simm.s32 @!p0 $0x0  }
0x12: {  	s1 =	sld [smem:$0x3F94];
	s0 =	simm.s32 @p0 $0x1  }
0x13: {  	[smem:$0x3FAF] =	sst s0;
	s0 =	simm.s32 @!p1 $0x0  }
0x14: {  	s2 =	sld [smem:$0x3F93];
	s0 =	simm.s32 @p1 $0x1  }
0x15: {  	[smem:$0x3FB0] =	sst s0;
	s0 =	simm.s32 @!p2 $0x0  }
0x16: {  	s3 =	sld [smem:$0x3FDB];
	s0 =	simm.s32 @p2 $0x1  }
0x17: {  	s4 =	simm.s32 $0x1BF5;
	[smem:$0x3FB2] =	sst s0  }
0x18: {  	s0 =	sld [smem:$0x3F95];
	_ =	swait.ge [sflag:s4], $0x0  }
0x19: {  	s7 =	sld [smem:$0x3F96]  }
0x1a: {  	s8 =	sadd.s32 $0xFFFFE003, lr  }
0x1b: {  	s9 =	sadd.s32 $0xFFFFFEF7, lr;
	s5 =	simm.s32 $0xFFFFFFFF;
	p2 =	slt.u32 s8, $0xFFFFF086  }
0x1c: {  	p1 =	slt.u32 s9, $0xF7A;
	s5 =	simm.s32 @!p2 $0x0  }
0x1d: {  	s5 =	simm.s32 @p1 $0x1;
	p0 =	seq.s32 s7, s2  }
0x1e: {  	s7 =	smul.u32 @!p0 $0xF7A, s2;
	p2 =	seq.s32 @!p0 s5, $0x0  }
0x1f: {  	s9 =	smul.u32 $0xF7A, s1;
	s8 =	simm.s32 @!p0 $0x1BF5;
	p2 =	por !p2, p0  }
0x20: {  	[sflag:s8] =	ssyncset.s32 @!p0 $0xFFFFF086;
	s6 =	sadd.s32 @!p0 s3, s7;
	s7 =	simm.s32 @!p0 $0x108  }
0x21: {  	s3 =	sadd.s32 s3, s9;
	s6 =	sadd.s32 @!p0 $0x88, s6;
	s7 =	simm.s32 @p2 $0x1082  }
0x22: {  	[simem:s7], [sflag:s8] =	dma.local @!p0 [hbm:s6], $0xF7A  }
0x23: {  	s9 =	sor.u32 $0xD0000000, s2;
	s6 =	simm.s32 $0x108;
	_ =	swait.ge @!p0 [sflag:s8], $0x0  }
0x24: {  	s3 =	sadd.s32 $0x88, s3;
	s6 =	simm.s32 @!p1 $0x1082;
	[sflag:s4] =	ssyncset.s32 $0xFFFFF086  }
0x25: {  	[simem:s6], [sflag:s4] =	dma.local [hbm:s3], $0xF7A  }
0x26: {  	[smem:$0x3F96] =	sst s1;
	(tag) =	ssettag s2;
	_ =	strace s9  }
0x27: {  	s1 =	sld [smem:$0x3FA6]  }
0x28: {  	s2 =	sld [smem:$0x3FA7]  }
0x29: {  	s4 =	sld [smem:$0x3FA9]  }
0x2a: {  	p0 =	seq.s32 s5, $0x0;
	s5 =	sld [smem:$0x3FAA]  }
0x2b: {  	s6 =	sld [smem:$0x3FAB]  }
0x2c: {  	s7 =	sld [smem:$0x3FAC]  }
0x2d: {  	s3 =	simm.s32 $0x108;
	s8 =	sld [smem:$0x3FAD]  }
0x2e: {  	s3 =	simm.s32 @!p0 $0x1082;
	s9 =	sld [smem:$0x3FAE]  }
0x2f: {  	lr =	sadd.s32 s0, s3;
	s0 =	sld [smem:$0x3FA5]  }
0x30: {  	s3 =	sld [smem:$0x3FA8]  }
0x31: {  	[smem:$0x3FB1] =	sst s10  }
0x32: {  	s10 =	sld [smem:$0x3FAF];
	_ =	sdelay $0x3  }
0x33: {  	p0 =	seq.s32 s10, $0x1;
	s10 =	sld [smem:$0x3FB1];
	_ =	sdelay $0x3  }
0x34: {  	[smem:$0x3FB1] =	sst s10  }
0x35: {  	s10 =	sld [smem:$0x3FB0];
	_ =	sdelay $0x3  }
0x36: {  	p1 =	seq.s32 s10, $0x1;
	s10 =	sld [smem:$0x3FB1];
	_ =	sdelay $0x3  }
0x37: {  	[smem:$0x3FB1] =	sst s10  }
0x38: {  	s10 =	sld [smem:$0x3FB2]  }
0x39: {  	_ = 	snop;
	(pc) =	sbr.ind lr, $3  }
0x3a: {  	_ = 	snop  }
0x3b: {  	_ = 	snop  }
0x3c: {  	p2 =	seq.s32 s10, $0x1;
	s10 =	sld [smem:$0x3FB1]  }
0x3d: {  	_ =	shalt  }
0x3e: {  	_ =	shalt  }
0x3f: {  	_ =	shalt  }
0x40: {  	_ =	shalt  }
0x41: {  	_ =	shalt  }
0x42: {  	_ =	shalt  }
0x43: {  	_ =	shalt  }
0x44: {  	_ =	shalt  }
0x45: {  	_ =	shalt  }
0x46: {  	_ =	shalt  }
0x47: {  	_ =	shalt  }
0x48: {  	_ =	shalt  }
0x49: {  	_ =	shalt  }
0x4a: {  	_ =	shalt  }
0x4b: {  	_ =	shalt  }
0x4c: {  	_ =	shalt  }
0x4d: {  	_ =	shalt  }
0x4e: {  	_ =	shalt  }
0x4f: {  	_ =	shalt  }
0x50: {  	_ =	shalt  }
0x51: {  	_ =	shalt  }
0x52: {  	_ =	shalt  }
0x53: {  	_ =	shalt  }
0x54: {  	_ =	shalt  }
0x55: {  	_ =	shalt  }
0x56: {  	_ =	shalt  }
0x57: {  	_ =	shalt  }
0x58: {  	_ =	shalt  }
0x59: {  	_ =	shalt  }
0x5a: {  	_ =	shalt  }
0x5b: {  	_ =	shalt  }
0x5c: {  	_ =	shalt  }
0x5d: {  	_ =	shalt  }
0x5e: {  	_ =	shalt  }
0x5f: {  	_ =	shalt  }
0x60: {  	_ =	shalt  }
0x61: {  	_ =	shalt  }
0x62: {  	_ =	shalt  }
0x63: {  	_ =	shalt  }
0x64: {  	_ =	shalt  }
0x65: {  	_ =	shalt  }
0x66: {  	_ =	shalt  }
0x67: {  	_ =	shalt  }
0x68: {  	_ =	shalt  }
0x69: {  	_ =	shalt  }
0x6a: {  	_ =	shalt  }
0x6b: {  	_ =	shalt  }
0x6c: {  	_ =	shalt  }
0x6d: {  	_ =	shalt  }
0x6e: {  	_ =	shalt  }
0x6f: {  	_ =	shalt  }
0x70: {  	_ =	shalt  }
0x71: {  	_ =	shalt  }
0x72: {  	_ =	shalt  }
0x73: {  	_ =	shalt  }
0x74: {  	_ =	shalt  }
0x75: {  	_ =	shalt  }
0x76: {  	_ =	shalt  }
0x77: {  	_ =	shalt  }
0x78: {  	_ =	shalt  }
0x79: {  	_ =	shalt  }
0x7a: {  	_ =	shalt  }
0x7b: {  	_ =	shalt  }
0x7c: {  	_ =	shalt  }
0x7d: {  	_ =	shalt  }
0x7e: {  	_ =	shalt  }
0x7f: {  	_ =	shalt  }
0x80: {  	_ =	shalt  }
0x81: {  	_ =	shalt  }
0x82: {  	_ =	shalt  }
0x83: {  	_ =	shalt  }
0x84: {  	_ =	shalt  }
0x85: {  	_ =	shalt  }
0x86: {  	_ =	shalt  }
0x87: {  	_ =	shalt  }
.Lfunc_end0:
.L_simem_size_0:
called_computation.3_lowered:
.L_overlay_start_0:
0x88: {  	s2 =	sld [smem:$0x3FD9]  }
0x89: {  	s3 =	sld [smem:$0x3FFE];
	_ =	sdelay $0x1  }
0x8a: {  	s1 =	srdreg.scid  }
0x8b: {  	s0 =	sand.u32 $0x1, s1  }
0x8c: {  	s16 =	sshll.u32 s0, $0xA;
	s2 =	sadd.s32 s3, s2  }
0x8d: {  	s2 =	sadd.s32 s2, s16  }
0x8e: {  	[smem:$0x3FBD] =	sst s2  }
0x8f: {  	_ = 	snop  }
0x90: {  	(tm) =	ssettm $0x1  }
0x91: {  	s17 =	sld [smem:$0x3FFB];
	_ =	sdelay $0x3  }
0x92: {  	_ =	strace s17  }
0x93: {  	s2 =	sld [smem:$0x3FFC];
	_ =	sdelay $0x3  }
0x94: {  	_ =	strace s2  }
0x95: {  	s2 =	sld [smem:$0x3FFD];
	_ =	sdelay $0x3  }
0x96: {  	_ =	strace s2  }
0x97: {  	_ =	strace $0x8FFFFFFF  }
0x98: {  	s18 =	sld [smem:$0x3FDB];
	_ =	sdelay $0x1  }
0x99: {  	s19 =	simm.s32 $_scs_section_size  }
0x9a: {  	s4 =	simm.s32 $_size__tile_overlayer_lowered;
	s5 =	simm.s32 $_tile_overlayer_lowered  }
0x9b: {  	s22 =	simm.s32 $0x1BFF;
	s21 =	sshll.u32 s5, $0x1;
	s2 =	sadd.s32 s19, s18  }
0x9c: {  	s6 =	simm.s32 $0x0;
	s20 =	sshll.u32 s4, $0x1;
	s4 =	sadd.s32 s21, s2  }
0x9d: {  	[timem:s6], [sflag:s22] =	dma.local [hbm:s4], s20  }
0x9e: {  	_ =	swait.ge [sflag:s22], s20  }
0x9f: {  	s3 =	ssub.s32 $0x0, s20;
	[sflag:s22] =	ssyncset.done $0x0  }
0xa0: {  	[sflag:s22] =	ssyncadd.s32 s3;
	_ =	sdelay $0x1  }
0xa1: {  	s23 =	simm.s32 $0x1B8B  }
0xa2: {  	_ =	swait.ge [sflag:s23], $0x1  }
0xa3: {  	[sflag:s23] =	ssyncset.done $0x0  }
0xa4: {  	s25 =	simm.s32 $0x1B8E;
	s24 =	sld [smem:$0x3FFE];
	[sflag:s23] =	ssyncadd.s32 $0xFFFFFFFF  }
0xa5: {  	s26 =	simm.s32 $execute0_lowered;
	[smem:$0x3FD2] =	sst s25  }
0xa6: {  	s4 =	sshll.u32 s26, $0x1;
	_ =	strace $0x8000004F;
	[dreg:$0x1] =	wrdreg $0xFFFFFFFF  }
0xa7: {  	s28 =	simm.s32 $_size_execute0_lowered;
	s2 =	sadd.s32 s2, s4;
	[dreg:$0x0] =	wrdreg $0x0  }
0xa8: {  	s4 =	sshll.u32 s28, $0x1;
	[dreg:$0x2] =	wrdreg s2  }
0xa9: {  	[dreg:$0x3] =	wrdreg s4  }
0xaa: {  	[dreg:$0x4] =	wrdreg $0xC0  }
0xab: {  	_ =	task [dreg:s6], $0x5FFFF  }
0xac: {  	[dreg:$0x1] =	wrdreg $0xFFFFFFFF  }
0xad: {  	[dreg:$0x0] =	wrdreg $0x60  }
0xae: {  	[dreg:$0x2] =	wrdreg s24  }
0xaf: {  	[dreg:$0x3] =	wrdreg $0x0  }
0xb0: {  	[dreg:$0x4] =	wrdreg $0x9  }
0xb1: {  	_ =	task.clear_ibuf [dreg:s6], $0x5FFFF;
	_ =	strace $0x9000004F  }
0xb2: {  	s29 =	simm.s32 $0x9;
	_ =	strace $0x80000051  }
0xb3: {  	_ =	swait.ge [sflag:s29], $0x1  }
0xb4: {  	[sflag:s29] =	ssyncadd.s32 $0xFFFFFFFF  }
0xb5: {  	_ =	strace $0x90000051  }
0xb6: {  	_ =	sfence  }
0xb7: {  	s30 =	sld [smem:$0x0];
	_ =	sdelay $0x2  }
0xb8: {  	s31 =	sshll.u32 s1, $0xD;
	s1 =	sshrl.u32 s1, $0x2  }
0xb9: {  	s3 =	sand.u32 $0x4000, s31;
	s1 =	sadd.s32 s1, s30  }
0xba: {  	s0 =	sor.u32 s3, s0;
	s1 =	sshll.u32 s1, $0x11  }
0xbb: {  	s0 =	sor.u32 s1, s0  }
0xbc: {  	s0 =	sadd.s32 $0x8F2B, s0  }
0xbd: {  	[sflag:s0] =	ssyncadd.remote.s32 $0x1  }
0xbe: {  	_ =	sfence.sel $0xFFFF  }
0xbf: {  	[dreg:$0x0] =	wrdreg $0xFFFFFFFF;
	(pc) =	sbr.abs _section_cstart, $3  }
0xc0: {  	[dreg:$0x1] =	wrdreg $0xFFFFFFFF  }
0xc1: {  	_ =	task.clear_ibuf [dreg:s6], $0x2FFFF;
	_ =	strace $0x9FFFFFFF  }
0xc2: {  	(tm) =	ssettm $0x7FFFFFFF  }
0xc3: {  	_ =	shalt  }
tec
execute0_lowered:
.L_overlay_start_1:
0x0: {  	(tag) =	ssettag $0x1  }
0x1: {  	s4 =	rddreg [dreg:$0x0]  }
0x2: {  	s2 =	rddreg [dreg:$0x1];
	s3 =	simm.s32 $0x0;
	s0 =	stileid.u32  }
0x3: {  	s6 =	srdreg.scid;
	s14 =	simm.s32 $0x4;
	s15 =	simm.s32 $0x1C880  }
0x4: {  	s18 =	simm.s32 $0x13880;
	s19 =	simm.s32 $0x17880;
	s5 =	smul.u32 $0xA00, s0  }
0x5: {  	s20 =	simm.s32 $0x5;
	s21 =	simm.s32 $0x1;
	s7 =	smul.u32 $0xFFFFFF63, s0  }
0x6: {  	s22 =	simm.s32 $0x0;
	[smem:$0x7FF] =	sst s3;
	s10 =	smul.u32 $0x4E000, s0  }
0x7: {  	s6 =	sand.u32 $0x1, s6;
	s16 =	smul.u32 $0x2700, s0;
	s29 =	sshll.u32 s0, $0x6  }
0x8: {  	_ =	strace $0x80000050;
	s26 =	smul.u32 $0x27100, s6;
	s6 =	ssub.s32 $0x2, s6  }
0x9: {  	s9 =	sadd.s32 s5, s4;
	s8 =	sshrl.u32 s6, $0x1;
	p0 =	slt.s32 s7, $0xFFFFF6D9  }
0xa: {  	s28 =	sshrl.u32 s10, $0x2;
	s11 =	sadd.s32 s26, s4;
	s12 =	ssub.s32 s6, s8  }
0xb: {  	s7 =	simm.s32 @!p0 $0xFFFFF6D9;
	s13 =	sadd.s32 s28, s2;
	s8 =	sadd.s32 $0x7D800, s9  }
.Ltmp0:
0xc: {  	s9 =	sadd.s32 $0x73800, s9;
	s4 =	sadd.s32 $0x9C4, s7;
	(pc) =	sbr.rel .LBB2_1-.Ltmp0, $4  }
0xd: {  	s5 =	sadd.s32 $0x18000, s11;
	s7 =	sor.u32 $0x1C03, s29;
	s17 =	sadd.s32 $0x87800, s11  }
0xe: {  	s31 =	smax.u32 s12, $0x1;
	s11 =	sshrl.u32 s13, $0x3;
	s12 =	simm.s32 $0x3  }
0xf: {  	s13 =	simm.s32 $0x1B880;
	s30 =	sadd.s32 s16, s5;
	[dreg:$0x4] =	wrdreg s31  }
0x10: {  	s16 =	sadd.s32 s16, s17;
	s17 =	simm.s32 $0x80;
	[dreg:$0x3] =	wrdreg s30  }
.LBB2_7:
0x11: {  	[bflag:$0x0] =	sbarrier.arrive $0xFFFF  }
0x12: {  	[hbm:s16], [sflag:s7] =	dma.local [spmem:s11], $0x2800  }
0x13: {  	_ =	swait.ge [sflag:s12], $0x2800  }
0x14: {  	s22 =	sadd.s32 $0x1, s22;
	s0 =	rddreg [dreg:$0x4]  }
0x15: {  	p0 =	sne.s32 s22, s0  }
.Ltmp1:
0x16: {  	_ = 	snop;
	(pc) =	sbr.rel @!p0 .LBB2_8-.Ltmp1, $3  }
0x17: {  	_ =	sdelay $0x1  }
0x18: {  	[sflag:s12] =	ssyncset.done $0x0  }
0x19: {  	[sflag:s12] =	ssyncadd.s32 $0xFFFFD800  }
.LBB2_1:
0x1a: {  	s0 =	rddreg [dreg:$0x3]  }
0x1b: {  	[spmem:s11], [sflag:s7] =	dma.local [hbm:s0], $0x2800  }
.Ltmp2:
0x1c: {  	_ =	swait.ge [sflag:s12], $0x2800;
	(pc) =	sbr.rel .LBB2_2-.Ltmp2, $4  }
0x1d: {  	[sflag:s12] =	ssyncset.done $0x0  }
0x1e: {  	[sflag:s12] =	ssyncadd.s32 $0xFFFFD800  }
0x1f: {  	[bflag:$0x0] =	sbarrier.arrive $0xFFFF  }
0x20: {  	s23 =	smov.u32 s4;
	s24 =	simm.s32 $0x0  }
.LBB2_5:
0x21: {  	[sflag:s31] =	ssyncset.done $0x0  }
0x22: {  	[sflag:s31] =	ssyncadd.s32 $0xFFFFC000  }
.LBB2_6:
0x23: {  	s0 =	sand.u32 $0x1, s25  }
0x24: {  	s24 =	sadd.s32 $0x1, s24;
	p0 =	seq.s32 s0, $0x1  }
0x25: {  	p1 =	sne.s32 s24, $0x5;
	s0 =	sshll.u32 @!p0 s25, $0x7  }
0x26: {  	s1 =	simm.s32 @!p0 $0x80;
	s6 =	simm.s32 @!p0 $0x17880;
	s0 =	sadd.s32 @!p0 $0x1C800, s0  }
0x27: {  	[spmem:s2] =	stream.indirect.scatter.add.f32 @!p0 [tilespmem:s6], [sflag:$0x3], $0x80, s0, s1, $0xb8;
	[tilespmem:$0x1D880] =	vst v63  }
.Ltmp3:
0x28: {  	_ = 	snop;
	(pc) =	sbr.rel @!p1 .LBB2_7-.Ltmp3, $4  }
0x29: {  	s0 =	simm.s32 @!p0 $0x3  }
0x2a: {  	_ =	swait.ge @!p0 [sflag:s0], $0x4000  }
0x2b: {  	[sflag:s0] =	ssyncset.done @!p0 $0x0  }
0x2c: {  	s23 =	sadd.s32 $0xFFFFFFE0, s23;
	[sflag:s0] =	ssyncadd.s32 @!p0 $0xFFFFC000  }
.LBB2_2:
0x2d: {  	s25 =	sshll.u32 s24, $0x9  }
0x2e: {  	s26 =	sadd.s32 s25, s8  }
0x2f: {  	[tilespmem:s13], [sflag:$0x4] =	stream.linear.gather [hbm4b:s26+s3], $0x1000, $0x38;
	[tilespmem:$0x1D880] =	vst v63  }
0x30: {  	_ =	swait.ge [sflag:s14], $0x1000  }
0x31: {  	[sflag:s14] =	ssyncset.done $0x0  }
0x32: {  	s31 =	sshll.u32 s24, $0x5;
	s25 =	sadd.s32 s25, s9;
	[sflag:s14] =	ssyncadd.s32 $0xFFFFF000  }
0x33: {  	[tilespmem:s15], [sflag:$0x4] =	stream.linear.gather [hbm4b:s25+s3], $0x1000, $0x38;
	[tilespmem:$0x1D880] =	vst v63  }
0x34: {  	p0 =	seq.s32 s4, s31;
	_ =	swait.ge [sflag:s14], $0x1000  }
0x35: {  	s26 =	simm.s32 @!p0 $0x80;
	s28 =	simm.s32 @!p0 $0x1B880;
	[sflag:s14] =	ssyncset.done $0x0  }
0x36: {  	s29 =	simm.s32 @!p0 $0x13880;
	s25 =	ssub.s32 s4, s31;
	[sflag:s14] =	ssyncadd.s32 $0xFFFFF000  }
0x37: {  	[tilespmem:s29], [sflag:$0x1] =	stream.indirect.gather @!p0 [hbm4b:s5+s26], $0x80, s28, s26, $0xb8;
	[tilespmem:$0x1D880] =	vst v63  }
0x38: {  	p2 =	sgt.u32 @!p0 s25, $0x1;
	s26 =	simm.s32 @!p0 $0x1  }
0x39: {  	p1 =	por !p2, p0;
	_ =	swait.ge @!p0 [sflag:s26], $0x4000  }
0x3a: {  	s28 =	simm.s32 @!p1 $0x1B900;
	[sflag:s26] =	ssyncset.done @!p0 $0x0  }
0x3b: {  	s29 =	simm.s32 @!p1 $0x17880;
	[sflag:s26] =	ssyncadd.s32 @!p0 $0xFFFFC000;
	s26 =	simm.s32 @!p1 $0x80  }
0x3c: {  	[tilespmem:s29], [sflag:$0x2] =	stream.indirect.gather @!p1 [hbm4b:s5+s26], $0x80, s28, s26, $0xb8;
	[tilespmem:$0x1D880] =	vst v63  }
0x3d: {  	s28 =	simm.s32 @!p1 $0x1C880;
	s29 =	simm.s32 @!p1 $0x13880  }
0x3e: {  	[spmem:s2] =	stream.indirect.scatter.add.f32 @!p1 [tilespmem:s29], [sflag:$0x5], $0x80, s28, s26, $0xb8;
	[tilespmem:$0x1D880] =	vst v63  }
0x3f: {  	p2 =	por p2, p0;
	s26 =	simm.s32 @!p1 $0x5  }
0x40: {  	s30 =	simm.s32 @!p2 $0x1C880;
	_ =	swait.ge @!p1 [sflag:s26], $0x4000  }
0x41: {  	s31 =	simm.s32 @!p2 $0x13880;
	s28 =	smin.u32 s23, $0x20;
	[sflag:s26] =	ssyncset.done @!p1 $0x0  }
0x42: {  	s29 =	simm.s32 @!p2 $0x80;
	s28 =	sadd.s32 $0x1, s28;
	[sflag:s26] =	ssyncadd.s32 @!p1 $0xFFFFC000  }
0x43: {  	[spmem:s2] =	stream.indirect.scatter.add.f32 @!p2 [tilespmem:s31], [sflag:$0x4], $0x80, s30, s29, $0xb8;
	[tilespmem:$0x1D880] =	vst v63  }
0x44: {  	s26 =	simm.s32 @!p1 $0x2;
	s29 =	sshrl.u32 s28, $0x1  }
0x45: {  	s26 =	simm.s32 @p1 $0x4;
	p1 =	seq.s32 @!p0 s29, $0x1  }
0x46: {  	p1 =	por p0, p1  }
.Ltmp4:
0x47: {  	_ = 	snop;
	(pc) =	sbr.rel @p1 .LBB2_6-.Ltmp4, $4  }
0x48: {  	_ = 	snop  }
0x49: {  	_ =	swait.ge @!p0 [sflag:s26], $0x4000  }
0x4a: {  	[sflag:s26] =	ssyncset.done @!p0 $0x0  }
0x4b: {  	s25 =	smin.u32 s25, $0x20;
	[sflag:s26] =	ssyncadd.s32 @!p0 $0xFFFFC000  }
0x4c: {  	s26 =	simm.s32 $0x1B980  }
0x4d: {  	[tilespmem:s18], [sflag:$0x1] =	stream.indirect.gather [hbm4b:s5+s17], $0x80, s26, s17, $0xb8;
	[tilespmem:$0x1D880] =	vst v63  }
0x4e: {  	s26 =	simm.s32 $0x1C900  }
0x4f: {  	[spmem:s2] =	stream.indirect.scatter.add.f32 [tilespmem:s19], [sflag:$0x5], $0x80, s26, s17, $0xb8;
	[tilespmem:$0x1D880] =	vst v63  }
0x50: {  	_ =	swait.ge [sflag:s20], $0x4000  }
0x51: {  	[sflag:s20] =	ssyncset.done $0x0  }
0x52: {  	[sflag:s20] =	ssyncadd.s32 $0xFFFFC000  }
0x53: {  	p0 =	sle.u32 s25, $0x3;
	s28 =	sand.u32 $0x7E, s28;
	_ =	swait.ge [sflag:s21], $0x4000  }
0x54: {  	s29 =	simm.s32 @p0 $0x1C980;
	s30 =	simm.s32 @p0 $0x80;
	[sflag:s21] =	ssyncset.done $0x0  }
0x55: {  	s31 =	simm.s32 @p0 $0x13880;
	s28 =	sadd.s32 $0xFFFFFFFE, s28;
	[sflag:s21] =	ssyncadd.s32 $0xFFFFC000  }
0x56: {  	[spmem:s2] =	stream.indirect.scatter.add.f32 @p0 [tilespmem:s31], [sflag:$0x4], $0x80, s29, s30, $0xb8;
	[tilespmem:$0x1D880] =	vst v63  }
0x57: {  	s29 =	simm.s32 @!p0 $0x17880;
	s30 =	simm.s32 @!p0 $0x1BA00;
	s31 =	simm.s32 @!p0 $0x80  }
0x58: {  	[tilespmem:s29], [sflag:$0x2] =	stream.indirect.gather @!p0 [hbm4b:s5+s31], $0x80, s30, s31, $0xb8;
	[tilespmem:$0x1D880] =	vst v63  }
0x59: {  	p1 =	sne.s32 s28, $0x2;
	s29 =	simm.s32 @!p0 $0x1C980;
	s30 =	simm.s32 @!p0 $0x13880  }
0x5a: {  	[spmem:s2] =	stream.indirect.scatter.add.f32 @!p0 [tilespmem:s30], [sflag:$0x5], $0x80, s29, s31, $0xb8;
	[tilespmem:$0x1D880] =	vst v63  }
.Ltmp5:
0x5b: {  	s0 =	simm.s32 @!p0 $0x5;
	(pc) =	sbr.rel @!p1 .LBB2_5-.Ltmp5, $4  }
0x5c: {  	_ =	swait.ge @!p0 [sflag:s0], $0x4000  }
0x5d: {  	s31 =	simm.s32 @!p0 $0x2;
	[sflag:s0] =	ssyncset.done @!p0 $0x0  }
0x5e: {  	s31 =	simm.s32 @p0 $0x4;
	[sflag:s0] =	ssyncadd.s32 @!p0 $0xFFFFC000  }
0x5f: {  	s29 =	simm.s32 $0x2;
	s30 =	simm.s32 $0x1BA80;
	_ =	swait.ge [sflag:s31], $0x4000  }
.LBB2_4:
0x60: {  	[sflag:s31] =	ssyncset.done $0x0  }
0x61: {  	s26 =	sadd.s32 $0x100, s26;
	s0 =	smov.u32 s29;
	s29 =	sadd.s32 $0x2, s29  }
0x62: {  	p0 =	sne.s32 s28, s29;
	[sflag:s31] =	ssyncadd.s32 $0xFFFFC000  }
0x63: {  	[tilespmem:s18], [sflag:$0x1] =	stream.indirect.gather [hbm4b:s5+s17], $0x80, s30, s17, $0xb8;
	[tilespmem:$0x1D880] =	vst v63  }
0x64: {  	_ = 	snop  }
0x65: {  	[spmem:s2] =	stream.indirect.scatter.add.f32 [tilespmem:s19], [sflag:$0x5], $0x80, s26, s17, $0xb8;
	[tilespmem:$0x1D880] =	vst v63  }
0x66: {  	_ =	swait.ge [sflag:s20], $0x4000  }
0x67: {  	[sflag:s20] =	ssyncset.done $0x0  }
0x68: {  	[sflag:s20] =	ssyncadd.s32 $0xFFFFC000  }
0x69: {  	s0 =	sadd.s32 $0x3, s0;
	_ =	swait.ge [sflag:s21], $0x4000  }
0x6a: {  	p1 =	sge.u32 s0, s25;
	[sflag:s21] =	ssyncset.done $0x0  }
0x6b: {  	s0 =	sadd.s32 @p1 $0x80, s26;
	s31 =	simm.s32 @!p1 $0x17880;
	[sflag:s21] =	ssyncadd.s32 $0xFFFFC000  }
0x6c: {  	s1 =	simm.s32 @p1 $0x80;
	s6 =	simm.s32 @p1 $0x13880;
	s10 =	sadd.s32 @!p1 $0x80, s30  }
0x6d: {  	[spmem:s2] =	stream.indirect.scatter.add.f32 @p1 [tilespmem:s6], [sflag:$0x4], $0x80, s0, s1, $0xb8;
	[tilespmem:$0x1D880] =	vst v63  }
0x6e: {  	s0 =	simm.s32 @!p1 $0x80;
	s1 =	sadd.s32 @!p1 $0x80, s26;
	s6 =	simm.s32 @!p1 $0x13880  }
0x6f: {  	[tilespmem:s31], [sflag:$0x2] =	stream.indirect.gather @!p1 [hbm4b:s5+s0], $0x80, s10, s0, $0xb8;
	[tilespmem:$0x1D880] =	vst v63  }
0x70: {  	s10 =	simm.s32 @!p1 $0x5;
	s31 =	simm.s32 @!p1 $0x2  }
0x71: {  	[spmem:s2] =	stream.indirect.scatter.add.f32 @!p1 [tilespmem:s6], [sflag:$0x5], $0x80, s1, s0, $0xb8;
	[tilespmem:$0x1D880] =	vst v63  }
.Ltmp6:
0x72: {  	_ = 	snop;
	(pc) =	sbr.rel @p0 .LBB2_4-.Ltmp6, $4  }
0x73: {  	_ =	swait.ge @!p1 [sflag:s10], $0x4000  }
0x74: {  	s31 =	simm.s32 @p1 $0x4;
	[sflag:s10] =	ssyncset.done @!p1 $0x0  }
0x75: {  	[sflag:s10] =	ssyncadd.s32 @!p1 $0xFFFFC000  }
0x76: {  	s30 =	sadd.s32 $0x100, s30;
	_ =	swait.ge [sflag:s31], $0x4000  }
.Ltmp7:
0x77: {  	_ = 	snop;
	(pc) =	sbr.rel .LBB2_5-.Ltmp7, $1  }
0x78: {  	_ =	sdelay $0x3  }
.LBB2_8:
0x79: {  	_ =	sfence.sel $0x180000  }
0x7a: {  	[bflag:$0x0] =	sbarrier.arrive $0xFFFF  }
0x7b: {  	_ =	strace $0x90000050  }
0x7c: {  	s0 =	stileid.u32;
	[bflag:$0x2] =	sbarrier.arrive $0xFFFF  }
0x7d: {  	p0 =	sne.s32 s0, $0x0;
	s0 =	rddreg [dreg:$0x2]  }
0x7e: {  	s0 =	sadd.s32 @!p0 $0x100000, s0  }
0x7f: {  	[sflag:s0] =	ssyncadd.tile.s32 @!p0 $0x1;
	_ =	shalt  }
.Lfunc_end2:
_tile_overlayer_lowered:
.L_overlay_start_2:
0x80: {  	(tag) =	ssettag $0x2  }
0x81: {  	s0 =	rddreg [dreg:$0x0];
	s2 =	stileid.u32  }
0x82: {  	s1 =	rddreg [dreg:$0x1];
	p0 =	sne.s32 s2, $0x0  }
0x83: {  	s3 =	rddreg [dreg:$0x2];
	[bflag:$0x3] =	sbarrier.arrive $0xFFFF;
	s2 =	simm.s32 @!p0 $0x1C03  }
0x84: {  	[timem:s3], [sflag:s2] =	dma.local @!p0 [hbm:s0], s1  }
0x85: {  	s0 =	simm.s32 @!p0 $0x3  }
0x86: {  	_ =	swait.ge @!p0 [sflag:s0], s1  }
0x87: {  	s1 =	ssub.s32 @!p0 $0x0, s1;
	[sflag:s0] =	ssyncset.done @!p0 $0x0  }
0x88: {  	[sflag:s0] =	ssyncadd.s32 @!p0 s1  }
0x89: {  	[bflag:$0x3] =	sbarrier.arrive $0xFFFF  }
0x8a: {  	_ =	shalt  }

// kernel: _gcn.18.cloned.1.call-start
scs
__scs_entry_jumppad:
0x0: {  	(pc) =	sbr.rel $0x88, $3  }
0x1: {  	(tag) =	ssettag $0x0;
	lr =	simm.s32 $0x1  }
0x2: {  	[smem:$0x3F96] =	sst lr;
	_ =	strace $0xD0000000  }
0x3: {  	_ = 	snop  }
0x4: {  	_ = 	snop  }
0x5: {  	_ = 	snop  }
0x6: {  	_ = 	snop  }
0x7: {  	_ = 	snop  }
__scs_overlays_trampoline_lowered:
0x8: {  	[smem:$0x3FA5] =	sst s0  }
0x9: {  	[smem:$0x3FA6] =	sst s1  }
0xa: {  	[smem:$0x3FA7] =	sst s2  }
0xb: {  	[smem:$0x3FA8] =	sst s3  }
0xc: {  	[smem:$0x3FA9] =	sst s4  }
0xd: {  	[smem:$0x3FAA] =	sst s5  }
0xe: {  	[smem:$0x3FAB] =	sst s6  }
0xf: {  	[smem:$0x3FAC] =	sst s7  }
0x10: {  	[smem:$0x3FAD] =	sst s8  }
0x11: {  	[smem:$0x3FAE] =	sst s9;
	s0 =	simm.s32 @!p0 $0x0  }
0x12: {  	s1 =	sld [smem:$0x3F94];
	s0 =	simm.s32 @p0 $0x1  }
0x13: {  	[smem:$0x3FAF] =	sst s0;
	s0 =	simm.s32 @!p1 $0x0  }
0x14: {  	s2 =	sld [smem:$0x3F93];
	s0 =	simm.s32 @p1 $0x1  }
0x15: {  	[smem:$0x3FB0] =	sst s0;
	s0 =	simm.s32 @!p2 $0x0  }
0x16: {  	s3 =	sld [smem:$0x3FDB];
	s0 =	simm.s32 @p2 $0x1  }
0x17: {  	s4 =	simm.s32 $0x1BF5;
	[smem:$0x3FB2] =	sst s0  }
0x18: {  	s0 =	sld [smem:$0x3F95];
	_ =	swait.ge [sflag:s4], $0x0  }
0x19: {  	s7 =	sld [smem:$0x3F96]  }
0x1a: {  	s8 =	sadd.s32 $0xFFFFE003, lr  }
0x1b: {  	s9 =	sadd.s32 $0xFFFFFEF7, lr;
	s5 =	simm.s32 $0xFFFFFFFF;
	p2 =	slt.u32 s8, $0xFFFFF086  }
0x1c: {  	p1 =	slt.u32 s9, $0xF7A;
	s5 =	simm.s32 @!p2 $0x0  }
0x1d: {  	s5 =	simm.s32 @p1 $0x1;
	p0 =	seq.s32 s7, s2  }
0x1e: {  	s7 =	smul.u32 @!p0 $0xF7A, s2;
	p2 =	seq.s32 @!p0 s5, $0x0  }
0x1f: {  	s9 =	smul.u32 $0xF7A, s1;
	s8 =	simm.s32 @!p0 $0x1BF5;
	p2 =	por !p2, p0  }
0x20: {  	[sflag:s8] =	ssyncset.s32 @!p0 $0xFFFFF086;
	s6 =	sadd.s32 @!p0 s3, s7;
	s7 =	simm.s32 @!p0 $0x108  }
0x21: {  	s3 =	sadd.s32 s3, s9;
	s6 =	sadd.s32 @!p0 $0x88, s6;
	s7 =	simm.s32 @p2 $0x1082  }
0x22: {  	[simem:s7], [sflag:s8] =	dma.local @!p0 [hbm:s6], $0xF7A  }
0x23: {  	s9 =	sor.u32 $0xD0000000, s2;
	s6 =	simm.s32 $0x108;
	_ =	swait.ge @!p0 [sflag:s8], $0x0  }
0x24: {  	s3 =	sadd.s32 $0x88, s3;
	s6 =	simm.s32 @!p1 $0x1082;
	[sflag:s4] =	ssyncset.s32 $0xFFFFF086  }
0x25: {  	[simem:s6], [sflag:s4] =	dma.local [hbm:s3], $0xF7A  }
0x26: {  	[smem:$0x3F96] =	sst s1;
	(tag) =	ssettag s2;
	_ =	strace s9  }
0x27: {  	s1 =	sld [smem:$0x3FA6]  }
0x28: {  	s2 =	sld [smem:$0x3FA7]  }
0x29: {  	s4 =	sld [smem:$0x3FA9]  }
0x2a: {  	p0 =	seq.s32 s5, $0x0;
	s5 =	sld [smem:$0x3FAA]  }
0x2b: {  	s6 =	sld [smem:$0x3FAB]  }
0x2c: {  	s7 =	sld [smem:$0x3FAC]  }
0x2d: {  	s3 =	simm.s32 $0x108;
	s8 =	sld [smem:$0x3FAD]  }
0x2e: {  	s3 =	simm.s32 @!p0 $0x1082;
	s9 =	sld [smem:$0x3FAE]  }
0x2f: {  	lr =	sadd.s32 s0, s3;
	s0 =	sld [smem:$0x3FA5]  }
0x30: {  	s3 =	sld [smem:$0x3FA8]  }
0x31: {  	[smem:$0x3FB1] =	sst s10  }
0x32: {  	s10 =	sld [smem:$0x3FAF];
	_ =	sdelay $0x3  }
0x33: {  	p0 =	seq.s32 s10, $0x1;
	s10 =	sld [smem:$0x3FB1];
	_ =	sdelay $0x3  }
0x34: {  	[smem:$0x3FB1] =	sst s10  }
0x35: {  	s10 =	sld [smem:$0x3FB0];
	_ =	sdelay $0x3  }
0x36: {  	p1 =	seq.s32 s10, $0x1;
	s10 =	sld [smem:$0x3FB1];
	_ =	sdelay $0x3  }
0x37: {  	[smem:$0x3FB1] =	sst s10  }
0x38: {  	s10 =	sld [smem:$0x3FB2]  }
0x39: {  	_ = 	snop;
	(pc) =	sbr.ind lr, $3  }
0x3a: {  	_ = 	snop  }
0x3b: {  	_ = 	snop  }
0x3c: {  	p2 =	seq.s32 s10, $0x1;
	s10 =	sld [smem:$0x3FB1]  }
0x3d: {  	_ =	shalt  }
0x3e: {  	_ =	shalt  }
0x3f: {  	_ =	shalt  }
0x40: {  	_ =	shalt  }
0x41: {  	_ =	shalt  }
0x42: {  	_ =	shalt  }
0x43: {  	_ =	shalt  }
0x44: {  	_ =	shalt  }
0x45: {  	_ =	shalt  }
0x46: {  	_ =	shalt  }
0x47: {  	_ =	shalt  }
0x48: {  	_ =	shalt  }
0x49: {  	_ =	shalt  }
0x4a: {  	_ =	shalt  }
0x4b: {  	_ =	shalt  }
0x4c: {  	_ =	shalt  }
0x4d: {  	_ =	shalt  }
0x4e: {  	_ =	shalt  }
0x4f: {  	_ =	shalt  }
0x50: {  	_ =	shalt  }
0x51: {  	_ =	shalt  }
0x52: {  	_ =	shalt  }
0x53: {  	_ =	shalt  }
0x54: {  	_ =	shalt  }
0x55: {  	_ =	shalt  }
0x56: {  	_ =	shalt  }
0x57: {  	_ =	shalt  }
0x58: {  	_ =	shalt  }
0x59: {  	_ =	shalt  }
0x5a: {  	_ =	shalt  }
0x5b: {  	_ =	shalt  }
0x5c: {  	_ =	shalt  }
0x5d: {  	_ =	shalt  }
0x5e: {  	_ =	shalt  }
0x5f: {  	_ =	shalt  }
0x60: {  	_ =	shalt  }
0x61: {  	_ =	shalt  }
0x62: {  	_ =	shalt  }
0x63: {  	_ =	shalt  }
0x64: {  	_ =	shalt  }
0x65: {  	_ =	shalt  }
0x66: {  	_ =	shalt  }
0x67: {  	_ =	shalt  }
0x68: {  	_ =	shalt  }
0x69: {  	_ =	shalt  }
0x6a: {  	_ =	shalt  }
0x6b: {  	_ =	shalt  }
0x6c: {  	_ =	shalt  }
0x6d: {  	_ =	shalt  }
0x6e: {  	_ =	shalt  }
0x6f: {  	_ =	shalt  }
0x70: {  	_ =	shalt  }
0x71: {  	_ =	shalt  }
0x72: {  	_ =	shalt  }
0x73: {  	_ =	shalt  }
0x74: {  	_ =	shalt  }
0x75: {  	_ =	shalt  }
0x76: {  	_ =	shalt  }
0x77: {  	_ =	shalt  }
0x78: {  	_ =	shalt  }
0x79: {  	_ =	shalt  }
0x7a: {  	_ =	shalt  }
0x7b: {  	_ =	shalt  }
0x7c: {  	_ =	shalt  }
0x7d: {  	_ =	shalt  }
0x7e: {  	_ =	shalt  }
0x7f: {  	_ =	shalt  }
0x80: {  	_ =	shalt  }
0x81: {  	_ =	shalt  }
0x82: {  	_ =	shalt  }
0x83: {  	_ =	shalt  }
0x84: {  	_ =	shalt  }
0x85: {  	_ =	shalt  }
0x86: {  	_ =	shalt  }
0x87: {  	_ =	shalt  }
.Lfunc_end0:
.L_simem_size_0:
called_computation.4_lowered:
.L_overlay_start_0:
0x88: {  	s2 =	sld [smem:$0x3FD9]  }
0x89: {  	s3 =	sld [smem:$0x3FFE];
	_ =	sdelay $0x1  }
0x8a: {  	s1 =	srdreg.scid  }
0x8b: {  	s0 =	sand.u32 $0x1, s1  }
0x8c: {  	s16 =	sshll.u32 s0, $0xA;
	s2 =	sadd.s32 s3, s2  }
0x8d: {  	s2 =	sadd.s32 s2, s16  }
0x8e: {  	[smem:$0x3FBD] =	sst s2  }
0x8f: {  	_ = 	snop  }
0x90: {  	(tm) =	ssettm $0x1  }
0x91: {  	s17 =	sld [smem:$0x3FFB];
	_ =	sdelay $0x3  }
0x92: {  	_ =	strace s17  }
0x93: {  	s2 =	sld [smem:$0x3FFC];
	_ =	sdelay $0x3  }
0x94: {  	_ =	strace s2  }
0x95: {  	s2 =	sld [smem:$0x3FFD];
	_ =	sdelay $0x3  }
0x96: {  	_ =	strace s2  }
0x97: {  	_ =	strace $0x8FFFFFFF  }
0x98: {  	s18 =	sld [smem:$0x3FDB];
	_ =	sdelay $0x1  }
0x99: {  	s19 =	simm.s32 $_scs_section_size  }
0x9a: {  	s4 =	simm.s32 $_size__tile_overlayer_lowered;
	s5 =	simm.s32 $_tile_overlayer_lowered  }
0x9b: {  	s22 =	simm.s32 $0x1BFF;
	s21 =	sshll.u32 s5, $0x1;
	s2 =	sadd.s32 s19, s18  }
0x9c: {  	s6 =	simm.s32 $0x0;
	s20 =	sshll.u32 s4, $0x1;
	s4 =	sadd.s32 s21, s2  }
0x9d: {  	[timem:s6], [sflag:s22] =	dma.local [hbm:s4], s20  }
0x9e: {  	_ =	swait.ge [sflag:s22], s20  }
0x9f: {  	s3 =	ssub.s32 $0x0, s20;
	[sflag:s22] =	ssyncset.done $0x0  }
0xa0: {  	[sflag:s22] =	ssyncadd.s32 s3;
	_ =	sdelay $0x1  }
0xa1: {  	s23 =	simm.s32 $0x1B8B  }
0xa2: {  	_ =	swait.ge [sflag:s23], $0x1  }
0xa3: {  	[sflag:s23] =	ssyncset.done $0x0  }
0xa4: {  	s25 =	simm.s32 $0x1B8E;
	s24 =	sld [smem:$0x3FFE];
	[sflag:s23] =	ssyncadd.s32 $0xFFFFFFFF  }
0xa5: {  	s26 =	simm.s32 $execute0_lowered;
	[smem:$0x3FD2] =	sst s25  }
0xa6: {  	s4 =	sshll.u32 s26, $0x1;
	_ =	strace $0x80000052;
	[dreg:$0x1] =	wrdreg $0xFFFFFFFF  }
0xa7: {  	s28 =	simm.s32 $_size_execute0_lowered;
	s2 =	sadd.s32 s2, s4;
	[dreg:$0x0] =	wrdreg $0x0  }
0xa8: {  	s4 =	sshll.u32 s28, $0x1;
	[dreg:$0x2] =	wrdreg s2  }
0xa9: {  	[dreg:$0x3] =	wrdreg s4  }
0xaa: {  	[dreg:$0x4] =	wrdreg $0xC0  }
0xab: {  	_ =	task [dreg:s6], $0x5FFFF  }
0xac: {  	[dreg:$0x1] =	wrdreg $0xFFFFFFFF  }
0xad: {  	[dreg:$0x0] =	wrdreg $0x60  }
0xae: {  	[dreg:$0x2] =	wrdreg s24  }
0xaf: {  	[dreg:$0x3] =	wrdreg $0x0  }
0xb0: {  	[dreg:$0x4] =	wrdreg $0x9  }
0xb1: {  	_ =	task.clear_ibuf [dreg:s6], $0x5FFFF;
	_ =	strace $0x90000052  }
0xb2: {  	s29 =	simm.s32 $0x9;
	_ =	strace $0x80000054  }
0xb3: {  	_ =	swait.ge [sflag:s29], $0x1  }
0xb4: {  	[sflag:s29] =	ssyncadd.s32 $0xFFFFFFFF  }
0xb5: {  	_ =	strace $0x90000054  }
0xb6: {  	_ =	sfence  }
0xb7: {  	s30 =	sld [smem:$0x0];
	_ =	sdelay $0x2  }
0xb8: {  	s31 =	sshll.u32 s1, $0xD;
	s1 =	sshrl.u32 s1, $0x2  }
0xb9: {  	s3 =	sand.u32 $0x4000, s31;
	s1 =	sadd.s32 s1, s30  }
0xba: {  	s0 =	sor.u32 s3, s0;
	s1 =	sshll.u32 s1, $0x11  }
0xbb: {  	s0 =	sor.u32 s1, s0  }
0xbc: {  	s0 =	sadd.s32 $0x8F2B, s0  }
0xbd: {  	[sflag:s0] =	ssyncadd.remote.s32 $0x1  }
0xbe: {  	_ =	sfence.sel $0xFFFF  }
0xbf: {  	[dreg:$0x0] =	wrdreg $0xFFFFFFFF;
	(pc) =	sbr.abs _section_cstart, $3  }
0xc0: {  	[dreg:$0x1] =	wrdreg $0xFFFFFFFF  }
0xc1: {  	_ =	task.clear_ibuf [dreg:s6], $0x2FFFF;
	_ =	strace $0x9FFFFFFF  }
0xc2: {  	(tm) =	ssettm $0x7FFFFFFF  }
0xc3: {  	_ =	shalt  }
tec
execute0_lowered:
.L_overlay_start_1:
0x0: {  	(tag) =	ssettag $0x1  }
0x1: {  	s4 =	rddreg [dreg:$0x0]  }
0x2: {  	s2 =	rddreg [dreg:$0x1];
	s3 =	simm.s32 $0x0;
	s0 =	stileid.u32  }
0x3: {  	s6 =	srdreg.scid;
	s14 =	simm.s32 $0x4;
	s15 =	simm.s32 $0x1C880  }
0x4: {  	s18 =	simm.s32 $0x13880;
	s19 =	simm.s32 $0x17880;
	s5 =	smul.u32 $0xA00, s0  }
0x5: {  	s20 =	simm.s32 $0x5;
	s21 =	simm.s32 $0x1;
	s7 =	smul.u32 $0xFFFFFF63, s0  }
0x6: {  	s22 =	simm.s32 $0x0;
	[smem:$0x7FF] =	sst s3;
	s10 =	smul.u32 $0x4E000, s0  }
0x7: {  	s6 =	sand.u32 $0x1, s6;
	s16 =	smul.u32 $0x2700, s0;
	s29 =	sshll.u32 s0, $0x6  }
0x8: {  	_ =	strace $0x80000053;
	s26 =	smul.u32 $0x27100, s6;
	s6 =	ssub.s32 $0x2, s6  }
0x9: {  	s9 =	sadd.s32 s5, s4;
	s8 =	sshrl.u32 s6, $0x1;
	p0 =	slt.s32 s7, $0xFFFFF6D9  }
0xa: {  	s28 =	sshrl.u32 s10, $0x2;
	s11 =	sadd.s32 s26, s4;
	s12 =	ssub.s32 s6, s8  }
0xb: {  	s7 =	simm.s32 @!p0 $0xFFFFF6D9;
	s13 =	sadd.s32 s28, s2;
	s8 =	sadd.s32 $0x7D800, s9  }
.Ltmp0:
0xc: {  	s9 =	sadd.s32 $0x73800, s9;
	s4 =	sadd.s32 $0x9C4, s7;
	(pc) =	sbr.rel .LBB2_1-.Ltmp0, $4  }
0xd: {  	s5 =	sadd.s32 $0x18000, s11;
	s7 =	sor.u32 $0x1C03, s29;
	s17 =	sadd.s32 $0x87800, s11  }
0xe: {  	s31 =	smax.u32 s12, $0x1;
	s11 =	sshrl.u32 s13, $0x3;
	s12 =	simm.s32 $0x3  }
0xf: {  	s13 =	simm.s32 $0x1B880;
	s30 =	sadd.s32 s16, s5;
	[dreg:$0x4] =	wrdreg s31  }
0x10: {  	s16 =	sadd.s32 s16, s17;
	s17 =	simm.s32 $0x80;
	[dreg:$0x3] =	wrdreg s30  }
.LBB2_7:
0x11: {  	[bflag:$0x0] =	sbarrier.arrive $0xFFFF  }
0x12: {  	[hbm:s16], [sflag:s7] =	dma.local [spmem:s11], $0x2800  }
0x13: {  	_ =	swait.ge [sflag:s12], $0x2800  }
0x14: {  	s22 =	sadd.s32 $0x1, s22;
	s0 =	rddreg [dreg:$0x4]  }
0x15: {  	p0 =	sne.s32 s22, s0  }
.Ltmp1:
0x16: {  	_ = 	snop;
	(pc) =	sbr.rel @!p0 .LBB2_8-.Ltmp1, $3  }
0x17: {  	_ =	sdelay $0x1  }
0x18: {  	[sflag:s12] =	ssyncset.done $0x0  }
0x19: {  	[sflag:s12] =	ssyncadd.s32 $0xFFFFD800  }
.LBB2_1:
0x1a: {  	s0 =	rddreg [dreg:$0x3]  }
0x1b: {  	[spmem:s11], [sflag:s7] =	dma.local [hbm:s0], $0x2800  }
.Ltmp2:
0x1c: {  	_ =	swait.ge [sflag:s12], $0x2800;
	(pc) =	sbr.rel .LBB2_2-.Ltmp2, $4  }
0x1d: {  	[sflag:s12] =	ssyncset.done $0x0  }
0x1e: {  	[sflag:s12] =	ssyncadd.s32 $0xFFFFD800  }
0x1f: {  	[bflag:$0x0] =	sbarrier.arrive $0xFFFF  }
0x20: {  	s23 =	smov.u32 s4;
	s24 =	simm.s32 $0x0  }
.LBB2_5:
0x21: {  	[sflag:s31] =	ssyncset.done $0x0  }
0x22: {  	[sflag:s31] =	ssyncadd.s32 $0xFFFFC000  }
.LBB2_6:
0x23: {  	s0 =	sand.u32 $0x1, s25  }
0x24: {  	s24 =	sadd.s32 $0x1, s24;
	p0 =	seq.s32 s0, $0x1  }
0x25: {  	p1 =	sne.s32 s24, $0x5;
	s0 =	sshll.u32 @!p0 s25, $0x7  }
0x26: {  	s1 =	simm.s32 @!p0 $0x80;
	s6 =	simm.s32 @!p0 $0x17880;
	s0 =	sadd.s32 @!p0 $0x1C800, s0  }
0x27: {  	[spmem:s2] =	stream.indirect.scatter.add.f32 @!p0 [tilespmem:s6], [sflag:$0x3], $0x80, s0, s1, $0xb8;
	[tilespmem:$0x1D880] =	vst v63  }
.Ltmp3:
0x28: {  	_ = 	snop;
	(pc) =	sbr.rel @!p1 .LBB2_7-.Ltmp3, $4  }
0x29: {  	s0 =	simm.s32 @!p0 $0x3  }
0x2a: {  	_ =	swait.ge @!p0 [sflag:s0], $0x4000  }
0x2b: {  	[sflag:s0] =	ssyncset.done @!p0 $0x0  }
0x2c: {  	s23 =	sadd.s32 $0xFFFFFFE0, s23;
	[sflag:s0] =	ssyncadd.s32 @!p0 $0xFFFFC000  }
.LBB2_2:
0x2d: {  	s25 =	sshll.u32 s24, $0x9  }
0x2e: {  	s26 =	sadd.s32 s25, s8  }
0x2f: {  	[tilespmem:s13], [sflag:$0x4] =	stream.linear.gather [hbm4b:s26+s3], $0x1000, $0x38;
	[tilespmem:$0x1D880] =	vst v63  }
0x30: {  	_ =	swait.ge [sflag:s14], $0x1000  }
0x31: {  	[sflag:s14] =	ssyncset.done $0x0  }
0x32: {  	s31 =	sshll.u32 s24, $0x5;
	s25 =	sadd.s32 s25, s9;
	[sflag:s14] =	ssyncadd.s32 $0xFFFFF000  }
0x33: {  	[tilespmem:s15], [sflag:$0x4] =	stream.linear.gather [hbm4b:s25+s3], $0x1000, $0x38;
	[tilespmem:$0x1D880] =	vst v63  }
0x34: {  	p0 =	seq.s32 s4, s31;
	_ =	swait.ge [sflag:s14], $0x1000  }
0x35: {  	s26 =	simm.s32 @!p0 $0x80;
	s28 =	simm.s32 @!p0 $0x1B880;
	[sflag:s14] =	ssyncset.done $0x0  }
0x36: {  	s29 =	simm.s32 @!p0 $0x13880;
	s25 =	ssub.s32 s4, s31;
	[sflag:s14] =	ssyncadd.s32 $0xFFFFF000  }
0x37: {  	[tilespmem:s29], [sflag:$0x1] =	stream.indirect.gather @!p0 [hbm4b:s5+s26], $0x80, s28, s26, $0xb8;
	[tilespmem:$0x1D880] =	vst v63  }
0x38: {  	p2 =	sgt.u32 @!p0 s25, $0x1;
	s26 =	simm.s32 @!p0 $0x1  }
0x39: {  	p1 =	por !p2, p0;
	_ =	swait.ge @!p0 [sflag:s26], $0x4000  }
0x3a: {  	s28 =	simm.s32 @!p1 $0x1B900;
	[sflag:s26] =	ssyncset.done @!p0 $0x0  }
0x3b: {  	s29 =	simm.s32 @!p1 $0x17880;
	[sflag:s26] =	ssyncadd.s32 @!p0 $0xFFFFC000;
	s26 =	simm.s32 @!p1 $0x80  }
0x3c: {  	[tilespmem:s29], [sflag:$0x2] =	stream.indirect.gather @!p1 [hbm4b:s5+s26], $0x80, s28, s26, $0xb8;
	[tilespmem:$0x1D880] =	vst v63  }
0x3d: {  	s28 =	simm.s32 @!p1 $0x1C880;
	s29 =	simm.s32 @!p1 $0x13880  }
0x3e: {  	[spmem:s2] =	stream.indirect.scatter.add.f32 @!p1 [tilespmem:s29], [sflag:$0x5], $0x80, s28, s26, $0xb8;
	[tilespmem:$0x1D880] =	vst v63  }
0x3f: {  	p2 =	por p2, p0;
	s26 =	simm.s32 @!p1 $0x5  }
0x40: {  	s30 =	simm.s32 @!p2 $0x1C880;
	_ =	swait.ge @!p1 [sflag:s26], $0x4000  }
0x41: {  	s31 =	simm.s32 @!p2 $0x13880;
	s28 =	smin.u32 s23, $0x20;
	[sflag:s26] =	ssyncset.done @!p1 $0x0  }
0x42: {  	s29 =	simm.s32 @!p2 $0x80;
	s28 =	sadd.s32 $0x1, s28;
	[sflag:s26] =	ssyncadd.s32 @!p1 $0xFFFFC000  }
0x43: {  	[spmem:s2] =	stream.indirect.scatter.add.f32 @!p2 [tilespmem:s31], [sflag:$0x4], $0x80, s30, s29, $0xb8;
	[tilespmem:$0x1D880] =	vst v63  }
0x44: {  	s26 =	simm.s32 @!p1 $0x2;
	s29 =	sshrl.u32 s28, $0x1  }
0x45: {  	s26 =	simm.s32 @p1 $0x4;
	p1 =	seq.s32 @!p0 s29, $0x1  }
0x46: {  	p1 =	por p0, p1  }
.Ltmp4:
0x47: {  	_ = 	snop;
	(pc) =	sbr.rel @p1 .LBB2_6-.Ltmp4, $4  }
0x48: {  	_ = 	snop  }
0x49: {  	_ =	swait.ge @!p0 [sflag:s26], $0x4000  }
0x4a: {  	[sflag:s26] =	ssyncset.done @!p0 $0x0  }
0x4b: {  	s25 =	smin.u32 s25, $0x20;
	[sflag:s26] =	ssyncadd.s32 @!p0 $0xFFFFC000  }
0x4c: {  	s26 =	simm.s32 $0x1B980  }
0x4d: {  	[tilespmem:s18], [sflag:$0x1] =	stream.indirect.gather [hbm4b:s5+s17], $0x80, s26, s17, $0xb8;
	[tilespmem:$0x1D880] =	vst v63  }
0x4e: {  	s26 =	simm.s32 $0x1C900  }
0x4f: {  	[spmem:s2] =	stream.indirect.scatter.add.f32 [tilespmem:s19], [sflag:$0x5], $0x80, s26, s17, $0xb8;
	[tilespmem:$0x1D880] =	vst v63  }
0x50: {  	_ =	swait.ge [sflag:s20], $0x4000  }
0x51: {  	[sflag:s20] =	ssyncset.done $0x0  }
0x52: {  	[sflag:s20] =	ssyncadd.s32 $0xFFFFC000  }
0x53: {  	p0 =	sle.u32 s25, $0x3;
	s28 =	sand.u32 $0x7E, s28;
	_ =	swait.ge [sflag:s21], $0x4000  }
0x54: {  	s29 =	simm.s32 @p0 $0x1C980;
	s30 =	simm.s32 @p0 $0x80;
	[sflag:s21] =	ssyncset.done $0x0  }
0x55: {  	s31 =	simm.s32 @p0 $0x13880;
	s28 =	sadd.s32 $0xFFFFFFFE, s28;
	[sflag:s21] =	ssyncadd.s32 $0xFFFFC000  }
0x56: {  	[spmem:s2] =	stream.indirect.scatter.add.f32 @p0 [tilespmem:s31], [sflag:$0x4], $0x80, s29, s30, $0xb8;
	[tilespmem:$0x1D880] =	vst v63  }
0x57: {  	s29 =	simm.s32 @!p0 $0x17880;
	s30 =	simm.s32 @!p0 $0x1BA00;
	s31 =	simm.s32 @!p0 $0x80  }
0x58: {  	[tilespmem:s29], [sflag:$0x2] =	stream.indirect.gather @!p0 [hbm4b:s5+s31], $0x80, s30, s31, $0xb8;
	[tilespmem:$0x1D880] =	vst v63  }
0x59: {  	p1 =	sne.s32 s28, $0x2;
	s29 =	simm.s32 @!p0 $0x1C980;
	s30 =	simm.s32 @!p0 $0x13880  }
0x5a: {  	[spmem:s2] =	stream.indirect.scatter.add.f32 @!p0 [tilespmem:s30], [sflag:$0x5], $0x80, s29, s31, $0xb8;
	[tilespmem:$0x1D880] =	vst v63  }
.Ltmp5:
0x5b: {  	s0 =	simm.s32 @!p0 $0x5;
	(pc) =	sbr.rel @!p1 .LBB2_5-.Ltmp5, $4  }
0x5c: {  	_ =	swait.ge @!p0 [sflag:s0], $0x4000  }
0x5d: {  	s31 =	simm.s32 @!p0 $0x2;
	[sflag:s0] =	ssyncset.done @!p0 $0x0  }
0x5e: {  	s31 =	simm.s32 @p0 $0x4;
	[sflag:s0] =	ssyncadd.s32 @!p0 $0xFFFFC000  }
0x5f: {  	s29 =	simm.s32 $0x2;
	s30 =	simm.s32 $0x1BA80;
	_ =	swait.ge [sflag:s31], $0x4000  }
.LBB2_4:
0x60: {  	[sflag:s31] =	ssyncset.done $0x0  }
0x61: {  	s26 =	sadd.s32 $0x100, s26;
	s0 =	smov.u32 s29;
	s29 =	sadd.s32 $0x2, s29  }
0x62: {  	p0 =	sne.s32 s28, s29;
	[sflag:s31] =	ssyncadd.s32 $0xFFFFC000  }
0x63: {  	[tilespmem:s18], [sflag:$0x1] =	stream.indirect.gather [hbm4b:s5+s17], $0x80, s30, s17, $0xb8;
	[tilespmem:$0x1D880] =	vst v63  }
0x64: {  	_ = 	snop  }
0x65: {  	[spmem:s2] =	stream.indirect.scatter.add.f32 [tilespmem:s19], [sflag:$0x5], $0x80, s26, s17, $0xb8;
	[tilespmem:$0x1D880] =	vst v63  }
0x66: {  	_ =	swait.ge [sflag:s20], $0x4000  }
0x67: {  	[sflag:s20] =	ssyncset.done $0x0  }
0x68: {  	[sflag:s20] =	ssyncadd.s32 $0xFFFFC000  }
0x69: {  	s0 =	sadd.s32 $0x3, s0;
	_ =	swait.ge [sflag:s21], $0x4000  }
0x6a: {  	p1 =	sge.u32 s0, s25;
	[sflag:s21] =	ssyncset.done $0x0  }
0x6b: {  	s0 =	sadd.s32 @p1 $0x80, s26;
	s31 =	simm.s32 @!p1 $0x17880;
	[sflag:s21] =	ssyncadd.s32 $0xFFFFC000  }
0x6c: {  	s1 =	simm.s32 @p1 $0x80;
	s6 =	simm.s32 @p1 $0x13880;
	s10 =	sadd.s32 @!p1 $0x80, s30  }
0x6d: {  	[spmem:s2] =	stream.indirect.scatter.add.f32 @p1 [tilespmem:s6], [sflag:$0x4], $0x80, s0, s1, $0xb8;
	[tilespmem:$0x1D880] =	vst v63  }
0x6e: {  	s0 =	simm.s32 @!p1 $0x80;
	s1 =	sadd.s32 @!p1 $0x80, s26;
	s6 =	simm.s32 @!p1 $0x13880  }
0x6f: {  	[tilespmem:s31], [sflag:$0x2] =	stream.indirect.gather @!p1 [hbm4b:s5+s0], $0x80, s10, s0, $0xb8;
	[tilespmem:$0x1D880] =	vst v63  }
0x70: {  	s10 =	simm.s32 @!p1 $0x5;
	s31 =	simm.s32 @!p1 $0x2  }
0x71: {  	[spmem:s2] =	stream.indirect.scatter.add.f32 @!p1 [tilespmem:s6], [sflag:$0x5], $0x80, s1, s0, $0xb8;
	[tilespmem:$0x1D880] =	vst v63  }
.Ltmp6:
0x72: {  	_ = 	snop;
	(pc) =	sbr.rel @p0 .LBB2_4-.Ltmp6, $4  }
0x73: {  	_ =	swait.ge @!p1 [sflag:s10], $0x4000  }
0x74: {  	s31 =	simm.s32 @p1 $0x4;
	[sflag:s10] =	ssyncset.done @!p1 $0x0  }
0x75: {  	[sflag:s10] =	ssyncadd.s32 @!p1 $0xFFFFC000  }
0x76: {  	s30 =	sadd.s32 $0x100, s30;
	_ =	swait.ge [sflag:s31], $0x4000  }
.Ltmp7:
0x77: {  	_ = 	snop;
	(pc) =	sbr.rel .LBB2_5-.Ltmp7, $1  }
0x78: {  	_ =	sdelay $0x3  }
.LBB2_8:
0x79: {  	_ =	sfence.sel $0x180000  }
0x7a: {  	[bflag:$0x0] =	sbarrier.arrive $0xFFFF  }
0x7b: {  	_ =	strace $0x90000053  }
0x7c: {  	s0 =	stileid.u32;
	[bflag:$0x2] =	sbarrier.arrive $0xFFFF  }
0x7d: {  	p0 =	sne.s32 s0, $0x0;
	s0 =	rddreg [dreg:$0x2]  }
0x7e: {  	s0 =	sadd.s32 @!p0 $0x100000, s0  }
0x7f: {  	[sflag:s0] =	ssyncadd.tile.s32 @!p0 $0x1;
	_ =	shalt  }
.Lfunc_end2:
_tile_overlayer_lowered:
.L_overlay_start_2:
0x80: {  	(tag) =	ssettag $0x2  }
0x81: {  	s0 =	rddreg [dreg:$0x0];
	s2 =	stileid.u32  }
0x82: {  	s1 =	rddreg [dreg:$0x1];
	p0 =	sne.s32 s2, $0x0  }
0x83: {  	s3 =	rddreg [dreg:$0x2];
	[bflag:$0x3] =	sbarrier.arrive $0xFFFF;
	s2 =	simm.s32 @!p0 $0x1C03  }
0x84: {  	[timem:s3], [sflag:s2] =	dma.local @!p0 [hbm:s0], s1  }
0x85: {  	s0 =	simm.s32 @!p0 $0x3  }
0x86: {  	_ =	swait.ge @!p0 [sflag:s0], s1  }
0x87: {  	s1 =	ssub.s32 @!p0 $0x0, s1;
	[sflag:s0] =	ssyncset.done @!p0 $0x0  }
0x88: {  	[sflag:s0] =	ssyncadd.s32 @!p0 s1  }
0x89: {  	[bflag:$0x3] =	sbarrier.arrive $0xFFFF  }
0x8a: {  	_ =	shalt  }

// kernel: _gcn.21.cloned.1.call-start
scs
__scs_entry_jumppad:
0x0: {  	(pc) =	sbr.rel $0x88, $3  }
0x1: {  	(tag) =	ssettag $0x0;
	lr =	simm.s32 $0x1  }
0x2: {  	[smem:$0x3F96] =	sst lr;
	_ =	strace $0xD0000000  }
0x3: {  	_ = 	snop  }
0x4: {  	_ = 	snop  }
0x5: {  	_ = 	snop  }
0x6: {  	_ = 	snop  }
0x7: {  	_ = 	snop  }
__scs_overlays_trampoline_lowered:
0x8: {  	[smem:$0x3FA5] =	sst s0  }
0x9: {  	[smem:$0x3FA6] =	sst s1  }
0xa: {  	[smem:$0x3FA7] =	sst s2  }
0xb: {  	[smem:$0x3FA8] =	sst s3  }
0xc: {  	[smem:$0x3FA9] =	sst s4  }
0xd: {  	[smem:$0x3FAA] =	sst s5  }
0xe: {  	[smem:$0x3FAB] =	sst s6  }
0xf: {  	[smem:$0x3FAC] =	sst s7  }
0x10: {  	[smem:$0x3FAD] =	sst s8  }
0x11: {  	[smem:$0x3FAE] =	sst s9;
	s0 =	simm.s32 @!p0 $0x0  }
0x12: {  	s1 =	sld [smem:$0x3F94];
	s0 =	simm.s32 @p0 $0x1  }
0x13: {  	[smem:$0x3FAF] =	sst s0;
	s0 =	simm.s32 @!p1 $0x0  }
0x14: {  	s2 =	sld [smem:$0x3F93];
	s0 =	simm.s32 @p1 $0x1  }
0x15: {  	[smem:$0x3FB0] =	sst s0;
	s0 =	simm.s32 @!p2 $0x0  }
0x16: {  	s3 =	sld [smem:$0x3FDB];
	s0 =	simm.s32 @p2 $0x1  }
0x17: {  	s4 =	simm.s32 $0x1BF5;
	[smem:$0x3FB2] =	sst s0  }
0x18: {  	s0 =	sld [smem:$0x3F95];
	_ =	swait.ge [sflag:s4], $0x0  }
0x19: {  	s7 =	sld [smem:$0x3F96]  }
0x1a: {  	s8 =	sadd.s32 $0xFFFFE003, lr  }
0x1b: {  	s9 =	sadd.s32 $0xFFFFFEF7, lr;
	s5 =	simm.s32 $0xFFFFFFFF;
	p2 =	slt.u32 s8, $0xFFFFF086  }
0x1c: {  	p1 =	slt.u32 s9, $0xF7A;
	s5 =	simm.s32 @!p2 $0x0  }
0x1d: {  	s5 =	simm.s32 @p1 $0x1;
	p0 =	seq.s32 s7, s2  }
0x1e: {  	s7 =	smul.u32 @!p0 $0xF7A, s2;
	p2 =	seq.s32 @!p0 s5, $0x0  }
0x1f: {  	s9 =	smul.u32 $0xF7A, s1;
	s8 =	simm.s32 @!p0 $0x1BF5;
	p2 =	por !p2, p0  }
0x20: {  	[sflag:s8] =	ssyncset.s32 @!p0 $0xFFFFF086;
	s6 =	sadd.s32 @!p0 s3, s7;
	s7 =	simm.s32 @!p0 $0x108  }
0x21: {  	s3 =	sadd.s32 s3, s9;
	s6 =	sadd.s32 @!p0 $0x88, s6;
	s7 =	simm.s32 @p2 $0x1082  }
0x22: {  	[simem:s7], [sflag:s8] =	dma.local @!p0 [hbm:s6], $0xF7A  }
0x23: {  	s9 =	sor.u32 $0xD0000000, s2;
	s6 =	simm.s32 $0x108;
	_ =	swait.ge @!p0 [sflag:s8], $0x0  }
0x24: {  	s3 =	sadd.s32 $0x88, s3;
	s6 =	simm.s32 @!p1 $0x1082;
	[sflag:s4] =	ssyncset.s32 $0xFFFFF086  }
0x25: {  	[simem:s6], [sflag:s4] =	dma.local [hbm:s3], $0xF7A  }
0x26: {  	[smem:$0x3F96] =	sst s1;
	(tag) =	ssettag s2;
	_ =	strace s9  }
0x27: {  	s1 =	sld [smem:$0x3FA6]  }
0x28: {  	s2 =	sld [smem:$0x3FA7]  }
0x29: {  	s4 =	sld [smem:$0x3FA9]  }
0x2a: {  	p0 =	seq.s32 s5, $0x0;
	s5 =	sld [smem:$0x3FAA]  }
0x2b: {  	s6 =	sld [smem:$0x3FAB]  }
0x2c: {  	s7 =	sld [smem:$0x3FAC]  }
0x2d: {  	s3 =	simm.s32 $0x108;
	s8 =	sld [smem:$0x3FAD]  }
0x2e: {  	s3 =	simm.s32 @!p0 $0x1082;
	s9 =	sld [smem:$0x3FAE]  }
0x2f: {  	lr =	sadd.s32 s0, s3;
	s0 =	sld [smem:$0x3FA5]  }
0x30: {  	s3 =	sld [smem:$0x3FA8]  }
0x31: {  	[smem:$0x3FB1] =	sst s10  }
0x32: {  	s10 =	sld [smem:$0x3FAF];
	_ =	sdelay $0x3  }
0x33: {  	p0 =	seq.s32 s10, $0x1;
	s10 =	sld [smem:$0x3FB1];
	_ =	sdelay $0x3  }
0x34: {  	[smem:$0x3FB1] =	sst s10  }
0x35: {  	s10 =	sld [smem:$0x3FB0];
	_ =	sdelay $0x3  }
0x36: {  	p1 =	seq.s32 s10, $0x1;
	s10 =	sld [smem:$0x3FB1];
	_ =	sdelay $0x3  }
0x37: {  	[smem:$0x3FB1] =	sst s10  }
0x38: {  	s10 =	sld [smem:$0x3FB2]  }
0x39: {  	_ = 	snop;
	(pc) =	sbr.ind lr, $3  }
0x3a: {  	_ = 	snop  }
0x3b: {  	_ = 	snop  }
0x3c: {  	p2 =	seq.s32 s10, $0x1;
	s10 =	sld [smem:$0x3FB1]  }
0x3d: {  	_ =	shalt  }
0x3e: {  	_ =	shalt  }
0x3f: {  	_ =	shalt  }
0x40: {  	_ =	shalt  }
0x41: {  	_ =	shalt  }
0x42: {  	_ =	shalt  }
0x43: {  	_ =	shalt  }
0x44: {  	_ =	shalt  }
0x45: {  	_ =	shalt  }
0x46: {  	_ =	shalt  }
0x47: {  	_ =	shalt  }
0x48: {  	_ =	shalt  }
0x49: {  	_ =	shalt  }
0x4a: {  	_ =	shalt  }
0x4b: {  	_ =	shalt  }
0x4c: {  	_ =	shalt  }
0x4d: {  	_ =	shalt  }
0x4e: {  	_ =	shalt  }
0x4f: {  	_ =	shalt  }
0x50: {  	_ =	shalt  }
0x51: {  	_ =	shalt  }
0x52: {  	_ =	shalt  }
0x53: {  	_ =	shalt  }
0x54: {  	_ =	shalt  }
0x55: {  	_ =	shalt  }
0x56: {  	_ =	shalt  }
0x57: {  	_ =	shalt  }
0x58: {  	_ =	shalt  }
0x59: {  	_ =	shalt  }
0x5a: {  	_ =	shalt  }
0x5b: {  	_ =	shalt  }
0x5c: {  	_ =	shalt  }
0x5d: {  	_ =	shalt  }
0x5e: {  	_ =	shalt  }
0x5f: {  	_ =	shalt  }
0x60: {  	_ =	shalt  }
0x61: {  	_ =	shalt  }
0x62: {  	_ =	shalt  }
0x63: {  	_ =	shalt  }
0x64: {  	_ =	shalt  }
0x65: {  	_ =	shalt  }
0x66: {  	_ =	shalt  }
0x67: {  	_ =	shalt  }
0x68: {  	_ =	shalt  }
0x69: {  	_ =	shalt  }
0x6a: {  	_ =	shalt  }
0x6b: {  	_ =	shalt  }
0x6c: {  	_ =	shalt  }
0x6d: {  	_ =	shalt  }
0x6e: {  	_ =	shalt  }
0x6f: {  	_ =	shalt  }
0x70: {  	_ =	shalt  }
0x71: {  	_ =	shalt  }
0x72: {  	_ =	shalt  }
0x73: {  	_ =	shalt  }
0x74: {  	_ =	shalt  }
0x75: {  	_ =	shalt  }
0x76: {  	_ =	shalt  }
0x77: {  	_ =	shalt  }
0x78: {  	_ =	shalt  }
0x79: {  	_ =	shalt  }
0x7a: {  	_ =	shalt  }
0x7b: {  	_ =	shalt  }
0x7c: {  	_ =	shalt  }
0x7d: {  	_ =	shalt  }
0x7e: {  	_ =	shalt  }
0x7f: {  	_ =	shalt  }
0x80: {  	_ =	shalt  }
0x81: {  	_ =	shalt  }
0x82: {  	_ =	shalt  }
0x83: {  	_ =	shalt  }
0x84: {  	_ =	shalt  }
0x85: {  	_ =	shalt  }
0x86: {  	_ =	shalt  }
0x87: {  	_ =	shalt  }
.Lfunc_end0:
.L_simem_size_0:
called_computation.5_lowered:
.L_overlay_start_0:
0x88: {  	s2 =	sld [smem:$0x3FD9]  }
0x89: {  	s3 =	sld [smem:$0x3FFE];
	_ =	sdelay $0x1  }
0x8a: {  	s1 =	srdreg.scid  }
0x8b: {  	s0 =	sand.u32 $0x1, s1  }
0x8c: {  	s16 =	sshll.u32 s0, $0xA;
	s2 =	sadd.s32 s3, s2  }
0x8d: {  	s2 =	sadd.s32 s2, s16  }
0x8e: {  	[smem:$0x3FBD] =	sst s2  }
0x8f: {  	_ = 	snop  }
0x90: {  	(tm) =	ssettm $0x1  }
0x91: {  	s17 =	sld [smem:$0x3FFB];
	_ =	sdelay $0x3  }
0x92: {  	_ =	strace s17  }
0x93: {  	s2 =	sld [smem:$0x3FFC];
	_ =	sdelay $0x3  }
0x94: {  	_ =	strace s2  }
0x95: {  	s2 =	sld [smem:$0x3FFD];
	_ =	sdelay $0x3  }
0x96: {  	_ =	strace s2  }
0x97: {  	_ =	strace $0x8FFFFFFF  }
0x98: {  	s18 =	sld [smem:$0x3FDB];
	_ =	sdelay $0x1  }
0x99: {  	s19 =	simm.s32 $_scs_section_size  }
0x9a: {  	s4 =	simm.s32 $_size__tile_overlayer_lowered;
	s5 =	simm.s32 $_tile_overlayer_lowered  }
0x9b: {  	s22 =	simm.s32 $0x1BFF;
	s21 =	sshll.u32 s5, $0x1;
	s2 =	sadd.s32 s19, s18  }
0x9c: {  	s6 =	simm.s32 $0x0;
	s20 =	sshll.u32 s4, $0x1;
	s4 =	sadd.s32 s21, s2  }
0x9d: {  	[timem:s6], [sflag:s22] =	dma.local [hbm:s4], s20  }
0x9e: {  	_ =	swait.ge [sflag:s22], s20  }
0x9f: {  	s3 =	ssub.s32 $0x0, s20;
	[sflag:s22] =	ssyncset.done $0x0  }
0xa0: {  	[sflag:s22] =	ssyncadd.s32 s3;
	_ =	sdelay $0x1  }
0xa1: {  	s23 =	simm.s32 $0x1B8B  }
0xa2: {  	_ =	swait.ge [sflag:s23], $0x1  }
0xa3: {  	[sflag:s23] =	ssyncset.done $0x0  }
0xa4: {  	s25 =	simm.s32 $0x1B8E;
	s24 =	sld [smem:$0x3FFE];
	[sflag:s23] =	ssyncadd.s32 $0xFFFFFFFF  }
0xa5: {  	s26 =	simm.s32 $execute0_lowered;
	[smem:$0x3FD2] =	sst s25  }
0xa6: {  	s4 =	sshll.u32 s26, $0x1;
	_ =	strace $0x80000055;
	[dreg:$0x1] =	wrdreg $0xFFFFFFFF  }
0xa7: {  	s28 =	simm.s32 $_size_execute0_lowered;
	s2 =	sadd.s32 s2, s4;
	[dreg:$0x0] =	wrdreg $0x0  }
0xa8: {  	s4 =	sshll.u32 s28, $0x1;
	[dreg:$0x2] =	wrdreg s2  }
0xa9: {  	[dreg:$0x3] =	wrdreg s4  }
0xaa: {  	[dreg:$0x4] =	wrdreg $0xC0  }
0xab: {  	_ =	task [dreg:s6], $0x5FFFF  }
0xac: {  	[dreg:$0x1] =	wrdreg $0xFFFFFFFF  }
0xad: {  	[dreg:$0x0] =	wrdreg $0x60  }
0xae: {  	[dreg:$0x2] =	wrdreg s24  }
0xaf: {  	[dreg:$0x3] =	wrdreg $0x0  }
0xb0: {  	[dreg:$0x4] =	wrdreg $0x9  }
0xb1: {  	_ =	task.clear_ibuf [dreg:s6], $0x5FFFF;
	_ =	strace $0x90000055  }
0xb2: {  	s29 =	simm.s32 $0x9;
	_ =	strace $0x80000057  }
0xb3: {  	_ =	swait.ge [sflag:s29], $0x1  }
0xb4: {  	[sflag:s29] =	ssyncadd.s32 $0xFFFFFFFF  }
0xb5: {  	_ =	strace $0x90000057  }
0xb6: {  	_ =	sfence  }
0xb7: {  	s30 =	sld [smem:$0x0];
	_ =	sdelay $0x2  }
0xb8: {  	s31 =	sshll.u32 s1, $0xD;
	s1 =	sshrl.u32 s1, $0x2  }
0xb9: {  	s3 =	sand.u32 $0x4000, s31;
	s1 =	sadd.s32 s1, s30  }
0xba: {  	s0 =	sor.u32 s3, s0;
	s1 =	sshll.u32 s1, $0x11  }
0xbb: {  	s0 =	sor.u32 s1, s0  }
0xbc: {  	s0 =	sadd.s32 $0x8F2B, s0  }
0xbd: {  	[sflag:s0] =	ssyncadd.remote.s32 $0x1  }
0xbe: {  	_ =	sfence.sel $0xFFFF  }
0xbf: {  	[dreg:$0x0] =	wrdreg $0xFFFFFFFF;
	(pc) =	sbr.abs _section_cstart, $3  }
0xc0: {  	[dreg:$0x1] =	wrdreg $0xFFFFFFFF  }
0xc1: {  	_ =	task.clear_ibuf [dreg:s6], $0x2FFFF;
	_ =	strace $0x9FFFFFFF  }
0xc2: {  	(tm) =	ssettm $0x7FFFFFFF  }
0xc3: {  	_ =	shalt  }
tec
execute0_lowered:
.L_overlay_start_1:
0x0: {  	(tag) =	ssettag $0x1  }
0x1: {  	s4 =	rddreg [dreg:$0x0]  }
0x2: {  	s2 =	rddreg [dreg:$0x1];
	s3 =	simm.s32 $0x0;
	s0 =	stileid.u32  }
0x3: {  	s6 =	srdreg.scid;
	s14 =	simm.s32 $0x4;
	s15 =	simm.s32 $0x1C880  }
0x4: {  	s18 =	simm.s32 $0x13880;
	s19 =	simm.s32 $0x17880;
	s5 =	smul.u32 $0xA00, s0  }
0x5: {  	s20 =	simm.s32 $0x5;
	s21 =	simm.s32 $0x1;
	s7 =	smul.u32 $0xFFFFFF63, s0  }
0x6: {  	s22 =	simm.s32 $0x0;
	[smem:$0x7FF] =	sst s3;
	s10 =	smul.u32 $0x4E000, s0  }
0x7: {  	s6 =	sand.u32 $0x1, s6;
	s16 =	smul.u32 $0x2700, s0;
	s29 =	sshll.u32 s0, $0x6  }
0x8: {  	_ =	strace $0x80000056;
	s26 =	smul.u32 $0x27100, s6;
	s6 =	ssub.s32 $0x2, s6  }
0x9: {  	s9 =	sadd.s32 s5, s4;
	s8 =	sshrl.u32 s6, $0x1;
	p0 =	slt.s32 s7, $0xFFFFF6D9  }
0xa: {  	s28 =	sshrl.u32 s10, $0x2;
	s11 =	sadd.s32 s26, s4;
	s12 =	ssub.s32 s6, s8  }
0xb: {  	s7 =	simm.s32 @!p0 $0xFFFFF6D9;
	s13 =	sadd.s32 s28, s2;
	s8 =	sadd.s32 $0x7D800, s9  }
.Ltmp0:
0xc: {  	s9 =	sadd.s32 $0x73800, s9;
	s4 =	sadd.s32 $0x9C4, s7;
	(pc) =	sbr.rel .LBB2_1-.Ltmp0, $4  }
0xd: {  	s5 =	sadd.s32 $0x18000, s11;
	s7 =	sor.u32 $0x1C03, s29;
	s17 =	sadd.s32 $0x87800, s11  }
0xe: {  	s31 =	smax.u32 s12, $0x1;
	s11 =	sshrl.u32 s13, $0x3;
	s12 =	simm.s32 $0x3  }
0xf: {  	s13 =	simm.s32 $0x1B880;
	s30 =	sadd.s32 s16, s5;
	[dreg:$0x4] =	wrdreg s31  }
0x10: {  	s16 =	sadd.s32 s16, s17;
	s17 =	simm.s32 $0x80;
	[dreg:$0x3] =	wrdreg s30  }
.LBB2_7:
0x11: {  	[bflag:$0x0] =	sbarrier.arrive $0xFFFF  }
0x12: {  	[hbm:s16], [sflag:s7] =	dma.local [spmem:s11], $0x2800  }
0x13: {  	_ =	swait.ge [sflag:s12], $0x2800  }
0x14: {  	s22 =	sadd.s32 $0x1, s22;
	s0 =	rddreg [dreg:$0x4]  }
0x15: {  	p0 =	sne.s32 s22, s0  }
.Ltmp1:
0x16: {  	_ = 	snop;
	(pc) =	sbr.rel @!p0 .LBB2_8-.Ltmp1, $3  }
0x17: {  	_ =	sdelay $0x1  }
0x18: {  	[sflag:s12] =	ssyncset.done $0x0  }
0x19: {  	[sflag:s12] =	ssyncadd.s32 $0xFFFFD800  }
.LBB2_1:
0x1a: {  	s0 =	rddreg [dreg:$0x3]  }
0x1b: {  	[spmem:s11], [sflag:s7] =	dma.local [hbm:s0], $0x2800  }
.Ltmp2:
0x1c: {  	_ =	swait.ge [sflag:s12], $0x2800;
	(pc) =	sbr.rel .LBB2_2-.Ltmp2, $4  }
0x1d: {  	[sflag:s12] =	ssyncset.done $0x0  }
0x1e: {  	[sflag:s12] =	ssyncadd.s32 $0xFFFFD800  }
0x1f: {  	[bflag:$0x0] =	sbarrier.arrive $0xFFFF  }
0x20: {  	s23 =	smov.u32 s4;
	s24 =	simm.s32 $0x0  }
.LBB2_5:
0x21: {  	[sflag:s31] =	ssyncset.done $0x0  }
0x22: {  	[sflag:s31] =	ssyncadd.s32 $0xFFFFC000  }
.LBB2_6:
0x23: {  	s0 =	sand.u32 $0x1, s25  }
0x24: {  	s24 =	sadd.s32 $0x1, s24;
	p0 =	seq.s32 s0, $0x1  }
0x25: {  	p1 =	sne.s32 s24, $0x5;
	s0 =	sshll.u32 @!p0 s25, $0x7  }
0x26: {  	s1 =	simm.s32 @!p0 $0x80;
	s6 =	simm.s32 @!p0 $0x17880;
	s0 =	sadd.s32 @!p0 $0x1C800, s0  }
0x27: {  	[spmem:s2] =	stream.indirect.scatter.add.f32 @!p0 [tilespmem:s6], [sflag:$0x3], $0x80, s0, s1, $0xb8;
	[tilespmem:$0x1D880] =	vst v63  }
.Ltmp3:
0x28: {  	_ = 	snop;
	(pc) =	sbr.rel @!p1 .LBB2_7-.Ltmp3, $4  }
0x29: {  	s0 =	simm.s32 @!p0 $0x3  }
0x2a: {  	_ =	swait.ge @!p0 [sflag:s0], $0x4000  }
0x2b: {  	[sflag:s0] =	ssyncset.done @!p0 $0x0  }
0x2c: {  	s23 =	sadd.s32 $0xFFFFFFE0, s23;
	[sflag:s0] =	ssyncadd.s32 @!p0 $0xFFFFC000  }
.LBB2_2:
0x2d: {  	s25 =	sshll.u32 s24, $0x9  }
0x2e: {  	s26 =	sadd.s32 s25, s8  }
0x2f: {  	[tilespmem:s13], [sflag:$0x4] =	stream.linear.gather [hbm4b:s26+s3], $0x1000, $0x38;
	[tilespmem:$0x1D880] =	vst v63  }
0x30: {  	_ =	swait.ge [sflag:s14], $0x1000  }
0x31: {  	[sflag:s14] =	ssyncset.done $0x0  }
0x32: {  	s31 =	sshll.u32 s24, $0x5;
	s25 =	sadd.s32 s25, s9;
	[sflag:s14] =	ssyncadd.s32 $0xFFFFF000  }
0x33: {  	[tilespmem:s15], [sflag:$0x4] =	stream.linear.gather [hbm4b:s25+s3], $0x1000, $0x38;
	[tilespmem:$0x1D880] =	vst v63  }
0x34: {  	p0 =	seq.s32 s4, s31;
	_ =	swait.ge [sflag:s14], $0x1000  }
0x35: {  	s26 =	simm.s32 @!p0 $0x80;
	s28 =	simm.s32 @!p0 $0x1B880;
	[sflag:s14] =	ssyncset.done $0x0  }
0x36: {  	s29 =	simm.s32 @!p0 $0x13880;
	s25 =	ssub.s32 s4, s31;
	[sflag:s14] =	ssyncadd.s32 $0xFFFFF000  }
0x37: {  	[tilespmem:s29], [sflag:$0x1] =	stream.indirect.gather @!p0 [hbm4b:s5+s26], $0x80, s28, s26, $0xb8;
	[tilespmem:$0x1D880] =	vst v63  }
0x38: {  	p2 =	sgt.u32 @!p0 s25, $0x1;
	s26 =	simm.s32 @!p0 $0x1  }
0x39: {  	p1 =	por !p2, p0;
	_ =	swait.ge @!p0 [sflag:s26], $0x4000  }
0x3a: {  	s28 =	simm.s32 @!p1 $0x1B900;
	[sflag:s26] =	ssyncset.done @!p0 $0x0  }
0x3b: {  	s29 =	simm.s32 @!p1 $0x17880;
	[sflag:s26] =	ssyncadd.s32 @!p0 $0xFFFFC000;
	s26 =	simm.s32 @!p1 $0x80  }
0x3c: {  	[tilespmem:s29], [sflag:$0x2] =	stream.indirect.gather @!p1 [hbm4b:s5+s26], $0x80, s28, s26, $0xb8;
	[tilespmem:$0x1D880] =	vst v63  }
0x3d: {  	s28 =	simm.s32 @!p1 $0x1C880;
	s29 =	simm.s32 @!p1 $0x13880  }
0x3e: {  	[spmem:s2] =	stream.indirect.scatter.add.f32 @!p1 [tilespmem:s29], [sflag:$0x5], $0x80, s28, s26, $0xb8;
	[tilespmem:$0x1D880] =	vst v63  }
0x3f: {  	p2 =	por p2, p0;
	s26 =	simm.s32 @!p1 $0x5  }
0x40: {  	s30 =	simm.s32 @!p2 $0x1C880;
	_ =	swait.ge @!p1 [sflag:s26], $0x4000  }
0x41: {  	s31 =	simm.s32 @!p2 $0x13880;
	s28 =	smin.u32 s23, $0x20;
	[sflag:s26] =	ssyncset.done @!p1 $0x0  }
0x42: {  	s29 =	simm.s32 @!p2 $0x80;
	s28 =	sadd.s32 $0x1, s28;
	[sflag:s26] =	ssyncadd.s32 @!p1 $0xFFFFC000  }
0x43: {  	[spmem:s2] =	stream.indirect.scatter.add.f32 @!p2 [tilespmem:s31], [sflag:$0x4], $0x80, s30, s29, $0xb8;
	[tilespmem:$0x1D880] =	vst v63  }
0x44: {  	s26 =	simm.s32 @!p1 $0x2;
	s29 =	sshrl.u32 s28, $0x1  }
0x45: {  	s26 =	simm.s32 @p1 $0x4;
	p1 =	seq.s32 @!p0 s29, $0x1  }
0x46: {  	p1 =	por p0, p1  }
.Ltmp4:
0x47: {  	_ = 	snop;
	(pc) =	sbr.rel @p1 .LBB2_6-.Ltmp4, $4  }
0x48: {  	_ = 	snop  }
0x49: {  	_ =	swait.ge @!p0 [sflag:s26], $0x4000  }
0x4a: {  	[sflag:s26] =	ssyncset.done @!p0 $0x0  }
0x4b: {  	s25 =	smin.u32 s25, $0x20;
	[sflag:s26] =	ssyncadd.s32 @!p0 $0xFFFFC000  }
0x4c: {  	s26 =	simm.s32 $0x1B980  }
0x4d: {  	[tilespmem:s18], [sflag:$0x1] =	stream.indirect.gather [hbm4b:s5+s17], $0x80, s26, s17, $0xb8;
	[tilespmem:$0x1D880] =	vst v63  }
0x4e: {  	s26 =	simm.s32 $0x1C900  }
0x4f: {  	[spmem:s2] =	stream.indirect.scatter.add.f32 [tilespmem:s19], [sflag:$0x5], $0x80, s26, s17, $0xb8;
	[tilespmem:$0x1D880] =	vst v63  }
0x50: {  	_ =	swait.ge [sflag:s20], $0x4000  }
0x51: {  	[sflag:s20] =	ssyncset.done $0x0  }
0x52: {  	[sflag:s20] =	ssyncadd.s32 $0xFFFFC000  }
0x53: {  	p0 =	sle.u32 s25, $0x3;
	s28 =	sand.u32 $0x7E, s28;
	_ =	swait.ge [sflag:s21], $0x4000  }
0x54: {  	s29 =	simm.s32 @p0 $0x1C980;
	s30 =	simm.s32 @p0 $0x80;
	[sflag:s21] =	ssyncset.done $0x0  }
0x55: {  	s31 =	simm.s32 @p0 $0x13880;
	s28 =	sadd.s32 $0xFFFFFFFE, s28;
	[sflag:s21] =	ssyncadd.s32 $0xFFFFC000  }
0x56: {  	[spmem:s2] =	stream.indirect.scatter.add.f32 @p0 [tilespmem:s31], [sflag:$0x4], $0x80, s29, s30, $0xb8;
	[tilespmem:$0x1D880] =	vst v63  }
0x57: {  	s29 =	simm.s32 @!p0 $0x17880;
	s30 =	simm.s32 @!p0 $0x1BA00;
	s31 =	simm.s32 @!p0 $0x80  }
0x58: {  	[tilespmem:s29], [sflag:$0x2] =	stream.indirect.gather @!p0 [hbm4b:s5+s31], $0x80, s30, s31, $0xb8;
	[tilespmem:$0x1D880] =	vst v63  }
0x59: {  	p1 =	sne.s32 s28, $0x2;
	s29 =	simm.s32 @!p0 $0x1C980;
	s30 =	simm.s32 @!p0 $0x13880  }
0x5a: {  	[spmem:s2] =	stream.indirect.scatter.add.f32 @!p0 [tilespmem:s30], [sflag:$0x5], $0x80, s29, s31, $0xb8;
	[tilespmem:$0x1D880] =	vst v63  }
.Ltmp5:
0x5b: {  	s0 =	simm.s32 @!p0 $0x5;
	(pc) =	sbr.rel @!p1 .LBB2_5-.Ltmp5, $4  }
0x5c: {  	_ =	swait.ge @!p0 [sflag:s0], $0x4000  }
0x5d: {  	s31 =	simm.s32 @!p0 $0x2;
	[sflag:s0] =	ssyncset.done @!p0 $0x0  }
0x5e: {  	s31 =	simm.s32 @p0 $0x4;
	[sflag:s0] =	ssyncadd.s32 @!p0 $0xFFFFC000  }
0x5f: {  	s29 =	simm.s32 $0x2;
	s30 =	simm.s32 $0x1BA80;
	_ =	swait.ge [sflag:s31], $0x4000  }
.LBB2_4:
0x60: {  	[sflag:s31] =	ssyncset.done $0x0  }
0x61: {  	s26 =	sadd.s32 $0x100, s26;
	s0 =	smov.u32 s29;
	s29 =	sadd.s32 $0x2, s29  }
0x62: {  	p0 =	sne.s32 s28, s29;
	[sflag:s31] =	ssyncadd.s32 $0xFFFFC000  }
0x63: {  	[tilespmem:s18], [sflag:$0x1] =	stream.indirect.gather [hbm4b:s5+s17], $0x80, s30, s17, $0xb8;
	[tilespmem:$0x1D880] =	vst v63  }
0x64: {  	_ = 	snop  }
0x65: {  	[spmem:s2] =	stream.indirect.scatter.add.f32 [tilespmem:s19], [sflag:$0x5], $0x80, s26, s17, $0xb8;
	[tilespmem:$0x1D880] =	vst v63  }
0x66: {  	_ =	swait.ge [sflag:s20], $0x4000  }
0x67: {  	[sflag:s20] =	ssyncset.done $0x0  }
0x68: {  	[sflag:s20] =	ssyncadd.s32 $0xFFFFC000  }
0x69: {  	s0 =	sadd.s32 $0x3, s0;
	_ =	swait.ge [sflag:s21], $0x4000  }
0x6a: {  	p1 =	sge.u32 s0, s25;
	[sflag:s21] =	ssyncset.done $0x0  }
0x6b: {  	s0 =	sadd.s32 @p1 $0x80, s26;
	s31 =	simm.s32 @!p1 $0x17880;
	[sflag:s21] =	ssyncadd.s32 $0xFFFFC000  }
0x6c: {  	s1 =	simm.s32 @p1 $0x80;
	s6 =	simm.s32 @p1 $0x13880;
	s10 =	sadd.s32 @!p1 $0x80, s30  }
0x6d: {  	[spmem:s2] =	stream.indirect.scatter.add.f32 @p1 [tilespmem:s6], [sflag:$0x4], $0x80, s0, s1, $0xb8;
	[tilespmem:$0x1D880] =	vst v63  }
0x6e: {  	s0 =	simm.s32 @!p1 $0x80;
	s1 =	sadd.s32 @!p1 $0x80, s26;
	s6 =	simm.s32 @!p1 $0x13880  }
0x6f: {  	[tilespmem:s31], [sflag:$0x2] =	stream.indirect.gather @!p1 [hbm4b:s5+s0], $0x80, s10, s0, $0xb8;
	[tilespmem:$0x1D880] =	vst v63  }
0x70: {  	s10 =	simm.s32 @!p1 $0x5;
	s31 =	simm.s32 @!p1 $0x2  }
0x71: {  	[spmem:s2] =	stream.indirect.scatter.add.f32 @!p1 [tilespmem:s6], [sflag:$0x5], $0x80, s1, s0, $0xb8;
	[tilespmem:$0x1D880] =	vst v63  }
.Ltmp6:
0x72: {  	_ = 	snop;
	(pc) =	sbr.rel @p0 .LBB2_4-.Ltmp6, $4  }
0x73: {  	_ =	swait.ge @!p1 [sflag:s10], $0x4000  }
0x74: {  	s31 =	simm.s32 @p1 $0x4;
	[sflag:s10] =	ssyncset.done @!p1 $0x0  }
0x75: {  	[sflag:s10] =	ssyncadd.s32 @!p1 $0xFFFFC000  }
0x76: {  	s30 =	sadd.s32 $0x100, s30;
	_ =	swait.ge [sflag:s31], $0x4000  }
.Ltmp7:
0x77: {  	_ = 	snop;
	(pc) =	sbr.rel .LBB2_5-.Ltmp7, $1  }
0x78: {  	_ =	sdelay $0x3  }
.LBB2_8:
0x79: {  	_ =	sfence.sel $0x180000  }
0x7a: {  	[bflag:$0x0] =	sbarrier.arrive $0xFFFF  }
0x7b: {  	_ =	strace $0x90000056  }
0x7c: {  	s0 =	stileid.u32;
	[bflag:$0x2] =	sbarrier.arrive $0xFFFF  }
0x7d: {  	p0 =	sne.s32 s0, $0x0;
	s0 =	rddreg [dreg:$0x2]  }
0x7e: {  	s0 =	sadd.s32 @!p0 $0x100000, s0  }
0x7f: {  	[sflag:s0] =	ssyncadd.tile.s32 @!p0 $0x1;
	_ =	shalt  }
.Lfunc_end2:
_tile_overlayer_lowered:
.L_overlay_start_2:
0x80: {  	(tag) =	ssettag $0x2  }
0x81: {  	s0 =	rddreg [dreg:$0x0];
	s2 =	stileid.u32  }
0x82: {  	s1 =	rddreg [dreg:$0x1];
	p0 =	sne.s32 s2, $0x0  }
0x83: {  	s3 =	rddreg [dreg:$0x2];
	[bflag:$0x3] =	sbarrier.arrive $0xFFFF;
	s2 =	simm.s32 @!p0 $0x1C03  }
0x84: {  	[timem:s3], [sflag:s2] =	dma.local @!p0 [hbm:s0], s1  }
0x85: {  	s0 =	simm.s32 @!p0 $0x3  }
0x86: {  	_ =	swait.ge @!p0 [sflag:s0], s1  }
0x87: {  	s1 =	ssub.s32 @!p0 $0x0, s1;
	[sflag:s0] =	ssyncset.done @!p0 $0x0  }
0x88: {  	[sflag:s0] =	ssyncadd.s32 @!p0 s1  }
0x89: {  	[bflag:$0x3] =	sbarrier.arrive $0xFFFF  }
0x8a: {  	_ =	shalt  }

// kernel: _gcn.24.cloned.1.call-start
scs
__scs_entry_jumppad:
0x0: {  	(pc) =	sbr.rel $0x88, $3  }
0x1: {  	(tag) =	ssettag $0x0;
	lr =	simm.s32 $0x1  }
0x2: {  	[smem:$0x3F96] =	sst lr;
	_ =	strace $0xD0000000  }
0x3: {  	_ = 	snop  }
0x4: {  	_ = 	snop  }
0x5: {  	_ = 	snop  }
0x6: {  	_ = 	snop  }
0x7: {  	_ = 	snop  }
__scs_overlays_trampoline_lowered:
0x8: {  	[smem:$0x3FA5] =	sst s0  }
0x9: {  	[smem:$0x3FA6] =	sst s1  }
0xa: {  	[smem:$0x3FA7] =	sst s2  }
0xb: {  	[smem:$0x3FA8] =	sst s3  }
0xc: {  	[smem:$0x3FA9] =	sst s4  }
0xd: {  	[smem:$0x3FAA] =	sst s5  }
0xe: {  	[smem:$0x3FAB] =	sst s6  }
0xf: {  	[smem:$0x3FAC] =	sst s7  }
0x10: {  	[smem:$0x3FAD] =	sst s8  }
0x11: {  	[smem:$0x3FAE] =	sst s9;
	s0 =	simm.s32 @!p0 $0x0  }
0x12: {  	s1 =	sld [smem:$0x3F94];
	s0 =	simm.s32 @p0 $0x1  }
0x13: {  	[smem:$0x3FAF] =	sst s0;
	s0 =	simm.s32 @!p1 $0x0  }
0x14: {  	s2 =	sld [smem:$0x3F93];
	s0 =	simm.s32 @p1 $0x1  }
0x15: {  	[smem:$0x3FB0] =	sst s0;
	s0 =	simm.s32 @!p2 $0x0  }
0x16: {  	s3 =	sld [smem:$0x3FDB];
	s0 =	simm.s32 @p2 $0x1  }
0x17: {  	s4 =	simm.s32 $0x1BF5;
	[smem:$0x3FB2] =	sst s0  }
0x18: {  	s0 =	sld [smem:$0x3F95];
	_ =	swait.ge [sflag:s4], $0x0  }
0x19: {  	s7 =	sld [smem:$0x3F96]  }
0x1a: {  	s8 =	sadd.s32 $0xFFFFE003, lr  }
0x1b: {  	s9 =	sadd.s32 $0xFFFFFEF7, lr;
	s5 =	simm.s32 $0xFFFFFFFF;
	p2 =	slt.u32 s8, $0xFFFFF086  }
0x1c: {  	p1 =	slt.u32 s9, $0xF7A;
	s5 =	simm.s32 @!p2 $0x0  }
0x1d: {  	s5 =	simm.s32 @p1 $0x1;
	p0 =	seq.s32 s7, s2  }
0x1e: {  	s7 =	smul.u32 @!p0 $0xF7A, s2;
	p2 =	seq.s32 @!p0 s5, $0x0  }
0x1f: {  	s9 =	smul.u32 $0xF7A, s1;
	s8 =	simm.s32 @!p0 $0x1BF5;
	p2 =	por !p2, p0  }
0x20: {  	[sflag:s8] =	ssyncset.s32 @!p0 $0xFFFFF086;
	s6 =	sadd.s32 @!p0 s3, s7;
	s7 =	simm.s32 @!p0 $0x108  }
0x21: {  	s3 =	sadd.s32 s3, s9;
	s6 =	sadd.s32 @!p0 $0x88, s6;
	s7 =	simm.s32 @p2 $0x1082  }
0x22: {  	[simem:s7], [sflag:s8] =	dma.local @!p0 [hbm:s6], $0xF7A  }
0x23: {  	s9 =	sor.u32 $0xD0000000, s2;
	s6 =	simm.s32 $0x108;
	_ =	swait.ge @!p0 [sflag:s8], $0x0  }
0x24: {  	s3 =	sadd.s32 $0x88, s3;
	s6 =	simm.s32 @!p1 $0x1082;
	[sflag:s4] =	ssyncset.s32 $0xFFFFF086  }
0x25: {  	[simem:s6], [sflag:s4] =	dma.local [hbm:s3], $0xF7A  }
0x26: {  	[smem:$0x3F96] =	sst s1;
	(tag) =	ssettag s2;
	_ =	strace s9  }
0x27: {  	s1 =	sld [smem:$0x3FA6]  }
0x28: {  	s2 =	sld [smem:$0x3FA7]  }
0x29: {  	s4 =	sld [smem:$0x3FA9]  }
0x2a: {  	p0 =	seq.s32 s5, $0x0;
	s5 =	sld [smem:$0x3FAA]  }
0x2b: {  	s6 =	sld [smem:$0x3FAB]  }
0x2c: {  	s7 =	sld [smem:$0x3FAC]  }
0x2d: {  	s3 =	simm.s32 $0x108;
	s8 =	sld [smem:$0x3FAD]  }
0x2e: {  	s3 =	simm.s32 @!p0 $0x1082;
	s9 =	sld [smem:$0x3FAE]  }
0x2f: {  	lr =	sadd.s32 s0, s3;
	s0 =	sld [smem:$0x3FA5]  }
0x30: {  	s3 =	sld [smem:$0x3FA8]  }
0x31: {  	[smem:$0x3FB1] =	sst s10  }
0x32: {  	s10 =	sld [smem:$0x3FAF];
	_ =	sdelay $0x3  }
0x33: {  	p0 =	seq.s32 s10, $0x1;
	s10 =	sld [smem:$0x3FB1];
	_ =	sdelay $0x3  }
0x34: {  	[smem:$0x3FB1] =	sst s10  }
0x35: {  	s10 =	sld [smem:$0x3FB0];
	_ =	sdelay $0x3  }
0x36: {  	p1 =	seq.s32 s10, $0x1;
	s10 =	sld [smem:$0x3FB1];
	_ =	sdelay $0x3  }
0x37: {  	[smem:$0x3FB1] =	sst s10  }
0x38: {  	s10 =	sld [smem:$0x3FB2]  }
0x39: {  	_ = 	snop;
	(pc) =	sbr.ind lr, $3  }
0x3a: {  	_ = 	snop  }
0x3b: {  	_ = 	snop  }
0x3c: {  	p2 =	seq.s32 s10, $0x1;
	s10 =	sld [smem:$0x3FB1]  }
0x3d: {  	_ =	shalt  }
0x3e: {  	_ =	shalt  }
0x3f: {  	_ =	shalt  }
0x40: {  	_ =	shalt  }
0x41: {  	_ =	shalt  }
0x42: {  	_ =	shalt  }
0x43: {  	_ =	shalt  }
0x44: {  	_ =	shalt  }
0x45: {  	_ =	shalt  }
0x46: {  	_ =	shalt  }
0x47: {  	_ =	shalt  }
0x48: {  	_ =	shalt  }
0x49: {  	_ =	shalt  }
0x4a: {  	_ =	shalt  }
0x4b: {  	_ =	shalt  }
0x4c: {  	_ =	shalt  }
0x4d: {  	_ =	shalt  }
0x4e: {  	_ =	shalt  }
0x4f: {  	_ =	shalt  }
0x50: {  	_ =	shalt  }
0x51: {  	_ =	shalt  }
0x52: {  	_ =	shalt  }
0x53: {  	_ =	shalt  }
0x54: {  	_ =	shalt  }
0x55: {  	_ =	shalt  }
0x56: {  	_ =	shalt  }
0x57: {  	_ =	shalt  }
0x58: {  	_ =	shalt  }
0x59: {  	_ =	shalt  }
0x5a: {  	_ =	shalt  }
0x5b: {  	_ =	shalt  }
0x5c: {  	_ =	shalt  }
0x5d: {  	_ =	shalt  }
0x5e: {  	_ =	shalt  }
0x5f: {  	_ =	shalt  }
0x60: {  	_ =	shalt  }
0x61: {  	_ =	shalt  }
0x62: {  	_ =	shalt  }
0x63: {  	_ =	shalt  }
0x64: {  	_ =	shalt  }
0x65: {  	_ =	shalt  }
0x66: {  	_ =	shalt  }
0x67: {  	_ =	shalt  }
0x68: {  	_ =	shalt  }
0x69: {  	_ =	shalt  }
0x6a: {  	_ =	shalt  }
0x6b: {  	_ =	shalt  }
0x6c: {  	_ =	shalt  }
0x6d: {  	_ =	shalt  }
0x6e: {  	_ =	shalt  }
0x6f: {  	_ =	shalt  }
0x70: {  	_ =	shalt  }
0x71: {  	_ =	shalt  }
0x72: {  	_ =	shalt  }
0x73: {  	_ =	shalt  }
0x74: {  	_ =	shalt  }
0x75: {  	_ =	shalt  }
0x76: {  	_ =	shalt  }
0x77: {  	_ =	shalt  }
0x78: {  	_ =	shalt  }
0x79: {  	_ =	shalt  }
0x7a: {  	_ =	shalt  }
0x7b: {  	_ =	shalt  }
0x7c: {  	_ =	shalt  }
0x7d: {  	_ =	shalt  }
0x7e: {  	_ =	shalt  }
0x7f: {  	_ =	shalt  }
0x80: {  	_ =	shalt  }
0x81: {  	_ =	shalt  }
0x82: {  	_ =	shalt  }
0x83: {  	_ =	shalt  }
0x84: {  	_ =	shalt  }
0x85: {  	_ =	shalt  }
0x86: {  	_ =	shalt  }
0x87: {  	_ =	shalt  }
.Lfunc_end0:
.L_simem_size_0:
called_computation.6_lowered:
.L_overlay_start_0:
0x88: {  	s2 =	sld [smem:$0x3FD9]  }
0x89: {  	s3 =	sld [smem:$0x3FFE];
	_ =	sdelay $0x1  }
0x8a: {  	s1 =	srdreg.scid  }
0x8b: {  	s0 =	sand.u32 $0x1, s1  }
0x8c: {  	s16 =	sshll.u32 s0, $0xA;
	s2 =	sadd.s32 s3, s2  }
0x8d: {  	s2 =	sadd.s32 s2, s16  }
0x8e: {  	[smem:$0x3FBD] =	sst s2  }
0x8f: {  	_ = 	snop  }
0x90: {  	(tm) =	ssettm $0x1  }
0x91: {  	s17 =	sld [smem:$0x3FFB];
	_ =	sdelay $0x3  }
0x92: {  	_ =	strace s17  }
0x93: {  	s2 =	sld [smem:$0x3FFC];
	_ =	sdelay $0x3  }
0x94: {  	_ =	strace s2  }
0x95: {  	s2 =	sld [smem:$0x3FFD];
	_ =	sdelay $0x3  }
0x96: {  	_ =	strace s2  }
0x97: {  	_ =	strace $0x8FFFFFFF  }
0x98: {  	s18 =	sld [smem:$0x3FDB];
	_ =	sdelay $0x1  }
0x99: {  	s19 =	simm.s32 $_scs_section_size  }
0x9a: {  	s4 =	simm.s32 $_size__tile_overlayer_lowered;
	s5 =	simm.s32 $_tile_overlayer_lowered  }
0x9b: {  	s22 =	simm.s32 $0x1BFF;
	s21 =	sshll.u32 s5, $0x1;
	s2 =	sadd.s32 s19, s18  }
0x9c: {  	s6 =	simm.s32 $0x0;
	s20 =	sshll.u32 s4, $0x1;
	s4 =	sadd.s32 s21, s2  }
0x9d: {  	[timem:s6], [sflag:s22] =	dma.local [hbm:s4], s20  }
0x9e: {  	_ =	swait.ge [sflag:s22], s20  }
0x9f: {  	s3 =	ssub.s32 $0x0, s20;
	[sflag:s22] =	ssyncset.done $0x0  }
0xa0: {  	[sflag:s22] =	ssyncadd.s32 s3;
	_ =	sdelay $0x1  }
0xa1: {  	s23 =	simm.s32 $0x1B8B  }
0xa2: {  	_ =	swait.ge [sflag:s23], $0x1  }
0xa3: {  	[sflag:s23] =	ssyncset.done $0x0  }
0xa4: {  	s25 =	simm.s32 $0x1B8E;
	s24 =	sld [smem:$0x3FFE];
	[sflag:s23] =	ssyncadd.s32 $0xFFFFFFFF  }
0xa5: {  	s26 =	simm.s32 $execute0_lowered;
	[smem:$0x3FD2] =	sst s25  }
0xa6: {  	s4 =	sshll.u32 s26, $0x1;
	_ =	strace $0x80000058;
	[dreg:$0x1] =	wrdreg $0xFFFFFFFF  }
0xa7: {  	s28 =	simm.s32 $_size_execute0_lowered;
	s2 =	sadd.s32 s2, s4;
	[dreg:$0x0] =	wrdreg $0x0  }
0xa8: {  	s4 =	sshll.u32 s28, $0x1;
	[dreg:$0x2] =	wrdreg s2  }
0xa9: {  	[dreg:$0x3] =	wrdreg s4  }
0xaa: {  	[dreg:$0x4] =	wrdreg $0xC0  }
0xab: {  	_ =	task [dreg:s6], $0x5FFFF  }
0xac: {  	[dreg:$0x1] =	wrdreg $0xFFFFFFFF  }
0xad: {  	[dreg:$0x0] =	wrdreg $0x60  }
0xae: {  	[dreg:$0x2] =	wrdreg s24  }
0xaf: {  	[dreg:$0x3] =	wrdreg $0x0  }
0xb0: {  	[dreg:$0x4] =	wrdreg $0x9  }
0xb1: {  	_ =	task.clear_ibuf [dreg:s6], $0x5FFFF;
	_ =	strace $0x90000058  }
0xb2: {  	s29 =	simm.s32 $0x9;
	_ =	strace $0x8000005A  }
0xb3: {  	_ =	swait.ge [sflag:s29], $0x1  }
0xb4: {  	[sflag:s29] =	ssyncadd.s32 $0xFFFFFFFF  }
0xb5: {  	_ =	strace $0x9000005A  }
0xb6: {  	_ =	sfence  }
0xb7: {  	s30 =	sld [smem:$0x0];
	_ =	sdelay $0x2  }
0xb8: {  	s31 =	sshll.u32 s1, $0xD;
	s1 =	sshrl.u32 s1, $0x2  }
0xb9: {  	s3 =	sand.u32 $0x4000, s31;
	s1 =	sadd.s32 s1, s30  }
0xba: {  	s0 =	sor.u32 s3, s0;
	s1 =	sshll.u32 s1, $0x11  }
0xbb: {  	s0 =	sor.u32 s1, s0  }
0xbc: {  	s0 =	sadd.s32 $0x8F2B, s0  }
0xbd: {  	[sflag:s0] =	ssyncadd.remote.s32 $0x1  }
0xbe: {  	_ =	sfence.sel $0xFFFF  }
0xbf: {  	[dreg:$0x0] =	wrdreg $0xFFFFFFFF;
	(pc) =	sbr.abs _section_cstart, $3  }
0xc0: {  	[dreg:$0x1] =	wrdreg $0xFFFFFFFF  }
0xc1: {  	_ =	task.clear_ibuf [dreg:s6], $0x2FFFF;
	_ =	strace $0x9FFFFFFF  }
0xc2: {  	(tm) =	ssettm $0x7FFFFFFF  }
0xc3: {  	_ =	shalt  }
tec
execute0_lowered:
.L_overlay_start_1:
0x0: {  	(tag) =	ssettag $0x1  }
0x1: {  	s4 =	rddreg [dreg:$0x0]  }
0x2: {  	s0 =	srdreg.scid;
	s1 =	rddreg [dreg:$0x1]  }
0x3: {  	s2 =	simm.s32 $0x0;
	s10 =	stileid.u32;
	s13 =	simm.s32 $0x200  }
0x4: {  	s14 =	simm.s32 $0x50;
	s5 =	sand.u32 $0x1, s0;
	s0 =	rddreg [dreg:$0x2]  }
0x5: {  	s15 =	simm.s32 $0x0;
	[smem:$0x7FF] =	sst s2;
	s31 =	sshll.u32 s10, $0x4  }
0x6: {  	s11 =	ssub.s32 $0x8C, s10;
	p0 =	sne.s32 s10, $0x0;
	s3 =	smul.u32 $0x27100, s5  }
0x7: {  	_ =	strace $0x80000059;
	s7 =	ssub.s32 $0x2, s5;
	s5 =	sshll.u32 s5, $0xA  }
0x8: {  	s9 =	sadd.s32 s31, s4;
	s8 =	sshrl.u32 s7, $0x1;
	s12 =	sadd.s32 s5, s4  }
0x9: {  	s9 =	sadd.s32 $0x17800, s9;
	s6 =	sadd.s32 s3, s4;
	s3 =	sadd.s32 $0x66200, s4  }
0xa: {  	s7 =	ssub.s32 s7, s8;
	s4 =	sshrl.u32 s11, $0x4;
	s8 =	smul.u32 $0x500, s10  }
0xb: {  	s10 =	sshrl.u32 @!p0 s1, $0x3;
	s11 =	simm.s32 $0x2A00;
	s5 =	sadd.s32 $0x18000, s6  }
0xc: {  	s6 =	sadd.s32 $0x66600, s12;
	s7 =	smax.u32 s7, $0x1;
	s12 =	simm.s32 $0x1  }
.LBB2_1:
0xd: {  	s17 =	simm.s32 @!p0 $0x1C01;
	s16 =	simm.s32 @!p0 $0x1  }
0xe: {  	[spmem:s10], [sflag:s17] =	dma.local @!p0 [hbm:s3], $0x400  }
0xf: {  	_ =	swait.ge @!p0 [sflag:s16], $0x400  }
0x10: {  	[sflag:s16] =	ssyncset.done @!p0 $0x0  }
0x11: {  	[sflag:s16] =	ssyncadd.s32 @!p0 $0xFFFFFC00  }
0x12: {  	[bflag:$0x0] =	sbarrier.arrive $0xFFFF  }
0x13: {  	[tilespmem:s11], [sflag:$0x1] =	stream.linear.gather [hbm4b:s9+s2], $0x80, $0x38;
	[tilespmem:$0x2A80] =	vst v63  }
0x14: {  	_ =	swait.ge [sflag:s12], $0x80  }
0x15: {  	[sflag:s12] =	ssyncset.done $0x0  }
0x16: {  	s18 =	sadd.s32 s8, s5;
	[sflag:s12] =	ssyncadd.s32 $0xFFFFFF80  }
0x17: {  	[tilespmem:s13], [sflag:$0x1] =	stream.linear.gather [hbm4b:s18+s2], $0x2800, $0x38;
	[tilespmem:$0x2A80] =	vst v63  }
0x18: {  	p1 =	sne.s32 s4, $0x1;
	_ =	swait.ge [sflag:s12], $0x2800  }
.Ltmp0:
0x19: {  	[sflag:s12] =	ssyncset.done $0x0;
	(pc) =	sbr.rel @!p1 .LBB2_3-.Ltmp0, $4  }
0x1a: {  	[sflag:s12] =	ssyncadd.s32 $0xFFFFD800  }
0x1b: {  	[spmem:s1] =	stream.indirect.scatter.add.f32 [tilespmem:s13], [sflag:$0x1], $0x80, s11, s14, $0xb8;
	[tilespmem:$0x2A80] =	vst v63  }
0x1c: {  	s19 =	smov.u32 s8;
	_ =	swait.ge [sflag:s12], $0x2800  }
0x1d: {  	s20 =	smov.u32 s9;
	s18 =	sadd.s32 $0xFFFFFFFF, s4;
	[sflag:s12] =	ssyncset.done $0x0  }
.LBB2_2:
0x1e: {  	[sflag:s12] =	ssyncadd.s32 $0xFFFFD800;
	s19 =	sadd.s32 $0x5000, s19;
	s20 =	sadd.s32 $0x100, s20  }
0x1f: {  	[tilespmem:s11], [sflag:$0x1] =	stream.linear.gather [hbm4b:s20+s2], $0x80, $0x38;
	[tilespmem:$0x2A80] =	vst v63  }
0x20: {  	p1 =	sne.s32 s18, $0x1;
	s18 =	sadd.s32 $0xFFFFFFFF, s18;
	_ =	swait.ge [sflag:s12], $0x80  }
0x21: {  	[sflag:s12] =	ssyncset.done $0x0  }
0x22: {  	s21 =	sadd.s32 s19, s5;
	[sflag:s12] =	ssyncadd.s32 $0xFFFFFF80  }
0x23: {  	[tilespmem:s13], [sflag:$0x1] =	stream.linear.gather [hbm4b:s21+s2], $0x2800, $0x38;
	[tilespmem:$0x2A80] =	vst v63  }
0x24: {  	_ =	swait.ge [sflag:s12], $0x2800  }
.Ltmp1:
0x25: {  	[sflag:s12] =	ssyncset.done $0x0;
	(pc) =	sbr.rel @p1 .LBB2_2-.Ltmp1, $4  }
0x26: {  	[sflag:s12] =	ssyncadd.s32 $0xFFFFD800  }
0x27: {  	[spmem:s1] =	stream.indirect.scatter.add.f32 [tilespmem:s13], [sflag:$0x1], $0x80, s11, s14, $0xb8;
	[tilespmem:$0x2A80] =	vst v63  }
0x28: {  	_ =	swait.ge [sflag:s12], $0x2800  }
0x29: {  	[sflag:s12] =	ssyncset.done $0x0  }
.LBB2_3:
0x2a: {  	s15 =	sadd.s32 $0x1, s15  }
0x2b: {  	[sflag:s12] =	ssyncadd.s32 $0xFFFFD800;
	p1 =	sne.s32 s15, s7  }
.Ltmp2:
0x2c: {  	[bflag:$0x0] =	sbarrier.arrive $0xFFFF;
	(pc) =	sbr.rel @p1 .LBB2_1-.Ltmp2, $4  }
0x2d: {  	[hbm:s6], [sflag:s17] =	dma.local @!p0 [spmem:s10], $0x400  }
0x2e: {  	_ =	swait.ge @!p0 [sflag:s16], $0x400  }
0x2f: {  	[sflag:s16] =	ssyncset.done @!p0 $0x0  }
0x30: {  	[sflag:s16] =	ssyncadd.s32 @!p0 $0xFFFFFC00  }
0x31: {  	_ =	sfence.sel $0x180000  }
0x32: {  	[bflag:$0x0] =	sbarrier.arrive $0xFFFF  }
0x33: {  	_ =	strace $0x90000059  }
0x34: {  	s0 =	sadd.s32 @!p0 $0x100000, s0;
	[bflag:$0x2] =	sbarrier.arrive $0xFFFF  }
0x35: {  	[sflag:s0] =	ssyncadd.tile.s32 @!p0 $0x1;
	_ =	shalt  }
.Lfunc_end2:
_tile_overlayer_lowered:
.L_overlay_start_2:
0x36: {  	(tag) =	ssettag $0x2  }
0x37: {  	s0 =	rddreg [dreg:$0x0];
	s2 =	stileid.u32  }
0x38: {  	s1 =	rddreg [dreg:$0x1];
	p0 =	sne.s32 s2, $0x0  }
0x39: {  	s3 =	rddreg [dreg:$0x2];
	[bflag:$0x3] =	sbarrier.arrive $0xFFFF;
	s2 =	simm.s32 @!p0 $0x1C01  }
0x3a: {  	[timem:s3], [sflag:s2] =	dma.local @!p0 [hbm:s0], s1  }
0x3b: {  	s0 =	simm.s32 @!p0 $0x1  }
0x3c: {  	_ =	swait.ge @!p0 [sflag:s0], s1  }
0x3d: {  	s1 =	ssub.s32 @!p0 $0x0, s1;
	[sflag:s0] =	ssyncset.done @!p0 $0x0  }
0x3e: {  	[sflag:s0] =	ssyncadd.s32 @!p0 s1  }
0x3f: {  	[bflag:$0x3] =	sbarrier.arrive $0xFFFF  }
0x40: {  	_ =	shalt  }

// kernel: gather_offload_async_start.1
scs
__scs_entry_jumppad:
0x0: {  	(pc) =	sbr.rel $0x88, $3  }
0x1: {  	(tag) =	ssettag $0x0;
	lr =	simm.s32 $0x1  }
0x2: {  	[smem:$0x3F96] =	sst lr;
	_ =	strace $0xD0000000  }
0x3: {  	_ = 	snop  }
0x4: {  	_ = 	snop  }
0x5: {  	_ = 	snop  }
0x6: {  	_ = 	snop  }
0x7: {  	_ = 	snop  }
__scs_overlays_trampoline_lowered:
0x8: {  	[smem:$0x3FA5] =	sst s0  }
0x9: {  	[smem:$0x3FA6] =	sst s1  }
0xa: {  	[smem:$0x3FA7] =	sst s2  }
0xb: {  	[smem:$0x3FA8] =	sst s3  }
0xc: {  	[smem:$0x3FA9] =	sst s4  }
0xd: {  	[smem:$0x3FAA] =	sst s5  }
0xe: {  	[smem:$0x3FAB] =	sst s6  }
0xf: {  	[smem:$0x3FAC] =	sst s7  }
0x10: {  	[smem:$0x3FAD] =	sst s8  }
0x11: {  	[smem:$0x3FAE] =	sst s9;
	s0 =	simm.s32 @!p0 $0x0  }
0x12: {  	s1 =	sld [smem:$0x3F94];
	s0 =	simm.s32 @p0 $0x1  }
0x13: {  	[smem:$0x3FAF] =	sst s0;
	s0 =	simm.s32 @!p1 $0x0  }
0x14: {  	s2 =	sld [smem:$0x3F93];
	s0 =	simm.s32 @p1 $0x1  }
0x15: {  	[smem:$0x3FB0] =	sst s0;
	s0 =	simm.s32 @!p2 $0x0  }
0x16: {  	s3 =	sld [smem:$0x3FDB];
	s0 =	simm.s32 @p2 $0x1  }
0x17: {  	s4 =	simm.s32 $0x1BF5;
	[smem:$0x3FB2] =	sst s0  }
0x18: {  	s0 =	sld [smem:$0x3F95];
	_ =	swait.ge [sflag:s4], $0x0  }
0x19: {  	s7 =	sld [smem:$0x3F96]  }
0x1a: {  	s8 =	sadd.s32 $0xFFFFE003, lr  }
0x1b: {  	s9 =	sadd.s32 $0xFFFFFEF7, lr;
	s5 =	simm.s32 $0xFFFFFFFF;
	p2 =	slt.u32 s8, $0xFFFFF086  }
0x1c: {  	p1 =	slt.u32 s9, $0xF7A;
	s5 =	simm.s32 @!p2 $0x0  }
0x1d: {  	s5 =	simm.s32 @p1 $0x1;
	p0 =	seq.s32 s7, s2  }
0x1e: {  	s7 =	smul.u32 @!p0 $0xF7A, s2;
	p2 =	seq.s32 @!p0 s5, $0x0  }
0x1f: {  	s9 =	smul.u32 $0xF7A, s1;
	s8 =	simm.s32 @!p0 $0x1BF5;
	p2 =	por !p2, p0  }
0x20: {  	[sflag:s8] =	ssyncset.s32 @!p0 $0xFFFFF086;
	s6 =	sadd.s32 @!p0 s3, s7;
	s7 =	simm.s32 @!p0 $0x108  }
0x21: {  	s3 =	sadd.s32 s3, s9;
	s6 =	sadd.s32 @!p0 $0x88, s6;
	s7 =	simm.s32 @p2 $0x1082  }
0x22: {  	[simem:s7], [sflag:s8] =	dma.local @!p0 [hbm:s6], $0xF7A  }
0x23: {  	s9 =	sor.u32 $0xD0000000, s2;
	s6 =	simm.s32 $0x108;
	_ =	swait.ge @!p0 [sflag:s8], $0x0  }
0x24: {  	s3 =	sadd.s32 $0x88, s3;
	s6 =	simm.s32 @!p1 $0x1082;
	[sflag:s4] =	ssyncset.s32 $0xFFFFF086  }
0x25: {  	[simem:s6], [sflag:s4] =	dma.local [hbm:s3], $0xF7A  }
0x26: {  	[smem:$0x3F96] =	sst s1;
	(tag) =	ssettag s2;
	_ =	strace s9  }
0x27: {  	s1 =	sld [smem:$0x3FA6]  }
0x28: {  	s2 =	sld [smem:$0x3FA7]  }
0x29: {  	s4 =	sld [smem:$0x3FA9]  }
0x2a: {  	p0 =	seq.s32 s5, $0x0;
	s5 =	sld [smem:$0x3FAA]  }
0x2b: {  	s6 =	sld [smem:$0x3FAB]  }
0x2c: {  	s7 =	sld [smem:$0x3FAC]  }
0x2d: {  	s3 =	simm.s32 $0x108;
	s8 =	sld [smem:$0x3FAD]  }
0x2e: {  	s3 =	simm.s32 @!p0 $0x1082;
	s9 =	sld [smem:$0x3FAE]  }
0x2f: {  	lr =	sadd.s32 s0, s3;
	s0 =	sld [smem:$0x3FA5]  }
0x30: {  	s3 =	sld [smem:$0x3FA8]  }
0x31: {  	[smem:$0x3FB1] =	sst s10  }
0x32: {  	s10 =	sld [smem:$0x3FAF];
	_ =	sdelay $0x3  }
0x33: {  	p0 =	seq.s32 s10, $0x1;
	s10 =	sld [smem:$0x3FB1];
	_ =	sdelay $0x3  }
0x34: {  	[smem:$0x3FB1] =	sst s10  }
0x35: {  	s10 =	sld [smem:$0x3FB0];
	_ =	sdelay $0x3  }
0x36: {  	p1 =	seq.s32 s10, $0x1;
	s10 =	sld [smem:$0x3FB1];
	_ =	sdelay $0x3  }
0x37: {  	[smem:$0x3FB1] =	sst s10  }
0x38: {  	s10 =	sld [smem:$0x3FB2]  }
0x39: {  	_ = 	snop;
	(pc) =	sbr.ind lr, $3  }
0x3a: {  	_ = 	snop  }
0x3b: {  	_ = 	snop  }
0x3c: {  	p2 =	seq.s32 s10, $0x1;
	s10 =	sld [smem:$0x3FB1]  }
0x3d: {  	_ =	shalt  }
0x3e: {  	_ =	shalt  }
0x3f: {  	_ =	shalt  }
0x40: {  	_ =	shalt  }
0x41: {  	_ =	shalt  }
0x42: {  	_ =	shalt  }
0x43: {  	_ =	shalt  }
0x44: {  	_ =	shalt  }
0x45: {  	_ =	shalt  }
0x46: {  	_ =	shalt  }
0x47: {  	_ =	shalt  }
0x48: {  	_ =	shalt  }
0x49: {  	_ =	shalt  }
0x4a: {  	_ =	shalt  }
0x4b: {  	_ =	shalt  }
0x4c: {  	_ =	shalt  }
0x4d: {  	_ =	shalt  }
0x4e: {  	_ =	shalt  }
0x4f: {  	_ =	shalt  }
0x50: {  	_ =	shalt  }
0x51: {  	_ =	shalt  }
0x52: {  	_ =	shalt  }
0x53: {  	_ =	shalt  }
0x54: {  	_ =	shalt  }
0x55: {  	_ =	shalt  }
0x56: {  	_ =	shalt  }
0x57: {  	_ =	shalt  }
0x58: {  	_ =	shalt  }
0x59: {  	_ =	shalt  }
0x5a: {  	_ =	shalt  }
0x5b: {  	_ =	shalt  }
0x5c: {  	_ =	shalt  }
0x5d: {  	_ =	shalt  }
0x5e: {  	_ =	shalt  }
0x5f: {  	_ =	shalt  }
0x60: {  	_ =	shalt  }
0x61: {  	_ =	shalt  }
0x62: {  	_ =	shalt  }
0x63: {  	_ =	shalt  }
0x64: {  	_ =	shalt  }
0x65: {  	_ =	shalt  }
0x66: {  	_ =	shalt  }
0x67: {  	_ =	shalt  }
0x68: {  	_ =	shalt  }
0x69: {  	_ =	shalt  }
0x6a: {  	_ =	shalt  }
0x6b: {  	_ =	shalt  }
0x6c: {  	_ =	shalt  }
0x6d: {  	_ =	shalt  }
0x6e: {  	_ =	shalt  }
0x6f: {  	_ =	shalt  }
0x70: {  	_ =	shalt  }
0x71: {  	_ =	shalt  }
0x72: {  	_ =	shalt  }
0x73: {  	_ =	shalt  }
0x74: {  	_ =	shalt  }
0x75: {  	_ =	shalt  }
0x76: {  	_ =	shalt  }
0x77: {  	_ =	shalt  }
0x78: {  	_ =	shalt  }
0x79: {  	_ =	shalt  }
0x7a: {  	_ =	shalt  }
0x7b: {  	_ =	shalt  }
0x7c: {  	_ =	shalt  }
0x7d: {  	_ =	shalt  }
0x7e: {  	_ =	shalt  }
0x7f: {  	_ =	shalt  }
0x80: {  	_ =	shalt  }
0x81: {  	_ =	shalt  }
0x82: {  	_ =	shalt  }
0x83: {  	_ =	shalt  }
0x84: {  	_ =	shalt  }
0x85: {  	_ =	shalt  }
0x86: {  	_ =	shalt  }
0x87: {  	_ =	shalt  }
.Lfunc_end0:
.L_simem_size_0:
called_computation.1_lowered:
.L_overlay_start_0:
0x88: {  	s2 =	sld [smem:$0x3FD9]  }
0x89: {  	s3 =	sld [smem:$0x3FFE];
	_ =	sdelay $0x1  }
0x8a: {  	s1 =	srdreg.scid  }
0x8b: {  	s0 =	sand.u32 $0x1, s1  }
0x8c: {  	s17 =	sshll.u32 s0, $0xA;
	s2 =	sadd.s32 s3, s2  }
0x8d: {  	s2 =	sadd.s32 s2, s17  }
0x8e: {  	[smem:$0x3FBD] =	sst s2  }
0x8f: {  	_ = 	snop  }
0x90: {  	(tm) =	ssettm $0x1  }
0x91: {  	s18 =	sld [smem:$0x3FFB];
	_ =	sdelay $0x3  }
0x92: {  	_ =	strace s18  }
0x93: {  	s2 =	sld [smem:$0x3FFC];
	_ =	sdelay $0x3  }
0x94: {  	_ =	strace s2  }
0x95: {  	s2 =	sld [smem:$0x3FFD];
	_ =	sdelay $0x3  }
0x96: {  	_ =	strace s2  }
0x97: {  	_ =	strace $0x8FFFFFFF  }
0x98: {  	s19 =	sld [smem:$0x3FDB];
	_ =	sdelay $0x1  }
0x99: {  	s20 =	simm.s32 $_scs_section_size  }
0x9a: {  	s4 =	simm.s32 $_size__tile_overlayer_lowered;
	s5 =	simm.s32 $_tile_overlayer_lowered  }
0x9b: {  	s6 =	simm.s32 $0x1BFF;
	s21 =	sshll.u32 s5, $0x1;
	s3 =	sadd.s32 s20, s19  }
0x9c: {  	s22 =	simm.s32 $0x0;
	s4 =	sshll.u32 s4, $0x1;
	s5 =	sadd.s32 s21, s3  }
0x9d: {  	[timem:s22], [sflag:s6] =	dma.local [hbm:s5], s4  }
0x9e: {  	_ =	swait.ge [sflag:s6], s4  }
0x9f: {  	s4 =	ssub.s32 $0x0, s4;
	[sflag:s6] =	ssyncset.done $0x0  }
0xa0: {  	[sflag:s6] =	ssyncadd.s32 s4;
	_ =	sdelay $0x1  }
0xa1: {  	s23 =	simm.s32 $0x1B8B  }
0xa2: {  	_ =	swait.ge [sflag:s23], $0x1  }
0xa3: {  	[sflag:s23] =	ssyncset.done $0x0  }
0xa4: {  	[sflag:s23] =	ssyncadd.s32 $0xFFFFFFFF  }
0xa5: {  	s4 =	sld [smem:$0x0]  }
0xa6: {  	s5 =	sand.u32 $0xFFFFFFFE, s1  }
0xa7: {  	p0 =	sne.s32 s1, s5  }
0xa8: {  	s5 =	sshll.u32 @p0 s5, $0xE  }
0xa9: {  	s5 =	sadd.s32 @p0 $0x11B8D, s5;
	s6 =	sshll.u32 @p0 s4, $0x11  }
0xaa: {  	s5 =	sor.u32 @p0 s6, s5  }
0xab: {  	[sflag:s5] =	ssyncadd.remote.s32 @p0 $0x1;
	_ =	sdelay $0x1  }
0xac: {  	s5 =	simm.s32 @p0 $0x1B8D  }
0xad: {  	_ =	swait.eq @p0 [sflag:s5], $0x1  }
0xae: {  	[sflag:s5] =	ssyncadd.s32 @p0 $0xFFFFFFFF  }
0xaf: {  	s6 =	sshll.u32 @!p0 s1, $0xE  }
0xb0: {  	s6 =	sor.u32 @!p0 $0x4000, s6;
	s5 =	simm.s32 @!p0 $0x1B8D  }
0xb1: {  	s4 =	sshll.u32 @!p0 s4, $0x11;
	s6 =	sadd.s32 @!p0 $0x11B8D, s6;
	_ =	swait.eq @!p0 [sflag:s5], $0x1  }
0xb2: {  	s4 =	sor.u32 @!p0 s4, s6;
	[sflag:s5] =	ssyncadd.s32 @!p0 $0xFFFFFFFF  }
0xb3: {  	s25 =	simm.s32 $0x1B8E;
	s24 =	sld [smem:$0x3FFE];
	[sflag:s4] =	ssyncadd.remote.s32 @!p0 $0x1  }
0xb4: {  	s26 =	simm.s32 $execute0_lowered;
	[smem:$0x3FD2] =	sst s25  }
0xb5: {  	s5 =	sshll.u32 s26, $0x1;
	_ =	strace $0x80000049;
	[dreg:$0x1] =	wrdreg $0xFFFFFFFF  }
0xb6: {  	s28 =	simm.s32 $_size_execute0_lowered;
	s3 =	sadd.s32 s3, s5;
	[dreg:$0x0] =	wrdreg $0x0  }
0xb7: {  	s5 =	sshll.u32 s28, $0x1;
	[dreg:$0x2] =	wrdreg s3  }
0xb8: {  	[dreg:$0x3] =	wrdreg s5  }
0xb9: {  	[dreg:$0x4] =	wrdreg $0xC0  }
0xba: {  	_ =	task [dreg:s22], $0x5FFFF  }
0xbb: {  	[dreg:$0x1] =	wrdreg $0xFFFFFFFF  }
0xbc: {  	[dreg:$0x0] =	wrdreg $0x60  }
0xbd: {  	[dreg:$0x2] =	wrdreg s24  }
0xbe: {  	[dreg:$0x3] =	wrdreg $0xA  }
0xbf: {  	_ =	task.clear_ibuf [dreg:s22], $0x4FFFF;
	_ =	strace $0x90000049  }
0xc0: {  	s29 =	simm.s32 $0xA;
	_ =	strace $0x8000004B  }
0xc1: {  	_ =	swait.ge [sflag:s29], $0x1  }
0xc2: {  	[sflag:s29] =	ssyncadd.s32 $0xFFFFFFFF  }
0xc3: {  	_ =	strace $0x9000004B  }
0xc4: {  	_ =	sfence  }
0xc5: {  	s30 =	sld [smem:$0x0];
	_ =	sdelay $0x2  }
0xc6: {  	s31 =	sshll.u32 s1, $0xD;
	s1 =	sshrl.u32 s1, $0x2  }
0xc7: {  	s4 =	sand.u32 $0x4000, s31;
	s1 =	sadd.s32 s1, s30  }
0xc8: {  	s0 =	sor.u32 s4, s0;
	s1 =	sshll.u32 s1, $0x11  }
0xc9: {  	s0 =	sor.u32 s1, s0  }
0xca: {  	s0 =	sadd.s32 $0x8F2B, s0  }
0xcb: {  	[sflag:s0] =	ssyncadd.remote.s32 $0x1  }
0xcc: {  	_ =	sfence.sel $0xFFFF  }
0xcd: {  	[dreg:$0x0] =	wrdreg $0xFFFFFFFF;
	(pc) =	sbr.abs _section_cstart, $3  }
0xce: {  	[dreg:$0x1] =	wrdreg $0xFFFFFFFF  }
0xcf: {  	_ =	task.clear_ibuf [dreg:s22], $0x2FFFF;
	_ =	strace $0x9FFFFFFF  }
0xd0: {  	(tm) =	ssettm $0x7FFFFFFF  }
0xd1: {  	_ =	shalt  }
tec
execute0_lowered:
.L_overlay_start_1:
0x0: {  	(tag) =	ssettag $0x1  }
0x1: {  	s0 =	srdreg.scid  }
0x2: {  	s1 =	sshll.u32 s0, $0x4  }
0x3: {  	s0 =	stileid.u32;
	s1 =	sand.u32 $0x10, s1  }
0x4: {  	s1 =	sor.u32 s0, s1  }
0x5: {  	s9 =	rddreg [dreg:$0x0];
	s6 =	simm.s32 $0x1;
	s2 =	smin.u32 s1, $0x8  }
0x6: {  	p0 =	slt.u32 s1, $0x8;
	s2 =	sadd.s32 s1, s2;
	s1 =	simm.s32 $0x80  }
0x7: {  	s7 =	simm.s32 $0x2;
	s2 =	sshll.u32 s2, $0x6;
	s1 =	simm.s32 @!p0 $0x40  }
0x8: {  	s10 =	simm.s32 $0x3;
	s13 =	simm.s32 $0x0;
	s3 =	sadd.s32 s1, s2  }
0x9: {  	s12 =	simm.s32 $0x0;
	s4 =	sadd.s32 $0xDA00, s9;
	s3 =	smin.u32 s3, $0xA00  }
.Ltmp0:
0xa: {  	s5 =	sadd.s32 $0x73600, s9;
	s8 =	ssub.s32 s3, s2;
	(pc) =	sbr.rel .LBB2_1-.Ltmp0, $4  }
0xb: {  	s1 =	rddreg [dreg:$0x1];
	_ =	strace $0x8000004A;
	p0 =	sgt.s32 s8, $0x0  }
0xc: {  	s9 =	sadd.s32 $0x73800, s9;
	[sflag:s6] =	ssyncpa.u1 $0x0;
	s8 =	simm.s32 @!p0 $0x0  }
0xd: {  	s11 =	smov.u32 s2;
	[sflag:s7] =	ssyncpa.u1 $0x0;
	s8 =	sshrl.u32 s8, $0x6  }
0xe: {  	vm0 =	vmmov $0xff;
	vm1 =	vcmask $0x3F20;
	[sflag:s10] =	ssyncpa.u1 $0x0;
	p0 =	por $0x0, $0x0;
	s10 =	sadd.s32 $0x1, s8  }
.LBB2_6:
0xf: {  	[hbm:s17] =	stream.linear.scatter [tilespmem:s14], [sflag:$0x3], $0x400, $0x38;
	[tilespmem:$0x4080] =	vst v63  }
.LBB2_7:
0x10: {  	s13 =	sadd.s32 $0x40, s11  }
0x11: {  	s15 =	smov.u32 s2;
	p2 =	slt.s32 s13, s3  }
0x12: {  	s15 =	smov.u32 @p2 s13;
	p2 =	sne.s32 s12, s10  }
.Ltmp1:
0x13: {  	p1 =	slt.u32 s12, $0x2;
	(pc) =	sbr.rel @!p2 .LBB2_8-.Ltmp1, $4  }
0x14: {  	s14 =	simm.s32 @!p1 $0x3  }
0x15: {  	s16 =	sadd.s32 $0x1, s12;
	_ =	swait.ge @!p1 [sflag:s14], $0x2000  }
0x16: {  	p0 =	por !p0, !p0;
	s13 =	smov.u32 s11;
	[sflag:s14] =	ssyncset.done @!p1 $0x0  }
0x17: {  	s12 =	smov.u32 s16;
	s11 =	smov.u32 s15;
	[sflag:s14] =	ssyncadd.s32 @!p1 $0xFFFFE000  }
.LBB2_1:
0x18: {  	p1 =	sge.u32 s12, s8  }
0x19: {  	s14 =	sxor.u32 @!p1 $0xFFFFFFFF, s12  }
0x1a: {  	s31 =	sadd.s32 $0xFFFFFFFF, s12;
	s15 =	sshrl.u32 @!p1 s11, $0x3;
	s14 =	sshll.u32 @!p1 s14, $0x6  }
0x1b: {  	s16 =	sand.u32 @!p1 $0x7, s11;
	s15 =	sadd.s32 @!p1 s5, s15;
	s14 =	sand.u32 @!p1 $0x40, s14  }
0x1c: {  	[tilespmem:s14], [sflag:$0x2] =	stream.linear.gather @!p1 [hbm4b:s15+s16], $0x40, $0x38;
	[tilespmem:$0x4080] =	vst v63  }
0x1d: {  	p1 =	sge.u32 s31, s8  }
.Ltmp2:
0x1e: {  	_ = 	snop;
	(pc) =	sbr.rel @p1 .LBB2_7-.Ltmp2, $1  }
0x1f: {  	_ =	sdelay $0x3  }
0x20: {  	s14 =	simm.s32 $0x1  }
0x21: {  	_ =	swait.ge [sflag:s7], $0x40;
	s14 =	simm.s32 @!p0 $0x0  }
0x22: {  	[sflag:s7] =	ssyncset.done $0x0;
	s16 =	sshll.u32 s14, $0x6  }
0x23: {  	[sflag:s7] =	ssyncadd.s32 $0xFFFFFFC0;
	s15 =	sadd.s32 $0x0, s16  }
0x24: {  	v0 =	vld.msk [tilespmem:s15+$0x0 ss:$0x1], $0xffff;
	_ =	sdelay $0x4  }
0x25: {  	vm2 =	vgt.s32 v0, $0x0  }
0x26: {  	v0 =	vnsel vm2, $0x0, v0  }
0x27: {  	v0 =	vmin.u32 v0, $0x9C3  }
0x28: {  	v0 =	vshll.u32 v0, $0x4;
	_ =	sdelay $0x2  }
0x29: {  	s14 =	sshll.u32 s14, $0xD  }
0x2a: {  	s14 =	sor.u32 $0x80, s14  }
0x2b: {  	[tilespmem:s14], [sflag:$0x1] =	stream.indirect_vreg.gather [hbm:s4], $0x80, v0, vm0, $0x38;
	[tilespmem:$0x4080] =	vst v63  }
0x2c: {  	s17 =	sadd.s32 $0x10, s16;
	s15 =	sadd.s32 $0x400, s14  }
0x2d: {  	[tilespmem:s15], [sflag:$0x1] =	stream.indirect_vreg.gather [hbm:s4], $0x80, v0, vm1, $0x38;
	[tilespmem:$0x4080] =	vst v63  }
0x2e: {  	s18 =	simm.s32 $0x80;
	v0 =	vld.msk [tilespmem:s17+$0x0 ss:$0x1], $0xffff;
	s17 =	smov.u32 s14  }
.LBB2_3:
0x2f: {  	p1 =	sne.s32 s18, $0xC0;
	_ =	sdelay $0x4  }
0x30: {  	vm2 =	vgt.s32 v0, $0x0  }
0x31: {  	v0 =	vnsel vm2, $0x0, v0  }
0x32: {  	v0 =	vmin.u32 v0, $0x9C3  }
0x33: {  	v0 =	vshll.u32 v0, $0x4;
	_ =	sdelay $0x3  }
.Ltmp3:
0x34: {  	s19 =	sshra.s32 s18, $0x2;
	s17 =	sadd.s32 $0x800, s17;
	(pc) =	sbr.rel @p1 .LBB2_3-.Ltmp3, $4  }
0x35: {  	[tilespmem:s17], [sflag:$0x1] =	stream.indirect_vreg.gather [hbm:s4], $0x80, v0, vm0, $0x38;
	[tilespmem:$0x4080] =	vst v63  }
0x36: {  	s19 =	sadd.s32 s19, s16;
	s20 =	sadd.s32 $0x400, s17  }
0x37: {  	[tilespmem:s20], [sflag:$0x1] =	stream.indirect_vreg.gather [hbm:s4], $0x80, v0, vm1, $0x38;
	[tilespmem:$0x4080] =	vst v63  }
0x38: {  	s18 =	sadd.s32 $0x40, s18;
	v0 =	vld.msk [tilespmem:s19+$0x0 ss:$0x1], $0xffff  }
0x39: {  	_ =	sdelay $0x3  }
0x3a: {  	vm2 =	vgt.s32 v0, $0x0  }
0x3b: {  	v0 =	vnsel vm2, $0x0, v0  }
0x3c: {  	v0 =	vmin.u32 v0, $0x9C3  }
0x3d: {  	v0 =	vshll.u32 v0, $0x4;
	_ =	sdelay $0x3  }
0x3e: {  	s16 =	sadd.s32 $0x800, s17  }
0x3f: {  	[tilespmem:s16], [sflag:$0x1] =	stream.indirect_vreg.gather [hbm:s4], $0x80, v0, vm0, $0x38;
	[tilespmem:$0x4080] =	vst v63  }
0x40: {  	s16 =	sadd.s32 $0x400, s16  }
0x41: {  	[tilespmem:s16], [sflag:$0x1] =	stream.indirect_vreg.gather [hbm:s4], $0x80, v0, vm1, $0x38;
	[tilespmem:$0x4080] =	vst v63  }
0x42: {  	s13 =	sshll.u32 s13, $0x4;
	_ =	swait.ge [sflag:s6], $0x2000  }
0x43: {  	s13 =	sadd.s32 s13, s9;
	[sflag:s6] =	ssyncset.done $0x0  }
0x44: {  	s17 =	sadd.s32 $0x0, s13;
	s16 =	simm.s32 $0x80;
	[sflag:s6] =	ssyncadd.s32 $0xFFFFE000  }
.LBB2_5:
0x45: {  	[hbm:s17] =	stream.linear.scatter [tilespmem:s14], [sflag:$0x3], $0x400, $0x38;
	[tilespmem:$0x4080] =	vst v63  }
0x46: {  	s17 =	smov.u32 s16;
	s14 =	smov.u32 s15;
	p1 =	sne.s32 s16, $0x380  }
.Ltmp4:
0x47: {  	s16 =	sadd.s32 $0x80, s16;
	(pc) =	sbr.rel @p1 .LBB2_5-.Ltmp4, $2  }
0x48: {  	_ =	sdelay $0x2  }
0x49: {  	s15 =	sadd.s32 $0x400, s15;
	s17 =	sadd.s32 s17, s13  }
.Ltmp5:
0x4a: {  	_ = 	snop;
	(pc) =	sbr.rel .LBB2_6-.Ltmp5, $1  }
0x4b: {  	_ =	sdelay $0x3  }
.LBB2_8:
0x4c: {  	_ =	sfence.sel $0x180000  }
0x4d: {  	s2 =	simm.s32 $0x2;
	[bflag:$0x0] =	sbarrier.arrive $0xFFFF  }
0x4e: {  	s30 =	simm.s32 $0x3;
	[sflag:s2] =	ssyncpa.u1 $0x1  }
0x4f: {  	s31 =	simm.s32 $0x1;
	[sflag:s30] =	ssyncpa.u1 $0x1  }
0x50: {  	[sflag:s31] =	ssyncpa.u1 $0x1  }
0x51: {  	p0 =	sne.s32 s0, $0x0;
	_ =	strace $0x9000004A  }
0x52: {  	s0 =	sadd.s32 @!p0 $0x100000, s1;
	[bflag:$0x2] =	sbarrier.arrive $0xFFFF  }
0x53: {  	[sflag:s0] =	ssyncadd.tile.s32 @!p0 $0x1;
	_ =	shalt  }
.Lfunc_end2:
_tile_overlayer_lowered:
.L_overlay_start_2:
0x54: {  	(tag) =	ssettag $0x2  }
0x55: {  	s0 =	rddreg [dreg:$0x0];
	s2 =	stileid.u32  }
0x56: {  	s1 =	rddreg [dreg:$0x1];
	p0 =	sne.s32 s2, $0x0  }
0x57: {  	s3 =	rddreg [dreg:$0x2];
	[bflag:$0x3] =	sbarrier.arrive $0xFFFF;
	s2 =	simm.s32 @!p0 $0x1C01  }
0x58: {  	[timem:s3], [sflag:s2] =	dma.local @!p0 [hbm:s0], s1  }
0x59: {  	s0 =	simm.s32 @!p0 $0x1  }
0x5a: {  	_ =	swait.ge @!p0 [sflag:s0], s1  }
0x5b: {  	s1 =	ssub.s32 @!p0 $0x0, s1;
	[sflag:s0] =	ssyncset.done @!p0 $0x0  }
0x5c: {  	[sflag:s0] =	ssyncadd.s32 @!p0 s1  }
0x5d: {  	[bflag:$0x3] =	sbarrier.arrive $0xFFFF  }
0x5e: {  	_ =	shalt  }

// kernel: gather_offload_async_start
scs
__scs_entry_jumppad:
0x0: {  	(pc) =	sbr.rel $0x88, $3  }
0x1: {  	(tag) =	ssettag $0x0;
	lr =	simm.s32 $0x1  }
0x2: {  	[smem:$0x3F96] =	sst lr;
	_ =	strace $0xD0000000  }
0x3: {  	_ = 	snop  }
0x4: {  	_ = 	snop  }
0x5: {  	_ = 	snop  }
0x6: {  	_ = 	snop  }
0x7: {  	_ = 	snop  }
__scs_overlays_trampoline_lowered:
0x8: {  	[smem:$0x3FA5] =	sst s0  }
0x9: {  	[smem:$0x3FA6] =	sst s1  }
0xa: {  	[smem:$0x3FA7] =	sst s2  }
0xb: {  	[smem:$0x3FA8] =	sst s3  }
0xc: {  	[smem:$0x3FA9] =	sst s4  }
0xd: {  	[smem:$0x3FAA] =	sst s5  }
0xe: {  	[smem:$0x3FAB] =	sst s6  }
0xf: {  	[smem:$0x3FAC] =	sst s7  }
0x10: {  	[smem:$0x3FAD] =	sst s8  }
0x11: {  	[smem:$0x3FAE] =	sst s9;
	s0 =	simm.s32 @!p0 $0x0  }
0x12: {  	s1 =	sld [smem:$0x3F94];
	s0 =	simm.s32 @p0 $0x1  }
0x13: {  	[smem:$0x3FAF] =	sst s0;
	s0 =	simm.s32 @!p1 $0x0  }
0x14: {  	s2 =	sld [smem:$0x3F93];
	s0 =	simm.s32 @p1 $0x1  }
0x15: {  	[smem:$0x3FB0] =	sst s0;
	s0 =	simm.s32 @!p2 $0x0  }
0x16: {  	s3 =	sld [smem:$0x3FDB];
	s0 =	simm.s32 @p2 $0x1  }
0x17: {  	s4 =	simm.s32 $0x1BF5;
	[smem:$0x3FB2] =	sst s0  }
0x18: {  	s0 =	sld [smem:$0x3F95];
	_ =	swait.ge [sflag:s4], $0x0  }
0x19: {  	s7 =	sld [smem:$0x3F96]  }
0x1a: {  	s8 =	sadd.s32 $0xFFFFE003, lr  }
0x1b: {  	s9 =	sadd.s32 $0xFFFFFEF7, lr;
	s5 =	simm.s32 $0xFFFFFFFF;
	p2 =	slt.u32 s8, $0xFFFFF086  }
0x1c: {  	p1 =	slt.u32 s9, $0xF7A;
	s5 =	simm.s32 @!p2 $0x0  }
0x1d: {  	s5 =	simm.s32 @p1 $0x1;
	p0 =	seq.s32 s7, s2  }
0x1e: {  	s7 =	smul.u32 @!p0 $0xF7A, s2;
	p2 =	seq.s32 @!p0 s5, $0x0  }
0x1f: {  	s9 =	smul.u32 $0xF7A, s1;
	s8 =	simm.s32 @!p0 $0x1BF5;
	p2 =	por !p2, p0  }
0x20: {  	[sflag:s8] =	ssyncset.s32 @!p0 $0xFFFFF086;
	s6 =	sadd.s32 @!p0 s3, s7;
	s7 =	simm.s32 @!p0 $0x108  }
0x21: {  	s3 =	sadd.s32 s3, s9;
	s6 =	sadd.s32 @!p0 $0x88, s6;
	s7 =	simm.s32 @p2 $0x1082  }
0x22: {  	[simem:s7], [sflag:s8] =	dma.local @!p0 [hbm:s6], $0xF7A  }
0x23: {  	s9 =	sor.u32 $0xD0000000, s2;
	s6 =	simm.s32 $0x108;
	_ =	swait.ge @!p0 [sflag:s8], $0x0  }
0x24: {  	s3 =	sadd.s32 $0x88, s3;
	s6 =	simm.s32 @!p1 $0x1082;
	[sflag:s4] =	ssyncset.s32 $0xFFFFF086  }
0x25: {  	[simem:s6], [sflag:s4] =	dma.local [hbm:s3], $0xF7A  }
0x26: {  	[smem:$0x3F96] =	sst s1;
	(tag) =	ssettag s2;
	_ =	strace s9  }
0x27: {  	s1 =	sld [smem:$0x3FA6]  }
0x28: {  	s2 =	sld [smem:$0x3FA7]  }
0x29: {  	s4 =	sld [smem:$0x3FA9]  }
0x2a: {  	p0 =	seq.s32 s5, $0x0;
	s5 =	sld [smem:$0x3FAA]  }
0x2b: {  	s6 =	sld [smem:$0x3FAB]  }
0x2c: {  	s7 =	sld [smem:$0x3FAC]  }
0x2d: {  	s3 =	simm.s32 $0x108;
	s8 =	sld [smem:$0x3FAD]  }
0x2e: {  	s3 =	simm.s32 @!p0 $0x1082;
	s9 =	sld [smem:$0x3FAE]  }
0x2f: {  	lr =	sadd.s32 s0, s3;
	s0 =	sld [smem:$0x3FA5]  }
0x30: {  	s3 =	sld [smem:$0x3FA8]  }
0x31: {  	[smem:$0x3FB1] =	sst s10  }
0x32: {  	s10 =	sld [smem:$0x3FAF];
	_ =	sdelay $0x3  }
0x33: {  	p0 =	seq.s32 s10, $0x1;
	s10 =	sld [smem:$0x3FB1];
	_ =	sdelay $0x3  }
0x34: {  	[smem:$0x3FB1] =	sst s10  }
0x35: {  	s10 =	sld [smem:$0x3FB0];
	_ =	sdelay $0x3  }
0x36: {  	p1 =	seq.s32 s10, $0x1;
	s10 =	sld [smem:$0x3FB1];
	_ =	sdelay $0x3  }
0x37: {  	[smem:$0x3FB1] =	sst s10  }
0x38: {  	s10 =	sld [smem:$0x3FB2]  }
0x39: {  	_ = 	snop;
	(pc) =	sbr.ind lr, $3  }
0x3a: {  	_ = 	snop  }
0x3b: {  	_ = 	snop  }
0x3c: {  	p2 =	seq.s32 s10, $0x1;
	s10 =	sld [smem:$0x3FB1]  }
0x3d: {  	_ =	shalt  }
0x3e: {  	_ =	shalt  }
0x3f: {  	_ =	shalt  }
0x40: {  	_ =	shalt  }
0x41: {  	_ =	shalt  }
0x42: {  	_ =	shalt  }
0x43: {  	_ =	shalt  }
0x44: {  	_ =	shalt  }
0x45: {  	_ =	shalt  }
0x46: {  	_ =	shalt  }
0x47: {  	_ =	shalt  }
0x48: {  	_ =	shalt  }
0x49: {  	_ =	shalt  }
0x4a: {  	_ =	shalt  }
0x4b: {  	_ =	shalt  }
0x4c: {  	_ =	shalt  }
0x4d: {  	_ =	shalt  }
0x4e: {  	_ =	shalt  }
0x4f: {  	_ =	shalt  }
0x50: {  	_ =	shalt  }
0x51: {  	_ =	shalt  }
0x52: {  	_ =	shalt  }
0x53: {  	_ =	shalt  }
0x54: {  	_ =	shalt  }
0x55: {  	_ =	shalt  }
0x56: {  	_ =	shalt  }
0x57: {  	_ =	shalt  }
0x58: {  	_ =	shalt  }
0x59: {  	_ =	shalt  }
0x5a: {  	_ =	shalt  }
0x5b: {  	_ =	shalt  }
0x5c: {  	_ =	shalt  }
0x5d: {  	_ =	shalt  }
0x5e: {  	_ =	shalt  }
0x5f: {  	_ =	shalt  }
0x60: {  	_ =	shalt  }
0x61: {  	_ =	shalt  }
0x62: {  	_ =	shalt  }
0x63: {  	_ =	shalt  }
0x64: {  	_ =	shalt  }
0x65: {  	_ =	shalt  }
0x66: {  	_ =	shalt  }
0x67: {  	_ =	shalt  }
0x68: {  	_ =	shalt  }
0x69: {  	_ =	shalt  }
0x6a: {  	_ =	shalt  }
0x6b: {  	_ =	shalt  }
0x6c: {  	_ =	shalt  }
0x6d: {  	_ =	shalt  }
0x6e: {  	_ =	shalt  }
0x6f: {  	_ =	shalt  }
0x70: {  	_ =	shalt  }
0x71: {  	_ =	shalt  }
0x72: {  	_ =	shalt  }
0x73: {  	_ =	shalt  }
0x74: {  	_ =	shalt  }
0x75: {  	_ =	shalt  }
0x76: {  	_ =	shalt  }
0x77: {  	_ =	shalt  }
0x78: {  	_ =	shalt  }
0x79: {  	_ =	shalt  }
0x7a: {  	_ =	shalt  }
0x7b: {  	_ =	shalt  }
0x7c: {  	_ =	shalt  }
0x7d: {  	_ =	shalt  }
0x7e: {  	_ =	shalt  }
0x7f: {  	_ =	shalt  }
0x80: {  	_ =	shalt  }
0x81: {  	_ =	shalt  }
0x82: {  	_ =	shalt  }
0x83: {  	_ =	shalt  }
0x84: {  	_ =	shalt  }
0x85: {  	_ =	shalt  }
0x86: {  	_ =	shalt  }
0x87: {  	_ =	shalt  }
.Lfunc_end0:
.L_simem_size_0:
called_computation_lowered:
.L_overlay_start_0:
0x88: {  	s2 =	sld [smem:$0x3FD9]  }
0x89: {  	s3 =	sld [smem:$0x3FFE];
	_ =	sdelay $0x1  }
0x8a: {  	s1 =	srdreg.scid  }
0x8b: {  	s0 =	sand.u32 $0x1, s1  }
0x8c: {  	s17 =	sshll.u32 s0, $0xA;
	s2 =	sadd.s32 s3, s2  }
0x8d: {  	s2 =	sadd.s32 s2, s17  }
0x8e: {  	[smem:$0x3FBD] =	sst s2  }
0x8f: {  	_ = 	snop  }
0x90: {  	(tm) =	ssettm $0x1  }
0x91: {  	s18 =	sld [smem:$0x3FFB];
	_ =	sdelay $0x3  }
0x92: {  	_ =	strace s18  }
0x93: {  	s2 =	sld [smem:$0x3FFC];
	_ =	sdelay $0x3  }
0x94: {  	_ =	strace s2  }
0x95: {  	s2 =	sld [smem:$0x3FFD];
	_ =	sdelay $0x3  }
0x96: {  	_ =	strace s2  }
0x97: {  	_ =	strace $0x8FFFFFFF  }
0x98: {  	s19 =	sld [smem:$0x3FDB];
	_ =	sdelay $0x1  }
0x99: {  	s20 =	simm.s32 $_scs_section_size  }
0x9a: {  	s4 =	simm.s32 $_size__tile_overlayer_lowered;
	s5 =	simm.s32 $_tile_overlayer_lowered  }
0x9b: {  	s6 =	simm.s32 $0x1BFF;
	s21 =	sshll.u32 s5, $0x1;
	s3 =	sadd.s32 s20, s19  }
0x9c: {  	s22 =	simm.s32 $0x0;
	s4 =	sshll.u32 s4, $0x1;
	s5 =	sadd.s32 s21, s3  }
0x9d: {  	[timem:s22], [sflag:s6] =	dma.local [hbm:s5], s4  }
0x9e: {  	_ =	swait.ge [sflag:s6], s4  }
0x9f: {  	s4 =	ssub.s32 $0x0, s4;
	[sflag:s6] =	ssyncset.done $0x0  }
0xa0: {  	[sflag:s6] =	ssyncadd.s32 s4;
	_ =	sdelay $0x1  }
0xa1: {  	s23 =	simm.s32 $0x1B8B  }
0xa2: {  	_ =	swait.ge [sflag:s23], $0x1  }
0xa3: {  	[sflag:s23] =	ssyncset.done $0x0  }
0xa4: {  	[sflag:s23] =	ssyncadd.s32 $0xFFFFFFFF  }
0xa5: {  	s4 =	sld [smem:$0x0]  }
0xa6: {  	s5 =	sand.u32 $0xFFFFFFFE, s1  }
0xa7: {  	p0 =	sne.s32 s1, s5  }
0xa8: {  	s5 =	sshll.u32 @p0 s5, $0xE  }
0xa9: {  	s5 =	sadd.s32 @p0 $0x11B8D, s5;
	s6 =	sshll.u32 @p0 s4, $0x11  }
0xaa: {  	s5 =	sor.u32 @p0 s6, s5  }
0xab: {  	[sflag:s5] =	ssyncadd.remote.s32 @p0 $0x1;
	_ =	sdelay $0x1  }
0xac: {  	s5 =	simm.s32 @p0 $0x1B8D  }
0xad: {  	_ =	swait.eq @p0 [sflag:s5], $0x1  }
0xae: {  	[sflag:s5] =	ssyncadd.s32 @p0 $0xFFFFFFFF  }
0xaf: {  	s6 =	sshll.u32 @!p0 s1, $0xE  }
0xb0: {  	s6 =	sor.u32 @!p0 $0x4000, s6;
	s5 =	simm.s32 @!p0 $0x1B8D  }
0xb1: {  	s4 =	sshll.u32 @!p0 s4, $0x11;
	s6 =	sadd.s32 @!p0 $0x11B8D, s6;
	_ =	swait.eq @!p0 [sflag:s5], $0x1  }
0xb2: {  	s4 =	sor.u32 @!p0 s4, s6;
	[sflag:s5] =	ssyncadd.s32 @!p0 $0xFFFFFFFF  }
0xb3: {  	s25 =	simm.s32 $0x1B8E;
	s24 =	sld [smem:$0x3FFE];
	[sflag:s4] =	ssyncadd.remote.s32 @!p0 $0x1  }
0xb4: {  	s26 =	simm.s32 $execute0_lowered;
	[smem:$0x3FD2] =	sst s25  }
0xb5: {  	s5 =	sshll.u32 s26, $0x1;
	_ =	strace $0x8000004C;
	[dreg:$0x1] =	wrdreg $0xFFFFFFFF  }
0xb6: {  	s28 =	simm.s32 $_size_execute0_lowered;
	s3 =	sadd.s32 s3, s5;
	[dreg:$0x0] =	wrdreg $0x0  }
0xb7: {  	s5 =	sshll.u32 s28, $0x1;
	[dreg:$0x2] =	wrdreg s3  }
0xb8: {  	[dreg:$0x3] =	wrdreg s5  }
0xb9: {  	[dreg:$0x4] =	wrdreg $0xC0  }
0xba: {  	_ =	task [dreg:s22], $0x5FFFF  }
0xbb: {  	[dreg:$0x1] =	wrdreg $0xFFFFFFFF  }
0xbc: {  	[dreg:$0x0] =	wrdreg $0x60  }
0xbd: {  	[dreg:$0x2] =	wrdreg s24  }
0xbe: {  	[dreg:$0x3] =	wrdreg $0x9  }
0xbf: {  	_ =	task.clear_ibuf [dreg:s22], $0x4FFFF;
	_ =	strace $0x9000004C  }
0xc0: {  	s29 =	simm.s32 $0x9;
	_ =	strace $0x8000004E  }
0xc1: {  	_ =	swait.ge [sflag:s29], $0x1  }
0xc2: {  	[sflag:s29] =	ssyncadd.s32 $0xFFFFFFFF  }
0xc3: {  	_ =	strace $0x9000004E  }
0xc4: {  	_ =	sfence  }
0xc5: {  	s30 =	sld [smem:$0x0];
	_ =	sdelay $0x2  }
0xc6: {  	s31 =	sshll.u32 s1, $0xD;
	s1 =	sshrl.u32 s1, $0x2  }
0xc7: {  	s4 =	sand.u32 $0x4000, s31;
	s1 =	sadd.s32 s1, s30  }
0xc8: {  	s0 =	sor.u32 s4, s0;
	s1 =	sshll.u32 s1, $0x11  }
0xc9: {  	s0 =	sor.u32 s1, s0  }
0xca: {  	s0 =	sadd.s32 $0x8F2B, s0  }
0xcb: {  	[sflag:s0] =	ssyncadd.remote.s32 $0x1  }
0xcc: {  	_ =	sfence.sel $0xFFFF  }
0xcd: {  	[dreg:$0x0] =	wrdreg $0xFFFFFFFF;
	(pc) =	sbr.abs _section_cstart, $3  }
0xce: {  	[dreg:$0x1] =	wrdreg $0xFFFFFFFF  }
0xcf: {  	_ =	task.clear_ibuf [dreg:s22], $0x2FFFF;
	_ =	strace $0x9FFFFFFF  }
0xd0: {  	(tm) =	ssettm $0x7FFFFFFF  }
0xd1: {  	_ =	shalt  }
tec
execute0_lowered:
.L_overlay_start_1:
0x0: {  	(tag) =	ssettag $0x1  }
0x1: {  	s0 =	srdreg.scid  }
0x2: {  	s1 =	sshll.u32 s0, $0x4  }
0x3: {  	s0 =	stileid.u32;
	s1 =	sand.u32 $0x10, s1  }
0x4: {  	s1 =	sor.u32 s0, s1  }
0x5: {  	s9 =	rddreg [dreg:$0x0];
	s6 =	simm.s32 $0x1;
	s2 =	smin.u32 s1, $0x8  }
0x6: {  	p0 =	slt.u32 s1, $0x8;
	s2 =	sadd.s32 s1, s2;
	s1 =	simm.s32 $0x80  }
0x7: {  	s7 =	simm.s32 $0x2;
	s2 =	sshll.u32 s2, $0x6;
	s1 =	simm.s32 @!p0 $0x40  }
0x8: {  	s10 =	simm.s32 $0x3;
	s13 =	simm.s32 $0x0;
	s3 =	sadd.s32 s1, s2  }
0x9: {  	s12 =	simm.s32 $0x0;
	s4 =	sadd.s32 $0x3C00, s9;
	s3 =	smin.u32 s3, $0xA00  }
.Ltmp0:
0xa: {  	s5 =	sadd.s32 $0x73600, s9;
	s8 =	ssub.s32 s3, s2;
	(pc) =	sbr.rel .LBB2_1-.Ltmp0, $4  }
0xb: {  	s1 =	rddreg [dreg:$0x1];
	_ =	strace $0x8000004D;
	p0 =	sgt.s32 s8, $0x0  }
0xc: {  	s9 =	sadd.s32 $0x7D800, s9;
	[sflag:s6] =	ssyncpa.u1 $0x0;
	s8 =	simm.s32 @!p0 $0x0  }
0xd: {  	s11 =	smov.u32 s2;
	[sflag:s7] =	ssyncpa.u1 $0x0;
	s8 =	sshrl.u32 s8, $0x6  }
0xe: {  	vm0 =	vmmov $0xff;
	vm1 =	vcmask $0x3F20;
	[sflag:s10] =	ssyncpa.u1 $0x0;
	p0 =	por $0x0, $0x0;
	s10 =	sadd.s32 $0x1, s8  }
.LBB2_6:
0xf: {  	[hbm:s17] =	stream.linear.scatter [tilespmem:s14], [sflag:$0x3], $0x400, $0x38;
	[tilespmem:$0x4080] =	vst v63  }
.LBB2_7:
0x10: {  	s13 =	sadd.s32 $0x40, s11  }
0x11: {  	s15 =	smov.u32 s2;
	p2 =	slt.s32 s13, s3  }
0x12: {  	s15 =	smov.u32 @p2 s13;
	p2 =	sne.s32 s12, s10  }
.Ltmp1:
0x13: {  	p1 =	slt.u32 s12, $0x2;
	(pc) =	sbr.rel @!p2 .LBB2_8-.Ltmp1, $4  }
0x14: {  	s14 =	simm.s32 @!p1 $0x3  }
0x15: {  	s16 =	sadd.s32 $0x1, s12;
	_ =	swait.ge @!p1 [sflag:s14], $0x2000  }
0x16: {  	p0 =	por !p0, !p0;
	s13 =	smov.u32 s11;
	[sflag:s14] =	ssyncset.done @!p1 $0x0  }
0x17: {  	s12 =	smov.u32 s16;
	s11 =	smov.u32 s15;
	[sflag:s14] =	ssyncadd.s32 @!p1 $0xFFFFE000  }
.LBB2_1:
0x18: {  	p1 =	sge.u32 s12, s8  }
0x19: {  	s14 =	sxor.u32 @!p1 $0xFFFFFFFF, s12  }
0x1a: {  	s31 =	sadd.s32 $0xFFFFFFFF, s12;
	s15 =	sshrl.u32 @!p1 s11, $0x3;
	s14 =	sshll.u32 @!p1 s14, $0x6  }
0x1b: {  	s16 =	sand.u32 @!p1 $0x7, s11;
	s15 =	sadd.s32 @!p1 s5, s15;
	s14 =	sand.u32 @!p1 $0x40, s14  }
0x1c: {  	[tilespmem:s14], [sflag:$0x2] =	stream.linear.gather @!p1 [hbm4b:s15+s16], $0x40, $0x38;
	[tilespmem:$0x4080] =	vst v63  }
0x1d: {  	p1 =	sge.u32 s31, s8  }
.Ltmp2:
0x1e: {  	_ = 	snop;
	(pc) =	sbr.rel @p1 .LBB2_7-.Ltmp2, $1  }
0x1f: {  	_ =	sdelay $0x3  }
0x20: {  	s14 =	simm.s32 $0x1  }
0x21: {  	_ =	swait.ge [sflag:s7], $0x40;
	s14 =	simm.s32 @!p0 $0x0  }
0x22: {  	[sflag:s7] =	ssyncset.done $0x0;
	s16 =	sshll.u32 s14, $0x6  }
0x23: {  	[sflag:s7] =	ssyncadd.s32 $0xFFFFFFC0;
	s15 =	sadd.s32 $0x0, s16  }
0x24: {  	v0 =	vld.msk [tilespmem:s15+$0x0 ss:$0x1], $0xffff;
	_ =	sdelay $0x4  }
0x25: {  	vm2 =	vgt.s32 v0, $0x0  }
0x26: {  	v0 =	vnsel vm2, $0x0, v0  }
0x27: {  	v0 =	vmin.u32 v0, $0x9C3  }
0x28: {  	v0 =	vshll.u32 v0, $0x4;
	_ =	sdelay $0x2  }
0x29: {  	s14 =	sshll.u32 s14, $0xD  }
0x2a: {  	s14 =	sor.u32 $0x80, s14  }
0x2b: {  	[tilespmem:s14], [sflag:$0x1] =	stream.indirect_vreg.gather [hbm:s4], $0x80, v0, vm0, $0x38;
	[tilespmem:$0x4080] =	vst v63  }
0x2c: {  	s17 =	sadd.s32 $0x10, s16;
	s15 =	sadd.s32 $0x400, s14  }
0x2d: {  	[tilespmem:s15], [sflag:$0x1] =	stream.indirect_vreg.gather [hbm:s4], $0x80, v0, vm1, $0x38;
	[tilespmem:$0x4080] =	vst v63  }
0x2e: {  	s18 =	simm.s32 $0x80;
	v0 =	vld.msk [tilespmem:s17+$0x0 ss:$0x1], $0xffff;
	s17 =	smov.u32 s14  }
.LBB2_3:
0x2f: {  	p1 =	sne.s32 s18, $0xC0;
	_ =	sdelay $0x4  }
0x30: {  	vm2 =	vgt.s32 v0, $0x0  }
0x31: {  	v0 =	vnsel vm2, $0x0, v0  }
0x32: {  	v0 =	vmin.u32 v0, $0x9C3  }
0x33: {  	v0 =	vshll.u32 v0, $0x4;
	_ =	sdelay $0x3  }
.Ltmp3:
0x34: {  	s19 =	sshra.s32 s18, $0x2;
	s17 =	sadd.s32 $0x800, s17;
	(pc) =	sbr.rel @p1 .LBB2_3-.Ltmp3, $4  }
0x35: {  	[tilespmem:s17], [sflag:$0x1] =	stream.indirect_vreg.gather [hbm:s4], $0x80, v0, vm0, $0x38;
	[tilespmem:$0x4080] =	vst v63  }
0x36: {  	s19 =	sadd.s32 s19, s16;
	s20 =	sadd.s32 $0x400, s17  }
0x37: {  	[tilespmem:s20], [sflag:$0x1] =	stream.indirect_vreg.gather [hbm:s4], $0x80, v0, vm1, $0x38;
	[tilespmem:$0x4080] =	vst v63  }
0x38: {  	s18 =	sadd.s32 $0x40, s18;
	v0 =	vld.msk [tilespmem:s19+$0x0 ss:$0x1], $0xffff  }
0x39: {  	_ =	sdelay $0x3  }
0x3a: {  	vm2 =	vgt.s32 v0, $0x0  }
0x3b: {  	v0 =	vnsel vm2, $0x0, v0  }
0x3c: {  	v0 =	vmin.u32 v0, $0x9C3  }
0x3d: {  	v0 =	vshll.u32 v0, $0x4;
	_ =	sdelay $0x3  }
0x3e: {  	s16 =	sadd.s32 $0x800, s17  }
0x3f: {  	[tilespmem:s16], [sflag:$0x1] =	stream.indirect_vreg.gather [hbm:s4], $0x80, v0, vm0, $0x38;
	[tilespmem:$0x4080] =	vst v63  }
0x40: {  	s16 =	sadd.s32 $0x400, s16  }
0x41: {  	[tilespmem:s16], [sflag:$0x1] =	stream.indirect_vreg.gather [hbm:s4], $0x80, v0, vm1, $0x38;
	[tilespmem:$0x4080] =	vst v63  }
0x42: {  	s13 =	sshll.u32 s13, $0x4;
	_ =	swait.ge [sflag:s6], $0x2000  }
0x43: {  	s13 =	sadd.s32 s13, s9;
	[sflag:s6] =	ssyncset.done $0x0  }
0x44: {  	s17 =	sadd.s32 $0x0, s13;
	s16 =	simm.s32 $0x80;
	[sflag:s6] =	ssyncadd.s32 $0xFFFFE000  }
.LBB2_5:
0x45: {  	[hbm:s17] =	stream.linear.scatter [tilespmem:s14], [sflag:$0x3], $0x400, $0x38;
	[tilespmem:$0x4080] =	vst v63  }
0x46: {  	s17 =	smov.u32 s16;
	s14 =	smov.u32 s15;
	p1 =	sne.s32 s16, $0x380  }
.Ltmp4:
0x47: {  	s16 =	sadd.s32 $0x80, s16;
	(pc) =	sbr.rel @p1 .LBB2_5-.Ltmp4, $2  }
0x48: {  	_ =	sdelay $0x2  }
0x49: {  	s15 =	sadd.s32 $0x400, s15;
	s17 =	sadd.s32 s17, s13  }
.Ltmp5:
0x4a: {  	_ = 	snop;
	(pc) =	sbr.rel .LBB2_6-.Ltmp5, $1  }
0x4b: {  	_ =	sdelay $0x3  }
.LBB2_8:
0x4c: {  	_ =	sfence.sel $0x180000  }
0x4d: {  	s2 =	simm.s32 $0x2;
	[bflag:$0x0] =	sbarrier.arrive $0xFFFF  }
0x4e: {  	s30 =	simm.s32 $0x3;
	[sflag:s2] =	ssyncpa.u1 $0x1  }
0x4f: {  	s31 =	simm.s32 $0x1;
	[sflag:s30] =	ssyncpa.u1 $0x1  }
0x50: {  	[sflag:s31] =	ssyncpa.u1 $0x1  }
0x51: {  	p0 =	sne.s32 s0, $0x0;
	_ =	strace $0x9000004D  }
0x52: {  	s0 =	sadd.s32 @!p0 $0x100000, s1;
	[bflag:$0x2] =	sbarrier.arrive $0xFFFF  }
0x53: {  	[sflag:s0] =	ssyncadd.tile.s32 @!p0 $0x1;
	_ =	shalt  }
.Lfunc_end2:
_tile_overlayer_lowered:
.L_overlay_start_2:
0x54: {  	(tag) =	ssettag $0x2  }
0x55: {  	s0 =	rddreg [dreg:$0x0];
	s2 =	stileid.u32  }
0x56: {  	s1 =	rddreg [dreg:$0x1];
	p0 =	sne.s32 s2, $0x0  }
0x57: {  	s3 =	rddreg [dreg:$0x2];
	[bflag:$0x3] =	sbarrier.arrive $0xFFFF;
	s2 =	simm.s32 @!p0 $0x1C01  }
0x58: {  	[timem:s3], [sflag:s2] =	dma.local @!p0 [hbm:s0], s1  }
0x59: {  	s0 =	simm.s32 @!p0 $0x1  }
0x5a: {  	_ =	swait.ge @!p0 [sflag:s0], s1  }
0x5b: {  	s1 =	ssub.s32 @!p0 $0x0, s1;
	[sflag:s0] =	ssyncset.done @!p0 $0x0  }
0x5c: {  	[sflag:s0] =	ssyncadd.s32 @!p0 s1  }
0x5d: {  	[bflag:$0x3] =	sbarrier.arrive $0xFFFF  }
0x5e: {  	_ =	shalt  }

</sc_bundles>
